<compile_context>
chip_gen: v7x
topology: tpu7x:2x2x1
jax: 0.10.2.dev20260603
libtpu: 0.0.44.dev20260713+nightly
codegen_flags: <defaults>
</compile_context>

<pallas_src>
import functools

import jax
import jax.numpy as jnp
from jax import lax
from jax.experimental import pallas as pl
from jax.experimental.pallas import tpu as pltpu
from jax.experimental.pallas import tpu_sc as plsc

_EPS = 1e-5
_NSC = 2
_NTILE = 16


def _sc_gather_pair(xr, xc, row, col):
    e = row.shape[0]
    nw = _NSC * _NTILE
    eperw = e // nw
    chunk = 200
    idxg = 5
    assert eperw % (chunk * idxg) == 0
    nchunks = eperw // chunk

    mesh = plsc.VectorSubcoreMesh(core_axis_name="c", subcore_axis_name="s")

    @functools.partial(
        pl.kernel,
        out_type=jax.ShapeDtypeStruct((e, 128), jnp.float32),
        mesh=mesh,
        scratch_types=[
            pltpu.VMEM((chunk * idxg,), jnp.int32),
            pltpu.VMEM((chunk * idxg,), jnp.int32),
            pltpu.VMEM((chunk, 128), jnp.float32),
            pltpu.VMEM((chunk, 128), jnp.float32),
            pltpu.SemaphoreType.DMA,
            pltpu.SemaphoreType.DMA,
        ],
        compiler_params=pltpu.CompilerParams(use_tc_tiling_on_sc=False),
    )
    def gather_kernel(xr_hbm, xc_hbm, row_hbm, col_hbm, out,
                      ir, ic, br, bc, semr, semc):
        c = lax.axis_index("c")
        s = lax.axis_index("s")
        w = s * _NSC + c

        def body(k, carry):
            base = w * eperw + k * chunk

            @pl.when(k % idxg == 0)
            def _load_idx():
                pltpu.sync_copy(row_hbm.at[pl.ds(base, chunk * idxg)], ir)
                pltpu.sync_copy(col_hbm.at[pl.ds(base, chunk * idxg)], ic)

            o = (k % idxg) * chunk
            cr = pltpu.async_copy(xr_hbm.at[ir.at[pl.ds(o, chunk)]], br,
                                  semr)
            cc = pltpu.async_copy(xc_hbm.at[ic.at[pl.ds(o, chunk)]], bc,
                                  semc)
            cr.wait()
            cc.wait()

            def add_row(i, carry2):
                for j in range(8):
                    sl = pl.ds(j * 16, 16)
                    br[i, sl] += bc[i, sl]
                return carry2

            lax.fori_loop(0, chunk, add_row, 0)
            pltpu.sync_copy(br, out.at[pl.ds(base, chunk)])
            return carry

        lax.fori_loop(0, nchunks, body, 0)

    return gather_kernel(xr, xc, row, col)


def _sc_segment_sum(msg2, col_a, col_b, num_nodes):
    ehalf = col_a.shape[0]
    npad = ((num_nodes + _NTILE * 8 - 1) // (_NTILE * 8)) * (_NTILE * 8)
    rows_per_tile = npad // _NTILE
    hpert = ehalf // _NTILE
    chunk = 1000
    assert hpert % chunk == 0
    nchunks = hpert // chunk

    zeros = jnp.zeros((rows_per_tile, 16), jnp.float32)
    mesh = plsc.VectorSubcoreMesh(core_axis_name="c", subcore_axis_name="s")
    out_t = jax.ShapeDtypeStruct((npad, 16), jnp.float32)

    @functools.partial(
        pl.kernel,
        out_type=[out_t, out_t, out_t, out_t],
        mesh=mesh,
        scratch_types=[
            pltpu.VMEM((chunk,), jnp.int32),
            pltpu.VMEM((chunk, 16), jnp.float32),
            pltpu.VMEM_SHARED((npad, 16), jnp.float32),
        ],
        compiler_params=pltpu.CompilerParams(use_tc_tiling_on_sc=False),
    )
    def scatter_kernel(msg_hbm, ce_hbm, co_hbm, z_hbm,
                       o0, o1, o2, o3, idx_v, upd_v, acc):
        c = lax.axis_index("c")
        s = lax.axis_index("s")
        r0 = s * rows_per_tile

        def run(qq, out_hbm):
            pltpu.sync_copy(z_hbm, acc.at[pl.ds(r0, rows_per_tile)])
            plsc.subcore_barrier()

            def body(k, carry):
                base = s * hpert + k * chunk
                pltpu.sync_copy(ce_hbm.at[pl.ds(base, chunk)], idx_v)
                pltpu.sync_copy(
                    msg_hbm.at[pl.ds(base, chunk), pl.ds(16 * qq, 16)],
                    upd_v)
                pltpu.sync_copy(upd_v, acc.at[idx_v], add=True)
                pltpu.sync_copy(co_hbm.at[pl.ds(base, chunk)], idx_v)
                pltpu.sync_copy(
                    msg_hbm.at[pl.ds(base, chunk), pl.ds(64 + 16 * qq, 16)],
                    upd_v)
                pltpu.sync_copy(upd_v, acc.at[idx_v], add=True)
                return carry

            lax.fori_loop(0, nchunks, body, 0)
            plsc.subcore_barrier()
            pltpu.sync_copy(acc.at[pl.ds(r0, rows_per_tile)],
                            out_hbm.at[pl.ds(r0, rows_per_tile)])
            plsc.subcore_barrier()

        @pl.when(c == 0)
        def _lo():
            run(0, o0)
            run(1, o1)

        @pl.when(c == 1)
        def _hi():
            run(2, o2)
            run(3, o3)

    outs = scatter_kernel(msg2, col_a, col_b, zeros)
    return [o[:num_nodes] for o in outs]


def _softplus(x):
    return jnp.maximum(x, 0.0) + jnp.log1p(jnp.exp(-jnp.abs(x)))


def _edge_body(nedges, gpair, nbr, wn, bfc, g1, b1, msg2, stats):
    p = pl.program_id(0)
    j = pl.program_id(1)

    @pl.when((p == 0) & (j == 0))
    def _init():
        stats[...] = jnp.zeros_like(stats)

    gated = (
        gpair[...].astype(jnp.float32)
        + jnp.dot(nbr[...], wn[...], preferred_element_type=jnp.float32)
        + bfc[...]
    )

    @pl.when(p == 0)
    def _accum():
        stats[0:1, :] += jnp.sum(gated, axis=0, keepdims=True)
        stats[1:2, :] += jnp.sum(gated * gated, axis=0, keepdims=True)

    @pl.when(p == 1)
    def _apply():
        @pl.when(j == 0)
        def _finalize():
            mean = stats[0:1, :] / nedges
            var = stats[1:2, :] / nedges - mean * mean
            scale = g1[...] / jnp.sqrt(var + _EPS)
            stats[2:3, :] = scale
            stats[3:4, :] = b1[...] - mean * scale

        z = gated * stats[2:3, :] + stats[3:4, :]
        half = z.shape[1] // 2
        msg = jax.nn.sigmoid(z[:, :half]) * _softplus(z[:, half:])
        h = msg.shape[0] // 2
        msg2[...] = jnp.concatenate([msg[:h], msg[h:]], axis=1)


def _edge_messages(gpair, nbr_fea, wn, bfc, g1, b1):
    e = gpair.shape[0]
    nbrl = nbr_fea.shape[1]
    width = gpair.shape[1]
    eblk = 4000 if e % 4000 == 0 else e
    nb = e // eblk

    grid = (2, nb)

    out = pl.pallas_call(
        functools.partial(_edge_body, float(e)),
        grid=grid,
        in_specs=[
            pl.BlockSpec((eblk, width), lambda p, j: (j, 0)),
            pl.BlockSpec((eblk, nbrl), lambda p, j: (j, 0)),
            pl.BlockSpec((nbrl, width), lambda p, j: (0, 0)),
            pl.BlockSpec((1, width), lambda p, j: (0, 0)),
            pl.BlockSpec((1, width), lambda p, j: (0, 0)),
            pl.BlockSpec((1, width), lambda p, j: (0, 0)),
        ],
        out_specs=pl.BlockSpec((eblk // 2, width),
                               lambda p, j: (jnp.where(p == 1, j, 0), 0)),
        out_shape=jax.ShapeDtypeStruct((e // 2, width), jnp.float32),
        scratch_shapes=[pltpu.VMEM((8, width), jnp.float32)],
    )(gpair, nbr_fea, wn,
      bfc.reshape(1, -1), g1.reshape(1, -1), b1.reshape(1, -1))
    return out


def kernel(atom_fea, nbr_fea, nbr_fea_idx, dists, crystal_atom_idx, batch,
           W_emb, b_emb, Wfc, bfc, g1, b1, g2, b2, W_c2f, b_c2f, W_out, b_out):
    n = atom_fea.shape[0]
    ncrys = 256
    afl = W_emb.shape[1]

    x = atom_fea @ W_emb + b_emb
    row = nbr_fea_idx[0]
    col = nbr_fea_idx[1]
    e = col.shape[0]
    eblk = 4000 if e % 4000 == 0 else e
    col_blocks = col.reshape(-1, 2, eblk // 2)
    col_a = col_blocks[:, 0, :].reshape(-1)
    col_b = col_blocks[:, 1, :].reshape(-1)

    for i in range(Wfc.shape[0]):
        xr = x @ Wfc[i][:afl]
        xc = x @ Wfc[i][afl:2 * afl]
        gpair = _sc_gather_pair(xr, xc, row, col)
        msg2 = _edge_messages(gpair, nbr_fea, Wfc[i][2 * afl:],
                              bfc[i], g1[i], b1[i])
        sums_q = _sc_segment_sum(msg2, col_a, col_b, n)
        summed = jnp.concatenate(sums_q, axis=1)
        m = jnp.mean(summed, axis=0, keepdims=True)
        v = jnp.var(summed, axis=0, keepdims=True)
        summed = g2[i] * (summed - m) / jnp.sqrt(v + _EPS) + b2[i]
        x = _softplus(x + summed)

    sums = jax.ops.segment_sum(x, batch, num_segments=ncrys)
    counts = jax.ops.segment_sum(jnp.ones((n, 1), x.dtype), batch,
                                 num_segments=ncrys)
    crys = sums / jnp.maximum(counts, 1.0)
    crys = _softplus(crys) @ W_c2f + b_c2f
    crys = _softplus(crys)
    return crys @ W_out + b_out

# --- scband reference (transcript-rebuilt; emitter-appended) ---
"""Pipeline reference for scband-crystal-graph-conv-net-77421080477907 (READ-ONLY COPY).

The authoritative reference and input builder live on the scoring server;
editing this copy changes nothing except your own understanding.
"""

import jax, jax.numpy as jnp
import numpy as np

N = 50000
E = 800000
ORIG = 92
AFL = 64
NBRL = 41
HFEA = 128
NCONV = 3
NCRYS = 256
EPS = 1e-5


def _bn(x, g, b):
    m = jnp.mean(x, axis=0, keepdims=True)
    v = jnp.var(x, axis=0, keepdims=True)
    return g * (x - m) / jnp.sqrt(v + EPS) + b


def _conv_layer(x, nbr_fea, row, col, Wfc, bfc, g1, b1, g2, b2):
    total = jnp.concatenate([x[row], x[col], nbr_fea], axis=-1)
    gated = total @ Wfc + bfc
    gated = _bn(gated, g1, b1)
    nbr_filter, nbr_core = jnp.split(gated, 2, axis=-1)
    msg = jax.nn.sigmoid(nbr_filter) * jax.nn.softplus(nbr_core)
    summed = jax.ops.segment_sum(msg, col, num_segments=N)
    summed = _bn(summed, g2, b2)
    return jax.nn.softplus(x + summed)


def _forward(atom_fea, nbr_fea, dists, nbr_fea_idx, crystal_atom_idx, batch,
             W_emb, b_emb, Wfc, bfc, g1, b1, g2, b2, W_c2f, b_c2f, W_out, b_out):
    x = atom_fea @ W_emb + b_emb
    row = nbr_fea_idx[0]
    col = nbr_fea_idx[1]
    for i in range(NCONV):
        x = _conv_layer(x, nbr_fea, row, col, Wfc[i], bfc[i], g1[i], b1[i], g2[i], b2[i])
    sums = jax.ops.segment_sum(x, batch, num_segments=NCRYS)
    counts = jax.ops.segment_sum(jnp.ones((N, 1), x.dtype), batch, num_segments=NCRYS)
    crys = sums / jnp.maximum(counts, 1.0)
    crys = jax.nn.softplus(crys) @ W_c2f + b_c2f
    crys = jax.nn.softplus(crys)
    out = crys @ W_out + b_out
    return out


def setup_inputs(seed: int = 0):
    key = jax.random.key(seed)
    ks = jax.random.split(key, 24)

    def u(k, shape, fan_in):
        lim = 1.0 / np.sqrt(fan_in)
        return jax.random.uniform(k, shape, jnp.float32, -lim, lim)

    inp = {}
    inp["atom_fea"] = jax.random.normal(ks[0], (N, ORIG), jnp.float32)
    inp["nbr_fea"] = jax.random.normal(ks[1], (E, NBRL), jnp.float32)
    inp["nbr_fea_idx"] = jax.random.randint(ks[2], (2, E), 0, N)
    inp["dists"] = jax.random.uniform(ks[3], (E,), jnp.float32)
    inp["crystal_atom_idx"] = jnp.sort(jax.random.randint(ks[4], (N,), 0, NCRYS))
    inp["batch"] = jnp.sort(jax.random.randint(ks[5], (N,), 0, NCRYS))
    inp["W_emb"] = u(ks[6], (ORIG, AFL), ORIG)
    inp["b_emb"] = u(ks[7], (AFL,), ORIG)
    din = 2 * AFL + NBRL
    inp["Wfc"] = u(ks[8], (NCONV, din, 2 * AFL), din)
    inp["bfc"] = u(ks[9], (NCONV, 2 * AFL), din)
    inp["g1"] = jnp.ones((NCONV, 2 * AFL), jnp.float32)
    inp["b1"] = jnp.zeros((NCONV, 2 * AFL), jnp.float32)
    inp["g2"] = jnp.ones((NCONV, AFL), jnp.float32)
    inp["b2"] = jnp.zeros((NCONV, AFL), jnp.float32)
    inp["W_c2f"] = u(ks[10], (AFL, HFEA), AFL)
    inp["b_c2f"] = u(ks[11], (HFEA,), AFL)
    inp["W_out"] = u(ks[12], (HFEA, 1), HFEA)
    inp["b_out"] = u(ks[13], (1,), HFEA)
    return inp


def reference(atom_fea, nbr_fea, nbr_fea_idx, dists, crystal_atom_idx, batch,
              W_emb, b_emb, Wfc, bfc, g1, b1, g2, b2, W_c2f, b_c2f, W_out, b_out):
    return _forward(atom_fea, nbr_fea, dists, nbr_fea_idx, crystal_atom_idx, batch,
                    W_emb, b_emb, Wfc, bfc, g1, b1, g2, b2, W_c2f, b_c2f, W_out, b_out)

if __name__ == "__main__":
    import jax
    _d = setup_inputs()
    print(jax.jit(kernel)(*tuple(_d.values())))

</pallas_src>

<mosaic_0001>
#map = affine_map<(d0, d1) -> (0, 0)>
#map1 = affine_map<(d0, d1) -> (0)>
module attributes {stable_mosaic.version = 14 : i64} {
  func.func @scatter_kernel(%arg0: i32, %arg1: i32, %arg2: memref<400000x128xf32, #tpu.memory_space<hbm>>, %arg3: memref<400000xi32, #tpu.memory_space<hbm>>, %arg4: memref<400000xi32, #tpu.memory_space<hbm>>, %arg5: memref<3128x16xf32, #tpu.memory_space<hbm>>, %arg6: memref<50048x16xf32, #tpu.memory_space<hbm>>, %arg7: memref<50048x16xf32, #tpu.memory_space<hbm>>, %arg8: memref<50048x16xf32, #tpu.memory_space<hbm>>, %arg9: memref<50048x16xf32, #tpu.memory_space<hbm>>, %arg10: memref<1000xi32, #tpu.memory_space<vmem>>, %arg11: memref<1000x16xf32, #tpu.memory_space<vmem>>, %arg12: memref<50048x16xf32, #tpu.memory_space<vmem_shared>>) attributes {dimension_semantics = [#tpu.dimension_semantics<core_parallel>, #tpu.dimension_semantics<subcore_parallel>], iteration_bounds = array<i64: 2, 16>, scalar_prefetch = 0 : i64, scratch_operands = 3 : i64, tpu.core_type = #tpu.core_type<sc_vector_subcore>, window_params = [{transform_indices = #map}, {transform_indices = #map1}, {transform_indices = #map1}, {transform_indices = #map}, {transform_indices = #map}, {transform_indices = #map}, {transform_indices = #map}, {transform_indices = #map}]} {
    %mul3A = arith.constant 3128 : i32
    %mul3A_0 = arith.muli %arg1, %mul3A : i32
    %eq3A = arith.constant 0 : i32
    %eq3A_1 = arith.cmpi eq, %arg0, %eq3A : i32
    %convert_element_type3A = arith.extui %eq3A_1 : i1 to i32
    %cond3A = arith.constant 0 : i32
    %cond3A_2 = arith.cmpi ne, %convert_element_type3A, %cond3A : i32
    scf.if %cond3A_2 {
      "tpu.region"() ({
        %run_scoped3A = tpu.sem_alloc : memref<!tpu.dma_semaphore, #tpu.memory_space<semaphore_mem>>
        %dma_start3A = arith.constant 0 : i32
        %dma_start3A_24 = tpu.memref_slice %arg12[%mul3A_0, %dma_start3A] : memref<50048x16xf32, #tpu.memory_space<vmem_shared>> -> memref<3128x16xf32, #tpu.memory_space<vmem_shared>>
        tpu.enqueue_dma source(%arg5 : memref<3128x16xf32, #tpu.memory_space<hbm>>) target(%dma_start3A_24 : memref<3128x16xf32, #tpu.memory_space<vmem_shared>>) target_semaphore(%run_scoped3A : memref<!tpu.dma_semaphore, #tpu.memory_space<semaphore_mem>>)
        %dma_wait3A = arith.constant 0 : i32
        %dma_wait3A_25 = tpu.memref_slice %arg12[%mul3A_0, %dma_wait3A] : memref<50048x16xf32, #tpu.memory_space<vmem_shared>> -> memref<3128x16xf32, #tpu.memory_space<vmem_shared>>
        tpu.wait_dma2 semaphore(%run_scoped3A : memref<!tpu.dma_semaphore, #tpu.memory_space<semaphore_mem>>) src(%arg5 : memref<3128x16xf32, #tpu.memory_space<hbm>>) dst(%dma_wait3A_25 : memref<3128x16xf32, #tpu.memory_space<vmem_shared>>)
        tpu.yield
      }) : () -> ()
      %barrier3A = arith.constant 0 : index
      tpu.barrier barrier_id(%barrier3A)
      %scan3A = arith.constant 0 : i32
      %scan3A_8 = arith.constant 0 : i32
      %scan3A_9 = arith.constant 25 : i32
      %scan3A_10 = arith.addi %scan3A_8, %scan3A_9 : i32
      %scan3A_11 = arith.constant 1 : i32
      scf.for %scan3A_24 = %scan3A_8 to %scan3A_10 step %scan3A_11  : i32 {
        %mul3A_25 = arith.constant 25000 : i32
        %mul3A_26 = arith.muli %arg1, %mul3A_25 : i32
        %mul3A_27 = arith.constant 1000 : i32
        %mul3A_28 = arith.muli %scan3A_24, %mul3A_27 : i32
        %add3A = arith.addi %mul3A_26, %mul3A_28 : i32
        "tpu.region"() ({
          %run_scoped3A = tpu.sem_alloc : memref<!tpu.dma_semaphore, #tpu.memory_space<semaphore_mem>>
          %dma_start3A = tpu.memref_slice %arg3[%add3A] : memref<400000xi32, #tpu.memory_space<hbm>> -> memref<1000xi32, #tpu.memory_space<hbm>>
          %dma_start3A_29 = tpu.memref_slice %arg3[%add3A] : memref<400000xi32, #tpu.memory_space<hbm>> -> memref<1000xi32, #tpu.memory_space<hbm>>
          tpu.enqueue_dma source(%dma_start3A_29 : memref<1000xi32, #tpu.memory_space<hbm>>) target(%arg10 : memref<1000xi32, #tpu.memory_space<vmem>>) target_semaphore(%run_scoped3A : memref<!tpu.dma_semaphore, #tpu.memory_space<semaphore_mem>>)
          %dma_wait3A = tpu.memref_slice %arg3[%add3A] : memref<400000xi32, #tpu.memory_space<hbm>> -> memref<1000xi32, #tpu.memory_space<hbm>>
          %dma_wait3A_30 = tpu.memref_slice %arg3[%add3A] : memref<400000xi32, #tpu.memory_space<hbm>> -> memref<1000xi32, #tpu.memory_space<hbm>>
          tpu.wait_dma2 semaphore(%run_scoped3A : memref<!tpu.dma_semaphore, #tpu.memory_space<semaphore_mem>>) src(%dma_wait3A_30 : memref<1000xi32, #tpu.memory_space<hbm>>) dst(%arg10 : memref<1000xi32, #tpu.memory_space<vmem>>)
          tpu.yield
        }) : () -> ()
        "tpu.region"() ({
          %run_scoped3A = tpu.sem_alloc : memref<!tpu.dma_semaphore, #tpu.memory_space<semaphore_mem>>
          %dma_start3A = arith.constant 0 : i32
          %dma_start3A_29 = tpu.memref_slice %arg2[%add3A, %dma_start3A] : memref<400000x128xf32, #tpu.memory_space<hbm>> -> memref<1000x16xf32, #tpu.memory_space<hbm>>
          %dma_start3A_30 = arith.constant 0 : i32
          %dma_start3A_31 = tpu.memref_slice %arg2[%add3A, %dma_start3A_30] : memref<400000x128xf32, #tpu.memory_space<hbm>> -> memref<1000x16xf32, #tpu.memory_space<hbm>>
          tpu.enqueue_dma source(%dma_start3A_31 : memref<1000x16xf32, #tpu.memory_space<hbm>>) target(%arg11 : memref<1000x16xf32, #tpu.memory_space<vmem>>) target_semaphore(%run_scoped3A : memref<!tpu.dma_semaphore, #tpu.memory_space<semaphore_mem>>)
          %dma_wait3A = arith.constant 0 : i32
          %dma_wait3A_32 = tpu.memref_slice %arg2[%add3A, %dma_wait3A] : memref<400000x128xf32, #tpu.memory_space<hbm>> -> memref<1000x16xf32, #tpu.memory_space<hbm>>
          %dma_wait3A_33 = arith.constant 0 : i32
          %dma_wait3A_34 = tpu.memref_slice %arg2[%add3A, %dma_wait3A_33] : memref<400000x128xf32, #tpu.memory_space<hbm>> -> memref<1000x16xf32, #tpu.memory_space<hbm>>
          tpu.wait_dma2 semaphore(%run_scoped3A : memref<!tpu.dma_semaphore, #tpu.memory_space<semaphore_mem>>) src(%dma_wait3A_34 : memref<1000x16xf32, #tpu.memory_space<hbm>>) dst(%arg11 : memref<1000x16xf32, #tpu.memory_space<vmem>>)
          tpu.yield
        }) : () -> ()
        "tpu.region"() ({
          %run_scoped3A = tpu.sem_alloc : memref<!tpu.dma_semaphore, #tpu.memory_space<semaphore_mem>>
          %dma_start3A = arith.constant 0 : i32
          %dma_start3A_29 = arith.constant 0 : i32
          %dma_start3A_30 = tpu.memref_slice %arg12[%dma_start3A, %dma_start3A_29] : memref<50048x16xf32, #tpu.memory_space<vmem_shared>> -> memref<50048x16xf32, #tpu.memory_space<vmem_shared>>
          tpu.enqueue_indirect_dma source(%arg11 : memref<1000x16xf32, #tpu.memory_space<vmem>>) target(%dma_start3A_30 : memref<50048x16xf32, #tpu.memory_space<vmem_shared>>) offsets(%arg10 : memref<1000xi32, #tpu.memory_space<vmem>>) semaphore(%run_scoped3A : memref<!tpu.dma_semaphore, #tpu.memory_space<semaphore_mem>>) {add = true}
          %dma_wait3A = arith.constant 0 : i32
          %dma_wait3A_31 = arith.constant 0 : i32
          %dma_wait3A_32 = tpu.memref_slice %arg12[%dma_wait3A, %dma_wait3A_31] : memref<50048x16xf32, #tpu.memory_space<vmem_shared>> -> memref<50048x16xf32, #tpu.memory_space<vmem_shared>>
          tpu.wait_indirect_dma semaphore(%run_scoped3A : memref<!tpu.dma_semaphore, #tpu.memory_space<semaphore_mem>>) src(%arg11 : memref<1000x16xf32, #tpu.memory_space<vmem>>) dst(%dma_wait3A_32 : memref<50048x16xf32, #tpu.memory_space<vmem_shared>>)
          tpu.yield
        }) : () -> ()
        "tpu.region"() ({
          %run_scoped3A = tpu.sem_alloc : memref<!tpu.dma_semaphore, #tpu.memory_space<semaphore_mem>>
          %dma_start3A = tpu.memref_slice %arg4[%add3A] : memref<400000xi32, #tpu.memory_space<hbm>> -> memref<1000xi32, #tpu.memory_space<hbm>>
          %dma_start3A_29 = tpu.memref_slice %arg4[%add3A] : memref<400000xi32, #tpu.memory_space<hbm>> -> memref<1000xi32, #tpu.memory_space<hbm>>
          tpu.enqueue_dma source(%dma_start3A_29 : memref<1000xi32, #tpu.memory_space<hbm>>) target(%arg10 : memref<1000xi32, #tpu.memory_space<vmem>>) target_semaphore(%run_scoped3A : memref<!tpu.dma_semaphore, #tpu.memory_space<semaphore_mem>>)
          %dma_wait3A = tpu.memref_slice %arg4[%add3A] : memref<400000xi32, #tpu.memory_space<hbm>> -> memref<1000xi32, #tpu.memory_space<hbm>>
          %dma_wait3A_30 = tpu.memref_slice %arg4[%add3A] : memref<400000xi32, #tpu.memory_space<hbm>> -> memref<1000xi32, #tpu.memory_space<hbm>>
          tpu.wait_dma2 semaphore(%run_scoped3A : memref<!tpu.dma_semaphore, #tpu.memory_space<semaphore_mem>>) src(%dma_wait3A_30 : memref<1000xi32, #tpu.memory_space<hbm>>) dst(%arg10 : memref<1000xi32, #tpu.memory_space<vmem>>)
          tpu.yield
        }) : () -> ()
        "tpu.region"() ({
          %run_scoped3A = tpu.sem_alloc : memref<!tpu.dma_semaphore, #tpu.memory_space<semaphore_mem>>
          %dma_start3A = arith.constant 64 : i32
          %dma_start3A_29 = tpu.memref_slice %arg2[%add3A, %dma_start3A] : memref<400000x128xf32, #tpu.memory_space<hbm>> -> memref<1000x16xf32, #tpu.memory_space<hbm>>
          %dma_start3A_30 = arith.constant 64 : i32
          %dma_start3A_31 = tpu.memref_slice %arg2[%add3A, %dma_start3A_30] : memref<400000x128xf32, #tpu.memory_space<hbm>> -> memref<1000x16xf32, #tpu.memory_space<hbm>>
          tpu.enqueue_dma source(%dma_start3A_31 : memref<1000x16xf32, #tpu.memory_space<hbm>>) target(%arg11 : memref<1000x16xf32, #tpu.memory_space<vmem>>) target_semaphore(%run_scoped3A : memref<!tpu.dma_semaphore, #tpu.memory_space<semaphore_mem>>)
          %dma_wait3A = arith.constant 64 : i32
          %dma_wait3A_32 = tpu.memref_slice %arg2[%add3A, %dma_wait3A] : memref<400000x128xf32, #tpu.memory_space<hbm>> -> memref<1000x16xf32, #tpu.memory_space<hbm>>
          %dma_wait3A_33 = arith.constant 64 : i32
          %dma_wait3A_34 = tpu.memref_slice %arg2[%add3A, %dma_wait3A_33] : memref<400000x128xf32, #tpu.memory_space<hbm>> -> memref<1000x16xf32, #tpu.memory_space<hbm>>
          tpu.wait_dma2 semaphore(%run_scoped3A : memref<!tpu.dma_semaphore, #tpu.memory_space<semaphore_mem>>) src(%dma_wait3A_34 : memref<1000x16xf32, #tpu.memory_space<hbm>>) dst(%arg11 : memref<1000x16xf32, #tpu.memory_space<vmem>>)
          tpu.yield
        }) : () -> ()
        "tpu.region"() ({
          %run_scoped3A = tpu.sem_alloc : memref<!tpu.dma_semaphore, #tpu.memory_space<semaphore_mem>>
          %dma_start3A = arith.constant 0 : i32
          %dma_start3A_29 = arith.constant 0 : i32
          %dma_start3A_30 = tpu.memref_slice %arg12[%dma_start3A, %dma_start3A_29] : memref<50048x16xf32, #tpu.memory_space<vmem_shared>> -> memref<50048x16xf32, #tpu.memory_space<vmem_shared>>
          tpu.enqueue_indirect_dma source(%arg11 : memref<1000x16xf32, #tpu.memory_space<vmem>>) target(%dma_start3A_30 : memref<50048x16xf32, #tpu.memory_space<vmem_shared>>) offsets(%arg10 : memref<1000xi32, #tpu.memory_space<vmem>>) semaphore(%run_scoped3A : memref<!tpu.dma_semaphore, #tpu.memory_space<semaphore_mem>>) {add = true}
          %dma_wait3A = arith.constant 0 : i32
          %dma_wait3A_31 = arith.constant 0 : i32
          %dma_wait3A_32 = tpu.memref_slice %arg12[%dma_wait3A, %dma_wait3A_31] : memref<50048x16xf32, #tpu.memory_space<vmem_shared>> -> memref<50048x16xf32, #tpu.memory_space<vmem_shared>>
          tpu.wait_indirect_dma semaphore(%run_scoped3A : memref<!tpu.dma_semaphore, #tpu.memory_space<semaphore_mem>>) src(%arg11 : memref<1000x16xf32, #tpu.memory_space<vmem>>) dst(%dma_wait3A_32 : memref<50048x16xf32, #tpu.memory_space<vmem_shared>>)
          tpu.yield
        }) : () -> ()
      }
      %scan3A_12 = arith.constant 25 : i32
      %barrier3A_13 = arith.constant 0 : index
      tpu.barrier barrier_id(%barrier3A_13)
      "tpu.region"() ({
        %run_scoped3A = tpu.sem_alloc : memref<!tpu.dma_semaphore, #tpu.memory_space<semaphore_mem>>
        %dma_start3A = arith.constant 0 : i32
        %dma_start3A_24 = tpu.memref_slice %arg6[%mul3A_0, %dma_start3A] : memref<50048x16xf32, #tpu.memory_space<hbm>> -> memref<3128x16xf32, #tpu.memory_space<hbm>>
        %dma_start3A_25 = arith.constant 0 : i32
        %dma_start3A_26 = tpu.memref_slice %arg12[%mul3A_0, %dma_start3A_25] : memref<50048x16xf32, #tpu.memory_space<vmem_shared>> -> memref<3128x16xf32, #tpu.memory_space<vmem_shared>>
        tpu.enqueue_dma source(%dma_start3A_26 : memref<3128x16xf32, #tpu.memory_space<vmem_shared>>) target(%dma_start3A_24 : memref<3128x16xf32, #tpu.memory_space<hbm>>) target_semaphore(%run_scoped3A : memref<!tpu.dma_semaphore, #tpu.memory_space<semaphore_mem>>)
        %dma_wait3A = arith.constant 0 : i32
        %dma_wait3A_27 = tpu.memref_slice %arg6[%mul3A_0, %dma_wait3A] : memref<50048x16xf32, #tpu.memory_space<hbm>> -> memref<3128x16xf32, #tpu.memory_space<hbm>>
        %dma_wait3A_28 = arith.constant 0 : i32
        %dma_wait3A_29 = tpu.memref_slice %arg12[%mul3A_0, %dma_wait3A_28] : memref<50048x16xf32, #tpu.memory_space<vmem_shared>> -> memref<3128x16xf32, #tpu.memory_space<vmem_shared>>
        tpu.wait_dma2 semaphore(%run_scoped3A : memref<!tpu.dma_semaphore, #tpu.memory_space<semaphore_mem>>) src(%dma_wait3A_29 : memref<3128x16xf32, #tpu.memory_space<vmem_shared>>) dst(%dma_wait3A_27 : memref<3128x16xf32, #tpu.memory_space<hbm>>)
        tpu.yield
      }) : () -> ()
      %barrier3A_14 = arith.constant 0 : index
      tpu.barrier barrier_id(%barrier3A_14)
      "tpu.region"() ({
        %run_scoped3A = tpu.sem_alloc : memref<!tpu.dma_semaphore, #tpu.memory_space<semaphore_mem>>
        %dma_start3A = arith.constant 0 : i32
        %dma_start3A_24 = tpu.memref_slice %arg12[%mul3A_0, %dma_start3A] : memref<50048x16xf32, #tpu.memory_space<vmem_shared>> -> memref<3128x16xf32, #tpu.memory_space<vmem_shared>>
        tpu.enqueue_dma source(%arg5 : memref<3128x16xf32, #tpu.memory_space<hbm>>) target(%dma_start3A_24 : memref<3128x16xf32, #tpu.memory_space<vmem_shared>>) target_semaphore(%run_scoped3A : memref<!tpu.dma_semaphore, #tpu.memory_space<semaphore_mem>>)
        %dma_wait3A = arith.constant 0 : i32
        %dma_wait3A_25 = tpu.memref_slice %arg12[%mul3A_0, %dma_wait3A] : memref<50048x16xf32, #tpu.memory_space<vmem_shared>> -> memref<3128x16xf32, #tpu.memory_space<vmem_shared>>
        tpu.wait_dma2 semaphore(%run_scoped3A : memref<!tpu.dma_semaphore, #tpu.memory_space<semaphore_mem>>) src(%arg5 : memref<3128x16xf32, #tpu.memory_space<hbm>>) dst(%dma_wait3A_25 : memref<3128x16xf32, #tpu.memory_space<vmem_shared>>)
        tpu.yield
      }) : () -> ()
      %barrier3A_15 = arith.constant 0 : index
      tpu.barrier barrier_id(%barrier3A_15)
      %scan3A_16 = arith.constant 0 : i32
      %scan3A_17 = arith.constant 0 : i32
      %scan3A_18 = arith.constant 25 : i32
      %scan3A_19 = arith.addi %scan3A_17, %scan3A_18 : i32
      %scan3A_20 = arith.constant 1 : i32
      scf.for %scan3A_24 = %scan3A_17 to %scan3A_19 step %scan3A_20  : i32 {
        %mul3A_25 = arith.constant 25000 : i32
        %mul3A_26 = arith.muli %arg1, %mul3A_25 : i32
        %mul3A_27 = arith.constant 1000 : i32
        %mul3A_28 = arith.muli %scan3A_24, %mul3A_27 : i32
        %add3A = arith.addi %mul3A_26, %mul3A_28 : i32
        "tpu.region"() ({
          %run_scoped3A = tpu.sem_alloc : memref<!tpu.dma_semaphore, #tpu.memory_space<semaphore_mem>>
          %dma_start3A = tpu.memref_slice %arg3[%add3A] : memref<400000xi32, #tpu.memory_space<hbm>> -> memref<1000xi32, #tpu.memory_space<hbm>>
          %dma_start3A_29 = tpu.memref_slice %arg3[%add3A] : memref<400000xi32, #tpu.memory_space<hbm>> -> memref<1000xi32, #tpu.memory_space<hbm>>
          tpu.enqueue_dma source(%dma_start3A_29 : memref<1000xi32, #tpu.memory_space<hbm>>) target(%arg10 : memref<1000xi32, #tpu.memory_space<vmem>>) target_semaphore(%run_scoped3A : memref<!tpu.dma_semaphore, #tpu.memory_space<semaphore_mem>>)
          %dma_wait3A = tpu.memref_slice %arg3[%add3A] : memref<400000xi32, #tpu.memory_space<hbm>> -> memref<1000xi32, #tpu.memory_space<hbm>>
          %dma_wait3A_30 = tpu.memref_slice %arg3[%add3A] : memref<400000xi32, #tpu.memory_space<hbm>> -> memref<1000xi32, #tpu.memory_space<hbm>>
          tpu.wait_dma2 semaphore(%run_scoped3A : memref<!tpu.dma_semaphore, #tpu.memory_space<semaphore_mem>>) src(%dma_wait3A_30 : memref<1000xi32, #tpu.memory_space<hbm>>) dst(%arg10 : memref<1000xi32, #tpu.memory_space<vmem>>)
          tpu.yield
        }) : () -> ()
        "tpu.region"() ({
          %run_scoped3A = tpu.sem_alloc : memref<!tpu.dma_semaphore, #tpu.memory_space<semaphore_mem>>
          %dma_start3A = arith.constant 16 : i32
          %dma_start3A_29 = tpu.memref_slice %arg2[%add3A, %dma_start3A] : memref<400000x128xf32, #tpu.memory_space<hbm>> -> memref<1000x16xf32, #tpu.memory_space<hbm>>
          %dma_start3A_30 = arith.constant 16 : i32
          %dma_start3A_31 = tpu.memref_slice %arg2[%add3A, %dma_start3A_30] : memref<400000x128xf32, #tpu.memory_space<hbm>> -> memref<1000x16xf32, #tpu.memory_space<hbm>>
          tpu.enqueue_dma source(%dma_start3A_31 : memref<1000x16xf32, #tpu.memory_space<hbm>>) target(%arg11 : memref<1000x16xf32, #tpu.memory_space<vmem>>) target_semaphore(%run_scoped3A : memref<!tpu.dma_semaphore, #tpu.memory_space<semaphore_mem>>)
          %dma_wait3A = arith.constant 16 : i32
          %dma_wait3A_32 = tpu.memref_slice %arg2[%add3A, %dma_wait3A] : memref<400000x128xf32, #tpu.memory_space<hbm>> -> memref<1000x16xf32, #tpu.memory_space<hbm>>
          %dma_wait3A_33 = arith.constant 16 : i32
          %dma_wait3A_34 = tpu.memref_slice %arg2[%add3A, %dma_wait3A_33] : memref<400000x128xf32, #tpu.memory_space<hbm>> -> memref<1000x16xf32, #tpu.memory_space<hbm>>
          tpu.wait_dma2 semaphore(%run_scoped3A : memref<!tpu.dma_semaphore, #tpu.memory_space<semaphore_mem>>) src(%dma_wait3A_34 : memref<1000x16xf32, #tpu.memory_space<hbm>>) dst(%arg11 : memref<1000x16xf32, #tpu.memory_space<vmem>>)
          tpu.yield
        }) : () -> ()
        "tpu.region"() ({
          %run_scoped3A = tpu.sem_alloc : memref<!tpu.dma_semaphore, #tpu.memory_space<semaphore_mem>>
          %dma_start3A = arith.constant 0 : i32
          %dma_start3A_29 = arith.constant 0 : i32
          %dma_start3A_30 = tpu.memref_slice %arg12[%dma_start3A, %dma_start3A_29] : memref<50048x16xf32, #tpu.memory_space<vmem_shared>> -> memref<50048x16xf32, #tpu.memory_space<vmem_shared>>
          tpu.enqueue_indirect_dma source(%arg11 : memref<1000x16xf32, #tpu.memory_space<vmem>>) target(%dma_start3A_30 : memref<50048x16xf32, #tpu.memory_space<vmem_shared>>) offsets(%arg10 : memref<1000xi32, #tpu.memory_space<vmem>>) semaphore(%run_scoped3A : memref<!tpu.dma_semaphore, #tpu.memory_space<semaphore_mem>>) {add = true}
          %dma_wait3A = arith.constant 0 : i32
          %dma_wait3A_31 = arith.constant 0 : i32
          %dma_wait3A_32 = tpu.memref_slice %arg12[%dma_wait3A, %dma_wait3A_31] : memref<50048x16xf32, #tpu.memory_space<vmem_shared>> -> memref<50048x16xf32, #tpu.memory_space<vmem_shared>>
          tpu.wait_indirect_dma semaphore(%run_scoped3A : memref<!tpu.dma_semaphore, #tpu.memory_space<semaphore_mem>>) src(%arg11 : memref<1000x16xf32, #tpu.memory_space<vmem>>) dst(%dma_wait3A_32 : memref<50048x16xf32, #tpu.memory_space<vmem_shared>>)
          tpu.yield
        }) : () -> ()
        "tpu.region"() ({
          %run_scoped3A = tpu.sem_alloc : memref<!tpu.dma_semaphore, #tpu.memory_space<semaphore_mem>>
          %dma_start3A = tpu.memref_slice %arg4[%add3A] : memref<400000xi32, #tpu.memory_space<hbm>> -> memref<1000xi32, #tpu.memory_space<hbm>>
          %dma_start3A_29 = tpu.memref_slice %arg4[%add3A] : memref<400000xi32, #tpu.memory_space<hbm>> -> memref<1000xi32, #tpu.memory_space<hbm>>
          tpu.enqueue_dma source(%dma_start3A_29 : memref<1000xi32, #tpu.memory_space<hbm>>) target(%arg10 : memref<1000xi32, #tpu.memory_space<vmem>>) target_semaphore(%run_scoped3A : memref<!tpu.dma_semaphore, #tpu.memory_space<semaphore_mem>>)
          %dma_wait3A = tpu.memref_slice %arg4[%add3A] : memref<400000xi32, #tpu.memory_space<hbm>> -> memref<1000xi32, #tpu.memory_space<hbm>>
          %dma_wait3A_30 = tpu.memref_slice %arg4[%add3A] : memref<400000xi32, #tpu.memory_space<hbm>> -> memref<1000xi32, #tpu.memory_space<hbm>>
          tpu.wait_dma2 semaphore(%run_scoped3A : memref<!tpu.dma_semaphore, #tpu.memory_space<semaphore_mem>>) src(%dma_wait3A_30 : memref<1000xi32, #tpu.memory_space<hbm>>) dst(%arg10 : memref<1000xi32, #tpu.memory_space<vmem>>)
          tpu.yield
        }) : () -> ()
        "tpu.region"() ({
          %run_scoped3A = tpu.sem_alloc : memref<!tpu.dma_semaphore, #tpu.memory_space<semaphore_mem>>
          %dma_start3A = arith.constant 80 : i32
          %dma_start3A_29 = tpu.memref_slice %arg2[%add3A, %dma_start3A] : memref<400000x128xf32, #tpu.memory_space<hbm>> -> memref<1000x16xf32, #tpu.memory_space<hbm>>
          %dma_start3A_30 = arith.constant 80 : i32
          %dma_start3A_31 = tpu.memref_slice %arg2[%add3A, %dma_start3A_30] : memref<400000x128xf32, #tpu.memory_space<hbm>> -> memref<1000x16xf32, #tpu.memory_space<hbm>>
          tpu.enqueue_dma source(%dma_start3A_31 : memref<1000x16xf32, #tpu.memory_space<hbm>>) target(%arg11 : memref<1000x16xf32, #tpu.memory_space<vmem>>) target_semaphore(%run_scoped3A : memref<!tpu.dma_semaphore, #tpu.memory_space<semaphore_mem>>)
          %dma_wait3A = arith.constant 80 : i32
          %dma_wait3A_32 = tpu.memref_slice %arg2[%add3A, %dma_wait3A] : memref<400000x128xf32, #tpu.memory_space<hbm>> -> memref<1000x16xf32, #tpu.memory_space<hbm>>
          %dma_wait3A_33 = arith.constant 80 : i32
          %dma_wait3A_34 = tpu.memref_slice %arg2[%add3A, %dma_wait3A_33] : memref<400000x128xf32, #tpu.memory_space<hbm>> -> memref<1000x16xf32, #tpu.memory_space<hbm>>
          tpu.wait_dma2 semaphore(%run_scoped3A : memref<!tpu.dma_semaphore, #tpu.memory_space<semaphore_mem>>) src(%dma_wait3A_34 : memref<1000x16xf32, #tpu.memory_space<hbm>>) dst(%arg11 : memref<1000x16xf32, #tpu.memory_space<vmem>>)
          tpu.yield
        }) : () -> ()
        "tpu.region"() ({
          %run_scoped3A = tpu.sem_alloc : memref<!tpu.dma_semaphore, #tpu.memory_space<semaphore_mem>>
          %dma_start3A = arith.constant 0 : i32
          %dma_start3A_29 = arith.constant 0 : i32
          %dma_start3A_30 = tpu.memref_slice %arg12[%dma_start3A, %dma_start3A_29] : memref<50048x16xf32, #tpu.memory_space<vmem_shared>> -> memref<50048x16xf32, #tpu.memory_space<vmem_shared>>
          tpu.enqueue_indirect_dma source(%arg11 : memref<1000x16xf32, #tpu.memory_space<vmem>>) target(%dma_start3A_30 : memref<50048x16xf32, #tpu.memory_space<vmem_shared>>) offsets(%arg10 : memref<1000xi32, #tpu.memory_space<vmem>>) semaphore(%run_scoped3A : memref<!tpu.dma_semaphore, #tpu.memory_space<semaphore_mem>>) {add = true}
          %dma_wait3A = arith.constant 0 : i32
          %dma_wait3A_31 = arith.constant 0 : i32
          %dma_wait3A_32 = tpu.memref_slice %arg12[%dma_wait3A, %dma_wait3A_31] : memref<50048x16xf32, #tpu.memory_space<vmem_shared>> -> memref<50048x16xf32, #tpu.memory_space<vmem_shared>>
          tpu.wait_indirect_dma semaphore(%run_scoped3A : memref<!tpu.dma_semaphore, #tpu.memory_space<semaphore_mem>>) src(%arg11 : memref<1000x16xf32, #tpu.memory_space<vmem>>) dst(%dma_wait3A_32 : memref<50048x16xf32, #tpu.memory_space<vmem_shared>>)
          tpu.yield
        }) : () -> ()
      }
      %scan3A_21 = arith.constant 25 : i32
      %barrier3A_22 = arith.constant 0 : index
      tpu.barrier barrier_id(%barrier3A_22)
      "tpu.region"() ({
        %run_scoped3A = tpu.sem_alloc : memref<!tpu.dma_semaphore, #tpu.memory_space<semaphore_mem>>
        %dma_start3A = arith.constant 0 : i32
        %dma_start3A_24 = tpu.memref_slice %arg7[%mul3A_0, %dma_start3A] : memref<50048x16xf32, #tpu.memory_space<hbm>> -> memref<3128x16xf32, #tpu.memory_space<hbm>>
        %dma_start3A_25 = arith.constant 0 : i32
        %dma_start3A_26 = tpu.memref_slice %arg12[%mul3A_0, %dma_start3A_25] : memref<50048x16xf32, #tpu.memory_space<vmem_shared>> -> memref<3128x16xf32, #tpu.memory_space<vmem_shared>>
        tpu.enqueue_dma source(%dma_start3A_26 : memref<3128x16xf32, #tpu.memory_space<vmem_shared>>) target(%dma_start3A_24 : memref<3128x16xf32, #tpu.memory_space<hbm>>) target_semaphore(%run_scoped3A : memref<!tpu.dma_semaphore, #tpu.memory_space<semaphore_mem>>)
        %dma_wait3A = arith.constant 0 : i32
        %dma_wait3A_27 = tpu.memref_slice %arg7[%mul3A_0, %dma_wait3A] : memref<50048x16xf32, #tpu.memory_space<hbm>> -> memref<3128x16xf32, #tpu.memory_space<hbm>>
        %dma_wait3A_28 = arith.constant 0 : i32
        %dma_wait3A_29 = tpu.memref_slice %arg12[%mul3A_0, %dma_wait3A_28] : memref<50048x16xf32, #tpu.memory_space<vmem_shared>> -> memref<3128x16xf32, #tpu.memory_space<vmem_shared>>
        tpu.wait_dma2 semaphore(%run_scoped3A : memref<!tpu.dma_semaphore, #tpu.memory_space<semaphore_mem>>) src(%dma_wait3A_29 : memref<3128x16xf32, #tpu.memory_space<vmem_shared>>) dst(%dma_wait3A_27 : memref<3128x16xf32, #tpu.memory_space<hbm>>)
        tpu.yield
      }) : () -> ()
      %barrier3A_23 = arith.constant 0 : index
      tpu.barrier barrier_id(%barrier3A_23)
    } else {
    }
    %eq3A_3 = arith.constant 1 : i32
    %eq3A_4 = arith.cmpi eq, %arg0, %eq3A_3 : i32
    %convert_element_type3A_5 = arith.extui %eq3A_4 : i1 to i32
    %cond3A_6 = arith.constant 0 : i32
    %cond3A_7 = arith.cmpi ne, %convert_element_type3A_5, %cond3A_6 : i32
    scf.if %cond3A_7 {
      "tpu.region"() ({
        %run_scoped3A = tpu.sem_alloc : memref<!tpu.dma_semaphore, #tpu.memory_space<semaphore_mem>>
        %dma_start3A = arith.constant 0 : i32
        %dma_start3A_24 = tpu.memref_slice %arg12[%mul3A_0, %dma_start3A] : memref<50048x16xf32, #tpu.memory_space<vmem_shared>> -> memref<3128x16xf32, #tpu.memory_space<vmem_shared>>
        tpu.enqueue_dma source(%arg5 : memref<3128x16xf32, #tpu.memory_space<hbm>>) target(%dma_start3A_24 : memref<3128x16xf32, #tpu.memory_space<vmem_shared>>) target_semaphore(%run_scoped3A : memref<!tpu.dma_semaphore, #tpu.memory_space<semaphore_mem>>)
        %dma_wait3A = arith.constant 0 : i32
        %dma_wait3A_25 = tpu.memref_slice %arg12[%mul3A_0, %dma_wait3A] : memref<50048x16xf32, #tpu.memory_space<vmem_shared>> -> memref<3128x16xf32, #tpu.memory_space<vmem_shared>>
        tpu.wait_dma2 semaphore(%run_scoped3A : memref<!tpu.dma_semaphore, #tpu.memory_space<semaphore_mem>>) src(%arg5 : memref<3128x16xf32, #tpu.memory_space<hbm>>) dst(%dma_wait3A_25 : memref<3128x16xf32, #tpu.memory_space<vmem_shared>>)
        tpu.yield
      }) : () -> ()
      %barrier3A = arith.constant 0 : index
      tpu.barrier barrier_id(%barrier3A)
      %scan3A = arith.constant 0 : i32
      %scan3A_8 = arith.constant 0 : i32
      %scan3A_9 = arith.constant 25 : i32
      %scan3A_10 = arith.addi %scan3A_8, %scan3A_9 : i32
      %scan3A_11 = arith.constant 1 : i32
      scf.for %scan3A_24 = %scan3A_8 to %scan3A_10 step %scan3A_11  : i32 {
        %mul3A_25 = arith.constant 25000 : i32
        %mul3A_26 = arith.muli %arg1, %mul3A_25 : i32
        %mul3A_27 = arith.constant 1000 : i32
        %mul3A_28 = arith.muli %scan3A_24, %mul3A_27 : i32
        %add3A = arith.addi %mul3A_26, %mul3A_28 : i32
        "tpu.region"() ({
          %run_scoped3A = tpu.sem_alloc : memref<!tpu.dma_semaphore, #tpu.memory_space<semaphore_mem>>
          %dma_start3A = tpu.memref_slice %arg3[%add3A] : memref<400000xi32, #tpu.memory_space<hbm>> -> memref<1000xi32, #tpu.memory_space<hbm>>
          %dma_start3A_29 = tpu.memref_slice %arg3[%add3A] : memref<400000xi32, #tpu.memory_space<hbm>> -> memref<1000xi32, #tpu.memory_space<hbm>>
          tpu.enqueue_dma source(%dma_start3A_29 : memref<1000xi32, #tpu.memory_space<hbm>>) target(%arg10 : memref<1000xi32, #tpu.memory_space<vmem>>) target_semaphore(%run_scoped3A : memref<!tpu.dma_semaphore, #tpu.memory_space<semaphore_mem>>)
          %dma_wait3A = tpu.memref_slice %arg3[%add3A] : memref<400000xi32, #tpu.memory_space<hbm>> -> memref<1000xi32, #tpu.memory_space<hbm>>
          %dma_wait3A_30 = tpu.memref_slice %arg3[%add3A] : memref<400000xi32, #tpu.memory_space<hbm>> -> memref<1000xi32, #tpu.memory_space<hbm>>
          tpu.wait_dma2 semaphore(%run_scoped3A : memref<!tpu.dma_semaphore, #tpu.memory_space<semaphore_mem>>) src(%dma_wait3A_30 : memref<1000xi32, #tpu.memory_space<hbm>>) dst(%arg10 : memref<1000xi32, #tpu.memory_space<vmem>>)
          tpu.yield
        }) : () -> ()
        "tpu.region"() ({
          %run_scoped3A = tpu.sem_alloc : memref<!tpu.dma_semaphore, #tpu.memory_space<semaphore_mem>>
          %dma_start3A = arith.constant 32 : i32
          %dma_start3A_29 = tpu.memref_slice %arg2[%add3A, %dma_start3A] : memref<400000x128xf32, #tpu.memory_space<hbm>> -> memref<1000x16xf32, #tpu.memory_space<hbm>>
          %dma_start3A_30 = arith.constant 32 : i32
          %dma_start3A_31 = tpu.memref_slice %arg2[%add3A, %dma_start3A_30] : memref<400000x128xf32, #tpu.memory_space<hbm>> -> memref<1000x16xf32, #tpu.memory_space<hbm>>
          tpu.enqueue_dma source(%dma_start3A_31 : memref<1000x16xf32, #tpu.memory_space<hbm>>) target(%arg11 : memref<1000x16xf32, #tpu.memory_space<vmem>>) target_semaphore(%run_scoped3A : memref<!tpu.dma_semaphore, #tpu.memory_space<semaphore_mem>>)
          %dma_wait3A = arith.constant 32 : i32
          %dma_wait3A_32 = tpu.memref_slice %arg2[%add3A, %dma_wait3A] : memref<400000x128xf32, #tpu.memory_space<hbm>> -> memref<1000x16xf32, #tpu.memory_space<hbm>>
          %dma_wait3A_33 = arith.constant 32 : i32
          %dma_wait3A_34 = tpu.memref_slice %arg2[%add3A, %dma_wait3A_33] : memref<400000x128xf32, #tpu.memory_space<hbm>> -> memref<1000x16xf32, #tpu.memory_space<hbm>>
          tpu.wait_dma2 semaphore(%run_scoped3A : memref<!tpu.dma_semaphore, #tpu.memory_space<semaphore_mem>>) src(%dma_wait3A_34 : memref<1000x16xf32, #tpu.memory_space<hbm>>) dst(%arg11 : memref<1000x16xf32, #tpu.memory_space<vmem>>)
          tpu.yield
        }) : () -> ()
        "tpu.region"() ({
          %run_scoped3A = tpu.sem_alloc : memref<!tpu.dma_semaphore, #tpu.memory_space<semaphore_mem>>
          %dma_start3A = arith.constant 0 : i32
          %dma_start3A_29 = arith.constant 0 : i32
          %dma_start3A_30 = tpu.memref_slice %arg12[%dma_start3A, %dma_start3A_29] : memref<50048x16xf32, #tpu.memory_space<vmem_shared>> -> memref<50048x16xf32, #tpu.memory_space<vmem_shared>>
          tpu.enqueue_indirect_dma source(%arg11 : memref<1000x16xf32, #tpu.memory_space<vmem>>) target(%dma_start3A_30 : memref<50048x16xf32, #tpu.memory_space<vmem_shared>>) offsets(%arg10 : memref<1000xi32, #tpu.memory_space<vmem>>) semaphore(%run_scoped3A : memref<!tpu.dma_semaphore, #tpu.memory_space<semaphore_mem>>) {add = true}
          %dma_wait3A = arith.constant 0 : i32
          %dma_wait3A_31 = arith.constant 0 : i32
          %dma_wait3A_32 = tpu.memref_slice %arg12[%dma_wait3A, %dma_wait3A_31] : memref<50048x16xf32, #tpu.memory_space<vmem_shared>> -> memref<50048x16xf32, #tpu.memory_space<vmem_shared>>
          tpu.wait_indirect_dma semaphore(%run_scoped3A : memref<!tpu.dma_semaphore, #tpu.memory_space<semaphore_mem>>) src(%arg11 : memref<1000x16xf32, #tpu.memory_space<vmem>>) dst(%dma_wait3A_32 : memref<50048x16xf32, #tpu.memory_space<vmem_shared>>)
          tpu.yield
        }) : () -> ()
        "tpu.region"() ({
          %run_scoped3A = tpu.sem_alloc : memref<!tpu.dma_semaphore, #tpu.memory_space<semaphore_mem>>
          %dma_start3A = tpu.memref_slice %arg4[%add3A] : memref<400000xi32, #tpu.memory_space<hbm>> -> memref<1000xi32, #tpu.memory_space<hbm>>
          %dma_start3A_29 = tpu.memref_slice %arg4[%add3A] : memref<400000xi32, #tpu.memory_space<hbm>> -> memref<1000xi32, #tpu.memory_space<hbm>>
          tpu.enqueue_dma source(%dma_start3A_29 : memref<1000xi32, #tpu.memory_space<hbm>>) target(%arg10 : memref<1000xi32, #tpu.memory_space<vmem>>) target_semaphore(%run_scoped3A : memref<!tpu.dma_semaphore, #tpu.memory_space<semaphore_mem>>)
          %dma_wait3A = tpu.memref_slice %arg4[%add3A] : memref<400000xi32, #tpu.memory_space<hbm>> -> memref<1000xi32, #tpu.memory_space<hbm>>
          %dma_wait3A_30 = tpu.memref_slice %arg4[%add3A] : memref<400000xi32, #tpu.memory_space<hbm>> -> memref<1000xi32, #tpu.memory_space<hbm>>
          tpu.wait_dma2 semaphore(%run_scoped3A : memref<!tpu.dma_semaphore, #tpu.memory_space<semaphore_mem>>) src(%dma_wait3A_30 : memref<1000xi32, #tpu.memory_space<hbm>>) dst(%arg10 : memref<1000xi32, #tpu.memory_space<vmem>>)
          tpu.yield
        }) : () -> ()
        "tpu.region"() ({
          %run_scoped3A = tpu.sem_alloc : memref<!tpu.dma_semaphore, #tpu.memory_space<semaphore_mem>>
          %dma_start3A = arith.constant 96 : i32
          %dma_start3A_29 = tpu.memref_slice %arg2[%add3A, %dma_start3A] : memref<400000x128xf32, #tpu.memory_space<hbm>> -> memref<1000x16xf32, #tpu.memory_space<hbm>>
          %dma_start3A_30 = arith.constant 96 : i32
          %dma_start3A_31 = tpu.memref_slice %arg2[%add3A, %dma_start3A_30] : memref<400000x128xf32, #tpu.memory_space<hbm>> -> memref<1000x16xf32, #tpu.memory_space<hbm>>
          tpu.enqueue_dma source(%dma_start3A_31 : memref<1000x16xf32, #tpu.memory_space<hbm>>) target(%arg11 : memref<1000x16xf32, #tpu.memory_space<vmem>>) target_semaphore(%run_scoped3A : memref<!tpu.dma_semaphore, #tpu.memory_space<semaphore_mem>>)
          %dma_wait3A = arith.constant 96 : i32
          %dma_wait3A_32 = tpu.memref_slice %arg2[%add3A, %dma_wait3A] : memref<400000x128xf32, #tpu.memory_space<hbm>> -> memref<1000x16xf32, #tpu.memory_space<hbm>>
          %dma_wait3A_33 = arith.constant 96 : i32
          %dma_wait3A_34 = tpu.memref_slice %arg2[%add3A, %dma_wait3A_33] : memref<400000x128xf32, #tpu.memory_space<hbm>> -> memref<1000x16xf32, #tpu.memory_space<hbm>>
          tpu.wait_dma2 semaphore(%run_scoped3A : memref<!tpu.dma_semaphore, #tpu.memory_space<semaphore_mem>>) src(%dma_wait3A_34 : memref<1000x16xf32, #tpu.memory_space<hbm>>) dst(%arg11 : memref<1000x16xf32, #tpu.memory_space<vmem>>)
          tpu.yield
        }) : () -> ()
        "tpu.region"() ({
          %run_scoped3A = tpu.sem_alloc : memref<!tpu.dma_semaphore, #tpu.memory_space<semaphore_mem>>
          %dma_start3A = arith.constant 0 : i32
          %dma_start3A_29 = arith.constant 0 : i32
          %dma_start3A_30 = tpu.memref_slice %arg12[%dma_start3A, %dma_start3A_29] : memref<50048x16xf32, #tpu.memory_space<vmem_shared>> -> memref<50048x16xf32, #tpu.memory_space<vmem_shared>>
          tpu.enqueue_indirect_dma source(%arg11 : memref<1000x16xf32, #tpu.memory_space<vmem>>) target(%dma_start3A_30 : memref<50048x16xf32, #tpu.memory_space<vmem_shared>>) offsets(%arg10 : memref<1000xi32, #tpu.memory_space<vmem>>) semaphore(%run_scoped3A : memref<!tpu.dma_semaphore, #tpu.memory_space<semaphore_mem>>) {add = true}
          %dma_wait3A = arith.constant 0 : i32
          %dma_wait3A_31 = arith.constant 0 : i32
          %dma_wait3A_32 = tpu.memref_slice %arg12[%dma_wait3A, %dma_wait3A_31] : memref<50048x16xf32, #tpu.memory_space<vmem_shared>> -> memref<50048x16xf32, #tpu.memory_space<vmem_shared>>
          tpu.wait_indirect_dma semaphore(%run_scoped3A : memref<!tpu.dma_semaphore, #tpu.memory_space<semaphore_mem>>) src(%arg11 : memref<1000x16xf32, #tpu.memory_space<vmem>>) dst(%dma_wait3A_32 : memref<50048x16xf32, #tpu.memory_space<vmem_shared>>)
          tpu.yield
        }) : () -> ()
      }
      %scan3A_12 = arith.constant 25 : i32
      %barrier3A_13 = arith.constant 0 : index
      tpu.barrier barrier_id(%barrier3A_13)
      "tpu.region"() ({
        %run_scoped3A = tpu.sem_alloc : memref<!tpu.dma_semaphore, #tpu.memory_space<semaphore_mem>>
        %dma_start3A = arith.constant 0 : i32
        %dma_start3A_24 = tpu.memref_slice %arg8[%mul3A_0, %dma_start3A] : memref<50048x16xf32, #tpu.memory_space<hbm>> -> memref<3128x16xf32, #tpu.memory_space<hbm>>
        %dma_start3A_25 = arith.constant 0 : i32
        %dma_start3A_26 = tpu.memref_slice %arg12[%mul3A_0, %dma_start3A_25] : memref<50048x16xf32, #tpu.memory_space<vmem_shared>> -> memref<3128x16xf32, #tpu.memory_space<vmem_shared>>
        tpu.enqueue_dma source(%dma_start3A_26 : memref<3128x16xf32, #tpu.memory_space<vmem_shared>>) target(%dma_start3A_24 : memref<3128x16xf32, #tpu.memory_space<hbm>>) target_semaphore(%run_scoped3A : memref<!tpu.dma_semaphore, #tpu.memory_space<semaphore_mem>>)
        %dma_wait3A = arith.constant 0 : i32
        %dma_wait3A_27 = tpu.memref_slice %arg8[%mul3A_0, %dma_wait3A] : memref<50048x16xf32, #tpu.memory_space<hbm>> -> memref<3128x16xf32, #tpu.memory_space<hbm>>
        %dma_wait3A_28 = arith.constant 0 : i32
        %dma_wait3A_29 = tpu.memref_slice %arg12[%mul3A_0, %dma_wait3A_28] : memref<50048x16xf32, #tpu.memory_space<vmem_shared>> -> memref<3128x16xf32, #tpu.memory_space<vmem_shared>>
        tpu.wait_dma2 semaphore(%run_scoped3A : memref<!tpu.dma_semaphore, #tpu.memory_space<semaphore_mem>>) src(%dma_wait3A_29 : memref<3128x16xf32, #tpu.memory_space<vmem_shared>>) dst(%dma_wait3A_27 : memref<3128x16xf32, #tpu.memory_space<hbm>>)
        tpu.yield
      }) : () -> ()
      %barrier3A_14 = arith.constant 0 : index
      tpu.barrier barrier_id(%barrier3A_14)
      "tpu.region"() ({
        %run_scoped3A = tpu.sem_alloc : memref<!tpu.dma_semaphore, #tpu.memory_space<semaphore_mem>>
        %dma_start3A = arith.constant 0 : i32
        %dma_start3A_24 = tpu.memref_slice %arg12[%mul3A_0, %dma_start3A] : memref<50048x16xf32, #tpu.memory_space<vmem_shared>> -> memref<3128x16xf32, #tpu.memory_space<vmem_shared>>
        tpu.enqueue_dma source(%arg5 : memref<3128x16xf32, #tpu.memory_space<hbm>>) target(%dma_start3A_24 : memref<3128x16xf32, #tpu.memory_space<vmem_shared>>) target_semaphore(%run_scoped3A : memref<!tpu.dma_semaphore, #tpu.memory_space<semaphore_mem>>)
        %dma_wait3A = arith.constant 0 : i32
        %dma_wait3A_25 = tpu.memref_slice %arg12[%mul3A_0, %dma_wait3A] : memref<50048x16xf32, #tpu.memory_space<vmem_shared>> -> memref<3128x16xf32, #tpu.memory_space<vmem_shared>>
        tpu.wait_dma2 semaphore(%run_scoped3A : memref<!tpu.dma_semaphore, #tpu.memory_space<semaphore_mem>>) src(%arg5 : memref<3128x16xf32, #tpu.memory_space<hbm>>) dst(%dma_wait3A_25 : memref<3128x16xf32, #tpu.memory_space<vmem_shared>>)
        tpu.yield
      }) : () -> ()
      %barrier3A_15 = arith.constant 0 : index
      tpu.barrier barrier_id(%barrier3A_15)
      %scan3A_16 = arith.constant 0 : i32
      %scan3A_17 = arith.constant 0 : i32
      %scan3A_18 = arith.constant 25 : i32
      %scan3A_19 = arith.addi %scan3A_17, %scan3A_18 : i32
      %scan3A_20 = arith.constant 1 : i32
      scf.for %scan3A_24 = %scan3A_17 to %scan3A_19 step %scan3A_20  : i32 {
        %mul3A_25 = arith.constant 25000 : i32
        %mul3A_26 = arith.muli %arg1, %mul3A_25 : i32
        %mul3A_27 = arith.constant 1000 : i32
        %mul3A_28 = arith.muli %scan3A_24, %mul3A_27 : i32
        %add3A = arith.addi %mul3A_26, %mul3A_28 : i32
        "tpu.region"() ({
          %run_scoped3A = tpu.sem_alloc : memref<!tpu.dma_semaphore, #tpu.memory_space<semaphore_mem>>
          %dma_start3A = tpu.memref_slice %arg3[%add3A] : memref<400000xi32, #tpu.memory_space<hbm>> -> memref<1000xi32, #tpu.memory_space<hbm>>
          %dma_start3A_29 = tpu.memref_slice %arg3[%add3A] : memref<400000xi32, #tpu.memory_space<hbm>> -> memref<1000xi32, #tpu.memory_space<hbm>>
          tpu.enqueue_dma source(%dma_start3A_29 : memref<1000xi32, #tpu.memory_space<hbm>>) target(%arg10 : memref<1000xi32, #tpu.memory_space<vmem>>) target_semaphore(%run_scoped3A : memref<!tpu.dma_semaphore, #tpu.memory_space<semaphore_mem>>)
          %dma_wait3A = tpu.memref_slice %arg3[%add3A] : memref<400000xi32, #tpu.memory_space<hbm>> -> memref<1000xi32, #tpu.memory_space<hbm>>
          %dma_wait3A_30 = tpu.memref_slice %arg3[%add3A] : memref<400000xi32, #tpu.memory_space<hbm>> -> memref<1000xi32, #tpu.memory_space<hbm>>
          tpu.wait_dma2 semaphore(%run_scoped3A : memref<!tpu.dma_semaphore, #tpu.memory_space<semaphore_mem>>) src(%dma_wait3A_30 : memref<1000xi32, #tpu.memory_space<hbm>>) dst(%arg10 : memref<1000xi32, #tpu.memory_space<vmem>>)
          tpu.yield
        }) : () -> ()
        "tpu.region"() ({
          %run_scoped3A = tpu.sem_alloc : memref<!tpu.dma_semaphore, #tpu.memory_space<semaphore_mem>>
          %dma_start3A = arith.constant 48 : i32
          %dma_start3A_29 = tpu.memref_slice %arg2[%add3A, %dma_start3A] : memref<400000x128xf32, #tpu.memory_space<hbm>> -> memref<1000x16xf32, #tpu.memory_space<hbm>>
          %dma_start3A_30 = arith.constant 48 : i32
          %dma_start3A_31 = tpu.memref_slice %arg2[%add3A, %dma_start3A_30] : memref<400000x128xf32, #tpu.memory_space<hbm>> -> memref<1000x16xf32, #tpu.memory_space<hbm>>
          tpu.enqueue_dma source(%dma_start3A_31 : memref<1000x16xf32, #tpu.memory_space<hbm>>) target(%arg11 : memref<1000x16xf32, #tpu.memory_space<vmem>>) target_semaphore(%run_scoped3A : memref<!tpu.dma_semaphore, #tpu.memory_space<semaphore_mem>>)
          %dma_wait3A = arith.constant 48 : i32
          %dma_wait3A_32 = tpu.memref_slice %arg2[%add3A, %dma_wait3A] : memref<400000x128xf32, #tpu.memory_space<hbm>> -> memref<1000x16xf32, #tpu.memory_space<hbm>>
          %dma_wait3A_33 = arith.constant 48 : i32
          %dma_wait3A_34 = tpu.memref_slice %arg2[%add3A, %dma_wait3A_33] : memref<400000x128xf32, #tpu.memory_space<hbm>> -> memref<1000x16xf32, #tpu.memory_space<hbm>>
          tpu.wait_dma2 semaphore(%run_scoped3A : memref<!tpu.dma_semaphore, #tpu.memory_space<semaphore_mem>>) src(%dma_wait3A_34 : memref<1000x16xf32, #tpu.memory_space<hbm>>) dst(%arg11 : memref<1000x16xf32, #tpu.memory_space<vmem>>)
          tpu.yield
        }) : () -> ()
        "tpu.region"() ({
          %run_scoped3A = tpu.sem_alloc : memref<!tpu.dma_semaphore, #tpu.memory_space<semaphore_mem>>
          %dma_start3A = arith.constant 0 : i32
          %dma_start3A_29 = arith.constant 0 : i32
          %dma_start3A_30 = tpu.memref_slice %arg12[%dma_start3A, %dma_start3A_29] : memref<50048x16xf32, #tpu.memory_space<vmem_shared>> -> memref<50048x16xf32, #tpu.memory_space<vmem_shared>>
          tpu.enqueue_indirect_dma source(%arg11 : memref<1000x16xf32, #tpu.memory_space<vmem>>) target(%dma_start3A_30 : memref<50048x16xf32, #tpu.memory_space<vmem_shared>>) offsets(%arg10 : memref<1000xi32, #tpu.memory_space<vmem>>) semaphore(%run_scoped3A : memref<!tpu.dma_semaphore, #tpu.memory_space<semaphore_mem>>) {add = true}
          %dma_wait3A = arith.constant 0 : i32
          %dma_wait3A_31 = arith.constant 0 : i32
          %dma_wait3A_32 = tpu.memref_slice %arg12[%dma_wait3A, %dma_wait3A_31] : memref<50048x16xf32, #tpu.memory_space<vmem_shared>> -> memref<50048x16xf32, #tpu.memory_space<vmem_shared>>
          tpu.wait_indirect_dma semaphore(%run_scoped3A : memref<!tpu.dma_semaphore, #tpu.memory_space<semaphore_mem>>) src(%arg11 : memref<1000x16xf32, #tpu.memory_space<vmem>>) dst(%dma_wait3A_32 : memref<50048x16xf32, #tpu.memory_space<vmem_shared>>)
          tpu.yield
        }) : () -> ()
        "tpu.region"() ({
          %run_scoped3A = tpu.sem_alloc : memref<!tpu.dma_semaphore, #tpu.memory_space<semaphore_mem>>
          %dma_start3A = tpu.memref_slice %arg4[%add3A] : memref<400000xi32, #tpu.memory_space<hbm>> -> memref<1000xi32, #tpu.memory_space<hbm>>
          %dma_start3A_29 = tpu.memref_slice %arg4[%add3A] : memref<400000xi32, #tpu.memory_space<hbm>> -> memref<1000xi32, #tpu.memory_space<hbm>>
          tpu.enqueue_dma source(%dma_start3A_29 : memref<1000xi32, #tpu.memory_space<hbm>>) target(%arg10 : memref<1000xi32, #tpu.memory_space<vmem>>) target_semaphore(%run_scoped3A : memref<!tpu.dma_semaphore, #tpu.memory_space<semaphore_mem>>)
          %dma_wait3A = tpu.memref_slice %arg4[%add3A] : memref<400000xi32, #tpu.memory_space<hbm>> -> memref<1000xi32, #tpu.memory_space<hbm>>
          %dma_wait3A_30 = tpu.memref_slice %arg4[%add3A] : memref<400000xi32, #tpu.memory_space<hbm>> -> memref<1000xi32, #tpu.memory_space<hbm>>
          tpu.wait_dma2 semaphore(%run_scoped3A : memref<!tpu.dma_semaphore, #tpu.memory_space<semaphore_mem>>) src(%dma_wait3A_30 : memref<1000xi32, #tpu.memory_space<hbm>>) dst(%arg10 : memref<1000xi32, #tpu.memory_space<vmem>>)
          tpu.yield
        }) : () -> ()
        "tpu.region"() ({
          %run_scoped3A = tpu.sem_alloc : memref<!tpu.dma_semaphore, #tpu.memory_space<semaphore_mem>>
          %dma_start3A = arith.constant 112 : i32
          %dma_start3A_29 = tpu.memref_slice %arg2[%add3A, %dma_start3A] : memref<400000x128xf32, #tpu.memory_space<hbm>> -> memref<1000x16xf32, #tpu.memory_space<hbm>>
          %dma_start3A_30 = arith.constant 112 : i32
          %dma_start3A_31 = tpu.memref_slice %arg2[%add3A, %dma_start3A_30] : memref<400000x128xf32, #tpu.memory_space<hbm>> -> memref<1000x16xf32, #tpu.memory_space<hbm>>
          tpu.enqueue_dma source(%dma_start3A_31 : memref<1000x16xf32, #tpu.memory_space<hbm>>) target(%arg11 : memref<1000x16xf32, #tpu.memory_space<vmem>>) target_semaphore(%run_scoped3A : memref<!tpu.dma_semaphore, #tpu.memory_space<semaphore_mem>>)
          %dma_wait3A = arith.constant 112 : i32
          %dma_wait3A_32 = tpu.memref_slice %arg2[%add3A, %dma_wait3A] : memref<400000x128xf32, #tpu.memory_space<hbm>> -> memref<1000x16xf32, #tpu.memory_space<hbm>>
          %dma_wait3A_33 = arith.constant 112 : i32
          %dma_wait3A_34 = tpu.memref_slice %arg2[%add3A, %dma_wait3A_33] : memref<400000x128xf32, #tpu.memory_space<hbm>> -> memref<1000x16xf32, #tpu.memory_space<hbm>>
          tpu.wait_dma2 semaphore(%run_scoped3A : memref<!tpu.dma_semaphore, #tpu.memory_space<semaphore_mem>>) src(%dma_wait3A_34 : memref<1000x16xf32, #tpu.memory_space<hbm>>) dst(%arg11 : memref<1000x16xf32, #tpu.memory_space<vmem>>)
          tpu.yield
        }) : () -> ()
        "tpu.region"() ({
          %run_scoped3A = tpu.sem_alloc : memref<!tpu.dma_semaphore, #tpu.memory_space<semaphore_mem>>
          %dma_start3A = arith.constant 0 : i32
          %dma_start3A_29 = arith.constant 0 : i32
          %dma_start3A_30 = tpu.memref_slice %arg12[%dma_start3A, %dma_start3A_29] : memref<50048x16xf32, #tpu.memory_space<vmem_shared>> -> memref<50048x16xf32, #tpu.memory_space<vmem_shared>>
          tpu.enqueue_indirect_dma source(%arg11 : memref<1000x16xf32, #tpu.memory_space<vmem>>) target(%dma_start3A_30 : memref<50048x16xf32, #tpu.memory_space<vmem_shared>>) offsets(%arg10 : memref<1000xi32, #tpu.memory_space<vmem>>) semaphore(%run_scoped3A : memref<!tpu.dma_semaphore, #tpu.memory_space<semaphore_mem>>) {add = true}
          %dma_wait3A = arith.constant 0 : i32
          %dma_wait3A_31 = arith.constant 0 : i32
          %dma_wait3A_32 = tpu.memref_slice %arg12[%dma_wait3A, %dma_wait3A_31] : memref<50048x16xf32, #tpu.memory_space<vmem_shared>> -> memref<50048x16xf32, #tpu.memory_space<vmem_shared>>
          tpu.wait_indirect_dma semaphore(%run_scoped3A : memref<!tpu.dma_semaphore, #tpu.memory_space<semaphore_mem>>) src(%arg11 : memref<1000x16xf32, #tpu.memory_space<vmem>>) dst(%dma_wait3A_32 : memref<50048x16xf32, #tpu.memory_space<vmem_shared>>)
          tpu.yield
        }) : () -> ()
      }
      %scan3A_21 = arith.constant 25 : i32
      %barrier3A_22 = arith.constant 0 : index
      tpu.barrier barrier_id(%barrier3A_22)
      "tpu.region"() ({
        %run_scoped3A = tpu.sem_alloc : memref<!tpu.dma_semaphore, #tpu.memory_space<semaphore_mem>>
        %dma_start3A = arith.constant 0 : i32
        %dma_start3A_24 = tpu.memref_slice %arg9[%mul3A_0, %dma_start3A] : memref<50048x16xf32, #tpu.memory_space<hbm>> -> memref<3128x16xf32, #tpu.memory_space<hbm>>
        %dma_start3A_25 = arith.constant 0 : i32
        %dma_start3A_26 = tpu.memref_slice %arg12[%mul3A_0, %dma_start3A_25] : memref<50048x16xf32, #tpu.memory_space<vmem_shared>> -> memref<3128x16xf32, #tpu.memory_space<vmem_shared>>
        tpu.enqueue_dma source(%dma_start3A_26 : memref<3128x16xf32, #tpu.memory_space<vmem_shared>>) target(%dma_start3A_24 : memref<3128x16xf32, #tpu.memory_space<hbm>>) target_semaphore(%run_scoped3A : memref<!tpu.dma_semaphore, #tpu.memory_space<semaphore_mem>>)
        %dma_wait3A = arith.constant 0 : i32
        %dma_wait3A_27 = tpu.memref_slice %arg9[%mul3A_0, %dma_wait3A] : memref<50048x16xf32, #tpu.memory_space<hbm>> -> memref<3128x16xf32, #tpu.memory_space<hbm>>
        %dma_wait3A_28 = arith.constant 0 : i32
        %dma_wait3A_29 = tpu.memref_slice %arg12[%mul3A_0, %dma_wait3A_28] : memref<50048x16xf32, #tpu.memory_space<vmem_shared>> -> memref<3128x16xf32, #tpu.memory_space<vmem_shared>>
        tpu.wait_dma2 semaphore(%run_scoped3A : memref<!tpu.dma_semaphore, #tpu.memory_space<semaphore_mem>>) src(%dma_wait3A_29 : memref<3128x16xf32, #tpu.memory_space<vmem_shared>>) dst(%dma_wait3A_27 : memref<3128x16xf32, #tpu.memory_space<hbm>>)
        tpu.yield
      }) : () -> ()
      %barrier3A_23 = arith.constant 0 : index
      tpu.barrier barrier_id(%barrier3A_23)
    } else {
    }
    return
  }
}

#map = affine_map<(d0, d1) -> (0, 0)>
#map1 = affine_map<(d0, d1) -> (0)>
module attributes {stable_mosaic.version = 14 : i64} {
  func.func @gather_kernel(%arg0: i32, %arg1: i32, %arg2: memref<50000x128xf32, #tpu.memory_space<hbm>>, %arg3: memref<50000x128xf32, #tpu.memory_space<hbm>>, %arg4: memref<800000xi32, #tpu.memory_space<hbm>>, %arg5: memref<800000xi32, #tpu.memory_space<hbm>>, %arg6: memref<800000x128xf32, #tpu.memory_space<hbm>>, %arg7: memref<1000xi32, #tpu.memory_space<vmem>>, %arg8: memref<1000xi32, #tpu.memory_space<vmem>>, %arg9: memref<200x128xf32, #tpu.memory_space<vmem>>, %arg10: memref<200x128xf32, #tpu.memory_space<vmem>>, %arg11: memref<!tpu.dma_semaphore, #tpu.memory_space<semaphore_mem>>, %arg12: memref<!tpu.dma_semaphore, #tpu.memory_space<semaphore_mem>>) attributes {dimension_semantics = [#tpu.dimension_semantics<core_parallel>, #tpu.dimension_semantics<subcore_parallel>], iteration_bounds = array<i64: 2, 16>, scalar_prefetch = 0 : i64, scratch_operands = 6 : i64, tpu.core_type = #tpu.core_type<sc_vector_subcore>, window_params = [{transform_indices = #map}, {transform_indices = #map}, {transform_indices = #map1}, {transform_indices = #map1}, {transform_indices = #map}]} {
    %mul3A = arith.constant 2 : i32
    %mul3A_0 = arith.muli %arg1, %mul3A : i32
    %add3A = arith.addi %mul3A_0, %arg0 : i32
    %scan3A = arith.constant 0 : i32
    %scan3A_1 = arith.constant 0 : i32
    %scan3A_2 = arith.constant 125 : i32
    %scan3A_3 = arith.addi %scan3A_1, %scan3A_2 : i32
    %scan3A_4 = arith.constant 1 : i32
    scf.for %scan3A_6 = %scan3A_1 to %scan3A_3 step %scan3A_4  : i32 {
      %mul3A_7 = arith.constant 25000 : i32
      %mul3A_8 = arith.muli %add3A, %mul3A_7 : i32
      %mul3A_9 = arith.constant 200 : i32
      %mul3A_10 = arith.muli %scan3A_6, %mul3A_9 : i32
      %add3A_11 = arith.addi %mul3A_8, %mul3A_10 : i32
      %jit3A = arith.constant 5 : i32
      %eq3A = arith.constant 0 : i32
      %eq3A_12 = arith.cmpi eq, %jit3A, %eq3A : i32
      %jit3A_13 = arith.constant 1 : i32
      %select_n3A = arith.select %eq3A_12, %jit3A_13, %jit3A : i32
      %rem3A = arith.remsi %scan3A_6, %select_n3A : i32
      %ne3A = arith.constant 0 : i32
      %ne3A_14 = arith.cmpi ne, %rem3A, %ne3A : i32
      %lt3A = arith.constant 0 : i32
      %lt3A_15 = arith.cmpi slt, %rem3A, %lt3A : i32
      %lt3A_16 = arith.constant 0 : i32
      %lt3A_17 = arith.cmpi slt, %select_n3A, %lt3A_16 : i32
      %ne3A_18 = arith.xori %lt3A_15, %lt3A_17 : i1
      %and3A = arith.andi %ne3A_18, %ne3A_14 : i1
      %add3A_19 = arith.addi %rem3A, %select_n3A : i32
      %select_n3A_20 = arith.select %and3A, %add3A_19, %rem3A : i32
      %eq3A_21 = arith.constant 0 : i32
      %eq3A_22 = arith.cmpi eq, %select_n3A_20, %eq3A_21 : i32
      %convert_element_type3A = arith.extui %eq3A_22 : i1 to i32
      %cond3A = arith.constant 0 : i32
      %cond3A_23 = arith.cmpi ne, %convert_element_type3A, %cond3A : i32
      scf.if %cond3A_23 {
        "tpu.region"() ({
          %run_scoped3A = tpu.sem_alloc : memref<!tpu.dma_semaphore, #tpu.memory_space<semaphore_mem>>
          %dma_start3A_62 = tpu.memref_slice %arg4[%add3A_11] : memref<800000xi32, #tpu.memory_space<hbm>> -> memref<1000xi32, #tpu.memory_space<hbm>>
          %dma_start3A_63 = tpu.memref_slice %arg4[%add3A_11] : memref<800000xi32, #tpu.memory_space<hbm>> -> memref<1000xi32, #tpu.memory_space<hbm>>
          tpu.enqueue_dma source(%dma_start3A_63 : memref<1000xi32, #tpu.memory_space<hbm>>) target(%arg7 : memref<1000xi32, #tpu.memory_space<vmem>>) target_semaphore(%run_scoped3A : memref<!tpu.dma_semaphore, #tpu.memory_space<semaphore_mem>>)
          %dma_wait3A_64 = tpu.memref_slice %arg4[%add3A_11] : memref<800000xi32, #tpu.memory_space<hbm>> -> memref<1000xi32, #tpu.memory_space<hbm>>
          %dma_wait3A_65 = tpu.memref_slice %arg4[%add3A_11] : memref<800000xi32, #tpu.memory_space<hbm>> -> memref<1000xi32, #tpu.memory_space<hbm>>
          tpu.wait_dma2 semaphore(%run_scoped3A : memref<!tpu.dma_semaphore, #tpu.memory_space<semaphore_mem>>) src(%dma_wait3A_65 : memref<1000xi32, #tpu.memory_space<hbm>>) dst(%arg7 : memref<1000xi32, #tpu.memory_space<vmem>>)
          tpu.yield
        }) : () -> ()
        "tpu.region"() ({
          %run_scoped3A = tpu.sem_alloc : memref<!tpu.dma_semaphore, #tpu.memory_space<semaphore_mem>>
          %dma_start3A_62 = tpu.memref_slice %arg5[%add3A_11] : memref<800000xi32, #tpu.memory_space<hbm>> -> memref<1000xi32, #tpu.memory_space<hbm>>
          %dma_start3A_63 = tpu.memref_slice %arg5[%add3A_11] : memref<800000xi32, #tpu.memory_space<hbm>> -> memref<1000xi32, #tpu.memory_space<hbm>>
          tpu.enqueue_dma source(%dma_start3A_63 : memref<1000xi32, #tpu.memory_space<hbm>>) target(%arg8 : memref<1000xi32, #tpu.memory_space<vmem>>) target_semaphore(%run_scoped3A : memref<!tpu.dma_semaphore, #tpu.memory_space<semaphore_mem>>)
          %dma_wait3A_64 = tpu.memref_slice %arg5[%add3A_11] : memref<800000xi32, #tpu.memory_space<hbm>> -> memref<1000xi32, #tpu.memory_space<hbm>>
          %dma_wait3A_65 = tpu.memref_slice %arg5[%add3A_11] : memref<800000xi32, #tpu.memory_space<hbm>> -> memref<1000xi32, #tpu.memory_space<hbm>>
          tpu.wait_dma2 semaphore(%run_scoped3A : memref<!tpu.dma_semaphore, #tpu.memory_space<semaphore_mem>>) src(%dma_wait3A_65 : memref<1000xi32, #tpu.memory_space<hbm>>) dst(%arg8 : memref<1000xi32, #tpu.memory_space<vmem>>)
          tpu.yield
        }) : () -> ()
      } else {
      }
      %jit3A_24 = arith.constant 5 : i32
      %eq3A_25 = arith.constant 0 : i32
      %eq3A_26 = arith.cmpi eq, %jit3A_24, %eq3A_25 : i32
      %jit3A_27 = arith.constant 1 : i32
      %select_n3A_28 = arith.select %eq3A_26, %jit3A_27, %jit3A_24 : i32
      %rem3A_29 = arith.remsi %scan3A_6, %select_n3A_28 : i32
      %ne3A_30 = arith.constant 0 : i32
      %ne3A_31 = arith.cmpi ne, %rem3A_29, %ne3A_30 : i32
      %lt3A_32 = arith.constant 0 : i32
      %lt3A_33 = arith.cmpi slt, %rem3A_29, %lt3A_32 : i32
      %lt3A_34 = arith.constant 0 : i32
      %lt3A_35 = arith.cmpi slt, %select_n3A_28, %lt3A_34 : i32
      %ne3A_36 = arith.xori %lt3A_33, %lt3A_35 : i1
      %and3A_37 = arith.andi %ne3A_36, %ne3A_31 : i1
      %add3A_38 = arith.addi %rem3A_29, %select_n3A_28 : i32
      %select_n3A_39 = arith.select %and3A_37, %add3A_38, %rem3A_29 : i32
      %mul3A_40 = arith.constant 200 : i32
      %mul3A_41 = arith.muli %select_n3A_39, %mul3A_40 : i32
      %dma_start3A = tpu.memref_slice %arg7[%mul3A_41] : memref<1000xi32, #tpu.memory_space<vmem>> -> memref<200xi32, #tpu.memory_space<vmem>>
      %dma_start3A_42 = arith.constant 0 : i32
      %dma_start3A_43 = arith.constant 0 : i32
      %dma_start3A_44 = tpu.memref_slice %arg2[%dma_start3A_42, %dma_start3A_43] : memref<50000x128xf32, #tpu.memory_space<hbm>> -> memref<50000x128xf32, #tpu.memory_space<hbm>>
      tpu.enqueue_indirect_dma source(%dma_start3A_44 : memref<50000x128xf32, #tpu.memory_space<hbm>>) target(%arg9 : memref<200x128xf32, #tpu.memory_space<vmem>>) offsets(%dma_start3A : memref<200xi32, #tpu.memory_space<vmem>>) semaphore(%arg11 : memref<!tpu.dma_semaphore, #tpu.memory_space<semaphore_mem>>)
      %dma_start3A_45 = tpu.memref_slice %arg8[%mul3A_41] : memref<1000xi32, #tpu.memory_space<vmem>> -> memref<200xi32, #tpu.memory_space<vmem>>
      %dma_start3A_46 = arith.constant 0 : i32
      %dma_start3A_47 = arith.constant 0 : i32
      %dma_start3A_48 = tpu.memref_slice %arg3[%dma_start3A_46, %dma_start3A_47] : memref<50000x128xf32, #tpu.memory_space<hbm>> -> memref<50000x128xf32, #tpu.memory_space<hbm>>
      tpu.enqueue_indirect_dma source(%dma_start3A_48 : memref<50000x128xf32, #tpu.memory_space<hbm>>) target(%arg10 : memref<200x128xf32, #tpu.memory_space<vmem>>) offsets(%dma_start3A_45 : memref<200xi32, #tpu.memory_space<vmem>>) semaphore(%arg12 : memref<!tpu.dma_semaphore, #tpu.memory_space<semaphore_mem>>)
      %dma_wait3A = tpu.memref_slice %arg7[%mul3A_41] : memref<1000xi32, #tpu.memory_space<vmem>> -> memref<200xi32, #tpu.memory_space<vmem>>
      %dma_wait3A_49 = arith.constant 0 : i32
      %dma_wait3A_50 = arith.constant 0 : i32
      %dma_wait3A_51 = tpu.memref_slice %arg2[%dma_wait3A_49, %dma_wait3A_50] : memref<50000x128xf32, #tpu.memory_space<hbm>> -> memref<50000x128xf32, #tpu.memory_space<hbm>>
      tpu.wait_indirect_dma semaphore(%arg11 : memref<!tpu.dma_semaphore, #tpu.memory_space<semaphore_mem>>) src(%dma_wait3A_51 : memref<50000x128xf32, #tpu.memory_space<hbm>>) dst(%arg9 : memref<200x128xf32, #tpu.memory_space<vmem>>)
      %dma_wait3A_52 = tpu.memref_slice %arg8[%mul3A_41] : memref<1000xi32, #tpu.memory_space<vmem>> -> memref<200xi32, #tpu.memory_space<vmem>>
      %dma_wait3A_53 = arith.constant 0 : i32
      %dma_wait3A_54 = arith.constant 0 : i32
      %dma_wait3A_55 = tpu.memref_slice %arg3[%dma_wait3A_53, %dma_wait3A_54] : memref<50000x128xf32, #tpu.memory_space<hbm>> -> memref<50000x128xf32, #tpu.memory_space<hbm>>
      tpu.wait_indirect_dma semaphore(%arg12 : memref<!tpu.dma_semaphore, #tpu.memory_space<semaphore_mem>>) src(%dma_wait3A_55 : memref<50000x128xf32, #tpu.memory_space<hbm>>) dst(%arg10 : memref<200x128xf32, #tpu.memory_space<vmem>>)
      %scan3A_56 = arith.constant 0 : i32
      %scan3A_57 = arith.constant 0 : i32
      %scan3A_58 = arith.constant 200 : i32
      %scan3A_59 = arith.addi %scan3A_57, %scan3A_58 : i32
      %scan3A_60 = arith.constant 1 : i32
      scf.for %scan3A_62 = %scan3A_57 to %scan3A_59 step %scan3A_60  : i32 {
        %get3A = arith.index_cast %scan3A_62 : i32 to index
        %get3A_63 = arith.constant 0 : index
        %get3A_64 = tpu.vector_load %arg9[%get3A, %get3A_63] {strides = array<i32>} : memref<200x128xf32, #tpu.memory_space<vmem>>, vector<1x16xf32>,
        %get3A_65 = vector.shape_cast %get3A_64 : vector<1x16xf32> to vector<16xf32>
        %get3A_66 = arith.index_cast %scan3A_62 : i32 to index
        %get3A_67 = arith.constant 0 : index
        %get3A_68 = tpu.vector_load %arg10[%get3A_66, %get3A_67] {strides = array<i32>} : memref<200x128xf32, #tpu.memory_space<vmem>>, vector<1x16xf32>,
        %get3A_69 = vector.shape_cast %get3A_68 : vector<1x16xf32> to vector<16xf32>
        %add3A_70 = arith.addf %get3A_65, %get3A_69 : vector<16xf32>
        %swap3A = arith.index_cast %scan3A_62 : i32 to index
        %swap3A_71 = arith.constant 0 : index
        %swap3A_72 = tpu.vector_load %arg9[%swap3A, %swap3A_71] {strides = array<i32>} : memref<200x128xf32, #tpu.memory_space<vmem>>, vector<1x16xf32>,
        %swap3A_73 = vector.shape_cast %swap3A_72 : vector<1x16xf32> to vector<16xf32>
        %swap3A_74 = vector.shape_cast %add3A_70 : vector<16xf32> to vector<1x16xf32>
        tpu.vector_store %arg9[%swap3A, %swap3A_71], %swap3A_74 {strides = array<i32>} : memref<200x128xf32, #tpu.memory_space<vmem>>, vector<1x16xf32>,
        %get3A_75 = arith.index_cast %scan3A_62 : i32 to index
        %get3A_76 = arith.constant 16 : index
        %get3A_77 = tpu.vector_load %arg9[%get3A_75, %get3A_76] {strides = array<i32>} : memref<200x128xf32, #tpu.memory_space<vmem>>, vector<1x16xf32>,
        %get3A_78 = vector.shape_cast %get3A_77 : vector<1x16xf32> to vector<16xf32>
        %get3A_79 = arith.index_cast %scan3A_62 : i32 to index
        %get3A_80 = arith.constant 16 : index
        %get3A_81 = tpu.vector_load %arg10[%get3A_79, %get3A_80] {strides = array<i32>} : memref<200x128xf32, #tpu.memory_space<vmem>>, vector<1x16xf32>,
        %get3A_82 = vector.shape_cast %get3A_81 : vector<1x16xf32> to vector<16xf32>
        %add3A_83 = arith.addf %get3A_78, %get3A_82 : vector<16xf32>
        %swap3A_84 = arith.index_cast %scan3A_62 : i32 to index
        %swap3A_85 = arith.constant 16 : index
        %swap3A_86 = tpu.vector_load %arg9[%swap3A_84, %swap3A_85] {strides = array<i32>} : memref<200x128xf32, #tpu.memory_space<vmem>>, vector<1x16xf32>,
        %swap3A_87 = vector.shape_cast %swap3A_86 : vector<1x16xf32> to vector<16xf32>
        %swap3A_88 = vector.shape_cast %add3A_83 : vector<16xf32> to vector<1x16xf32>
        tpu.vector_store %arg9[%swap3A_84, %swap3A_85], %swap3A_88 {strides = array<i32>} : memref<200x128xf32, #tpu.memory_space<vmem>>, vector<1x16xf32>,
        %get3A_89 = arith.index_cast %scan3A_62 : i32 to index
        %get3A_90 = arith.constant 32 : index
        %get3A_91 = tpu.vector_load %arg9[%get3A_89, %get3A_90] {strides = array<i32>} : memref<200x128xf32, #tpu.memory_space<vmem>>, vector<1x16xf32>,
        %get3A_92 = vector.shape_cast %get3A_91 : vector<1x16xf32> to vector<16xf32>
        %get3A_93 = arith.index_cast %scan3A_62 : i32 to index
        %get3A_94 = arith.constant 32 : index
        %get3A_95 = tpu.vector_load %arg10[%get3A_93, %get3A_94] {strides = array<i32>} : memref<200x128xf32, #tpu.memory_space<vmem>>, vector<1x16xf32>,
        %get3A_96 = vector.shape_cast %get3A_95 : vector<1x16xf32> to vector<16xf32>
        %add3A_97 = arith.addf %get3A_92, %get3A_96 : vector<16xf32>
        %swap3A_98 = arith.index_cast %scan3A_62 : i32 to index
        %swap3A_99 = arith.constant 32 : index
        %swap3A_100 = tpu.vector_load %arg9[%swap3A_98, %swap3A_99] {strides = array<i32>} : memref<200x128xf32, #tpu.memory_space<vmem>>, vector<1x16xf32>,
        %swap3A_101 = vector.shape_cast %swap3A_100 : vector<1x16xf32> to vector<16xf32>
        %swap3A_102 = vector.shape_cast %add3A_97 : vector<16xf32> to vector<1x16xf32>
        tpu.vector_store %arg9[%swap3A_98, %swap3A_99], %swap3A_102 {strides = array<i32>} : memref<200x128xf32, #tpu.memory_space<vmem>>, vector<1x16xf32>,
        %get3A_103 = arith.index_cast %scan3A_62 : i32 to index
        %get3A_104 = arith.constant 48 : index
        %get3A_105 = tpu.vector_load %arg9[%get3A_103, %get3A_104] {strides = array<i32>} : memref<200x128xf32, #tpu.memory_space<vmem>>, vector<1x16xf32>,
        %get3A_106 = vector.shape_cast %get3A_105 : vector<1x16xf32> to vector<16xf32>
        %get3A_107 = arith.index_cast %scan3A_62 : i32 to index
        %get3A_108 = arith.constant 48 : index
        %get3A_109 = tpu.vector_load %arg10[%get3A_107, %get3A_108] {strides = array<i32>} : memref<200x128xf32, #tpu.memory_space<vmem>>, vector<1x16xf32>,
        %get3A_110 = vector.shape_cast %get3A_109 : vector<1x16xf32> to vector<16xf32>
        %add3A_111 = arith.addf %get3A_106, %get3A_110 : vector<16xf32>
        %swap3A_112 = arith.index_cast %scan3A_62 : i32 to index
        %swap3A_113 = arith.constant 48 : index
        %swap3A_114 = tpu.vector_load %arg9[%swap3A_112, %swap3A_113] {strides = array<i32>} : memref<200x128xf32, #tpu.memory_space<vmem>>, vector<1x16xf32>,
        %swap3A_115 = vector.shape_cast %swap3A_114 : vector<1x16xf32> to vector<16xf32>
        %swap3A_116 = vector.shape_cast %add3A_111 : vector<16xf32> to vector<1x16xf32>
        tpu.vector_store %arg9[%swap3A_112, %swap3A_113], %swap3A_116 {strides = array<i32>} : memref<200x128xf32, #tpu.memory_space<vmem>>, vector<1x16xf32>,
        %get3A_117 = arith.index_cast %scan3A_62 : i32 to index
        %get3A_118 = arith.constant 64 : index
        %get3A_119 = tpu.vector_load %arg9[%get3A_117, %get3A_118] {strides = array<i32>} : memref<200x128xf32, #tpu.memory_space<vmem>>, vector<1x16xf32>,
        %get3A_120 = vector.shape_cast %get3A_119 : vector<1x16xf32> to vector<16xf32>
        %get3A_121 = arith.index_cast %scan3A_62 : i32 to index
        %get3A_122 = arith.constant 64 : index
        %get3A_123 = tpu.vector_load %arg10[%get3A_121, %get3A_122] {strides = array<i32>} : memref<200x128xf32, #tpu.memory_space<vmem>>, vector<1x16xf32>,
        %get3A_124 = vector.shape_cast %get3A_123 : vector<1x16xf32> to vector<16xf32>
        %add3A_125 = arith.addf %get3A_120, %get3A_124 : vector<16xf32>
        %swap3A_126 = arith.index_cast %scan3A_62 : i32 to index
        %swap3A_127 = arith.constant 64 : index
        %swap3A_128 = tpu.vector_load %arg9[%swap3A_126, %swap3A_127] {strides = array<i32>} : memref<200x128xf32, #tpu.memory_space<vmem>>, vector<1x16xf32>,
        %swap3A_129 = vector.shape_cast %swap3A_128 : vector<1x16xf32> to vector<16xf32>
        %swap3A_130 = vector.shape_cast %add3A_125 : vector<16xf32> to vector<1x16xf32>
        tpu.vector_store %arg9[%swap3A_126, %swap3A_127], %swap3A_130 {strides = array<i32>} : memref<200x128xf32, #tpu.memory_space<vmem>>, vector<1x16xf32>,
        %get3A_131 = arith.index_cast %scan3A_62 : i32 to index
        %get3A_132 = arith.constant 80 : index
        %get3A_133 = tpu.vector_load %arg9[%get3A_131, %get3A_132] {strides = array<i32>} : memref<200x128xf32, #tpu.memory_space<vmem>>, vector<1x16xf32>,
        %get3A_134 = vector.shape_cast %get3A_133 : vector<1x16xf32> to vector<16xf32>
        %get3A_135 = arith.index_cast %scan3A_62 : i32 to index
        %get3A_136 = arith.constant 80 : index
        %get3A_137 = tpu.vector_load %arg10[%get3A_135, %get3A_136] {strides = array<i32>} : memref<200x128xf32, #tpu.memory_space<vmem>>, vector<1x16xf32>,
        %get3A_138 = vector.shape_cast %get3A_137 : vector<1x16xf32> to vector<16xf32>
        %add3A_139 = arith.addf %get3A_134, %get3A_138 : vector<16xf32>
        %swap3A_140 = arith.index_cast %scan3A_62 : i32 to index
        %swap3A_141 = arith.constant 80 : index
        %swap3A_142 = tpu.vector_load %arg9[%swap3A_140, %swap3A_141] {strides = array<i32>} : memref<200x128xf32, #tpu.memory_space<vmem>>, vector<1x16xf32>,
        %swap3A_143 = vector.shape_cast %swap3A_142 : vector<1x16xf32> to vector<16xf32>
        %swap3A_144 = vector.shape_cast %add3A_139 : vector<16xf32> to vector<1x16xf32>
        tpu.vector_store %arg9[%swap3A_140, %swap3A_141], %swap3A_144 {strides = array<i32>} : memref<200x128xf32, #tpu.memory_space<vmem>>, vector<1x16xf32>,
        %get3A_145 = arith.index_cast %scan3A_62 : i32 to index
        %get3A_146 = arith.constant 96 : index
        %get3A_147 = tpu.vector_load %arg9[%get3A_145, %get3A_146] {strides = array<i32>} : memref<200x128xf32, #tpu.memory_space<vmem>>, vector<1x16xf32>,
        %get3A_148 = vector.shape_cast %get3A_147 : vector<1x16xf32> to vector<16xf32>
        %get3A_149 = arith.index_cast %scan3A_62 : i32 to index
        %get3A_150 = arith.constant 96 : index
        %get3A_151 = tpu.vector_load %arg10[%get3A_149, %get3A_150] {strides = array<i32>} : memref<200x128xf32, #tpu.memory_space<vmem>>, vector<1x16xf32>,
        %get3A_152 = vector.shape_cast %get3A_151 : vector<1x16xf32> to vector<16xf32>
        %add3A_153 = arith.addf %get3A_148, %get3A_152 : vector<16xf32>
        %swap3A_154 = arith.index_cast %scan3A_62 : i32 to index
        %swap3A_155 = arith.constant 96 : index
        %swap3A_156 = tpu.vector_load %arg9[%swap3A_154, %swap3A_155] {strides = array<i32>} : memref<200x128xf32, #tpu.memory_space<vmem>>, vector<1x16xf32>,
        %swap3A_157 = vector.shape_cast %swap3A_156 : vector<1x16xf32> to vector<16xf32>
        %swap3A_158 = vector.shape_cast %add3A_153 : vector<16xf32> to vector<1x16xf32>
        tpu.vector_store %arg9[%swap3A_154, %swap3A_155], %swap3A_158 {strides = array<i32>} : memref<200x128xf32, #tpu.memory_space<vmem>>, vector<1x16xf32>,
        %get3A_159 = arith.index_cast %scan3A_62 : i32 to index
        %get3A_160 = arith.constant 112 : index
        %get3A_161 = tpu.vector_load %arg9[%get3A_159, %get3A_160] {strides = array<i32>} : memref<200x128xf32, #tpu.memory_space<vmem>>, vector<1x16xf32>,
        %get3A_162 = vector.shape_cast %get3A_161 : vector<1x16xf32> to vector<16xf32>
        %get3A_163 = arith.index_cast %scan3A_62 : i32 to index
        %get3A_164 = arith.constant 112 : index
        %get3A_165 = tpu.vector_load %arg10[%get3A_163, %get3A_164] {strides = array<i32>} : memref<200x128xf32, #tpu.memory_space<vmem>>, vector<1x16xf32>,
        %get3A_166 = vector.shape_cast %get3A_165 : vector<1x16xf32> to vector<16xf32>
        %add3A_167 = arith.addf %get3A_162, %get3A_166 : vector<16xf32>
        %swap3A_168 = arith.index_cast %scan3A_62 : i32 to index
        %swap3A_169 = arith.constant 112 : index
        %swap3A_170 = tpu.vector_load %arg9[%swap3A_168, %swap3A_169] {strides = array<i32>} : memref<200x128xf32, #tpu.memory_space<vmem>>, vector<1x16xf32>,
        %swap3A_171 = vector.shape_cast %swap3A_170 : vector<1x16xf32> to vector<16xf32>
        %swap3A_172 = vector.shape_cast %add3A_167 : vector<16xf32> to vector<1x16xf32>
        tpu.vector_store %arg9[%swap3A_168, %swap3A_169], %swap3A_172 {strides = array<i32>} : memref<200x128xf32, #tpu.memory_space<vmem>>, vector<1x16xf32>,
      }
      %scan3A_61 = arith.constant 200 : i32
      "tpu.region"() ({
        %run_scoped3A = tpu.sem_alloc : memref<!tpu.dma_semaphore, #tpu.memory_space<semaphore_mem>>
        %dma_start3A_62 = arith.constant 0 : i32
        %dma_start3A_63 = tpu.memref_slice %arg6[%add3A_11, %dma_start3A_62] : memref<800000x128xf32, #tpu.memory_space<hbm>> -> memref<200x128xf32, #tpu.memory_space<hbm>>
        %dma_start3A_64 = arith.constant 0 : i32
        %dma_start3A_65 = tpu.memref_slice %arg6[%add3A_11, %dma_start3A_64] : memref<800000x128xf32, #tpu.memory_space<hbm>> -> memref<200x128xf32, #tpu.memory_space<hbm>>
        tpu.enqueue_dma source(%arg9 : memref<200x128xf32, #tpu.memory_space<vmem>>) target(%dma_start3A_65 : memref<200x128xf32, #tpu.memory_space<hbm>>) target_semaphore(%run_scoped3A : memref<!tpu.dma_semaphore, #tpu.memory_space<semaphore_mem>>)
        %dma_wait3A_66 = arith.constant 0 : i32
        %dma_wait3A_67 = tpu.memref_slice %arg6[%add3A_11, %dma_wait3A_66] : memref<800000x128xf32, #tpu.memory_space<hbm>> -> memref<200x128xf32, #tpu.memory_space<hbm>>
        %dma_wait3A_68 = arith.constant 0 : i32
        %dma_wait3A_69 = tpu.memref_slice %arg6[%add3A_11, %dma_wait3A_68] : memref<800000x128xf32, #tpu.memory_space<hbm>> -> memref<200x128xf32, #tpu.memory_space<hbm>>
        tpu.wait_dma2 semaphore(%run_scoped3A : memref<!tpu.dma_semaphore, #tpu.memory_space<semaphore_mem>>) src(%arg9 : memref<200x128xf32, #tpu.memory_space<vmem>>) dst(%dma_wait3A_69 : memref<200x128xf32, #tpu.memory_space<hbm>>)
        tpu.yield
      }) : () -> ()
    }
    %scan3A_5 = arith.constant 125 : i32
    return
  }
}

#map = affine_map<(d0, d1) -> (0, 0)>
#map1 = affine_map<(d0, d1) -> (0)>
module attributes {stable_mosaic.version = 14 : i64} {
  func.func @gather_kernel(%arg0: i32, %arg1: i32, %arg2: memref<50000x128xf32, #tpu.memory_space<hbm>>, %arg3: memref<50000x128xf32, #tpu.memory_space<hbm>>, %arg4: memref<800000xi32, #tpu.memory_space<hbm>>, %arg5: memref<800000xi32, #tpu.memory_space<hbm>>, %arg6: memref<800000x128xf32, #tpu.memory_space<hbm>>, %arg7: memref<1000xi32, #tpu.memory_space<vmem>>, %arg8: memref<1000xi32, #tpu.memory_space<vmem>>, %arg9: memref<200x128xf32, #tpu.memory_space<vmem>>, %arg10: memref<200x128xf32, #tpu.memory_space<vmem>>, %arg11: memref<!tpu.dma_semaphore, #tpu.memory_space<semaphore_mem>>, %arg12: memref<!tpu.dma_semaphore, #tpu.memory_space<semaphore_mem>>) attributes {dimension_semantics = [#tpu.dimension_semantics<core_parallel>, #tpu.dimension_semantics<subcore_parallel>], iteration_bounds = array<i64: 2, 16>, scalar_prefetch = 0 : i64, scratch_operands = 6 : i64, tpu.core_type = #tpu.core_type<sc_vector_subcore>, window_params = [{transform_indices = #map}, {transform_indices = #map}, {transform_indices = #map1}, {transform_indices = #map1}, {transform_indices = #map}]} {
    %mul3A = arith.constant 2 : i32
    %mul3A_0 = arith.muli %arg1, %mul3A : i32
    %add3A = arith.addi %mul3A_0, %arg0 : i32
    %scan3A = arith.constant 0 : i32
    %scan3A_1 = arith.constant 0 : i32
    %scan3A_2 = arith.constant 125 : i32
    %scan3A_3 = arith.addi %scan3A_1, %scan3A_2 : i32
    %scan3A_4 = arith.constant 1 : i32
    scf.for %scan3A_6 = %scan3A_1 to %scan3A_3 step %scan3A_4  : i32 {
      %mul3A_7 = arith.constant 25000 : i32
      %mul3A_8 = arith.muli %add3A, %mul3A_7 : i32
      %mul3A_9 = arith.constant 200 : i32
      %mul3A_10 = arith.muli %scan3A_6, %mul3A_9 : i32
      %add3A_11 = arith.addi %mul3A_8, %mul3A_10 : i32
      %jit3A = arith.constant 5 : i32
      %eq3A = arith.constant 0 : i32
      %eq3A_12 = arith.cmpi eq, %jit3A, %eq3A : i32
      %jit3A_13 = arith.constant 1 : i32
      %select_n3A = arith.select %eq3A_12, %jit3A_13, %jit3A : i32
      %rem3A = arith.remsi %scan3A_6, %select_n3A : i32
      %ne3A = arith.constant 0 : i32
      %ne3A_14 = arith.cmpi ne, %rem3A, %ne3A : i32
      %lt3A = arith.constant 0 : i32
      %lt3A_15 = arith.cmpi slt, %rem3A, %lt3A : i32
      %lt3A_16 = arith.constant 0 : i32
      %lt3A_17 = arith.cmpi slt, %select_n3A, %lt3A_16 : i32
      %ne3A_18 = arith.xori %lt3A_15, %lt3A_17 : i1
      %and3A = arith.andi %ne3A_18, %ne3A_14 : i1
      %add3A_19 = arith.addi %rem3A, %select_n3A : i32
      %select_n3A_20 = arith.select %and3A, %add3A_19, %rem3A : i32
      %eq3A_21 = arith.constant 0 : i32
      %eq3A_22 = arith.cmpi eq, %select_n3A_20, %eq3A_21 : i32
      %convert_element_type3A = arith.extui %eq3A_22 : i1 to i32
      %cond3A = arith.constant 0 : i32
      %cond3A_23 = arith.cmpi ne, %convert_element_type3A, %cond3A : i32
      scf.if %cond3A_23 {
        "tpu.region"() ({
          %run_scoped3A = tpu.sem_alloc : memref<!tpu.dma_semaphore, #tpu.memory_space<semaphore_mem>>
          %dma_start3A_62 = tpu.memref_slice %arg4[%add3A_11] : memref<800000xi32, #tpu.memory_space<hbm>> -> memref<1000xi32, #tpu.memory_space<hbm>>
          %dma_start3A_63 = tpu.memref_slice %arg4[%add3A_11] : memref<800000xi32, #tpu.memory_space<hbm>> -> memref<1000xi32, #tpu.memory_space<hbm>>
          tpu.enqueue_dma source(%dma_start3A_63 : memref<1000xi32, #tpu.memory_space<hbm>>) target(%arg7 : memref<1000xi32, #tpu.memory_space<vmem>>) target_semaphore(%run_scoped3A : memref<!tpu.dma_semaphore, #tpu.memory_space<semaphore_mem>>)
          %dma_wait3A_64 = tpu.memref_slice %arg4[%add3A_11] : memref<800000xi32, #tpu.memory_space<hbm>> -> memref<1000xi32, #tpu.memory_space<hbm>>
          %dma_wait3A_65 = tpu.memref_slice %arg4[%add3A_11] : memref<800000xi32, #tpu.memory_space<hbm>> -> memref<1000xi32, #tpu.memory_space<hbm>>
          tpu.wait_dma2 semaphore(%run_scoped3A : memref<!tpu.dma_semaphore, #tpu.memory_space<semaphore_mem>>) src(%dma_wait3A_65 : memref<1000xi32, #tpu.memory_space<hbm>>) dst(%arg7 : memref<1000xi32, #tpu.memory_space<vmem>>)
          tpu.yield
        }) : () -> ()
        "tpu.region"() ({
          %run_scoped3A = tpu.sem_alloc : memref<!tpu.dma_semaphore, #tpu.memory_space<semaphore_mem>>
          %dma_start3A_62 = tpu.memref_slice %arg5[%add3A_11] : memref<800000xi32, #tpu.memory_space<hbm>> -> memref<1000xi32, #tpu.memory_space<hbm>>
          %dma_start3A_63 = tpu.memref_slice %arg5[%add3A_11] : memref<800000xi32, #tpu.memory_space<hbm>> -> memref<1000xi32, #tpu.memory_space<hbm>>
          tpu.enqueue_dma source(%dma_start3A_63 : memref<1000xi32, #tpu.memory_space<hbm>>) target(%arg8 : memref<1000xi32, #tpu.memory_space<vmem>>) target_semaphore(%run_scoped3A : memref<!tpu.dma_semaphore, #tpu.memory_space<semaphore_mem>>)
          %dma_wait3A_64 = tpu.memref_slice %arg5[%add3A_11] : memref<800000xi32, #tpu.memory_space<hbm>> -> memref<1000xi32, #tpu.memory_space<hbm>>
          %dma_wait3A_65 = tpu.memref_slice %arg5[%add3A_11] : memref<800000xi32, #tpu.memory_space<hbm>> -> memref<1000xi32, #tpu.memory_space<hbm>>
          tpu.wait_dma2 semaphore(%run_scoped3A : memref<!tpu.dma_semaphore, #tpu.memory_space<semaphore_mem>>) src(%dma_wait3A_65 : memref<1000xi32, #tpu.memory_space<hbm>>) dst(%arg8 : memref<1000xi32, #tpu.memory_space<vmem>>)
          tpu.yield
        }) : () -> ()
      } else {
      }
      %jit3A_24 = arith.constant 5 : i32
      %eq3A_25 = arith.constant 0 : i32
      %eq3A_26 = arith.cmpi eq, %jit3A_24, %eq3A_25 : i32
      %jit3A_27 = arith.constant 1 : i32
      %select_n3A_28 = arith.select %eq3A_26, %jit3A_27, %jit3A_24 : i32
      %rem3A_29 = arith.remsi %scan3A_6, %select_n3A_28 : i32
      %ne3A_30 = arith.constant 0 : i32
      %ne3A_31 = arith.cmpi ne, %rem3A_29, %ne3A_30 : i32
      %lt3A_32 = arith.constant 0 : i32
      %lt3A_33 = arith.cmpi slt, %rem3A_29, %lt3A_32 : i32
      %lt3A_34 = arith.constant 0 : i32
      %lt3A_35 = arith.cmpi slt, %select_n3A_28, %lt3A_34 : i32
      %ne3A_36 = arith.xori %lt3A_33, %lt3A_35 : i1
      %and3A_37 = arith.andi %ne3A_36, %ne3A_31 : i1
      %add3A_38 = arith.addi %rem3A_29, %select_n3A_28 : i32
      %select_n3A_39 = arith.select %and3A_37, %add3A_38, %rem3A_29 : i32
      %mul3A_40 = arith.constant 200 : i32
      %mul3A_41 = arith.muli %select_n3A_39, %mul3A_40 : i32
      %dma_start3A = tpu.memref_slice %arg7[%mul3A_41] : memref<1000xi32, #tpu.memory_space<vmem>> -> memref<200xi32, #tpu.memory_space<vmem>>
      %dma_start3A_42 = arith.constant 0 : i32
      %dma_start3A_43 = arith.constant 0 : i32
      %dma_start3A_44 = tpu.memref_slice %arg2[%dma_start3A_42, %dma_start3A_43] : memref<50000x128xf32, #tpu.memory_space<hbm>> -> memref<50000x128xf32, #tpu.memory_space<hbm>>
      tpu.enqueue_indirect_dma source(%dma_start3A_44 : memref<50000x128xf32, #tpu.memory_space<hbm>>) target(%arg9 : memref<200x128xf32, #tpu.memory_space<vmem>>) offsets(%dma_start3A : memref<200xi32, #tpu.memory_space<vmem>>) semaphore(%arg11 : memref<!tpu.dma_semaphore, #tpu.memory_space<semaphore_mem>>)
      %dma_start3A_45 = tpu.memref_slice %arg8[%mul3A_41] : memref<1000xi32, #tpu.memory_space<vmem>> -> memref<200xi32, #tpu.memory_space<vmem>>
      %dma_start3A_46 = arith.constant 0 : i32
      %dma_start3A_47 = arith.constant 0 : i32
      %dma_start3A_48 = tpu.memref_slice %arg3[%dma_start3A_46, %dma_start3A_47] : memref<50000x128xf32, #tpu.memory_space<hbm>> -> memref<50000x128xf32, #tpu.memory_space<hbm>>
      tpu.enqueue_indirect_dma source(%dma_start3A_48 : memref<50000x128xf32, #tpu.memory_space<hbm>>) target(%arg10 : memref<200x128xf32, #tpu.memory_space<vmem>>) offsets(%dma_start3A_45 : memref<200xi32, #tpu.memory_space<vmem>>) semaphore(%arg12 : memref<!tpu.dma_semaphore, #tpu.memory_space<semaphore_mem>>)
      %dma_wait3A = tpu.memref_slice %arg7[%mul3A_41] : memref<1000xi32, #tpu.memory_space<vmem>> -> memref<200xi32, #tpu.memory_space<vmem>>
      %dma_wait3A_49 = arith.constant 0 : i32
      %dma_wait3A_50 = arith.constant 0 : i32
      %dma_wait3A_51 = tpu.memref_slice %arg2[%dma_wait3A_49, %dma_wait3A_50] : memref<50000x128xf32, #tpu.memory_space<hbm>> -> memref<50000x128xf32, #tpu.memory_space<hbm>>
      tpu.wait_indirect_dma semaphore(%arg11 : memref<!tpu.dma_semaphore, #tpu.memory_space<semaphore_mem>>) src(%dma_wait3A_51 : memref<50000x128xf32, #tpu.memory_space<hbm>>) dst(%arg9 : memref<200x128xf32, #tpu.memory_space<vmem>>)
      %dma_wait3A_52 = tpu.memref_slice %arg8[%mul3A_41] : memref<1000xi32, #tpu.memory_space<vmem>> -> memref<200xi32, #tpu.memory_space<vmem>>
      %dma_wait3A_53 = arith.constant 0 : i32
      %dma_wait3A_54 = arith.constant 0 : i32
      %dma_wait3A_55 = tpu.memref_slice %arg3[%dma_wait3A_53, %dma_wait3A_54] : memref<50000x128xf32, #tpu.memory_space<hbm>> -> memref<50000x128xf32, #tpu.memory_space<hbm>>
      tpu.wait_indirect_dma semaphore(%arg12 : memref<!tpu.dma_semaphore, #tpu.memory_space<semaphore_mem>>) src(%dma_wait3A_55 : memref<50000x128xf32, #tpu.memory_space<hbm>>) dst(%arg10 : memref<200x128xf32, #tpu.memory_space<vmem>>)
      %scan3A_56 = arith.constant 0 : i32
      %scan3A_57 = arith.constant 0 : i32
      %scan3A_58 = arith.constant 200 : i32
      %scan3A_59 = arith.addi %scan3A_57, %scan3A_58 : i32
      %scan3A_60 = arith.constant 1 : i32
      scf.for %scan3A_62 = %scan3A_57 to %scan3A_59 step %scan3A_60  : i32 {
        %get3A = arith.index_cast %scan3A_62 : i32 to index
        %get3A_63 = arith.constant 0 : index
        %get3A_64 = tpu.vector_load %arg9[%get3A, %get3A_63] {strides = array<i32>} : memref<200x128xf32, #tpu.memory_space<vmem>>, vector<1x16xf32>,
        %get3A_65 = vector.shape_cast %get3A_64 : vector<1x16xf32> to vector<16xf32>
        %get3A_66 = arith.index_cast %scan3A_62 : i32 to index
        %get3A_67 = arith.constant 0 : index
        %get3A_68 = tpu.vector_load %arg10[%get3A_66, %get3A_67] {strides = array<i32>} : memref<200x128xf32, #tpu.memory_space<vmem>>, vector<1x16xf32>,
        %get3A_69 = vector.shape_cast %get3A_68 : vector<1x16xf32> to vector<16xf32>
        %add3A_70 = arith.addf %get3A_65, %get3A_69 : vector<16xf32>
        %swap3A = arith.index_cast %scan3A_62 : i32 to index
        %swap3A_71 = arith.constant 0 : index
        %swap3A_72 = tpu.vector_load %arg9[%swap3A, %swap3A_71] {strides = array<i32>} : memref<200x128xf32, #tpu.memory_space<vmem>>, vector<1x16xf32>,
        %swap3A_73 = vector.shape_cast %swap3A_72 : vector<1x16xf32> to vector<16xf32>
        %swap3A_74 = vector.shape_cast %add3A_70 : vector<16xf32> to vector<1x16xf32>
        tpu.vector_store %arg9[%swap3A, %swap3A_71], %swap3A_74 {strides = array<i32>} : memref<200x128xf32, #tpu.memory_space<vmem>>, vector<1x16xf32>,
        %get3A_75 = arith.index_cast %scan3A_62 : i32 to index
        %get3A_76 = arith.constant 16 : index
        %get3A_77 = tpu.vector_load %arg9[%get3A_75, %get3A_76] {strides = array<i32>} : memref<200x128xf32, #tpu.memory_space<vmem>>, vector<1x16xf32>,
        %get3A_78 = vector.shape_cast %get3A_77 : vector<1x16xf32> to vector<16xf32>
        %get3A_79 = arith.index_cast %scan3A_62 : i32 to index
        %get3A_80 = arith.constant 16 : index
        %get3A_81 = tpu.vector_load %arg10[%get3A_79, %get3A_80] {strides = array<i32>} : memref<200x128xf32, #tpu.memory_space<vmem>>, vector<1x16xf32>,
        %get3A_82 = vector.shape_cast %get3A_81 : vector<1x16xf32> to vector<16xf32>
        %add3A_83 = arith.addf %get3A_78, %get3A_82 : vector<16xf32>
        %swap3A_84 = arith.index_cast %scan3A_62 : i32 to index
        %swap3A_85 = arith.constant 16 : index
        %swap3A_86 = tpu.vector_load %arg9[%swap3A_84, %swap3A_85] {strides = array<i32>} : memref<200x128xf32, #tpu.memory_space<vmem>>, vector<1x16xf32>,
        %swap3A_87 = vector.shape_cast %swap3A_86 : vector<1x16xf32> to vector<16xf32>
        %swap3A_88 = vector.shape_cast %add3A_83 : vector<16xf32> to vector<1x16xf32>
        tpu.vector_store %arg9[%swap3A_84, %swap3A_85], %swap3A_88 {strides = array<i32>} : memref<200x128xf32, #tpu.memory_space<vmem>>, vector<1x16xf32>,
        %get3A_89 = arith.index_cast %scan3A_62 : i32 to index
        %get3A_90 = arith.constant 32 : index
        %get3A_91 = tpu.vector_load %arg9[%get3A_89, %get3A_90] {strides = array<i32>} : memref<200x128xf32, #tpu.memory_space<vmem>>, vector<1x16xf32>,
        %get3A_92 = vector.shape_cast %get3A_91 : vector<1x16xf32> to vector<16xf32>
        %get3A_93 = arith.index_cast %scan3A_62 : i32 to index
        %get3A_94 = arith.constant 32 : index
        %get3A_95 = tpu.vector_load %arg10[%get3A_93, %get3A_94] {strides = array<i32>} : memref<200x128xf32, #tpu.memory_space<vmem>>, vector<1x16xf32>,
        %get3A_96 = vector.shape_cast %get3A_95 : vector<1x16xf32> to vector<16xf32>
        %add3A_97 = arith.addf %get3A_92, %get3A_96 : vector<16xf32>
        %swap3A_98 = arith.index_cast %scan3A_62 : i32 to index
        %swap3A_99 = arith.constant 32 : index
        %swap3A_100 = tpu.vector_load %arg9[%swap3A_98, %swap3A_99] {strides = array<i32>} : memref<200x128xf32, #tpu.memory_space<vmem>>, vector<1x16xf32>,
        %swap3A_101 = vector.shape_cast %swap3A_100 : vector<1x16xf32> to vector<16xf32>
        %swap3A_102 = vector.shape_cast %add3A_97 : vector<16xf32> to vector<1x16xf32>
        tpu.vector_store %arg9[%swap3A_98, %swap3A_99], %swap3A_102 {strides = array<i32>} : memref<200x128xf32, #tpu.memory_space<vmem>>, vector<1x16xf32>,
        %get3A_103 = arith.index_cast %scan3A_62 : i32 to index
        %get3A_104 = arith.constant 48 : index
        %get3A_105 = tpu.vector_load %arg9[%get3A_103, %get3A_104] {strides = array<i32>} : memref<200x128xf32, #tpu.memory_space<vmem>>, vector<1x16xf32>,
        %get3A_106 = vector.shape_cast %get3A_105 : vector<1x16xf32> to vector<16xf32>
        %get3A_107 = arith.index_cast %scan3A_62 : i32 to index
        %get3A_108 = arith.constant 48 : index
        %get3A_109 = tpu.vector_load %arg10[%get3A_107, %get3A_108] {strides = array<i32>} : memref<200x128xf32, #tpu.memory_space<vmem>>, vector<1x16xf32>,
        %get3A_110 = vector.shape_cast %get3A_109 : vector<1x16xf32> to vector<16xf32>
        %add3A_111 = arith.addf %get3A_106, %get3A_110 : vector<16xf32>
        %swap3A_112 = arith.index_cast %scan3A_62 : i32 to index
        %swap3A_113 = arith.constant 48 : index
        %swap3A_114 = tpu.vector_load %arg9[%swap3A_112, %swap3A_113] {strides = array<i32>} : memref<200x128xf32, #tpu.memory_space<vmem>>, vector<1x16xf32>,
        %swap3A_115 = vector.shape_cast %swap3A_114 : vector<1x16xf32> to vector<16xf32>
        %swap3A_116 = vector.shape_cast %add3A_111 : vector<16xf32> to vector<1x16xf32>
        tpu.vector_store %arg9[%swap3A_112, %swap3A_113], %swap3A_116 {strides = array<i32>} : memref<200x128xf32, #tpu.memory_space<vmem>>, vector<1x16xf32>,
        %get3A_117 = arith.index_cast %scan3A_62 : i32 to index
        %get3A_118 = arith.constant 64 : index
        %get3A_119 = tpu.vector_load %arg9[%get3A_117, %get3A_118] {strides = array<i32>} : memref<200x128xf32, #tpu.memory_space<vmem>>, vector<1x16xf32>,
        %get3A_120 = vector.shape_cast %get3A_119 : vector<1x16xf32> to vector<16xf32>
        %get3A_121 = arith.index_cast %scan3A_62 : i32 to index
        %get3A_122 = arith.constant 64 : index
        %get3A_123 = tpu.vector_load %arg10[%get3A_121, %get3A_122] {strides = array<i32>} : memref<200x128xf32, #tpu.memory_space<vmem>>, vector<1x16xf32>,
        %get3A_124 = vector.shape_cast %get3A_123 : vector<1x16xf32> to vector<16xf32>
        %add3A_125 = arith.addf %get3A_120, %get3A_124 : vector<16xf32>
        %swap3A_126 = arith.index_cast %scan3A_62 : i32 to index
        %swap3A_127 = arith.constant 64 : index
        %swap3A_128 = tpu.vector_load %arg9[%swap3A_126, %swap3A_127] {strides = array<i32>} : memref<200x128xf32, #tpu.memory_space<vmem>>, vector<1x16xf32>,
        %swap3A_129 = vector.shape_cast %swap3A_128 : vector<1x16xf32> to vector<16xf32>
        %swap3A_130 = vector.shape_cast %add3A_125 : vector<16xf32> to vector<1x16xf32>
        tpu.vector_store %arg9[%swap3A_126, %swap3A_127], %swap3A_130 {strides = array<i32>} : memref<200x128xf32, #tpu.memory_space<vmem>>, vector<1x16xf32>,
        %get3A_131 = arith.index_cast %scan3A_62 : i32 to index
        %get3A_132 = arith.constant 80 : index
        %get3A_133 = tpu.vector_load %arg9[%get3A_131, %get3A_132] {strides = array<i32>} : memref<200x128xf32, #tpu.memory_space<vmem>>, vector<1x16xf32>,
        %get3A_134 = vector.shape_cast %get3A_133 : vector<1x16xf32> to vector<16xf32>
        %get3A_135 = arith.index_cast %scan3A_62 : i32 to index
        %get3A_136 = arith.constant 80 : index
        %get3A_137 = tpu.vector_load %arg10[%get3A_135, %get3A_136] {strides = array<i32>} : memref<200x128xf32, #tpu.memory_space<vmem>>, vector<1x16xf32>,
        %get3A_138 = vector.shape_cast %get3A_137 : vector<1x16xf32> to vector<16xf32>
        %add3A_139 = arith.addf %get3A_134, %get3A_138 : vector<16xf32>
        %swap3A_140 = arith.index_cast %scan3A_62 : i32 to index
        %swap3A_141 = arith.constant 80 : index
        %swap3A_142 = tpu.vector_load %arg9[%swap3A_140, %swap3A_141] {strides = array<i32>} : memref<200x128xf32, #tpu.memory_space<vmem>>, vector<1x16xf32>,
        %swap3A_143 = vector.shape_cast %swap3A_142 : vector<1x16xf32> to vector<16xf32>
        %swap3A_144 = vector.shape_cast %add3A_139 : vector<16xf32> to vector<1x16xf32>
        tpu.vector_store %arg9[%swap3A_140, %swap3A_141], %swap3A_144 {strides = array<i32>} : memref<200x128xf32, #tpu.memory_space<vmem>>, vector<1x16xf32>,
        %get3A_145 = arith.index_cast %scan3A_62 : i32 to index
        %get3A_146 = arith.constant 96 : index
        %get3A_147 = tpu.vector_load %arg9[%get3A_145, %get3A_146] {strides = array<i32>} : memref<200x128xf32, #tpu.memory_space<vmem>>, vector<1x16xf32>,
        %get3A_148 = vector.shape_cast %get3A_147 : vector<1x16xf32> to vector<16xf32>
        %get3A_149 = arith.index_cast %scan3A_62 : i32 to index
        %get3A_150 = arith.constant 96 : index
        %get3A_151 = tpu.vector_load %arg10[%get3A_149, %get3A_150] {strides = array<i32>} : memref<200x128xf32, #tpu.memory_space<vmem>>, vector<1x16xf32>,
        %get3A_152 = vector.shape_cast %get3A_151 : vector<1x16xf32> to vector<16xf32>
        %add3A_153 = arith.addf %get3A_148, %get3A_152 : vector<16xf32>
        %swap3A_154 = arith.index_cast %scan3A_62 : i32 to index
        %swap3A_155 = arith.constant 96 : index
        %swap3A_156 = tpu.vector_load %arg9[%swap3A_154, %swap3A_155] {strides = array<i32>} : memref<200x128xf32, #tpu.memory_space<vmem>>, vector<1x16xf32>,
        %swap3A_157 = vector.shape_cast %swap3A_156 : vector<1x16xf32> to vector<16xf32>
        %swap3A_158 = vector.shape_cast %add3A_153 : vector<16xf32> to vector<1x16xf32>
        tpu.vector_store %arg9[%swap3A_154, %swap3A_155], %swap3A_158 {strides = array<i32>} : memref<200x128xf32, #tpu.memory_space<vmem>>, vector<1x16xf32>,
        %get3A_159 = arith.index_cast %scan3A_62 : i32 to index
        %get3A_160 = arith.constant 112 : index
        %get3A_161 = tpu.vector_load %arg9[%get3A_159, %get3A_160] {strides = array<i32>} : memref<200x128xf32, #tpu.memory_space<vmem>>, vector<1x16xf32>,
        %get3A_162 = vector.shape_cast %get3A_161 : vector<1x16xf32> to vector<16xf32>
        %get3A_163 = arith.index_cast %scan3A_62 : i32 to index
        %get3A_164 = arith.constant 112 : index
        %get3A_165 = tpu.vector_load %arg10[%get3A_163, %get3A_164] {strides = array<i32>} : memref<200x128xf32, #tpu.memory_space<vmem>>, vector<1x16xf32>,
        %get3A_166 = vector.shape_cast %get3A_165 : vector<1x16xf32> to vector<16xf32>
        %add3A_167 = arith.addf %get3A_162, %get3A_166 : vector<16xf32>
        %swap3A_168 = arith.index_cast %scan3A_62 : i32 to index
        %swap3A_169 = arith.constant 112 : index
        %swap3A_170 = tpu.vector_load %arg9[%swap3A_168, %swap3A_169] {strides = array<i32>} : memref<200x128xf32, #tpu.memory_space<vmem>>, vector<1x16xf32>,
        %swap3A_171 = vector.shape_cast %swap3A_170 : vector<1x16xf32> to vector<16xf32>
        %swap3A_172 = vector.shape_cast %add3A_167 : vector<16xf32> to vector<1x16xf32>
        tpu.vector_store %arg9[%swap3A_168, %swap3A_169], %swap3A_172 {strides = array<i32>} : memref<200x128xf32, #tpu.memory_space<vmem>>, vector<1x16xf32>,
      }
      %scan3A_61 = arith.constant 200 : i32
      "tpu.region"() ({
        %run_scoped3A = tpu.sem_alloc : memref<!tpu.dma_semaphore, #tpu.memory_space<semaphore_mem>>
        %dma_start3A_62 = arith.constant 0 : i32
        %dma_start3A_63 = tpu.memref_slice %arg6[%add3A_11, %dma_start3A_62] : memref<800000x128xf32, #tpu.memory_space<hbm>> -> memref<200x128xf32, #tpu.memory_space<hbm>>
        %dma_start3A_64 = arith.constant 0 : i32
        %dma_start3A_65 = tpu.memref_slice %arg6[%add3A_11, %dma_start3A_64] : memref<800000x128xf32, #tpu.memory_space<hbm>> -> memref<200x128xf32, #tpu.memory_space<hbm>>
        tpu.enqueue_dma source(%arg9 : memref<200x128xf32, #tpu.memory_space<vmem>>) target(%dma_start3A_65 : memref<200x128xf32, #tpu.memory_space<hbm>>) target_semaphore(%run_scoped3A : memref<!tpu.dma_semaphore, #tpu.memory_space<semaphore_mem>>)
        %dma_wait3A_66 = arith.constant 0 : i32
        %dma_wait3A_67 = tpu.memref_slice %arg6[%add3A_11, %dma_wait3A_66] : memref<800000x128xf32, #tpu.memory_space<hbm>> -> memref<200x128xf32, #tpu.memory_space<hbm>>
        %dma_wait3A_68 = arith.constant 0 : i32
        %dma_wait3A_69 = tpu.memref_slice %arg6[%add3A_11, %dma_wait3A_68] : memref<800000x128xf32, #tpu.memory_space<hbm>> -> memref<200x128xf32, #tpu.memory_space<hbm>>
        tpu.wait_dma2 semaphore(%run_scoped3A : memref<!tpu.dma_semaphore, #tpu.memory_space<semaphore_mem>>) src(%arg9 : memref<200x128xf32, #tpu.memory_space<vmem>>) dst(%dma_wait3A_69 : memref<200x128xf32, #tpu.memory_space<hbm>>)
        tpu.yield
      }) : () -> ()
    }
    %scan3A_5 = arith.constant 125 : i32
    return
  }
}

#map = affine_map<(d0, d1) -> (0, 0)>
#map1 = affine_map<(d0, d1) -> (0)>
module attributes {stable_mosaic.version = 14 : i64} {
  func.func @scatter_kernel(%arg0: i32, %arg1: i32, %arg2: memref<400000x128xf32, #tpu.memory_space<hbm>>, %arg3: memref<400000xi32, #tpu.memory_space<hbm>>, %arg4: memref<400000xi32, #tpu.memory_space<hbm>>, %arg5: memref<3128x16xf32, #tpu.memory_space<hbm>>, %arg6: memref<50048x16xf32, #tpu.memory_space<hbm>>, %arg7: memref<50048x16xf32, #tpu.memory_space<hbm>>, %arg8: memref<50048x16xf32, #tpu.memory_space<hbm>>, %arg9: memref<50048x16xf32, #tpu.memory_space<hbm>>, %arg10: memref<1000xi32, #tpu.memory_space<vmem>>, %arg11: memref<1000x16xf32, #tpu.memory_space<vmem>>, %arg12: memref<50048x16xf32, #tpu.memory_space<vmem_shared>>) attributes {dimension_semantics = [#tpu.dimension_semantics<core_parallel>, #tpu.dimension_semantics<subcore_parallel>], iteration_bounds = array<i64: 2, 16>, scalar_prefetch = 0 : i64, scratch_operands = 3 : i64, tpu.core_type = #tpu.core_type<sc_vector_subcore>, window_params = [{transform_indices = #map}, {transform_indices = #map1}, {transform_indices = #map1}, {transform_indices = #map}, {transform_indices = #map}, {transform_indices = #map}, {transform_indices = #map}, {transform_indices = #map}]} {
    %mul3A = arith.constant 3128 : i32
    %mul3A_0 = arith.muli %arg1, %mul3A : i32
    %eq3A = arith.constant 0 : i32
    %eq3A_1 = arith.cmpi eq, %arg0, %eq3A : i32
    %convert_element_type3A = arith.extui %eq3A_1 : i1 to i32
    %cond3A = arith.constant 0 : i32
    %cond3A_2 = arith.cmpi ne, %convert_element_type3A, %cond3A : i32
    scf.if %cond3A_2 {
      "tpu.region"() ({
        %run_scoped3A = tpu.sem_alloc : memref<!tpu.dma_semaphore, #tpu.memory_space<semaphore_mem>>
        %dma_start3A = arith.constant 0 : i32
        %dma_start3A_24 = tpu.memref_slice %arg12[%mul3A_0, %dma_start3A] : memref<50048x16xf32, #tpu.memory_space<vmem_shared>> -> memref<3128x16xf32, #tpu.memory_space<vmem_shared>>
        tpu.enqueue_dma source(%arg5 : memref<3128x16xf32, #tpu.memory_space<hbm>>) target(%dma_start3A_24 : memref<3128x16xf32, #tpu.memory_space<vmem_shared>>) target_semaphore(%run_scoped3A : memref<!tpu.dma_semaphore, #tpu.memory_space<semaphore_mem>>)
        %dma_wait3A = arith.constant 0 : i32
        %dma_wait3A_25 = tpu.memref_slice %arg12[%mul3A_0, %dma_wait3A] : memref<50048x16xf32, #tpu.memory_space<vmem_shared>> -> memref<3128x16xf32, #tpu.memory_space<vmem_shared>>
        tpu.wait_dma2 semaphore(%run_scoped3A : memref<!tpu.dma_semaphore, #tpu.memory_space<semaphore_mem>>) src(%arg5 : memref<3128x16xf32, #tpu.memory_space<hbm>>) dst(%dma_wait3A_25 : memref<3128x16xf32, #tpu.memory_space<vmem_shared>>)
        tpu.yield
      }) : () -> ()
      %barrier3A = arith.constant 0 : index
      tpu.barrier barrier_id(%barrier3A)
      %scan3A = arith.constant 0 : i32
      %scan3A_8 = arith.constant 0 : i32
      %scan3A_9 = arith.constant 25 : i32
      %scan3A_10 = arith.addi %scan3A_8, %scan3A_9 : i32
      %scan3A_11 = arith.constant 1 : i32
      scf.for %scan3A_24 = %scan3A_8 to %scan3A_10 step %scan3A_11  : i32 {
        %mul3A_25 = arith.constant 25000 : i32
        %mul3A_26 = arith.muli %arg1, %mul3A_25 : i32
        %mul3A_27 = arith.constant 1000 : i32
        %mul3A_28 = arith.muli %scan3A_24, %mul3A_27 : i32
        %add3A = arith.addi %mul3A_26, %mul3A_28 : i32
        "tpu.region"() ({
          %run_scoped3A = tpu.sem_alloc : memref<!tpu.dma_semaphore, #tpu.memory_space<semaphore_mem>>
          %dma_start3A = tpu.memref_slice %arg3[%add3A] : memref<400000xi32, #tpu.memory_space<hbm>> -> memref<1000xi32, #tpu.memory_space<hbm>>
          %dma_start3A_29 = tpu.memref_slice %arg3[%add3A] : memref<400000xi32, #tpu.memory_space<hbm>> -> memref<1000xi32, #tpu.memory_space<hbm>>
          tpu.enqueue_dma source(%dma_start3A_29 : memref<1000xi32, #tpu.memory_space<hbm>>) target(%arg10 : memref<1000xi32, #tpu.memory_space<vmem>>) target_semaphore(%run_scoped3A : memref<!tpu.dma_semaphore, #tpu.memory_space<semaphore_mem>>)
          %dma_wait3A = tpu.memref_slice %arg3[%add3A] : memref<400000xi32, #tpu.memory_space<hbm>> -> memref<1000xi32, #tpu.memory_space<hbm>>
          %dma_wait3A_30 = tpu.memref_slice %arg3[%add3A] : memref<400000xi32, #tpu.memory_space<hbm>> -> memref<1000xi32, #tpu.memory_space<hbm>>
          tpu.wait_dma2 semaphore(%run_scoped3A : memref<!tpu.dma_semaphore, #tpu.memory_space<semaphore_mem>>) src(%dma_wait3A_30 : memref<1000xi32, #tpu.memory_space<hbm>>) dst(%arg10 : memref<1000xi32, #tpu.memory_space<vmem>>)
          tpu.yield
        }) : () -> ()
        "tpu.region"() ({
          %run_scoped3A = tpu.sem_alloc : memref<!tpu.dma_semaphore, #tpu.memory_space<semaphore_mem>>
          %dma_start3A = arith.constant 0 : i32
          %dma_start3A_29 = tpu.memref_slice %arg2[%add3A, %dma_start3A] : memref<400000x128xf32, #tpu.memory_space<hbm>> -> memref<1000x16xf32, #tpu.memory_space<hbm>>
          %dma_start3A_30 = arith.constant 0 : i32
          %dma_start3A_31 = tpu.memref_slice %arg2[%add3A, %dma_start3A_30] : memref<400000x128xf32, #tpu.memory_space<hbm>> -> memref<1000x16xf32, #tpu.memory_space<hbm>>
          tpu.enqueue_dma source(%dma_start3A_31 : memref<1000x16xf32, #tpu.memory_space<hbm>>) target(%arg11 : memref<1000x16xf32, #tpu.memory_space<vmem>>) target_semaphore(%run_scoped3A : memref<!tpu.dma_semaphore, #tpu.memory_space<semaphore_mem>>)
          %dma_wait3A = arith.constant 0 : i32
          %dma_wait3A_32 = tpu.memref_slice %arg2[%add3A, %dma_wait3A] : memref<400000x128xf32, #tpu.memory_space<hbm>> -> memref<1000x16xf32, #tpu.memory_space<hbm>>
          %dma_wait3A_33 = arith.constant 0 : i32
          %dma_wait3A_34 = tpu.memref_slice %arg2[%add3A, %dma_wait3A_33] : memref<400000x128xf32, #tpu.memory_space<hbm>> -> memref<1000x16xf32, #tpu.memory_space<hbm>>
          tpu.wait_dma2 semaphore(%run_scoped3A : memref<!tpu.dma_semaphore, #tpu.memory_space<semaphore_mem>>) src(%dma_wait3A_34 : memref<1000x16xf32, #tpu.memory_space<hbm>>) dst(%arg11 : memref<1000x16xf32, #tpu.memory_space<vmem>>)
          tpu.yield
        }) : () -> ()
        "tpu.region"() ({
          %run_scoped3A = tpu.sem_alloc : memref<!tpu.dma_semaphore, #tpu.memory_space<semaphore_mem>>
          %dma_start3A = arith.constant 0 : i32
          %dma_start3A_29 = arith.constant 0 : i32
          %dma_start3A_30 = tpu.memref_slice %arg12[%dma_start3A, %dma_start3A_29] : memref<50048x16xf32, #tpu.memory_space<vmem_shared>> -> memref<50048x16xf32, #tpu.memory_space<vmem_shared>>
          tpu.enqueue_indirect_dma source(%arg11 : memref<1000x16xf32, #tpu.memory_space<vmem>>) target(%dma_start3A_30 : memref<50048x16xf32, #tpu.memory_space<vmem_shared>>) offsets(%arg10 : memref<1000xi32, #tpu.memory_space<vmem>>) semaphore(%run_scoped3A : memref<!tpu.dma_semaphore, #tpu.memory_space<semaphore_mem>>) {add = true}
          %dma_wait3A = arith.constant 0 : i32
          %dma_wait3A_31 = arith.constant 0 : i32
          %dma_wait3A_32 = tpu.memref_slice %arg12[%dma_wait3A, %dma_wait3A_31] : memref<50048x16xf32, #tpu.memory_space<vmem_shared>> -> memref<50048x16xf32, #tpu.memory_space<vmem_shared>>
          tpu.wait_indirect_dma semaphore(%run_scoped3A : memref<!tpu.dma_semaphore, #tpu.memory_space<semaphore_mem>>) src(%arg11 : memref<1000x16xf32, #tpu.memory_space<vmem>>) dst(%dma_wait3A_32 : memref<50048x16xf32, #tpu.memory_space<vmem_shared>>)
          tpu.yield
        }) : () -> ()
        "tpu.region"() ({
          %run_scoped3A = tpu.sem_alloc : memref<!tpu.dma_semaphore, #tpu.memory_space<semaphore_mem>>
          %dma_start3A = tpu.memref_slice %arg4[%add3A] : memref<400000xi32, #tpu.memory_space<hbm>> -> memref<1000xi32, #tpu.memory_space<hbm>>
          %dma_start3A_29 = tpu.memref_slice %arg4[%add3A] : memref<400000xi32, #tpu.memory_space<hbm>> -> memref<1000xi32, #tpu.memory_space<hbm>>
          tpu.enqueue_dma source(%dma_start3A_29 : memref<1000xi32, #tpu.memory_space<hbm>>) target(%arg10 : memref<1000xi32, #tpu.memory_space<vmem>>) target_semaphore(%run_scoped3A : memref<!tpu.dma_semaphore, #tpu.memory_space<semaphore_mem>>)
          %dma_wait3A = tpu.memref_slice %arg4[%add3A] : memref<400000xi32, #tpu.memory_space<hbm>> -> memref<1000xi32, #tpu.memory_space<hbm>>
          %dma_wait3A_30 = tpu.memref_slice %arg4[%add3A] : memref<400000xi32, #tpu.memory_space<hbm>> -> memref<1000xi32, #tpu.memory_space<hbm>>
          tpu.wait_dma2 semaphore(%run_scoped3A : memref<!tpu.dma_semaphore, #tpu.memory_space<semaphore_mem>>) src(%dma_wait3A_30 : memref<1000xi32, #tpu.memory_space<hbm>>) dst(%arg10 : memref<1000xi32, #tpu.memory_space<vmem>>)
          tpu.yield
        }) : () -> ()
        "tpu.region"() ({
          %run_scoped3A = tpu.sem_alloc : memref<!tpu.dma_semaphore, #tpu.memory_space<semaphore_mem>>
          %dma_start3A = arith.constant 64 : i32
          %dma_start3A_29 = tpu.memref_slice %arg2[%add3A, %dma_start3A] : memref<400000x128xf32, #tpu.memory_space<hbm>> -> memref<1000x16xf32, #tpu.memory_space<hbm>>
          %dma_start3A_30 = arith.constant 64 : i32
          %dma_start3A_31 = tpu.memref_slice %arg2[%add3A, %dma_start3A_30] : memref<400000x128xf32, #tpu.memory_space<hbm>> -> memref<1000x16xf32, #tpu.memory_space<hbm>>
          tpu.enqueue_dma source(%dma_start3A_31 : memref<1000x16xf32, #tpu.memory_space<hbm>>) target(%arg11 : memref<1000x16xf32, #tpu.memory_space<vmem>>) target_semaphore(%run_scoped3A : memref<!tpu.dma_semaphore, #tpu.memory_space<semaphore_mem>>)
          %dma_wait3A = arith.constant 64 : i32
          %dma_wait3A_32 = tpu.memref_slice %arg2[%add3A, %dma_wait3A] : memref<400000x128xf32, #tpu.memory_space<hbm>> -> memref<1000x16xf32, #tpu.memory_space<hbm>>
          %dma_wait3A_33 = arith.constant 64 : i32
          %dma_wait3A_34 = tpu.memref_slice %arg2[%add3A, %dma_wait3A_33] : memref<400000x128xf32, #tpu.memory_space<hbm>> -> memref<1000x16xf32, #tpu.memory_space<hbm>>
          tpu.wait_dma2 semaphore(%run_scoped3A : memref<!tpu.dma_semaphore, #tpu.memory_space<semaphore_mem>>) src(%dma_wait3A_34 : memref<1000x16xf32, #tpu.memory_space<hbm>>) dst(%arg11 : memref<1000x16xf32, #tpu.memory_space<vmem>>)
          tpu.yield
        }) : () -> ()
        "tpu.region"() ({
          %run_scoped3A = tpu.sem_alloc : memref<!tpu.dma_semaphore, #tpu.memory_space<semaphore_mem>>
          %dma_start3A = arith.constant 0 : i32
          %dma_start3A_29 = arith.constant 0 : i32
          %dma_start3A_30 = tpu.memref_slice %arg12[%dma_start3A, %dma_start3A_29] : memref<50048x16xf32, #tpu.memory_space<vmem_shared>> -> memref<50048x16xf32, #tpu.memory_space<vmem_shared>>
          tpu.enqueue_indirect_dma source(%arg11 : memref<1000x16xf32, #tpu.memory_space<vmem>>) target(%dma_start3A_30 : memref<50048x16xf32, #tpu.memory_space<vmem_shared>>) offsets(%arg10 : memref<1000xi32, #tpu.memory_space<vmem>>) semaphore(%run_scoped3A : memref<!tpu.dma_semaphore, #tpu.memory_space<semaphore_mem>>) {add = true}
          %dma_wait3A = arith.constant 0 : i32
          %dma_wait3A_31 = arith.constant 0 : i32
          %dma_wait3A_32 = tpu.memref_slice %arg12[%dma_wait3A, %dma_wait3A_31] : memref<50048x16xf32, #tpu.memory_space<vmem_shared>> -> memref<50048x16xf32, #tpu.memory_space<vmem_shared>>
          tpu.wait_indirect_dma semaphore(%run_scoped3A : memref<!tpu.dma_semaphore, #tpu.memory_space<semaphore_mem>>) src(%arg11 : memref<1000x16xf32, #tpu.memory_space<vmem>>) dst(%dma_wait3A_32 : memref<50048x16xf32, #tpu.memory_space<vmem_shared>>)
          tpu.yield
        }) : () -> ()
      }
      %scan3A_12 = arith.constant 25 : i32
      %barrier3A_13 = arith.constant 0 : index
      tpu.barrier barrier_id(%barrier3A_13)
      "tpu.region"() ({
        %run_scoped3A = tpu.sem_alloc : memref<!tpu.dma_semaphore, #tpu.memory_space<semaphore_mem>>
        %dma_start3A = arith.constant 0 : i32
        %dma_start3A_24 = tpu.memref_slice %arg6[%mul3A_0, %dma_start3A] : memref<50048x16xf32, #tpu.memory_space<hbm>> -> memref<3128x16xf32, #tpu.memory_space<hbm>>
        %dma_start3A_25 = arith.constant 0 : i32
        %dma_start3A_26 = tpu.memref_slice %arg12[%mul3A_0, %dma_start3A_25] : memref<50048x16xf32, #tpu.memory_space<vmem_shared>> -> memref<3128x16xf32, #tpu.memory_space<vmem_shared>>
        tpu.enqueue_dma source(%dma_start3A_26 : memref<3128x16xf32, #tpu.memory_space<vmem_shared>>) target(%dma_start3A_24 : memref<3128x16xf32, #tpu.memory_space<hbm>>) target_semaphore(%run_scoped3A : memref<!tpu.dma_semaphore, #tpu.memory_space<semaphore_mem>>)
        %dma_wait3A = arith.constant 0 : i32
        %dma_wait3A_27 = tpu.memref_slice %arg6[%mul3A_0, %dma_wait3A] : memref<50048x16xf32, #tpu.memory_space<hbm>> -> memref<3128x16xf32, #tpu.memory_space<hbm>>
        %dma_wait3A_28 = arith.constant 0 : i32
        %dma_wait3A_29 = tpu.memref_slice %arg12[%mul3A_0, %dma_wait3A_28] : memref<50048x16xf32, #tpu.memory_space<vmem_shared>> -> memref<3128x16xf32, #tpu.memory_space<vmem_shared>>
        tpu.wait_dma2 semaphore(%run_scoped3A : memref<!tpu.dma_semaphore, #tpu.memory_space<semaphore_mem>>) src(%dma_wait3A_29 : memref<3128x16xf32, #tpu.memory_space<vmem_shared>>) dst(%dma_wait3A_27 : memref<3128x16xf32, #tpu.memory_space<hbm>>)
        tpu.yield
      }) : () -> ()
      %barrier3A_14 = arith.constant 0 : index
      tpu.barrier barrier_id(%barrier3A_14)
      "tpu.region"() ({
        %run_scoped3A = tpu.sem_alloc : memref<!tpu.dma_semaphore, #tpu.memory_space<semaphore_mem>>
        %dma_start3A = arith.constant 0 : i32
        %dma_start3A_24 = tpu.memref_slice %arg12[%mul3A_0, %dma_start3A] : memref<50048x16xf32, #tpu.memory_space<vmem_shared>> -> memref<3128x16xf32, #tpu.memory_space<vmem_shared>>
        tpu.enqueue_dma source(%arg5 : memref<3128x16xf32, #tpu.memory_space<hbm>>) target(%dma_start3A_24 : memref<3128x16xf32, #tpu.memory_space<vmem_shared>>) target_semaphore(%run_scoped3A : memref<!tpu.dma_semaphore, #tpu.memory_space<semaphore_mem>>)
        %dma_wait3A = arith.constant 0 : i32
        %dma_wait3A_25 = tpu.memref_slice %arg12[%mul3A_0, %dma_wait3A] : memref<50048x16xf32, #tpu.memory_space<vmem_shared>> -> memref<3128x16xf32, #tpu.memory_space<vmem_shared>>
        tpu.wait_dma2 semaphore(%run_scoped3A : memref<!tpu.dma_semaphore, #tpu.memory_space<semaphore_mem>>) src(%arg5 : memref<3128x16xf32, #tpu.memory_space<hbm>>) dst(%dma_wait3A_25 : memref<3128x16xf32, #tpu.memory_space<vmem_shared>>)
        tpu.yield
      }) : () -> ()
      %barrier3A_15 = arith.constant 0 : index
      tpu.barrier barrier_id(%barrier3A_15)
      %scan3A_16 = arith.constant 0 : i32
      %scan3A_17 = arith.constant 0 : i32
      %scan3A_18 = arith.constant 25 : i32
      %scan3A_19 = arith.addi %scan3A_17, %scan3A_18 : i32
      %scan3A_20 = arith.constant 1 : i32
      scf.for %scan3A_24 = %scan3A_17 to %scan3A_19 step %scan3A_20  : i32 {
        %mul3A_25 = arith.constant 25000 : i32
        %mul3A_26 = arith.muli %arg1, %mul3A_25 : i32
        %mul3A_27 = arith.constant 1000 : i32
        %mul3A_28 = arith.muli %scan3A_24, %mul3A_27 : i32
        %add3A = arith.addi %mul3A_26, %mul3A_28 : i32
        "tpu.region"() ({
          %run_scoped3A = tpu.sem_alloc : memref<!tpu.dma_semaphore, #tpu.memory_space<semaphore_mem>>
          %dma_start3A = tpu.memref_slice %arg3[%add3A] : memref<400000xi32, #tpu.memory_space<hbm>> -> memref<1000xi32, #tpu.memory_space<hbm>>
          %dma_start3A_29 = tpu.memref_slice %arg3[%add3A] : memref<400000xi32, #tpu.memory_space<hbm>> -> memref<1000xi32, #tpu.memory_space<hbm>>
          tpu.enqueue_dma source(%dma_start3A_29 : memref<1000xi32, #tpu.memory_space<hbm>>) target(%arg10 : memref<1000xi32, #tpu.memory_space<vmem>>) target_semaphore(%run_scoped3A : memref<!tpu.dma_semaphore, #tpu.memory_space<semaphore_mem>>)
          %dma_wait3A = tpu.memref_slice %arg3[%add3A] : memref<400000xi32, #tpu.memory_space<hbm>> -> memref<1000xi32, #tpu.memory_space<hbm>>
          %dma_wait3A_30 = tpu.memref_slice %arg3[%add3A] : memref<400000xi32, #tpu.memory_space<hbm>> -> memref<1000xi32, #tpu.memory_space<hbm>>
          tpu.wait_dma2 semaphore(%run_scoped3A : memref<!tpu.dma_semaphore, #tpu.memory_space<semaphore_mem>>) src(%dma_wait3A_30 : memref<1000xi32, #tpu.memory_space<hbm>>) dst(%arg10 : memref<1000xi32, #tpu.memory_space<vmem>>)
          tpu.yield
        }) : () -> ()
        "tpu.region"() ({
          %run_scoped3A = tpu.sem_alloc : memref<!tpu.dma_semaphore, #tpu.memory_space<semaphore_mem>>
          %dma_start3A = arith.constant 16 : i32
          %dma_start3A_29 = tpu.memref_slice %arg2[%add3A, %dma_start3A] : memref<400000x128xf32, #tpu.memory_space<hbm>> -> memref<1000x16xf32, #tpu.memory_space<hbm>>
          %dma_start3A_30 = arith.constant 16 : i32
          %dma_start3A_31 = tpu.memref_slice %arg2[%add3A, %dma_start3A_30] : memref<400000x128xf32, #tpu.memory_space<hbm>> -> memref<1000x16xf32, #tpu.memory_space<hbm>>
          tpu.enqueue_dma source(%dma_start3A_31 : memref<1000x16xf32, #tpu.memory_space<hbm>>) target(%arg11 : memref<1000x16xf32, #tpu.memory_space<vmem>>) target_semaphore(%run_scoped3A : memref<!tpu.dma_semaphore, #tpu.memory_space<semaphore_mem>>)
          %dma_wait3A = arith.constant 16 : i32
          %dma_wait3A_32 = tpu.memref_slice %arg2[%add3A, %dma_wait3A] : memref<400000x128xf32, #tpu.memory_space<hbm>> -> memref<1000x16xf32, #tpu.memory_space<hbm>>
          %dma_wait3A_33 = arith.constant 16 : i32
          %dma_wait3A_34 = tpu.memref_slice %arg2[%add3A, %dma_wait3A_33] : memref<400000x128xf32, #tpu.memory_space<hbm>> -> memref<1000x16xf32, #tpu.memory_space<hbm>>
          tpu.wait_dma2 semaphore(%run_scoped3A : memref<!tpu.dma_semaphore, #tpu.memory_space<semaphore_mem>>) src(%dma_wait3A_34 : memref<1000x16xf32, #tpu.memory_space<hbm>>) dst(%arg11 : memref<1000x16xf32, #tpu.memory_space<vmem>>)
          tpu.yield
        }) : () -> ()
        "tpu.region"() ({
          %run_scoped3A = tpu.sem_alloc : memref<!tpu.dma_semaphore, #tpu.memory_space<semaphore_mem>>
          %dma_start3A = arith.constant 0 : i32
          %dma_start3A_29 = arith.constant 0 : i32
          %dma_start3A_30 = tpu.memref_slice %arg12[%dma_start3A, %dma_start3A_29] : memref<50048x16xf32, #tpu.memory_space<vmem_shared>> -> memref<50048x16xf32, #tpu.memory_space<vmem_shared>>
          tpu.enqueue_indirect_dma source(%arg11 : memref<1000x16xf32, #tpu.memory_space<vmem>>) target(%dma_start3A_30 : memref<50048x16xf32, #tpu.memory_space<vmem_shared>>) offsets(%arg10 : memref<1000xi32, #tpu.memory_space<vmem>>) semaphore(%run_scoped3A : memref<!tpu.dma_semaphore, #tpu.memory_space<semaphore_mem>>) {add = true}
          %dma_wait3A = arith.constant 0 : i32
          %dma_wait3A_31 = arith.constant 0 : i32
          %dma_wait3A_32 = tpu.memref_slice %arg12[%dma_wait3A, %dma_wait3A_31] : memref<50048x16xf32, #tpu.memory_space<vmem_shared>> -> memref<50048x16xf32, #tpu.memory_space<vmem_shared>>
          tpu.wait_indirect_dma semaphore(%run_scoped3A : memref<!tpu.dma_semaphore, #tpu.memory_space<semaphore_mem>>) src(%arg11 : memref<1000x16xf32, #tpu.memory_space<vmem>>) dst(%dma_wait3A_32 : memref<50048x16xf32, #tpu.memory_space<vmem_shared>>)
          tpu.yield
        }) : () -> ()
        "tpu.region"() ({
          %run_scoped3A = tpu.sem_alloc : memref<!tpu.dma_semaphore, #tpu.memory_space<semaphore_mem>>
          %dma_start3A = tpu.memref_slice %arg4[%add3A] : memref<400000xi32, #tpu.memory_space<hbm>> -> memref<1000xi32, #tpu.memory_space<hbm>>
          %dma_start3A_29 = tpu.memref_slice %arg4[%add3A] : memref<400000xi32, #tpu.memory_space<hbm>> -> memref<1000xi32, #tpu.memory_space<hbm>>
          tpu.enqueue_dma source(%dma_start3A_29 : memref<1000xi32, #tpu.memory_space<hbm>>) target(%arg10 : memref<1000xi32, #tpu.memory_space<vmem>>) target_semaphore(%run_scoped3A : memref<!tpu.dma_semaphore, #tpu.memory_space<semaphore_mem>>)
          %dma_wait3A = tpu.memref_slice %arg4[%add3A] : memref<400000xi32, #tpu.memory_space<hbm>> -> memref<1000xi32, #tpu.memory_space<hbm>>
          %dma_wait3A_30 = tpu.memref_slice %arg4[%add3A] : memref<400000xi32, #tpu.memory_space<hbm>> -> memref<1000xi32, #tpu.memory_space<hbm>>
          tpu.wait_dma2 semaphore(%run_scoped3A : memref<!tpu.dma_semaphore, #tpu.memory_space<semaphore_mem>>) src(%dma_wait3A_30 : memref<1000xi32, #tpu.memory_space<hbm>>) dst(%arg10 : memref<1000xi32, #tpu.memory_space<vmem>>)
          tpu.yield
        }) : () -> ()
        "tpu.region"() ({
          %run_scoped3A = tpu.sem_alloc : memref<!tpu.dma_semaphore, #tpu.memory_space<semaphore_mem>>
          %dma_start3A = arith.constant 80 : i32
          %dma_start3A_29 = tpu.memref_slice %arg2[%add3A, %dma_start3A] : memref<400000x128xf32, #tpu.memory_space<hbm>> -> memref<1000x16xf32, #tpu.memory_space<hbm>>
          %dma_start3A_30 = arith.constant 80 : i32
          %dma_start3A_31 = tpu.memref_slice %arg2[%add3A, %dma_start3A_30] : memref<400000x128xf32, #tpu.memory_space<hbm>> -> memref<1000x16xf32, #tpu.memory_space<hbm>>
          tpu.enqueue_dma source(%dma_start3A_31 : memref<1000x16xf32, #tpu.memory_space<hbm>>) target(%arg11 : memref<1000x16xf32, #tpu.memory_space<vmem>>) target_semaphore(%run_scoped3A : memref<!tpu.dma_semaphore, #tpu.memory_space<semaphore_mem>>)
          %dma_wait3A = arith.constant 80 : i32
          %dma_wait3A_32 = tpu.memref_slice %arg2[%add3A, %dma_wait3A] : memref<400000x128xf32, #tpu.memory_space<hbm>> -> memref<1000x16xf32, #tpu.memory_space<hbm>>
          %dma_wait3A_33 = arith.constant 80 : i32
          %dma_wait3A_34 = tpu.memref_slice %arg2[%add3A, %dma_wait3A_33] : memref<400000x128xf32, #tpu.memory_space<hbm>> -> memref<1000x16xf32, #tpu.memory_space<hbm>>
          tpu.wait_dma2 semaphore(%run_scoped3A : memref<!tpu.dma_semaphore, #tpu.memory_space<semaphore_mem>>) src(%dma_wait3A_34 : memref<1000x16xf32, #tpu.memory_space<hbm>>) dst(%arg11 : memref<1000x16xf32, #tpu.memory_space<vmem>>)
          tpu.yield
        }) : () -> ()
        "tpu.region"() ({
          %run_scoped3A = tpu.sem_alloc : memref<!tpu.dma_semaphore, #tpu.memory_space<semaphore_mem>>
          %dma_start3A = arith.constant 0 : i32
          %dma_start3A_29 = arith.constant 0 : i32
          %dma_start3A_30 = tpu.memref_slice %arg12[%dma_start3A, %dma_start3A_29] : memref<50048x16xf32, #tpu.memory_space<vmem_shared>> -> memref<50048x16xf32, #tpu.memory_space<vmem_shared>>
          tpu.enqueue_indirect_dma source(%arg11 : memref<1000x16xf32, #tpu.memory_space<vmem>>) target(%dma_start3A_30 : memref<50048x16xf32, #tpu.memory_space<vmem_shared>>) offsets(%arg10 : memref<1000xi32, #tpu.memory_space<vmem>>) semaphore(%run_scoped3A : memref<!tpu.dma_semaphore, #tpu.memory_space<semaphore_mem>>) {add = true}
          %dma_wait3A = arith.constant 0 : i32
          %dma_wait3A_31 = arith.constant 0 : i32
          %dma_wait3A_32 = tpu.memref_slice %arg12[%dma_wait3A, %dma_wait3A_31] : memref<50048x16xf32, #tpu.memory_space<vmem_shared>> -> memref<50048x16xf32, #tpu.memory_space<vmem_shared>>
          tpu.wait_indirect_dma semaphore(%run_scoped3A : memref<!tpu.dma_semaphore, #tpu.memory_space<semaphore_mem>>) src(%arg11 : memref<1000x16xf32, #tpu.memory_space<vmem>>) dst(%dma_wait3A_32 : memref<50048x16xf32, #tpu.memory_space<vmem_shared>>)
          tpu.yield
        }) : () -> ()
      }
      %scan3A_21 = arith.constant 25 : i32
      %barrier3A_22 = arith.constant 0 : index
      tpu.barrier barrier_id(%barrier3A_22)
      "tpu.region"() ({
        %run_scoped3A = tpu.sem_alloc : memref<!tpu.dma_semaphore, #tpu.memory_space<semaphore_mem>>
        %dma_start3A = arith.constant 0 : i32
        %dma_start3A_24 = tpu.memref_slice %arg7[%mul3A_0, %dma_start3A] : memref<50048x16xf32, #tpu.memory_space<hbm>> -> memref<3128x16xf32, #tpu.memory_space<hbm>>
        %dma_start3A_25 = arith.constant 0 : i32
        %dma_start3A_26 = tpu.memref_slice %arg12[%mul3A_0, %dma_start3A_25] : memref<50048x16xf32, #tpu.memory_space<vmem_shared>> -> memref<3128x16xf32, #tpu.memory_space<vmem_shared>>
        tpu.enqueue_dma source(%dma_start3A_26 : memref<3128x16xf32, #tpu.memory_space<vmem_shared>>) target(%dma_start3A_24 : memref<3128x16xf32, #tpu.memory_space<hbm>>) target_semaphore(%run_scoped3A : memref<!tpu.dma_semaphore, #tpu.memory_space<semaphore_mem>>)
        %dma_wait3A = arith.constant 0 : i32
        %dma_wait3A_27 = tpu.memref_slice %arg7[%mul3A_0, %dma_wait3A] : memref<50048x16xf32, #tpu.memory_space<hbm>> -> memref<3128x16xf32, #tpu.memory_space<hbm>>
        %dma_wait3A_28 = arith.constant 0 : i32
        %dma_wait3A_29 = tpu.memref_slice %arg12[%mul3A_0, %dma_wait3A_28] : memref<50048x16xf32, #tpu.memory_space<vmem_shared>> -> memref<3128x16xf32, #tpu.memory_space<vmem_shared>>
        tpu.wait_dma2 semaphore(%run_scoped3A : memref<!tpu.dma_semaphore, #tpu.memory_space<semaphore_mem>>) src(%dma_wait3A_29 : memref<3128x16xf32, #tpu.memory_space<vmem_shared>>) dst(%dma_wait3A_27 : memref<3128x16xf32, #tpu.memory_space<hbm>>)
        tpu.yield
      }) : () -> ()
      %barrier3A_23 = arith.constant 0 : index
      tpu.barrier barrier_id(%barrier3A_23)
    } else {
    }
    %eq3A_3 = arith.constant 1 : i32
    %eq3A_4 = arith.cmpi eq, %arg0, %eq3A_3 : i32
    %convert_element_type3A_5 = arith.extui %eq3A_4 : i1 to i32
    %cond3A_6 = arith.constant 0 : i32
    %cond3A_7 = arith.cmpi ne, %convert_element_type3A_5, %cond3A_6 : i32
    scf.if %cond3A_7 {
      "tpu.region"() ({
        %run_scoped3A = tpu.sem_alloc : memref<!tpu.dma_semaphore, #tpu.memory_space<semaphore_mem>>
        %dma_start3A = arith.constant 0 : i32
        %dma_start3A_24 = tpu.memref_slice %arg12[%mul3A_0, %dma_start3A] : memref<50048x16xf32, #tpu.memory_space<vmem_shared>> -> memref<3128x16xf32, #tpu.memory_space<vmem_shared>>
        tpu.enqueue_dma source(%arg5 : memref<3128x16xf32, #tpu.memory_space<hbm>>) target(%dma_start3A_24 : memref<3128x16xf32, #tpu.memory_space<vmem_shared>>) target_semaphore(%run_scoped3A : memref<!tpu.dma_semaphore, #tpu.memory_space<semaphore_mem>>)
        %dma_wait3A = arith.constant 0 : i32
        %dma_wait3A_25 = tpu.memref_slice %arg12[%mul3A_0, %dma_wait3A] : memref<50048x16xf32, #tpu.memory_space<vmem_shared>> -> memref<3128x16xf32, #tpu.memory_space<vmem_shared>>
        tpu.wait_dma2 semaphore(%run_scoped3A : memref<!tpu.dma_semaphore, #tpu.memory_space<semaphore_mem>>) src(%arg5 : memref<3128x16xf32, #tpu.memory_space<hbm>>) dst(%dma_wait3A_25 : memref<3128x16xf32, #tpu.memory_space<vmem_shared>>)
        tpu.yield
      }) : () -> ()
      %barrier3A = arith.constant 0 : index
      tpu.barrier barrier_id(%barrier3A)
      %scan3A = arith.constant 0 : i32
      %scan3A_8 = arith.constant 0 : i32
      %scan3A_9 = arith.constant 25 : i32
      %scan3A_10 = arith.addi %scan3A_8, %scan3A_9 : i32
      %scan3A_11 = arith.constant 1 : i32
      scf.for %scan3A_24 = %scan3A_8 to %scan3A_10 step %scan3A_11  : i32 {
        %mul3A_25 = arith.constant 25000 : i32
        %mul3A_26 = arith.muli %arg1, %mul3A_25 : i32
        %mul3A_27 = arith.constant 1000 : i32
        %mul3A_28 = arith.muli %scan3A_24, %mul3A_27 : i32
        %add3A = arith.addi %mul3A_26, %mul3A_28 : i32
        "tpu.region"() ({
          %run_scoped3A = tpu.sem_alloc : memref<!tpu.dma_semaphore, #tpu.memory_space<semaphore_mem>>
          %dma_start3A = tpu.memref_slice %arg3[%add3A] : memref<400000xi32, #tpu.memory_space<hbm>> -> memref<1000xi32, #tpu.memory_space<hbm>>
          %dma_start3A_29 = tpu.memref_slice %arg3[%add3A] : memref<400000xi32, #tpu.memory_space<hbm>> -> memref<1000xi32, #tpu.memory_space<hbm>>
          tpu.enqueue_dma source(%dma_start3A_29 : memref<1000xi32, #tpu.memory_space<hbm>>) target(%arg10 : memref<1000xi32, #tpu.memory_space<vmem>>) target_semaphore(%run_scoped3A : memref<!tpu.dma_semaphore, #tpu.memory_space<semaphore_mem>>)
          %dma_wait3A = tpu.memref_slice %arg3[%add3A] : memref<400000xi32, #tpu.memory_space<hbm>> -> memref<1000xi32, #tpu.memory_space<hbm>>
          %dma_wait3A_30 = tpu.memref_slice %arg3[%add3A] : memref<400000xi32, #tpu.memory_space<hbm>> -> memref<1000xi32, #tpu.memory_space<hbm>>
          tpu.wait_dma2 semaphore(%run_scoped3A : memref<!tpu.dma_semaphore, #tpu.memory_space<semaphore_mem>>) src(%dma_wait3A_30 : memref<1000xi32, #tpu.memory_space<hbm>>) dst(%arg10 : memref<1000xi32, #tpu.memory_space<vmem>>)
          tpu.yield
        }) : () -> ()
        "tpu.region"() ({
          %run_scoped3A = tpu.sem_alloc : memref<!tpu.dma_semaphore, #tpu.memory_space<semaphore_mem>>
          %dma_start3A = arith.constant 32 : i32
          %dma_start3A_29 = tpu.memref_slice %arg2[%add3A, %dma_start3A] : memref<400000x128xf32, #tpu.memory_space<hbm>> -> memref<1000x16xf32, #tpu.memory_space<hbm>>
          %dma_start3A_30 = arith.constant 32 : i32
          %dma_start3A_31 = tpu.memref_slice %arg2[%add3A, %dma_start3A_30] : memref<400000x128xf32, #tpu.memory_space<hbm>> -> memref<1000x16xf32, #tpu.memory_space<hbm>>
          tpu.enqueue_dma source(%dma_start3A_31 : memref<1000x16xf32, #tpu.memory_space<hbm>>) target(%arg11 : memref<1000x16xf32, #tpu.memory_space<vmem>>) target_semaphore(%run_scoped3A : memref<!tpu.dma_semaphore, #tpu.memory_space<semaphore_mem>>)
          %dma_wait3A = arith.constant 32 : i32
          %dma_wait3A_32 = tpu.memref_slice %arg2[%add3A, %dma_wait3A] : memref<400000x128xf32, #tpu.memory_space<hbm>> -> memref<1000x16xf32, #tpu.memory_space<hbm>>
          %dma_wait3A_33 = arith.constant 32 : i32
          %dma_wait3A_34 = tpu.memref_slice %arg2[%add3A, %dma_wait3A_33] : memref<400000x128xf32, #tpu.memory_space<hbm>> -> memref<1000x16xf32, #tpu.memory_space<hbm>>
          tpu.wait_dma2 semaphore(%run_scoped3A : memref<!tpu.dma_semaphore, #tpu.memory_space<semaphore_mem>>) src(%dma_wait3A_34 : memref<1000x16xf32, #tpu.memory_space<hbm>>) dst(%arg11 : memref<1000x16xf32, #tpu.memory_space<vmem>>)
          tpu.yield
        }) : () -> ()
        "tpu.region"() ({
          %run_scoped3A = tpu.sem_alloc : memref<!tpu.dma_semaphore, #tpu.memory_space<semaphore_mem>>
          %dma_start3A = arith.constant 0 : i32
          %dma_start3A_29 = arith.constant 0 : i32
          %dma_start3A_30 = tpu.memref_slice %arg12[%dma_start3A, %dma_start3A_29] : memref<50048x16xf32, #tpu.memory_space<vmem_shared>> -> memref<50048x16xf32, #tpu.memory_space<vmem_shared>>
          tpu.enqueue_indirect_dma source(%arg11 : memref<1000x16xf32, #tpu.memory_space<vmem>>) target(%dma_start3A_30 : memref<50048x16xf32, #tpu.memory_space<vmem_shared>>) offsets(%arg10 : memref<1000xi32, #tpu.memory_space<vmem>>) semaphore(%run_scoped3A : memref<!tpu.dma_semaphore, #tpu.memory_space<semaphore_mem>>) {add = true}
          %dma_wait3A = arith.constant 0 : i32
          %dma_wait3A_31 = arith.constant 0 : i32
          %dma_wait3A_32 = tpu.memref_slice %arg12[%dma_wait3A, %dma_wait3A_31] : memref<50048x16xf32, #tpu.memory_space<vmem_shared>> -> memref<50048x16xf32, #tpu.memory_space<vmem_shared>>
          tpu.wait_indirect_dma semaphore(%run_scoped3A : memref<!tpu.dma_semaphore, #tpu.memory_space<semaphore_mem>>) src(%arg11 : memref<1000x16xf32, #tpu.memory_space<vmem>>) dst(%dma_wait3A_32 : memref<50048x16xf32, #tpu.memory_space<vmem_shared>>)
          tpu.yield
        }) : () -> ()
        "tpu.region"() ({
          %run_scoped3A = tpu.sem_alloc : memref<!tpu.dma_semaphore, #tpu.memory_space<semaphore_mem>>
          %dma_start3A = tpu.memref_slice %arg4[%add3A] : memref<400000xi32, #tpu.memory_space<hbm>> -> memref<1000xi32, #tpu.memory_space<hbm>>
          %dma_start3A_29 = tpu.memref_slice %arg4[%add3A] : memref<400000xi32, #tpu.memory_space<hbm>> -> memref<1000xi32, #tpu.memory_space<hbm>>
          tpu.enqueue_dma source(%dma_start3A_29 : memref<1000xi32, #tpu.memory_space<hbm>>) target(%arg10 : memref<1000xi32, #tpu.memory_space<vmem>>) target_semaphore(%run_scoped3A : memref<!tpu.dma_semaphore, #tpu.memory_space<semaphore_mem>>)
          %dma_wait3A = tpu.memref_slice %arg4[%add3A] : memref<400000xi32, #tpu.memory_space<hbm>> -> memref<1000xi32, #tpu.memory_space<hbm>>
          %dma_wait3A_30 = tpu.memref_slice %arg4[%add3A] : memref<400000xi32, #tpu.memory_space<hbm>> -> memref<1000xi32, #tpu.memory_space<hbm>>
          tpu.wait_dma2 semaphore(%run_scoped3A : memref<!tpu.dma_semaphore, #tpu.memory_space<semaphore_mem>>) src(%dma_wait3A_30 : memref<1000xi32, #tpu.memory_space<hbm>>) dst(%arg10 : memref<1000xi32, #tpu.memory_space<vmem>>)
          tpu.yield
        }) : () -> ()
        "tpu.region"() ({
          %run_scoped3A = tpu.sem_alloc : memref<!tpu.dma_semaphore, #tpu.memory_space<semaphore_mem>>
          %dma_start3A = arith.constant 96 : i32
          %dma_start3A_29 = tpu.memref_slice %arg2[%add3A, %dma_start3A] : memref<400000x128xf32, #tpu.memory_space<hbm>> -> memref<1000x16xf32, #tpu.memory_space<hbm>>
          %dma_start3A_30 = arith.constant 96 : i32
          %dma_start3A_31 = tpu.memref_slice %arg2[%add3A, %dma_start3A_30] : memref<400000x128xf32, #tpu.memory_space<hbm>> -> memref<1000x16xf32, #tpu.memory_space<hbm>>
          tpu.enqueue_dma source(%dma_start3A_31 : memref<1000x16xf32, #tpu.memory_space<hbm>>) target(%arg11 : memref<1000x16xf32, #tpu.memory_space<vmem>>) target_semaphore(%run_scoped3A : memref<!tpu.dma_semaphore, #tpu.memory_space<semaphore_mem>>)
          %dma_wait3A = arith.constant 96 : i32
          %dma_wait3A_32 = tpu.memref_slice %arg2[%add3A, %dma_wait3A] : memref<400000x128xf32, #tpu.memory_space<hbm>> -> memref<1000x16xf32, #tpu.memory_space<hbm>>
          %dma_wait3A_33 = arith.constant 96 : i32
          %dma_wait3A_34 = tpu.memref_slice %arg2[%add3A, %dma_wait3A_33] : memref<400000x128xf32, #tpu.memory_space<hbm>> -> memref<1000x16xf32, #tpu.memory_space<hbm>>
          tpu.wait_dma2 semaphore(%run_scoped3A : memref<!tpu.dma_semaphore, #tpu.memory_space<semaphore_mem>>) src(%dma_wait3A_34 : memref<1000x16xf32, #tpu.memory_space<hbm>>) dst(%arg11 : memref<1000x16xf32, #tpu.memory_space<vmem>>)
          tpu.yield
        }) : () -> ()
        "tpu.region"() ({
          %run_scoped3A = tpu.sem_alloc : memref<!tpu.dma_semaphore, #tpu.memory_space<semaphore_mem>>
          %dma_start3A = arith.constant 0 : i32
          %dma_start3A_29 = arith.constant 0 : i32
          %dma_start3A_30 = tpu.memref_slice %arg12[%dma_start3A, %dma_start3A_29] : memref<50048x16xf32, #tpu.memory_space<vmem_shared>> -> memref<50048x16xf32, #tpu.memory_space<vmem_shared>>
          tpu.enqueue_indirect_dma source(%arg11 : memref<1000x16xf32, #tpu.memory_space<vmem>>) target(%dma_start3A_30 : memref<50048x16xf32, #tpu.memory_space<vmem_shared>>) offsets(%arg10 : memref<1000xi32, #tpu.memory_space<vmem>>) semaphore(%run_scoped3A : memref<!tpu.dma_semaphore, #tpu.memory_space<semaphore_mem>>) {add = true}
          %dma_wait3A = arith.constant 0 : i32
          %dma_wait3A_31 = arith.constant 0 : i32
          %dma_wait3A_32 = tpu.memref_slice %arg12[%dma_wait3A, %dma_wait3A_31] : memref<50048x16xf32, #tpu.memory_space<vmem_shared>> -> memref<50048x16xf32, #tpu.memory_space<vmem_shared>>
          tpu.wait_indirect_dma semaphore(%run_scoped3A : memref<!tpu.dma_semaphore, #tpu.memory_space<semaphore_mem>>) src(%arg11 : memref<1000x16xf32, #tpu.memory_space<vmem>>) dst(%dma_wait3A_32 : memref<50048x16xf32, #tpu.memory_space<vmem_shared>>)
          tpu.yield
        }) : () -> ()
      }
      %scan3A_12 = arith.constant 25 : i32
      %barrier3A_13 = arith.constant 0 : index
      tpu.barrier barrier_id(%barrier3A_13)
      "tpu.region"() ({
        %run_scoped3A = tpu.sem_alloc : memref<!tpu.dma_semaphore, #tpu.memory_space<semaphore_mem>>
        %dma_start3A = arith.constant 0 : i32
        %dma_start3A_24 = tpu.memref_slice %arg8[%mul3A_0, %dma_start3A] : memref<50048x16xf32, #tpu.memory_space<hbm>> -> memref<3128x16xf32, #tpu.memory_space<hbm>>
        %dma_start3A_25 = arith.constant 0 : i32
        %dma_start3A_26 = tpu.memref_slice %arg12[%mul3A_0, %dma_start3A_25] : memref<50048x16xf32, #tpu.memory_space<vmem_shared>> -> memref<3128x16xf32, #tpu.memory_space<vmem_shared>>
        tpu.enqueue_dma source(%dma_start3A_26 : memref<3128x16xf32, #tpu.memory_space<vmem_shared>>) target(%dma_start3A_24 : memref<3128x16xf32, #tpu.memory_space<hbm>>) target_semaphore(%run_scoped3A : memref<!tpu.dma_semaphore, #tpu.memory_space<semaphore_mem>>)
        %dma_wait3A = arith.constant 0 : i32
        %dma_wait3A_27 = tpu.memref_slice %arg8[%mul3A_0, %dma_wait3A] : memref<50048x16xf32, #tpu.memory_space<hbm>> -> memref<3128x16xf32, #tpu.memory_space<hbm>>
        %dma_wait3A_28 = arith.constant 0 : i32
        %dma_wait3A_29 = tpu.memref_slice %arg12[%mul3A_0, %dma_wait3A_28] : memref<50048x16xf32, #tpu.memory_space<vmem_shared>> -> memref<3128x16xf32, #tpu.memory_space<vmem_shared>>
        tpu.wait_dma2 semaphore(%run_scoped3A : memref<!tpu.dma_semaphore, #tpu.memory_space<semaphore_mem>>) src(%dma_wait3A_29 : memref<3128x16xf32, #tpu.memory_space<vmem_shared>>) dst(%dma_wait3A_27 : memref<3128x16xf32, #tpu.memory_space<hbm>>)
        tpu.yield
      }) : () -> ()
      %barrier3A_14 = arith.constant 0 : index
      tpu.barrier barrier_id(%barrier3A_14)
      "tpu.region"() ({
        %run_scoped3A = tpu.sem_alloc : memref<!tpu.dma_semaphore, #tpu.memory_space<semaphore_mem>>
        %dma_start3A = arith.constant 0 : i32
        %dma_start3A_24 = tpu.memref_slice %arg12[%mul3A_0, %dma_start3A] : memref<50048x16xf32, #tpu.memory_space<vmem_shared>> -> memref<3128x16xf32, #tpu.memory_space<vmem_shared>>
        tpu.enqueue_dma source(%arg5 : memref<3128x16xf32, #tpu.memory_space<hbm>>) target(%dma_start3A_24 : memref<3128x16xf32, #tpu.memory_space<vmem_shared>>) target_semaphore(%run_scoped3A : memref<!tpu.dma_semaphore, #tpu.memory_space<semaphore_mem>>)
        %dma_wait3A = arith.constant 0 : i32
        %dma_wait3A_25 = tpu.memref_slice %arg12[%mul3A_0, %dma_wait3A] : memref<50048x16xf32, #tpu.memory_space<vmem_shared>> -> memref<3128x16xf32, #tpu.memory_space<vmem_shared>>
        tpu.wait_dma2 semaphore(%run_scoped3A : memref<!tpu.dma_semaphore, #tpu.memory_space<semaphore_mem>>) src(%arg5 : memref<3128x16xf32, #tpu.memory_space<hbm>>) dst(%dma_wait3A_25 : memref<3128x16xf32, #tpu.memory_space<vmem_shared>>)
        tpu.yield
      }) : () -> ()
      %barrier3A_15 = arith.constant 0 : index
      tpu.barrier barrier_id(%barrier3A_15)
      %scan3A_16 = arith.constant 0 : i32
      %scan3A_17 = arith.constant 0 : i32
      %scan3A_18 = arith.constant 25 : i32
      %scan3A_19 = arith.addi %scan3A_17, %scan3A_18 : i32
      %scan3A_20 = arith.constant 1 : i32
      scf.for %scan3A_24 = %scan3A_17 to %scan3A_19 step %scan3A_20  : i32 {
        %mul3A_25 = arith.constant 25000 : i32
        %mul3A_26 = arith.muli %arg1, %mul3A_25 : i32
        %mul3A_27 = arith.constant 1000 : i32
        %mul3A_28 = arith.muli %scan3A_24, %mul3A_27 : i32
        %add3A = arith.addi %mul3A_26, %mul3A_28 : i32
        "tpu.region"() ({
          %run_scoped3A = tpu.sem_alloc : memref<!tpu.dma_semaphore, #tpu.memory_space<semaphore_mem>>
          %dma_start3A = tpu.memref_slice %arg3[%add3A] : memref<400000xi32, #tpu.memory_space<hbm>> -> memref<1000xi32, #tpu.memory_space<hbm>>
          %dma_start3A_29 = tpu.memref_slice %arg3[%add3A] : memref<400000xi32, #tpu.memory_space<hbm>> -> memref<1000xi32, #tpu.memory_space<hbm>>
          tpu.enqueue_dma source(%dma_start3A_29 : memref<1000xi32, #tpu.memory_space<hbm>>) target(%arg10 : memref<1000xi32, #tpu.memory_space<vmem>>) target_semaphore(%run_scoped3A : memref<!tpu.dma_semaphore, #tpu.memory_space<semaphore_mem>>)
          %dma_wait3A = tpu.memref_slice %arg3[%add3A] : memref<400000xi32, #tpu.memory_space<hbm>> -> memref<1000xi32, #tpu.memory_space<hbm>>
          %dma_wait3A_30 = tpu.memref_slice %arg3[%add3A] : memref<400000xi32, #tpu.memory_space<hbm>> -> memref<1000xi32, #tpu.memory_space<hbm>>
          tpu.wait_dma2 semaphore(%run_scoped3A : memref<!tpu.dma_semaphore, #tpu.memory_space<semaphore_mem>>) src(%dma_wait3A_30 : memref<1000xi32, #tpu.memory_space<hbm>>) dst(%arg10 : memref<1000xi32, #tpu.memory_space<vmem>>)
          tpu.yield
        }) : () -> ()
        "tpu.region"() ({
          %run_scoped3A = tpu.sem_alloc : memref<!tpu.dma_semaphore, #tpu.memory_space<semaphore_mem>>
          %dma_start3A = arith.constant 48 : i32
          %dma_start3A_29 = tpu.memref_slice %arg2[%add3A, %dma_start3A] : memref<400000x128xf32, #tpu.memory_space<hbm>> -> memref<1000x16xf32, #tpu.memory_space<hbm>>
          %dma_start3A_30 = arith.constant 48 : i32
          %dma_start3A_31 = tpu.memref_slice %arg2[%add3A, %dma_start3A_30] : memref<400000x128xf32, #tpu.memory_space<hbm>> -> memref<1000x16xf32, #tpu.memory_space<hbm>>
          tpu.enqueue_dma source(%dma_start3A_31 : memref<1000x16xf32, #tpu.memory_space<hbm>>) target(%arg11 : memref<1000x16xf32, #tpu.memory_space<vmem>>) target_semaphore(%run_scoped3A : memref<!tpu.dma_semaphore, #tpu.memory_space<semaphore_mem>>)
          %dma_wait3A = arith.constant 48 : i32
          %dma_wait3A_32 = tpu.memref_slice %arg2[%add3A, %dma_wait3A] : memref<400000x128xf32, #tpu.memory_space<hbm>> -> memref<1000x16xf32, #tpu.memory_space<hbm>>
          %dma_wait3A_33 = arith.constant 48 : i32
          %dma_wait3A_34 = tpu.memref_slice %arg2[%add3A, %dma_wait3A_33] : memref<400000x128xf32, #tpu.memory_space<hbm>> -> memref<1000x16xf32, #tpu.memory_space<hbm>>
          tpu.wait_dma2 semaphore(%run_scoped3A : memref<!tpu.dma_semaphore, #tpu.memory_space<semaphore_mem>>) src(%dma_wait3A_34 : memref<1000x16xf32, #tpu.memory_space<hbm>>) dst(%arg11 : memref<1000x16xf32, #tpu.memory_space<vmem>>)
          tpu.yield
        }) : () -> ()
        "tpu.region"() ({
          %run_scoped3A = tpu.sem_alloc : memref<!tpu.dma_semaphore, #tpu.memory_space<semaphore_mem>>
          %dma_start3A = arith.constant 0 : i32
          %dma_start3A_29 = arith.constant 0 : i32
          %dma_start3A_30 = tpu.memref_slice %arg12[%dma_start3A, %dma_start3A_29] : memref<50048x16xf32, #tpu.memory_space<vmem_shared>> -> memref<50048x16xf32, #tpu.memory_space<vmem_shared>>
          tpu.enqueue_indirect_dma source(%arg11 : memref<1000x16xf32, #tpu.memory_space<vmem>>) target(%dma_start3A_30 : memref<50048x16xf32, #tpu.memory_space<vmem_shared>>) offsets(%arg10 : memref<1000xi32, #tpu.memory_space<vmem>>) semaphore(%run_scoped3A : memref<!tpu.dma_semaphore, #tpu.memory_space<semaphore_mem>>) {add = true}
          %dma_wait3A = arith.constant 0 : i32
          %dma_wait3A_31 = arith.constant 0 : i32
          %dma_wait3A_32 = tpu.memref_slice %arg12[%dma_wait3A, %dma_wait3A_31] : memref<50048x16xf32, #tpu.memory_space<vmem_shared>> -> memref<50048x16xf32, #tpu.memory_space<vmem_shared>>
          tpu.wait_indirect_dma semaphore(%run_scoped3A : memref<!tpu.dma_semaphore, #tpu.memory_space<semaphore_mem>>) src(%arg11 : memref<1000x16xf32, #tpu.memory_space<vmem>>) dst(%dma_wait3A_32 : memref<50048x16xf32, #tpu.memory_space<vmem_shared>>)
          tpu.yield
        }) : () -> ()
        "tpu.region"() ({
          %run_scoped3A = tpu.sem_alloc : memref<!tpu.dma_semaphore, #tpu.memory_space<semaphore_mem>>
          %dma_start3A = tpu.memref_slice %arg4[%add3A] : memref<400000xi32, #tpu.memory_space<hbm>> -> memref<1000xi32, #tpu.memory_space<hbm>>
          %dma_start3A_29 = tpu.memref_slice %arg4[%add3A] : memref<400000xi32, #tpu.memory_space<hbm>> -> memref<1000xi32, #tpu.memory_space<hbm>>
          tpu.enqueue_dma source(%dma_start3A_29 : memref<1000xi32, #tpu.memory_space<hbm>>) target(%arg10 : memref<1000xi32, #tpu.memory_space<vmem>>) target_semaphore(%run_scoped3A : memref<!tpu.dma_semaphore, #tpu.memory_space<semaphore_mem>>)
          %dma_wait3A = tpu.memref_slice %arg4[%add3A] : memref<400000xi32, #tpu.memory_space<hbm>> -> memref<1000xi32, #tpu.memory_space<hbm>>
          %dma_wait3A_30 = tpu.memref_slice %arg4[%add3A] : memref<400000xi32, #tpu.memory_space<hbm>> -> memref<1000xi32, #tpu.memory_space<hbm>>
          tpu.wait_dma2 semaphore(%run_scoped3A : memref<!tpu.dma_semaphore, #tpu.memory_space<semaphore_mem>>) src(%dma_wait3A_30 : memref<1000xi32, #tpu.memory_space<hbm>>) dst(%arg10 : memref<1000xi32, #tpu.memory_space<vmem>>)
          tpu.yield
        }) : () -> ()
        "tpu.region"() ({
          %run_scoped3A = tpu.sem_alloc : memref<!tpu.dma_semaphore, #tpu.memory_space<semaphore_mem>>
          %dma_start3A = arith.constant 112 : i32
          %dma_start3A_29 = tpu.memref_slice %arg2[%add3A, %dma_start3A] : memref<400000x128xf32, #tpu.memory_space<hbm>> -> memref<1000x16xf32, #tpu.memory_space<hbm>>
          %dma_start3A_30 = arith.constant 112 : i32
          %dma_start3A_31 = tpu.memref_slice %arg2[%add3A, %dma_start3A_30] : memref<400000x128xf32, #tpu.memory_space<hbm>> -> memref<1000x16xf32, #tpu.memory_space<hbm>>
          tpu.enqueue_dma source(%dma_start3A_31 : memref<1000x16xf32, #tpu.memory_space<hbm>>) target(%arg11 : memref<1000x16xf32, #tpu.memory_space<vmem>>) target_semaphore(%run_scoped3A : memref<!tpu.dma_semaphore, #tpu.memory_space<semaphore_mem>>)
          %dma_wait3A = arith.constant 112 : i32
          %dma_wait3A_32 = tpu.memref_slice %arg2[%add3A, %dma_wait3A] : memref<400000x128xf32, #tpu.memory_space<hbm>> -> memref<1000x16xf32, #tpu.memory_space<hbm>>
          %dma_wait3A_33 = arith.constant 112 : i32
          %dma_wait3A_34 = tpu.memref_slice %arg2[%add3A, %dma_wait3A_33] : memref<400000x128xf32, #tpu.memory_space<hbm>> -> memref<1000x16xf32, #tpu.memory_space<hbm>>
          tpu.wait_dma2 semaphore(%run_scoped3A : memref<!tpu.dma_semaphore, #tpu.memory_space<semaphore_mem>>) src(%dma_wait3A_34 : memref<1000x16xf32, #tpu.memory_space<hbm>>) dst(%arg11 : memref<1000x16xf32, #tpu.memory_space<vmem>>)
          tpu.yield
        }) : () -> ()
        "tpu.region"() ({
          %run_scoped3A = tpu.sem_alloc : memref<!tpu.dma_semaphore, #tpu.memory_space<semaphore_mem>>
          %dma_start3A = arith.constant 0 : i32
          %dma_start3A_29 = arith.constant 0 : i32
          %dma_start3A_30 = tpu.memref_slice %arg12[%dma_start3A, %dma_start3A_29] : memref<50048x16xf32, #tpu.memory_space<vmem_shared>> -> memref<50048x16xf32, #tpu.memory_space<vmem_shared>>
          tpu.enqueue_indirect_dma source(%arg11 : memref<1000x16xf32, #tpu.memory_space<vmem>>) target(%dma_start3A_30 : memref<50048x16xf32, #tpu.memory_space<vmem_shared>>) offsets(%arg10 : memref<1000xi32, #tpu.memory_space<vmem>>) semaphore(%run_scoped3A : memref<!tpu.dma_semaphore, #tpu.memory_space<semaphore_mem>>) {add = true}
          %dma_wait3A = arith.constant 0 : i32
          %dma_wait3A_31 = arith.constant 0 : i32
          %dma_wait3A_32 = tpu.memref_slice %arg12[%dma_wait3A, %dma_wait3A_31] : memref<50048x16xf32, #tpu.memory_space<vmem_shared>> -> memref<50048x16xf32, #tpu.memory_space<vmem_shared>>
          tpu.wait_indirect_dma semaphore(%run_scoped3A : memref<!tpu.dma_semaphore, #tpu.memory_space<semaphore_mem>>) src(%arg11 : memref<1000x16xf32, #tpu.memory_space<vmem>>) dst(%dma_wait3A_32 : memref<50048x16xf32, #tpu.memory_space<vmem_shared>>)
          tpu.yield
        }) : () -> ()
      }
      %scan3A_21 = arith.constant 25 : i32
      %barrier3A_22 = arith.constant 0 : index
      tpu.barrier barrier_id(%barrier3A_22)
      "tpu.region"() ({
        %run_scoped3A = tpu.sem_alloc : memref<!tpu.dma_semaphore, #tpu.memory_space<semaphore_mem>>
        %dma_start3A = arith.constant 0 : i32
        %dma_start3A_24 = tpu.memref_slice %arg9[%mul3A_0, %dma_start3A] : memref<50048x16xf32, #tpu.memory_space<hbm>> -> memref<3128x16xf32, #tpu.memory_space<hbm>>
        %dma_start3A_25 = arith.constant 0 : i32
        %dma_start3A_26 = tpu.memref_slice %arg12[%mul3A_0, %dma_start3A_25] : memref<50048x16xf32, #tpu.memory_space<vmem_shared>> -> memref<3128x16xf32, #tpu.memory_space<vmem_shared>>
        tpu.enqueue_dma source(%dma_start3A_26 : memref<3128x16xf32, #tpu.memory_space<vmem_shared>>) target(%dma_start3A_24 : memref<3128x16xf32, #tpu.memory_space<hbm>>) target_semaphore(%run_scoped3A : memref<!tpu.dma_semaphore, #tpu.memory_space<semaphore_mem>>)
        %dma_wait3A = arith.constant 0 : i32
        %dma_wait3A_27 = tpu.memref_slice %arg9[%mul3A_0, %dma_wait3A] : memref<50048x16xf32, #tpu.memory_space<hbm>> -> memref<3128x16xf32, #tpu.memory_space<hbm>>
        %dma_wait3A_28 = arith.constant 0 : i32
        %dma_wait3A_29 = tpu.memref_slice %arg12[%mul3A_0, %dma_wait3A_28] : memref<50048x16xf32, #tpu.memory_space<vmem_shared>> -> memref<3128x16xf32, #tpu.memory_space<vmem_shared>>
        tpu.wait_dma2 semaphore(%run_scoped3A : memref<!tpu.dma_semaphore, #tpu.memory_space<semaphore_mem>>) src(%dma_wait3A_29 : memref<3128x16xf32, #tpu.memory_space<vmem_shared>>) dst(%dma_wait3A_27 : memref<3128x16xf32, #tpu.memory_space<hbm>>)
        tpu.yield
      }) : () -> ()
      %barrier3A_23 = arith.constant 0 : index
      tpu.barrier barrier_id(%barrier3A_23)
    } else {
    }
    return
  }
}

#map = affine_map<(d0, d1) -> (0, 0)>
#map1 = affine_map<(d0, d1) -> (0)>
module attributes {stable_mosaic.version = 14 : i64} {
  func.func @gather_kernel(%arg0: i32, %arg1: i32, %arg2: memref<50000x128xf32, #tpu.memory_space<hbm>>, %arg3: memref<50000x128xf32, #tpu.memory_space<hbm>>, %arg4: memref<800000xi32, #tpu.memory_space<hbm>>, %arg5: memref<800000xi32, #tpu.memory_space<hbm>>, %arg6: memref<800000x128xf32, #tpu.memory_space<hbm>>, %arg7: memref<1000xi32, #tpu.memory_space<vmem>>, %arg8: memref<1000xi32, #tpu.memory_space<vmem>>, %arg9: memref<200x128xf32, #tpu.memory_space<vmem>>, %arg10: memref<200x128xf32, #tpu.memory_space<vmem>>, %arg11: memref<!tpu.dma_semaphore, #tpu.memory_space<semaphore_mem>>, %arg12: memref<!tpu.dma_semaphore, #tpu.memory_space<semaphore_mem>>) attributes {dimension_semantics = [#tpu.dimension_semantics<core_parallel>, #tpu.dimension_semantics<subcore_parallel>], iteration_bounds = array<i64: 2, 16>, scalar_prefetch = 0 : i64, scratch_operands = 6 : i64, tpu.core_type = #tpu.core_type<sc_vector_subcore>, window_params = [{transform_indices = #map}, {transform_indices = #map}, {transform_indices = #map1}, {transform_indices = #map1}, {transform_indices = #map}]} {
    %mul3A = arith.constant 2 : i32
    %mul3A_0 = arith.muli %arg1, %mul3A : i32
    %add3A = arith.addi %mul3A_0, %arg0 : i32
    %scan3A = arith.constant 0 : i32
    %scan3A_1 = arith.constant 0 : i32
    %scan3A_2 = arith.constant 125 : i32
    %scan3A_3 = arith.addi %scan3A_1, %scan3A_2 : i32
    %scan3A_4 = arith.constant 1 : i32
    scf.for %scan3A_6 = %scan3A_1 to %scan3A_3 step %scan3A_4  : i32 {
      %mul3A_7 = arith.constant 25000 : i32
      %mul3A_8 = arith.muli %add3A, %mul3A_7 : i32
      %mul3A_9 = arith.constant 200 : i32
      %mul3A_10 = arith.muli %scan3A_6, %mul3A_9 : i32
      %add3A_11 = arith.addi %mul3A_8, %mul3A_10 : i32
      %jit3A = arith.constant 5 : i32
      %eq3A = arith.constant 0 : i32
      %eq3A_12 = arith.cmpi eq, %jit3A, %eq3A : i32
      %jit3A_13 = arith.constant 1 : i32
      %select_n3A = arith.select %eq3A_12, %jit3A_13, %jit3A : i32
      %rem3A = arith.remsi %scan3A_6, %select_n3A : i32
      %ne3A = arith.constant 0 : i32
      %ne3A_14 = arith.cmpi ne, %rem3A, %ne3A : i32
      %lt3A = arith.constant 0 : i32
      %lt3A_15 = arith.cmpi slt, %rem3A, %lt3A : i32
      %lt3A_16 = arith.constant 0 : i32
      %lt3A_17 = arith.cmpi slt, %select_n3A, %lt3A_16 : i32
      %ne3A_18 = arith.xori %lt3A_15, %lt3A_17 : i1
      %and3A = arith.andi %ne3A_18, %ne3A_14 : i1
      %add3A_19 = arith.addi %rem3A, %select_n3A : i32
      %select_n3A_20 = arith.select %and3A, %add3A_19, %rem3A : i32
      %eq3A_21 = arith.constant 0 : i32
      %eq3A_22 = arith.cmpi eq, %select_n3A_20, %eq3A_21 : i32
      %convert_element_type3A = arith.extui %eq3A_22 : i1 to i32
      %cond3A = arith.constant 0 : i32
      %cond3A_23 = arith.cmpi ne, %convert_element_type3A, %cond3A : i32
      scf.if %cond3A_23 {
        "tpu.region"() ({
          %run_scoped3A = tpu.sem_alloc : memref<!tpu.dma_semaphore, #tpu.memory_space<semaphore_mem>>
          %dma_start3A_62 = tpu.memref_slice %arg4[%add3A_11] : memref<800000xi32, #tpu.memory_space<hbm>> -> memref<1000xi32, #tpu.memory_space<hbm>>
          %dma_start3A_63 = tpu.memref_slice %arg4[%add3A_11] : memref<800000xi32, #tpu.memory_space<hbm>> -> memref<1000xi32, #tpu.memory_space<hbm>>
          tpu.enqueue_dma source(%dma_start3A_63 : memref<1000xi32, #tpu.memory_space<hbm>>) target(%arg7 : memref<1000xi32, #tpu.memory_space<vmem>>) target_semaphore(%run_scoped3A : memref<!tpu.dma_semaphore, #tpu.memory_space<semaphore_mem>>)
          %dma_wait3A_64 = tpu.memref_slice %arg4[%add3A_11] : memref<800000xi32, #tpu.memory_space<hbm>> -> memref<1000xi32, #tpu.memory_space<hbm>>
          %dma_wait3A_65 = tpu.memref_slice %arg4[%add3A_11] : memref<800000xi32, #tpu.memory_space<hbm>> -> memref<1000xi32, #tpu.memory_space<hbm>>
          tpu.wait_dma2 semaphore(%run_scoped3A : memref<!tpu.dma_semaphore, #tpu.memory_space<semaphore_mem>>) src(%dma_wait3A_65 : memref<1000xi32, #tpu.memory_space<hbm>>) dst(%arg7 : memref<1000xi32, #tpu.memory_space<vmem>>)
          tpu.yield
        }) : () -> ()
        "tpu.region"() ({
          %run_scoped3A = tpu.sem_alloc : memref<!tpu.dma_semaphore, #tpu.memory_space<semaphore_mem>>
          %dma_start3A_62 = tpu.memref_slice %arg5[%add3A_11] : memref<800000xi32, #tpu.memory_space<hbm>> -> memref<1000xi32, #tpu.memory_space<hbm>>
          %dma_start3A_63 = tpu.memref_slice %arg5[%add3A_11] : memref<800000xi32, #tpu.memory_space<hbm>> -> memref<1000xi32, #tpu.memory_space<hbm>>
          tpu.enqueue_dma source(%dma_start3A_63 : memref<1000xi32, #tpu.memory_space<hbm>>) target(%arg8 : memref<1000xi32, #tpu.memory_space<vmem>>) target_semaphore(%run_scoped3A : memref<!tpu.dma_semaphore, #tpu.memory_space<semaphore_mem>>)
          %dma_wait3A_64 = tpu.memref_slice %arg5[%add3A_11] : memref<800000xi32, #tpu.memory_space<hbm>> -> memref<1000xi32, #tpu.memory_space<hbm>>
          %dma_wait3A_65 = tpu.memref_slice %arg5[%add3A_11] : memref<800000xi32, #tpu.memory_space<hbm>> -> memref<1000xi32, #tpu.memory_space<hbm>>
          tpu.wait_dma2 semaphore(%run_scoped3A : memref<!tpu.dma_semaphore, #tpu.memory_space<semaphore_mem>>) src(%dma_wait3A_65 : memref<1000xi32, #tpu.memory_space<hbm>>) dst(%arg8 : memref<1000xi32, #tpu.memory_space<vmem>>)
          tpu.yield
        }) : () -> ()
      } else {
      }
      %jit3A_24 = arith.constant 5 : i32
      %eq3A_25 = arith.constant 0 : i32
      %eq3A_26 = arith.cmpi eq, %jit3A_24, %eq3A_25 : i32
      %jit3A_27 = arith.constant 1 : i32
      %select_n3A_28 = arith.select %eq3A_26, %jit3A_27, %jit3A_24 : i32
      %rem3A_29 = arith.remsi %scan3A_6, %select_n3A_28 : i32
      %ne3A_30 = arith.constant 0 : i32
      %ne3A_31 = arith.cmpi ne, %rem3A_29, %ne3A_30 : i32
      %lt3A_32 = arith.constant 0 : i32
      %lt3A_33 = arith.cmpi slt, %rem3A_29, %lt3A_32 : i32
      %lt3A_34 = arith.constant 0 : i32
      %lt3A_35 = arith.cmpi slt, %select_n3A_28, %lt3A_34 : i32
      %ne3A_36 = arith.xori %lt3A_33, %lt3A_35 : i1
      %and3A_37 = arith.andi %ne3A_36, %ne3A_31 : i1
      %add3A_38 = arith.addi %rem3A_29, %select_n3A_28 : i32
      %select_n3A_39 = arith.select %and3A_37, %add3A_38, %rem3A_29 : i32
      %mul3A_40 = arith.constant 200 : i32
      %mul3A_41 = arith.muli %select_n3A_39, %mul3A_40 : i32
      %dma_start3A = tpu.memref_slice %arg7[%mul3A_41] : memref<1000xi32, #tpu.memory_space<vmem>> -> memref<200xi32, #tpu.memory_space<vmem>>
      %dma_start3A_42 = arith.constant 0 : i32
      %dma_start3A_43 = arith.constant 0 : i32
      %dma_start3A_44 = tpu.memref_slice %arg2[%dma_start3A_42, %dma_start3A_43] : memref<50000x128xf32, #tpu.memory_space<hbm>> -> memref<50000x128xf32, #tpu.memory_space<hbm>>
      tpu.enqueue_indirect_dma source(%dma_start3A_44 : memref<50000x128xf32, #tpu.memory_space<hbm>>) target(%arg9 : memref<200x128xf32, #tpu.memory_space<vmem>>) offsets(%dma_start3A : memref<200xi32, #tpu.memory_space<vmem>>) semaphore(%arg11 : memref<!tpu.dma_semaphore, #tpu.memory_space<semaphore_mem>>)
      %dma_start3A_45 = tpu.memref_slice %arg8[%mul3A_41] : memref<1000xi32, #tpu.memory_space<vmem>> -> memref<200xi32, #tpu.memory_space<vmem>>
      %dma_start3A_46 = arith.constant 0 : i32
      %dma_start3A_47 = arith.constant 0 : i32
      %dma_start3A_48 = tpu.memref_slice %arg3[%dma_start3A_46, %dma_start3A_47] : memref<50000x128xf32, #tpu.memory_space<hbm>> -> memref<50000x128xf32, #tpu.memory_space<hbm>>
      tpu.enqueue_indirect_dma source(%dma_start3A_48 : memref<50000x128xf32, #tpu.memory_space<hbm>>) target(%arg10 : memref<200x128xf32, #tpu.memory_space<vmem>>) offsets(%dma_start3A_45 : memref<200xi32, #tpu.memory_space<vmem>>) semaphore(%arg12 : memref<!tpu.dma_semaphore, #tpu.memory_space<semaphore_mem>>)
      %dma_wait3A = tpu.memref_slice %arg7[%mul3A_41] : memref<1000xi32, #tpu.memory_space<vmem>> -> memref<200xi32, #tpu.memory_space<vmem>>
      %dma_wait3A_49 = arith.constant 0 : i32
      %dma_wait3A_50 = arith.constant 0 : i32
      %dma_wait3A_51 = tpu.memref_slice %arg2[%dma_wait3A_49, %dma_wait3A_50] : memref<50000x128xf32, #tpu.memory_space<hbm>> -> memref<50000x128xf32, #tpu.memory_space<hbm>>
      tpu.wait_indirect_dma semaphore(%arg11 : memref<!tpu.dma_semaphore, #tpu.memory_space<semaphore_mem>>) src(%dma_wait3A_51 : memref<50000x128xf32, #tpu.memory_space<hbm>>) dst(%arg9 : memref<200x128xf32, #tpu.memory_space<vmem>>)
      %dma_wait3A_52 = tpu.memref_slice %arg8[%mul3A_41] : memref<1000xi32, #tpu.memory_space<vmem>> -> memref<200xi32, #tpu.memory_space<vmem>>
      %dma_wait3A_53 = arith.constant 0 : i32
      %dma_wait3A_54 = arith.constant 0 : i32
      %dma_wait3A_55 = tpu.memref_slice %arg3[%dma_wait3A_53, %dma_wait3A_54] : memref<50000x128xf32, #tpu.memory_space<hbm>> -> memref<50000x128xf32, #tpu.memory_space<hbm>>
      tpu.wait_indirect_dma semaphore(%arg12 : memref<!tpu.dma_semaphore, #tpu.memory_space<semaphore_mem>>) src(%dma_wait3A_55 : memref<50000x128xf32, #tpu.memory_space<hbm>>) dst(%arg10 : memref<200x128xf32, #tpu.memory_space<vmem>>)
      %scan3A_56 = arith.constant 0 : i32
      %scan3A_57 = arith.constant 0 : i32
      %scan3A_58 = arith.constant 200 : i32
      %scan3A_59 = arith.addi %scan3A_57, %scan3A_58 : i32
      %scan3A_60 = arith.constant 1 : i32
      scf.for %scan3A_62 = %scan3A_57 to %scan3A_59 step %scan3A_60  : i32 {
        %get3A = arith.index_cast %scan3A_62 : i32 to index
        %get3A_63 = arith.constant 0 : index
        %get3A_64 = tpu.vector_load %arg9[%get3A, %get3A_63] {strides = array<i32>} : memref<200x128xf32, #tpu.memory_space<vmem>>, vector<1x16xf32>,
        %get3A_65 = vector.shape_cast %get3A_64 : vector<1x16xf32> to vector<16xf32>
        %get3A_66 = arith.index_cast %scan3A_62 : i32 to index
        %get3A_67 = arith.constant 0 : index
        %get3A_68 = tpu.vector_load %arg10[%get3A_66, %get3A_67] {strides = array<i32>} : memref<200x128xf32, #tpu.memory_space<vmem>>, vector<1x16xf32>,
        %get3A_69 = vector.shape_cast %get3A_68 : vector<1x16xf32> to vector<16xf32>
        %add3A_70 = arith.addf %get3A_65, %get3A_69 : vector<16xf32>
        %swap3A = arith.index_cast %scan3A_62 : i32 to index
        %swap3A_71 = arith.constant 0 : index
        %swap3A_72 = tpu.vector_load %arg9[%swap3A, %swap3A_71] {strides = array<i32>} : memref<200x128xf32, #tpu.memory_space<vmem>>, vector<1x16xf32>,
        %swap3A_73 = vector.shape_cast %swap3A_72 : vector<1x16xf32> to vector<16xf32>
        %swap3A_74 = vector.shape_cast %add3A_70 : vector<16xf32> to vector<1x16xf32>
        tpu.vector_store %arg9[%swap3A, %swap3A_71], %swap3A_74 {strides = array<i32>} : memref<200x128xf32, #tpu.memory_space<vmem>>, vector<1x16xf32>,
        %get3A_75 = arith.index_cast %scan3A_62 : i32 to index
        %get3A_76 = arith.constant 16 : index
        %get3A_77 = tpu.vector_load %arg9[%get3A_75, %get3A_76] {strides = array<i32>} : memref<200x128xf32, #tpu.memory_space<vmem>>, vector<1x16xf32>,
        %get3A_78 = vector.shape_cast %get3A_77 : vector<1x16xf32> to vector<16xf32>
        %get3A_79 = arith.index_cast %scan3A_62 : i32 to index
        %get3A_80 = arith.constant 16 : index
        %get3A_81 = tpu.vector_load %arg10[%get3A_79, %get3A_80] {strides = array<i32>} : memref<200x128xf32, #tpu.memory_space<vmem>>, vector<1x16xf32>,
        %get3A_82 = vector.shape_cast %get3A_81 : vector<1x16xf32> to vector<16xf32>
        %add3A_83 = arith.addf %get3A_78, %get3A_82 : vector<16xf32>
        %swap3A_84 = arith.index_cast %scan3A_62 : i32 to index
        %swap3A_85 = arith.constant 16 : index
        %swap3A_86 = tpu.vector_load %arg9[%swap3A_84, %swap3A_85] {strides = array<i32>} : memref<200x128xf32, #tpu.memory_space<vmem>>, vector<1x16xf32>,
        %swap3A_87 = vector.shape_cast %swap3A_86 : vector<1x16xf32> to vector<16xf32>
        %swap3A_88 = vector.shape_cast %add3A_83 : vector<16xf32> to vector<1x16xf32>
        tpu.vector_store %arg9[%swap3A_84, %swap3A_85], %swap3A_88 {strides = array<i32>} : memref<200x128xf32, #tpu.memory_space<vmem>>, vector<1x16xf32>,
        %get3A_89 = arith.index_cast %scan3A_62 : i32 to index
        %get3A_90 = arith.constant 32 : index
        %get3A_91 = tpu.vector_load %arg9[%get3A_89, %get3A_90] {strides = array<i32>} : memref<200x128xf32, #tpu.memory_space<vmem>>, vector<1x16xf32>,
        %get3A_92 = vector.shape_cast %get3A_91 : vector<1x16xf32> to vector<16xf32>
        %get3A_93 = arith.index_cast %scan3A_62 : i32 to index
        %get3A_94 = arith.constant 32 : index
        %get3A_95 = tpu.vector_load %arg10[%get3A_93, %get3A_94] {strides = array<i32>} : memref<200x128xf32, #tpu.memory_space<vmem>>, vector<1x16xf32>,
        %get3A_96 = vector.shape_cast %get3A_95 : vector<1x16xf32> to vector<16xf32>
        %add3A_97 = arith.addf %get3A_92, %get3A_96 : vector<16xf32>
        %swap3A_98 = arith.index_cast %scan3A_62 : i32 to index
        %swap3A_99 = arith.constant 32 : index
        %swap3A_100 = tpu.vector_load %arg9[%swap3A_98, %swap3A_99] {strides = array<i32>} : memref<200x128xf32, #tpu.memory_space<vmem>>, vector<1x16xf32>,
        %swap3A_101 = vector.shape_cast %swap3A_100 : vector<1x16xf32> to vector<16xf32>
        %swap3A_102 = vector.shape_cast %add3A_97 : vector<16xf32> to vector<1x16xf32>
        tpu.vector_store %arg9[%swap3A_98, %swap3A_99], %swap3A_102 {strides = array<i32>} : memref<200x128xf32, #tpu.memory_space<vmem>>, vector<1x16xf32>,
        %get3A_103 = arith.index_cast %scan3A_62 : i32 to index
        %get3A_104 = arith.constant 48 : index
        %get3A_105 = tpu.vector_load %arg9[%get3A_103, %get3A_104] {strides = array<i32>} : memref<200x128xf32, #tpu.memory_space<vmem>>, vector<1x16xf32>,
        %get3A_106 = vector.shape_cast %get3A_105 : vector<1x16xf32> to vector<16xf32>
        %get3A_107 = arith.index_cast %scan3A_62 : i32 to index
        %get3A_108 = arith.constant 48 : index
        %get3A_109 = tpu.vector_load %arg10[%get3A_107, %get3A_108] {strides = array<i32>} : memref<200x128xf32, #tpu.memory_space<vmem>>, vector<1x16xf32>,
        %get3A_110 = vector.shape_cast %get3A_109 : vector<1x16xf32> to vector<16xf32>
        %add3A_111 = arith.addf %get3A_106, %get3A_110 : vector<16xf32>
        %swap3A_112 = arith.index_cast %scan3A_62 : i32 to index
        %swap3A_113 = arith.constant 48 : index
        %swap3A_114 = tpu.vector_load %arg9[%swap3A_112, %swap3A_113] {strides = array<i32>} : memref<200x128xf32, #tpu.memory_space<vmem>>, vector<1x16xf32>,
        %swap3A_115 = vector.shape_cast %swap3A_114 : vector<1x16xf32> to vector<16xf32>
        %swap3A_116 = vector.shape_cast %add3A_111 : vector<16xf32> to vector<1x16xf32>
        tpu.vector_store %arg9[%swap3A_112, %swap3A_113], %swap3A_116 {strides = array<i32>} : memref<200x128xf32, #tpu.memory_space<vmem>>, vector<1x16xf32>,
        %get3A_117 = arith.index_cast %scan3A_62 : i32 to index
        %get3A_118 = arith.constant 64 : index
        %get3A_119 = tpu.vector_load %arg9[%get3A_117, %get3A_118] {strides = array<i32>} : memref<200x128xf32, #tpu.memory_space<vmem>>, vector<1x16xf32>,
        %get3A_120 = vector.shape_cast %get3A_119 : vector<1x16xf32> to vector<16xf32>
        %get3A_121 = arith.index_cast %scan3A_62 : i32 to index
        %get3A_122 = arith.constant 64 : index
        %get3A_123 = tpu.vector_load %arg10[%get3A_121, %get3A_122] {strides = array<i32>} : memref<200x128xf32, #tpu.memory_space<vmem>>, vector<1x16xf32>,
        %get3A_124 = vector.shape_cast %get3A_123 : vector<1x16xf32> to vector<16xf32>
        %add3A_125 = arith.addf %get3A_120, %get3A_124 : vector<16xf32>
        %swap3A_126 = arith.index_cast %scan3A_62 : i32 to index
        %swap3A_127 = arith.constant 64 : index
        %swap3A_128 = tpu.vector_load %arg9[%swap3A_126, %swap3A_127] {strides = array<i32>} : memref<200x128xf32, #tpu.memory_space<vmem>>, vector<1x16xf32>,
        %swap3A_129 = vector.shape_cast %swap3A_128 : vector<1x16xf32> to vector<16xf32>
        %swap3A_130 = vector.shape_cast %add3A_125 : vector<16xf32> to vector<1x16xf32>
        tpu.vector_store %arg9[%swap3A_126, %swap3A_127], %swap3A_130 {strides = array<i32>} : memref<200x128xf32, #tpu.memory_space<vmem>>, vector<1x16xf32>,
        %get3A_131 = arith.index_cast %scan3A_62 : i32 to index
        %get3A_132 = arith.constant 80 : index
        %get3A_133 = tpu.vector_load %arg9[%get3A_131, %get3A_132] {strides = array<i32>} : memref<200x128xf32, #tpu.memory_space<vmem>>, vector<1x16xf32>,
        %get3A_134 = vector.shape_cast %get3A_133 : vector<1x16xf32> to vector<16xf32>
        %get3A_135 = arith.index_cast %scan3A_62 : i32 to index
        %get3A_136 = arith.constant 80 : index
        %get3A_137 = tpu.vector_load %arg10[%get3A_135, %get3A_136] {strides = array<i32>} : memref<200x128xf32, #tpu.memory_space<vmem>>, vector<1x16xf32>,
        %get3A_138 = vector.shape_cast %get3A_137 : vector<1x16xf32> to vector<16xf32>
        %add3A_139 = arith.addf %get3A_134, %get3A_138 : vector<16xf32>
        %swap3A_140 = arith.index_cast %scan3A_62 : i32 to index
        %swap3A_141 = arith.constant 80 : index
        %swap3A_142 = tpu.vector_load %arg9[%swap3A_140, %swap3A_141] {strides = array<i32>} : memref<200x128xf32, #tpu.memory_space<vmem>>, vector<1x16xf32>,
        %swap3A_143 = vector.shape_cast %swap3A_142 : vector<1x16xf32> to vector<16xf32>
        %swap3A_144 = vector.shape_cast %add3A_139 : vector<16xf32> to vector<1x16xf32>
        tpu.vector_store %arg9[%swap3A_140, %swap3A_141], %swap3A_144 {strides = array<i32>} : memref<200x128xf32, #tpu.memory_space<vmem>>, vector<1x16xf32>,
        %get3A_145 = arith.index_cast %scan3A_62 : i32 to index
        %get3A_146 = arith.constant 96 : index
        %get3A_147 = tpu.vector_load %arg9[%get3A_145, %get3A_146] {strides = array<i32>} : memref<200x128xf32, #tpu.memory_space<vmem>>, vector<1x16xf32>,
        %get3A_148 = vector.shape_cast %get3A_147 : vector<1x16xf32> to vector<16xf32>
        %get3A_149 = arith.index_cast %scan3A_62 : i32 to index
        %get3A_150 = arith.constant 96 : index
        %get3A_151 = tpu.vector_load %arg10[%get3A_149, %get3A_150] {strides = array<i32>} : memref<200x128xf32, #tpu.memory_space<vmem>>, vector<1x16xf32>,
        %get3A_152 = vector.shape_cast %get3A_151 : vector<1x16xf32> to vector<16xf32>
        %add3A_153 = arith.addf %get3A_148, %get3A_152 : vector<16xf32>
        %swap3A_154 = arith.index_cast %scan3A_62 : i32 to index
        %swap3A_155 = arith.constant 96 : index
        %swap3A_156 = tpu.vector_load %arg9[%swap3A_154, %swap3A_155] {strides = array<i32>} : memref<200x128xf32, #tpu.memory_space<vmem>>, vector<1x16xf32>,
        %swap3A_157 = vector.shape_cast %swap3A_156 : vector<1x16xf32> to vector<16xf32>
        %swap3A_158 = vector.shape_cast %add3A_153 : vector<16xf32> to vector<1x16xf32>
        tpu.vector_store %arg9[%swap3A_154, %swap3A_155], %swap3A_158 {strides = array<i32>} : memref<200x128xf32, #tpu.memory_space<vmem>>, vector<1x16xf32>,
        %get3A_159 = arith.index_cast %scan3A_62 : i32 to index
        %get3A_160 = arith.constant 112 : index
        %get3A_161 = tpu.vector_load %arg9[%get3A_159, %get3A_160] {strides = array<i32>} : memref<200x128xf32, #tpu.memory_space<vmem>>, vector<1x16xf32>,
        %get3A_162 = vector.shape_cast %get3A_161 : vector<1x16xf32> to vector<16xf32>
        %get3A_163 = arith.index_cast %scan3A_62 : i32 to index
        %get3A_164 = arith.constant 112 : index
        %get3A_165 = tpu.vector_load %arg10[%get3A_163, %get3A_164] {strides = array<i32>} : memref<200x128xf32, #tpu.memory_space<vmem>>, vector<1x16xf32>,
        %get3A_166 = vector.shape_cast %get3A_165 : vector<1x16xf32> to vector<16xf32>
        %add3A_167 = arith.addf %get3A_162, %get3A_166 : vector<16xf32>
        %swap3A_168 = arith.index_cast %scan3A_62 : i32 to index
        %swap3A_169 = arith.constant 112 : index
        %swap3A_170 = tpu.vector_load %arg9[%swap3A_168, %swap3A_169] {strides = array<i32>} : memref<200x128xf32, #tpu.memory_space<vmem>>, vector<1x16xf32>,
        %swap3A_171 = vector.shape_cast %swap3A_170 : vector<1x16xf32> to vector<16xf32>
        %swap3A_172 = vector.shape_cast %add3A_167 : vector<16xf32> to vector<1x16xf32>
        tpu.vector_store %arg9[%swap3A_168, %swap3A_169], %swap3A_172 {strides = array<i32>} : memref<200x128xf32, #tpu.memory_space<vmem>>, vector<1x16xf32>,
      }
      %scan3A_61 = arith.constant 200 : i32
      "tpu.region"() ({
        %run_scoped3A = tpu.sem_alloc : memref<!tpu.dma_semaphore, #tpu.memory_space<semaphore_mem>>
        %dma_start3A_62 = arith.constant 0 : i32
        %dma_start3A_63 = tpu.memref_slice %arg6[%add3A_11, %dma_start3A_62] : memref<800000x128xf32, #tpu.memory_space<hbm>> -> memref<200x128xf32, #tpu.memory_space<hbm>>
        %dma_start3A_64 = arith.constant 0 : i32
        %dma_start3A_65 = tpu.memref_slice %arg6[%add3A_11, %dma_start3A_64] : memref<800000x128xf32, #tpu.memory_space<hbm>> -> memref<200x128xf32, #tpu.memory_space<hbm>>
        tpu.enqueue_dma source(%arg9 : memref<200x128xf32, #tpu.memory_space<vmem>>) target(%dma_start3A_65 : memref<200x128xf32, #tpu.memory_space<hbm>>) target_semaphore(%run_scoped3A : memref<!tpu.dma_semaphore, #tpu.memory_space<semaphore_mem>>)
        %dma_wait3A_66 = arith.constant 0 : i32
        %dma_wait3A_67 = tpu.memref_slice %arg6[%add3A_11, %dma_wait3A_66] : memref<800000x128xf32, #tpu.memory_space<hbm>> -> memref<200x128xf32, #tpu.memory_space<hbm>>
        %dma_wait3A_68 = arith.constant 0 : i32
        %dma_wait3A_69 = tpu.memref_slice %arg6[%add3A_11, %dma_wait3A_68] : memref<800000x128xf32, #tpu.memory_space<hbm>> -> memref<200x128xf32, #tpu.memory_space<hbm>>
        tpu.wait_dma2 semaphore(%run_scoped3A : memref<!tpu.dma_semaphore, #tpu.memory_space<semaphore_mem>>) src(%arg9 : memref<200x128xf32, #tpu.memory_space<vmem>>) dst(%dma_wait3A_69 : memref<200x128xf32, #tpu.memory_space<hbm>>)
        tpu.yield
      }) : () -> ()
    }
    %scan3A_5 = arith.constant 125 : i32
    return
  }
}

#map = affine_map<(d0, d1) -> (0, 0)>
#map1 = affine_map<(d0, d1) -> (0)>
module attributes {stable_mosaic.version = 14 : i64} {
  func.func @scatter_kernel(%arg0: i32, %arg1: i32, %arg2: memref<400000x128xf32, #tpu.memory_space<hbm>>, %arg3: memref<400000xi32, #tpu.memory_space<hbm>>, %arg4: memref<400000xi32, #tpu.memory_space<hbm>>, %arg5: memref<3128x16xf32, #tpu.memory_space<hbm>>, %arg6: memref<50048x16xf32, #tpu.memory_space<hbm>>, %arg7: memref<50048x16xf32, #tpu.memory_space<hbm>>, %arg8: memref<50048x16xf32, #tpu.memory_space<hbm>>, %arg9: memref<50048x16xf32, #tpu.memory_space<hbm>>, %arg10: memref<1000xi32, #tpu.memory_space<vmem>>, %arg11: memref<1000x16xf32, #tpu.memory_space<vmem>>, %arg12: memref<50048x16xf32, #tpu.memory_space<vmem_shared>>) attributes {dimension_semantics = [#tpu.dimension_semantics<core_parallel>, #tpu.dimension_semantics<subcore_parallel>], iteration_bounds = array<i64: 2, 16>, scalar_prefetch = 0 : i64, scratch_operands = 3 : i64, tpu.core_type = #tpu.core_type<sc_vector_subcore>, window_params = [{transform_indices = #map}, {transform_indices = #map1}, {transform_indices = #map1}, {transform_indices = #map}, {transform_indices = #map}, {transform_indices = #map}, {transform_indices = #map}, {transform_indices = #map}]} {
    %mul3A = arith.constant 3128 : i32
    %mul3A_0 = arith.muli %arg1, %mul3A : i32
    %eq3A = arith.constant 0 : i32
    %eq3A_1 = arith.cmpi eq, %arg0, %eq3A : i32
    %convert_element_type3A = arith.extui %eq3A_1 : i1 to i32
    %cond3A = arith.constant 0 : i32
    %cond3A_2 = arith.cmpi ne, %convert_element_type3A, %cond3A : i32
    scf.if %cond3A_2 {
      "tpu.region"() ({
        %run_scoped3A = tpu.sem_alloc : memref<!tpu.dma_semaphore, #tpu.memory_space<semaphore_mem>>
        %dma_start3A = arith.constant 0 : i32
        %dma_start3A_24 = tpu.memref_slice %arg12[%mul3A_0, %dma_start3A] : memref<50048x16xf32, #tpu.memory_space<vmem_shared>> -> memref<3128x16xf32, #tpu.memory_space<vmem_shared>>
        tpu.enqueue_dma source(%arg5 : memref<3128x16xf32, #tpu.memory_space<hbm>>) target(%dma_start3A_24 : memref<3128x16xf32, #tpu.memory_space<vmem_shared>>) target_semaphore(%run_scoped3A : memref<!tpu.dma_semaphore, #tpu.memory_space<semaphore_mem>>)
        %dma_wait3A = arith.constant 0 : i32
        %dma_wait3A_25 = tpu.memref_slice %arg12[%mul3A_0, %dma_wait3A] : memref<50048x16xf32, #tpu.memory_space<vmem_shared>> -> memref<3128x16xf32, #tpu.memory_space<vmem_shared>>
        tpu.wait_dma2 semaphore(%run_scoped3A : memref<!tpu.dma_semaphore, #tpu.memory_space<semaphore_mem>>) src(%arg5 : memref<3128x16xf32, #tpu.memory_space<hbm>>) dst(%dma_wait3A_25 : memref<3128x16xf32, #tpu.memory_space<vmem_shared>>)
        tpu.yield
      }) : () -> ()
      %barrier3A = arith.constant 0 : index
      tpu.barrier barrier_id(%barrier3A)
      %scan3A = arith.constant 0 : i32
      %scan3A_8 = arith.constant 0 : i32
      %scan3A_9 = arith.constant 25 : i32
      %scan3A_10 = arith.addi %scan3A_8, %scan3A_9 : i32
      %scan3A_11 = arith.constant 1 : i32
      scf.for %scan3A_24 = %scan3A_8 to %scan3A_10 step %scan3A_11  : i32 {
        %mul3A_25 = arith.constant 25000 : i32
        %mul3A_26 = arith.muli %arg1, %mul3A_25 : i32
        %mul3A_27 = arith.constant 1000 : i32
        %mul3A_28 = arith.muli %scan3A_24, %mul3A_27 : i32
        %add3A = arith.addi %mul3A_26, %mul3A_28 : i32
        "tpu.region"() ({
          %run_scoped3A = tpu.sem_alloc : memref<!tpu.dma_semaphore, #tpu.memory_space<semaphore_mem>>
          %dma_start3A = tpu.memref_slice %arg3[%add3A] : memref<400000xi32, #tpu.memory_space<hbm>> -> memref<1000xi32, #tpu.memory_space<hbm>>
          %dma_start3A_29 = tpu.memref_slice %arg3[%add3A] : memref<400000xi32, #tpu.memory_space<hbm>> -> memref<1000xi32, #tpu.memory_space<hbm>>
          tpu.enqueue_dma source(%dma_start3A_29 : memref<1000xi32, #tpu.memory_space<hbm>>) target(%arg10 : memref<1000xi32, #tpu.memory_space<vmem>>) target_semaphore(%run_scoped3A : memref<!tpu.dma_semaphore, #tpu.memory_space<semaphore_mem>>)
          %dma_wait3A = tpu.memref_slice %arg3[%add3A] : memref<400000xi32, #tpu.memory_space<hbm>> -> memref<1000xi32, #tpu.memory_space<hbm>>
          %dma_wait3A_30 = tpu.memref_slice %arg3[%add3A] : memref<400000xi32, #tpu.memory_space<hbm>> -> memref<1000xi32, #tpu.memory_space<hbm>>
          tpu.wait_dma2 semaphore(%run_scoped3A : memref<!tpu.dma_semaphore, #tpu.memory_space<semaphore_mem>>) src(%dma_wait3A_30 : memref<1000xi32, #tpu.memory_space<hbm>>) dst(%arg10 : memref<1000xi32, #tpu.memory_space<vmem>>)
          tpu.yield
        }) : () -> ()
        "tpu.region"() ({
          %run_scoped3A = tpu.sem_alloc : memref<!tpu.dma_semaphore, #tpu.memory_space<semaphore_mem>>
          %dma_start3A = arith.constant 0 : i32
          %dma_start3A_29 = tpu.memref_slice %arg2[%add3A, %dma_start3A] : memref<400000x128xf32, #tpu.memory_space<hbm>> -> memref<1000x16xf32, #tpu.memory_space<hbm>>
          %dma_start3A_30 = arith.constant 0 : i32
          %dma_start3A_31 = tpu.memref_slice %arg2[%add3A, %dma_start3A_30] : memref<400000x128xf32, #tpu.memory_space<hbm>> -> memref<1000x16xf32, #tpu.memory_space<hbm>>
          tpu.enqueue_dma source(%dma_start3A_31 : memref<1000x16xf32, #tpu.memory_space<hbm>>) target(%arg11 : memref<1000x16xf32, #tpu.memory_space<vmem>>) target_semaphore(%run_scoped3A : memref<!tpu.dma_semaphore, #tpu.memory_space<semaphore_mem>>)
          %dma_wait3A = arith.constant 0 : i32
          %dma_wait3A_32 = tpu.memref_slice %arg2[%add3A, %dma_wait3A] : memref<400000x128xf32, #tpu.memory_space<hbm>> -> memref<1000x16xf32, #tpu.memory_space<hbm>>
          %dma_wait3A_33 = arith.constant 0 : i32
          %dma_wait3A_34 = tpu.memref_slice %arg2[%add3A, %dma_wait3A_33] : memref<400000x128xf32, #tpu.memory_space<hbm>> -> memref<1000x16xf32, #tpu.memory_space<hbm>>
          tpu.wait_dma2 semaphore(%run_scoped3A : memref<!tpu.dma_semaphore, #tpu.memory_space<semaphore_mem>>) src(%dma_wait3A_34 : memref<1000x16xf32, #tpu.memory_space<hbm>>) dst(%arg11 : memref<1000x16xf32, #tpu.memory_space<vmem>>)
          tpu.yield
        }) : () -> ()
        "tpu.region"() ({
          %run_scoped3A = tpu.sem_alloc : memref<!tpu.dma_semaphore, #tpu.memory_space<semaphore_mem>>
          %dma_start3A = arith.constant 0 : i32
          %dma_start3A_29 = arith.constant 0 : i32
          %dma_start3A_30 = tpu.memref_slice %arg12[%dma_start3A, %dma_start3A_29] : memref<50048x16xf32, #tpu.memory_space<vmem_shared>> -> memref<50048x16xf32, #tpu.memory_space<vmem_shared>>
          tpu.enqueue_indirect_dma source(%arg11 : memref<1000x16xf32, #tpu.memory_space<vmem>>) target(%dma_start3A_30 : memref<50048x16xf32, #tpu.memory_space<vmem_shared>>) offsets(%arg10 : memref<1000xi32, #tpu.memory_space<vmem>>) semaphore(%run_scoped3A : memref<!tpu.dma_semaphore, #tpu.memory_space<semaphore_mem>>) {add = true}
          %dma_wait3A = arith.constant 0 : i32
          %dma_wait3A_31 = arith.constant 0 : i32
          %dma_wait3A_32 = tpu.memref_slice %arg12[%dma_wait3A, %dma_wait3A_31] : memref<50048x16xf32, #tpu.memory_space<vmem_shared>> -> memref<50048x16xf32, #tpu.memory_space<vmem_shared>>
          tpu.wait_indirect_dma semaphore(%run_scoped3A : memref<!tpu.dma_semaphore, #tpu.memory_space<semaphore_mem>>) src(%arg11 : memref<1000x16xf32, #tpu.memory_space<vmem>>) dst(%dma_wait3A_32 : memref<50048x16xf32, #tpu.memory_space<vmem_shared>>)
          tpu.yield
        }) : () -> ()
        "tpu.region"() ({
          %run_scoped3A = tpu.sem_alloc : memref<!tpu.dma_semaphore, #tpu.memory_space<semaphore_mem>>
          %dma_start3A = tpu.memref_slice %arg4[%add3A] : memref<400000xi32, #tpu.memory_space<hbm>> -> memref<1000xi32, #tpu.memory_space<hbm>>
          %dma_start3A_29 = tpu.memref_slice %arg4[%add3A] : memref<400000xi32, #tpu.memory_space<hbm>> -> memref<1000xi32, #tpu.memory_space<hbm>>
          tpu.enqueue_dma source(%dma_start3A_29 : memref<1000xi32, #tpu.memory_space<hbm>>) target(%arg10 : memref<1000xi32, #tpu.memory_space<vmem>>) target_semaphore(%run_scoped3A : memref<!tpu.dma_semaphore, #tpu.memory_space<semaphore_mem>>)
          %dma_wait3A = tpu.memref_slice %arg4[%add3A] : memref<400000xi32, #tpu.memory_space<hbm>> -> memref<1000xi32, #tpu.memory_space<hbm>>
          %dma_wait3A_30 = tpu.memref_slice %arg4[%add3A] : memref<400000xi32, #tpu.memory_space<hbm>> -> memref<1000xi32, #tpu.memory_space<hbm>>
          tpu.wait_dma2 semaphore(%run_scoped3A : memref<!tpu.dma_semaphore, #tpu.memory_space<semaphore_mem>>) src(%dma_wait3A_30 : memref<1000xi32, #tpu.memory_space<hbm>>) dst(%arg10 : memref<1000xi32, #tpu.memory_space<vmem>>)
          tpu.yield
        }) : () -> ()
        "tpu.region"() ({
          %run_scoped3A = tpu.sem_alloc : memref<!tpu.dma_semaphore, #tpu.memory_space<semaphore_mem>>
          %dma_start3A = arith.constant 64 : i32
          %dma_start3A_29 = tpu.memref_slice %arg2[%add3A, %dma_start3A] : memref<400000x128xf32, #tpu.memory_space<hbm>> -> memref<1000x16xf32, #tpu.memory_space<hbm>>
          %dma_start3A_30 = arith.constant 64 : i32
          %dma_start3A_31 = tpu.memref_slice %arg2[%add3A, %dma_start3A_30] : memref<400000x128xf32, #tpu.memory_space<hbm>> -> memref<1000x16xf32, #tpu.memory_space<hbm>>
          tpu.enqueue_dma source(%dma_start3A_31 : memref<1000x16xf32, #tpu.memory_space<hbm>>) target(%arg11 : memref<1000x16xf32, #tpu.memory_space<vmem>>) target_semaphore(%run_scoped3A : memref<!tpu.dma_semaphore, #tpu.memory_space<semaphore_mem>>)
          %dma_wait3A = arith.constant 64 : i32
          %dma_wait3A_32 = tpu.memref_slice %arg2[%add3A, %dma_wait3A] : memref<400000x128xf32, #tpu.memory_space<hbm>> -> memref<1000x16xf32, #tpu.memory_space<hbm>>
          %dma_wait3A_33 = arith.constant 64 : i32
          %dma_wait3A_34 = tpu.memref_slice %arg2[%add3A, %dma_wait3A_33] : memref<400000x128xf32, #tpu.memory_space<hbm>> -> memref<1000x16xf32, #tpu.memory_space<hbm>>
          tpu.wait_dma2 semaphore(%run_scoped3A : memref<!tpu.dma_semaphore, #tpu.memory_space<semaphore_mem>>) src(%dma_wait3A_34 : memref<1000x16xf32, #tpu.memory_space<hbm>>) dst(%arg11 : memref<1000x16xf32, #tpu.memory_space<vmem>>)
          tpu.yield
        }) : () -> ()
        "tpu.region"() ({
          %run_scoped3A = tpu.sem_alloc : memref<!tpu.dma_semaphore, #tpu.memory_space<semaphore_mem>>
          %dma_start3A = arith.constant 0 : i32
          %dma_start3A_29 = arith.constant 0 : i32
          %dma_start3A_30 = tpu.memref_slice %arg12[%dma_start3A, %dma_start3A_29] : memref<50048x16xf32, #tpu.memory_space<vmem_shared>> -> memref<50048x16xf32, #tpu.memory_space<vmem_shared>>
          tpu.enqueue_indirect_dma source(%arg11 : memref<1000x16xf32, #tpu.memory_space<vmem>>) target(%dma_start3A_30 : memref<50048x16xf32, #tpu.memory_space<vmem_shared>>) offsets(%arg10 : memref<1000xi32, #tpu.memory_space<vmem>>) semaphore(%run_scoped3A : memref<!tpu.dma_semaphore, #tpu.memory_space<semaphore_mem>>) {add = true}
          %dma_wait3A = arith.constant 0 : i32
          %dma_wait3A_31 = arith.constant 0 : i32
          %dma_wait3A_32 = tpu.memref_slice %arg12[%dma_wait3A, %dma_wait3A_31] : memref<50048x16xf32, #tpu.memory_space<vmem_shared>> -> memref<50048x16xf32, #tpu.memory_space<vmem_shared>>
          tpu.wait_indirect_dma semaphore(%run_scoped3A : memref<!tpu.dma_semaphore, #tpu.memory_space<semaphore_mem>>) src(%arg11 : memref<1000x16xf32, #tpu.memory_space<vmem>>) dst(%dma_wait3A_32 : memref<50048x16xf32, #tpu.memory_space<vmem_shared>>)
          tpu.yield
        }) : () -> ()
      }
      %scan3A_12 = arith.constant 25 : i32
      %barrier3A_13 = arith.constant 0 : index
      tpu.barrier barrier_id(%barrier3A_13)
      "tpu.region"() ({
        %run_scoped3A = tpu.sem_alloc : memref<!tpu.dma_semaphore, #tpu.memory_space<semaphore_mem>>
        %dma_start3A = arith.constant 0 : i32
        %dma_start3A_24 = tpu.memref_slice %arg6[%mul3A_0, %dma_start3A] : memref<50048x16xf32, #tpu.memory_space<hbm>> -> memref<3128x16xf32, #tpu.memory_space<hbm>>
        %dma_start3A_25 = arith.constant 0 : i32
        %dma_start3A_26 = tpu.memref_slice %arg12[%mul3A_0, %dma_start3A_25] : memref<50048x16xf32, #tpu.memory_space<vmem_shared>> -> memref<3128x16xf32, #tpu.memory_space<vmem_shared>>
        tpu.enqueue_dma source(%dma_start3A_26 : memref<3128x16xf32, #tpu.memory_space<vmem_shared>>) target(%dma_start3A_24 : memref<3128x16xf32, #tpu.memory_space<hbm>>) target_semaphore(%run_scoped3A : memref<!tpu.dma_semaphore, #tpu.memory_space<semaphore_mem>>)
        %dma_wait3A = arith.constant 0 : i32
        %dma_wait3A_27 = tpu.memref_slice %arg6[%mul3A_0, %dma_wait3A] : memref<50048x16xf32, #tpu.memory_space<hbm>> -> memref<3128x16xf32, #tpu.memory_space<hbm>>
        %dma_wait3A_28 = arith.constant 0 : i32
        %dma_wait3A_29 = tpu.memref_slice %arg12[%mul3A_0, %dma_wait3A_28] : memref<50048x16xf32, #tpu.memory_space<vmem_shared>> -> memref<3128x16xf32, #tpu.memory_space<vmem_shared>>
        tpu.wait_dma2 semaphore(%run_scoped3A : memref<!tpu.dma_semaphore, #tpu.memory_space<semaphore_mem>>) src(%dma_wait3A_29 : memref<3128x16xf32, #tpu.memory_space<vmem_shared>>) dst(%dma_wait3A_27 : memref<3128x16xf32, #tpu.memory_space<hbm>>)
        tpu.yield
      }) : () -> ()
      %barrier3A_14 = arith.constant 0 : index
      tpu.barrier barrier_id(%barrier3A_14)
      "tpu.region"() ({
        %run_scoped3A = tpu.sem_alloc : memref<!tpu.dma_semaphore, #tpu.memory_space<semaphore_mem>>
        %dma_start3A = arith.constant 0 : i32
        %dma_start3A_24 = tpu.memref_slice %arg12[%mul3A_0, %dma_start3A] : memref<50048x16xf32, #tpu.memory_space<vmem_shared>> -> memref<3128x16xf32, #tpu.memory_space<vmem_shared>>
        tpu.enqueue_dma source(%arg5 : memref<3128x16xf32, #tpu.memory_space<hbm>>) target(%dma_start3A_24 : memref<3128x16xf32, #tpu.memory_space<vmem_shared>>) target_semaphore(%run_scoped3A : memref<!tpu.dma_semaphore, #tpu.memory_space<semaphore_mem>>)
        %dma_wait3A = arith.constant 0 : i32
        %dma_wait3A_25 = tpu.memref_slice %arg12[%mul3A_0, %dma_wait3A] : memref<50048x16xf32, #tpu.memory_space<vmem_shared>> -> memref<3128x16xf32, #tpu.memory_space<vmem_shared>>
        tpu.wait_dma2 semaphore(%run_scoped3A : memref<!tpu.dma_semaphore, #tpu.memory_space<semaphore_mem>>) src(%arg5 : memref<3128x16xf32, #tpu.memory_space<hbm>>) dst(%dma_wait3A_25 : memref<3128x16xf32, #tpu.memory_space<vmem_shared>>)
        tpu.yield
      }) : () -> ()
      %barrier3A_15 = arith.constant 0 : index
      tpu.barrier barrier_id(%barrier3A_15)
      %scan3A_16 = arith.constant 0 : i32
      %scan3A_17 = arith.constant 0 : i32
      %scan3A_18 = arith.constant 25 : i32
      %scan3A_19 = arith.addi %scan3A_17, %scan3A_18 : i32
      %scan3A_20 = arith.constant 1 : i32
      scf.for %scan3A_24 = %scan3A_17 to %scan3A_19 step %scan3A_20  : i32 {
        %mul3A_25 = arith.constant 25000 : i32
        %mul3A_26 = arith.muli %arg1, %mul3A_25 : i32
        %mul3A_27 = arith.constant 1000 : i32
        %mul3A_28 = arith.muli %scan3A_24, %mul3A_27 : i32
        %add3A = arith.addi %mul3A_26, %mul3A_28 : i32
        "tpu.region"() ({
          %run_scoped3A = tpu.sem_alloc : memref<!tpu.dma_semaphore, #tpu.memory_space<semaphore_mem>>
          %dma_start3A = tpu.memref_slice %arg3[%add3A] : memref<400000xi32, #tpu.memory_space<hbm>> -> memref<1000xi32, #tpu.memory_space<hbm>>
          %dma_start3A_29 = tpu.memref_slice %arg3[%add3A] : memref<400000xi32, #tpu.memory_space<hbm>> -> memref<1000xi32, #tpu.memory_space<hbm>>
          tpu.enqueue_dma source(%dma_start3A_29 : memref<1000xi32, #tpu.memory_space<hbm>>) target(%arg10 : memref<1000xi32, #tpu.memory_space<vmem>>) target_semaphore(%run_scoped3A : memref<!tpu.dma_semaphore, #tpu.memory_space<semaphore_mem>>)
          %dma_wait3A = tpu.memref_slice %arg3[%add3A] : memref<400000xi32, #tpu.memory_space<hbm>> -> memref<1000xi32, #tpu.memory_space<hbm>>
          %dma_wait3A_30 = tpu.memref_slice %arg3[%add3A] : memref<400000xi32, #tpu.memory_space<hbm>> -> memref<1000xi32, #tpu.memory_space<hbm>>
          tpu.wait_dma2 semaphore(%run_scoped3A : memref<!tpu.dma_semaphore, #tpu.memory_space<semaphore_mem>>) src(%dma_wait3A_30 : memref<1000xi32, #tpu.memory_space<hbm>>) dst(%arg10 : memref<1000xi32, #tpu.memory_space<vmem>>)
          tpu.yield
        }) : () -> ()
        "tpu.region"() ({
          %run_scoped3A = tpu.sem_alloc : memref<!tpu.dma_semaphore, #tpu.memory_space<semaphore_mem>>
          %dma_start3A = arith.constant 16 : i32
          %dma_start3A_29 = tpu.memref_slice %arg2[%add3A, %dma_start3A] : memref<400000x128xf32, #tpu.memory_space<hbm>> -> memref<1000x16xf32, #tpu.memory_space<hbm>>
          %dma_start3A_30 = arith.constant 16 : i32
          %dma_start3A_31 = tpu.memref_slice %arg2[%add3A, %dma_start3A_30] : memref<400000x128xf32, #tpu.memory_space<hbm>> -> memref<1000x16xf32, #tpu.memory_space<hbm>>
          tpu.enqueue_dma source(%dma_start3A_31 : memref<1000x16xf32, #tpu.memory_space<hbm>>) target(%arg11 : memref<1000x16xf32, #tpu.memory_space<vmem>>) target_semaphore(%run_scoped3A : memref<!tpu.dma_semaphore, #tpu.memory_space<semaphore_mem>>)
          %dma_wait3A = arith.constant 16 : i32
          %dma_wait3A_32 = tpu.memref_slice %arg2[%add3A, %dma_wait3A] : memref<400000x128xf32, #tpu.memory_space<hbm>> -> memref<1000x16xf32, #tpu.memory_space<hbm>>
          %dma_wait3A_33 = arith.constant 16 : i32
          %dma_wait3A_34 = tpu.memref_slice %arg2[%add3A, %dma_wait3A_33] : memref<400000x128xf32, #tpu.memory_space<hbm>> -> memref<1000x16xf32, #tpu.memory_space<hbm>>
          tpu.wait_dma2 semaphore(%run_scoped3A : memref<!tpu.dma_semaphore, #tpu.memory_space<semaphore_mem>>) src(%dma_wait3A_34 : memref<1000x16xf32, #tpu.memory_space<hbm>>) dst(%arg11 : memref<1000x16xf32, #tpu.memory_space<vmem>>)
          tpu.yield
        }) : () -> ()
        "tpu.region"() ({
          %run_scoped3A = tpu.sem_alloc : memref<!tpu.dma_semaphore, #tpu.memory_space<semaphore_mem>>
          %dma_start3A = arith.constant 0 : i32
          %dma_start3A_29 = arith.constant 0 : i32
          %dma_start3A_30 = tpu.memref_slice %arg12[%dma_start3A, %dma_start3A_29] : memref<50048x16xf32, #tpu.memory_space<vmem_shared>> -> memref<50048x16xf32, #tpu.memory_space<vmem_shared>>
          tpu.enqueue_indirect_dma source(%arg11 : memref<1000x16xf32, #tpu.memory_space<vmem>>) target(%dma_start3A_30 : memref<50048x16xf32, #tpu.memory_space<vmem_shared>>) offsets(%arg10 : memref<1000xi32, #tpu.memory_space<vmem>>) semaphore(%run_scoped3A : memref<!tpu.dma_semaphore, #tpu.memory_space<semaphore_mem>>) {add = true}
          %dma_wait3A = arith.constant 0 : i32
          %dma_wait3A_31 = arith.constant 0 : i32
          %dma_wait3A_32 = tpu.memref_slice %arg12[%dma_wait3A, %dma_wait3A_31] : memref<50048x16xf32, #tpu.memory_space<vmem_shared>> -> memref<50048x16xf32, #tpu.memory_space<vmem_shared>>
          tpu.wait_indirect_dma semaphore(%run_scoped3A : memref<!tpu.dma_semaphore, #tpu.memory_space<semaphore_mem>>) src(%arg11 : memref<1000x16xf32, #tpu.memory_space<vmem>>) dst(%dma_wait3A_32 : memref<50048x16xf32, #tpu.memory_space<vmem_shared>>)
          tpu.yield
        }) : () -> ()
        "tpu.region"() ({
          %run_scoped3A = tpu.sem_alloc : memref<!tpu.dma_semaphore, #tpu.memory_space<semaphore_mem>>
          %dma_start3A = tpu.memref_slice %arg4[%add3A] : memref<400000xi32, #tpu.memory_space<hbm>> -> memref<1000xi32, #tpu.memory_space<hbm>>
          %dma_start3A_29 = tpu.memref_slice %arg4[%add3A] : memref<400000xi32, #tpu.memory_space<hbm>> -> memref<1000xi32, #tpu.memory_space<hbm>>
          tpu.enqueue_dma source(%dma_start3A_29 : memref<1000xi32, #tpu.memory_space<hbm>>) target(%arg10 : memref<1000xi32, #tpu.memory_space<vmem>>) target_semaphore(%run_scoped3A : memref<!tpu.dma_semaphore, #tpu.memory_space<semaphore_mem>>)
          %dma_wait3A = tpu.memref_slice %arg4[%add3A] : memref<400000xi32, #tpu.memory_space<hbm>> -> memref<1000xi32, #tpu.memory_space<hbm>>
          %dma_wait3A_30 = tpu.memref_slice %arg4[%add3A] : memref<400000xi32, #tpu.memory_space<hbm>> -> memref<1000xi32, #tpu.memory_space<hbm>>
          tpu.wait_dma2 semaphore(%run_scoped3A : memref<!tpu.dma_semaphore, #tpu.memory_space<semaphore_mem>>) src(%dma_wait3A_30 : memref<1000xi32, #tpu.memory_space<hbm>>) dst(%arg10 : memref<1000xi32, #tpu.memory_space<vmem>>)
          tpu.yield
        }) : () -> ()
        "tpu.region"() ({
          %run_scoped3A = tpu.sem_alloc : memref<!tpu.dma_semaphore, #tpu.memory_space<semaphore_mem>>
          %dma_start3A = arith.constant 80 : i32
          %dma_start3A_29 = tpu.memref_slice %arg2[%add3A, %dma_start3A] : memref<400000x128xf32, #tpu.memory_space<hbm>> -> memref<1000x16xf32, #tpu.memory_space<hbm>>
          %dma_start3A_30 = arith.constant 80 : i32
          %dma_start3A_31 = tpu.memref_slice %arg2[%add3A, %dma_start3A_30] : memref<400000x128xf32, #tpu.memory_space<hbm>> -> memref<1000x16xf32, #tpu.memory_space<hbm>>
          tpu.enqueue_dma source(%dma_start3A_31 : memref<1000x16xf32, #tpu.memory_space<hbm>>) target(%arg11 : memref<1000x16xf32, #tpu.memory_space<vmem>>) target_semaphore(%run_scoped3A : memref<!tpu.dma_semaphore, #tpu.memory_space<semaphore_mem>>)
          %dma_wait3A = arith.constant 80 : i32
          %dma_wait3A_32 = tpu.memref_slice %arg2[%add3A, %dma_wait3A] : memref<400000x128xf32, #tpu.memory_space<hbm>> -> memref<1000x16xf32, #tpu.memory_space<hbm>>
          %dma_wait3A_33 = arith.constant 80 : i32
          %dma_wait3A_34 = tpu.memref_slice %arg2[%add3A, %dma_wait3A_33] : memref<400000x128xf32, #tpu.memory_space<hbm>> -> memref<1000x16xf32, #tpu.memory_space<hbm>>
          tpu.wait_dma2 semaphore(%run_scoped3A : memref<!tpu.dma_semaphore, #tpu.memory_space<semaphore_mem>>) src(%dma_wait3A_34 : memref<1000x16xf32, #tpu.memory_space<hbm>>) dst(%arg11 : memref<1000x16xf32, #tpu.memory_space<vmem>>)
          tpu.yield
        }) : () -> ()
        "tpu.region"() ({
          %run_scoped3A = tpu.sem_alloc : memref<!tpu.dma_semaphore, #tpu.memory_space<semaphore_mem>>
          %dma_start3A = arith.constant 0 : i32
          %dma_start3A_29 = arith.constant 0 : i32
          %dma_start3A_30 = tpu.memref_slice %arg12[%dma_start3A, %dma_start3A_29] : memref<50048x16xf32, #tpu.memory_space<vmem_shared>> -> memref<50048x16xf32, #tpu.memory_space<vmem_shared>>
          tpu.enqueue_indirect_dma source(%arg11 : memref<1000x16xf32, #tpu.memory_space<vmem>>) target(%dma_start3A_30 : memref<50048x16xf32, #tpu.memory_space<vmem_shared>>) offsets(%arg10 : memref<1000xi32, #tpu.memory_space<vmem>>) semaphore(%run_scoped3A : memref<!tpu.dma_semaphore, #tpu.memory_space<semaphore_mem>>) {add = true}
          %dma_wait3A = arith.constant 0 : i32
          %dma_wait3A_31 = arith.constant 0 : i32
          %dma_wait3A_32 = tpu.memref_slice %arg12[%dma_wait3A, %dma_wait3A_31] : memref<50048x16xf32, #tpu.memory_space<vmem_shared>> -> memref<50048x16xf32, #tpu.memory_space<vmem_shared>>
          tpu.wait_indirect_dma semaphore(%run_scoped3A : memref<!tpu.dma_semaphore, #tpu.memory_space<semaphore_mem>>) src(%arg11 : memref<1000x16xf32, #tpu.memory_space<vmem>>) dst(%dma_wait3A_32 : memref<50048x16xf32, #tpu.memory_space<vmem_shared>>)
          tpu.yield
        }) : () -> ()
      }
      %scan3A_21 = arith.constant 25 : i32
      %barrier3A_22 = arith.constant 0 : index
      tpu.barrier barrier_id(%barrier3A_22)
      "tpu.region"() ({
        %run_scoped3A = tpu.sem_alloc : memref<!tpu.dma_semaphore, #tpu.memory_space<semaphore_mem>>
        %dma_start3A = arith.constant 0 : i32
        %dma_start3A_24 = tpu.memref_slice %arg7[%mul3A_0, %dma_start3A] : memref<50048x16xf32, #tpu.memory_space<hbm>> -> memref<3128x16xf32, #tpu.memory_space<hbm>>
        %dma_start3A_25 = arith.constant 0 : i32
        %dma_start3A_26 = tpu.memref_slice %arg12[%mul3A_0, %dma_start3A_25] : memref<50048x16xf32, #tpu.memory_space<vmem_shared>> -> memref<3128x16xf32, #tpu.memory_space<vmem_shared>>
        tpu.enqueue_dma source(%dma_start3A_26 : memref<3128x16xf32, #tpu.memory_space<vmem_shared>>) target(%dma_start3A_24 : memref<3128x16xf32, #tpu.memory_space<hbm>>) target_semaphore(%run_scoped3A : memref<!tpu.dma_semaphore, #tpu.memory_space<semaphore_mem>>)
        %dma_wait3A = arith.constant 0 : i32
        %dma_wait3A_27 = tpu.memref_slice %arg7[%mul3A_0, %dma_wait3A] : memref<50048x16xf32, #tpu.memory_space<hbm>> -> memref<3128x16xf32, #tpu.memory_space<hbm>>
        %dma_wait3A_28 = arith.constant 0 : i32
        %dma_wait3A_29 = tpu.memref_slice %arg12[%mul3A_0, %dma_wait3A_28] : memref<50048x16xf32, #tpu.memory_space<vmem_shared>> -> memref<3128x16xf32, #tpu.memory_space<vmem_shared>>
        tpu.wait_dma2 semaphore(%run_scoped3A : memref<!tpu.dma_semaphore, #tpu.memory_space<semaphore_mem>>) src(%dma_wait3A_29 : memref<3128x16xf32, #tpu.memory_space<vmem_shared>>) dst(%dma_wait3A_27 : memref<3128x16xf32, #tpu.memory_space<hbm>>)
        tpu.yield
      }) : () -> ()
      %barrier3A_23 = arith.constant 0 : index
      tpu.barrier barrier_id(%barrier3A_23)
    } else {
    }
    %eq3A_3 = arith.constant 1 : i32
    %eq3A_4 = arith.cmpi eq, %arg0, %eq3A_3 : i32
    %convert_element_type3A_5 = arith.extui %eq3A_4 : i1 to i32
    %cond3A_6 = arith.constant 0 : i32
    %cond3A_7 = arith.cmpi ne, %convert_element_type3A_5, %cond3A_6 : i32
    scf.if %cond3A_7 {
      "tpu.region"() ({
        %run_scoped3A = tpu.sem_alloc : memref<!tpu.dma_semaphore, #tpu.memory_space<semaphore_mem>>
        %dma_start3A = arith.constant 0 : i32
        %dma_start3A_24 = tpu.memref_slice %arg12[%mul3A_0, %dma_start3A] : memref<50048x16xf32, #tpu.memory_space<vmem_shared>> -> memref<3128x16xf32, #tpu.memory_space<vmem_shared>>
        tpu.enqueue_dma source(%arg5 : memref<3128x16xf32, #tpu.memory_space<hbm>>) target(%dma_start3A_24 : memref<3128x16xf32, #tpu.memory_space<vmem_shared>>) target_semaphore(%run_scoped3A : memref<!tpu.dma_semaphore, #tpu.memory_space<semaphore_mem>>)
        %dma_wait3A = arith.constant 0 : i32
        %dma_wait3A_25 = tpu.memref_slice %arg12[%mul3A_0, %dma_wait3A] : memref<50048x16xf32, #tpu.memory_space<vmem_shared>> -> memref<3128x16xf32, #tpu.memory_space<vmem_shared>>
        tpu.wait_dma2 semaphore(%run_scoped3A : memref<!tpu.dma_semaphore, #tpu.memory_space<semaphore_mem>>) src(%arg5 : memref<3128x16xf32, #tpu.memory_space<hbm>>) dst(%dma_wait3A_25 : memref<3128x16xf32, #tpu.memory_space<vmem_shared>>)
        tpu.yield
      }) : () -> ()
      %barrier3A = arith.constant 0 : index
      tpu.barrier barrier_id(%barrier3A)
      %scan3A = arith.constant 0 : i32
      %scan3A_8 = arith.constant 0 : i32
      %scan3A_9 = arith.constant 25 : i32
      %scan3A_10 = arith.addi %scan3A_8, %scan3A_9 : i32
      %scan3A_11 = arith.constant 1 : i32
      scf.for %scan3A_24 = %scan3A_8 to %scan3A_10 step %scan3A_11  : i32 {
        %mul3A_25 = arith.constant 25000 : i32
        %mul3A_26 = arith.muli %arg1, %mul3A_25 : i32
        %mul3A_27 = arith.constant 1000 : i32
        %mul3A_28 = arith.muli %scan3A_24, %mul3A_27 : i32
        %add3A = arith.addi %mul3A_26, %mul3A_28 : i32
        "tpu.region"() ({
          %run_scoped3A = tpu.sem_alloc : memref<!tpu.dma_semaphore, #tpu.memory_space<semaphore_mem>>
          %dma_start3A = tpu.memref_slice %arg3[%add3A] : memref<400000xi32, #tpu.memory_space<hbm>> -> memref<1000xi32, #tpu.memory_space<hbm>>
          %dma_start3A_29 = tpu.memref_slice %arg3[%add3A] : memref<400000xi32, #tpu.memory_space<hbm>> -> memref<1000xi32, #tpu.memory_space<hbm>>
          tpu.enqueue_dma source(%dma_start3A_29 : memref<1000xi32, #tpu.memory_space<hbm>>) target(%arg10 : memref<1000xi32, #tpu.memory_space<vmem>>) target_semaphore(%run_scoped3A : memref<!tpu.dma_semaphore, #tpu.memory_space<semaphore_mem>>)
          %dma_wait3A = tpu.memref_slice %arg3[%add3A] : memref<400000xi32, #tpu.memory_space<hbm>> -> memref<1000xi32, #tpu.memory_space<hbm>>
          %dma_wait3A_30 = tpu.memref_slice %arg3[%add3A] : memref<400000xi32, #tpu.memory_space<hbm>> -> memref<1000xi32, #tpu.memory_space<hbm>>
          tpu.wait_dma2 semaphore(%run_scoped3A : memref<!tpu.dma_semaphore, #tpu.memory_space<semaphore_mem>>) src(%dma_wait3A_30 : memref<1000xi32, #tpu.memory_space<hbm>>) dst(%arg10 : memref<1000xi32, #tpu.memory_space<vmem>>)
          tpu.yield
        }) : () -> ()
        "tpu.region"() ({
          %run_scoped3A = tpu.sem_alloc : memref<!tpu.dma_semaphore, #tpu.memory_space<semaphore_mem>>
          %dma_start3A = arith.constant 32 : i32
          %dma_start3A_29 = tpu.memref_slice %arg2[%add3A, %dma_start3A] : memref<400000x128xf32, #tpu.memory_space<hbm>> -> memref<1000x16xf32, #tpu.memory_space<hbm>>
          %dma_start3A_30 = arith.constant 32 : i32
          %dma_start3A_31 = tpu.memref_slice %arg2[%add3A, %dma_start3A_30] : memref<400000x128xf32, #tpu.memory_space<hbm>> -> memref<1000x16xf32, #tpu.memory_space<hbm>>
          tpu.enqueue_dma source(%dma_start3A_31 : memref<1000x16xf32, #tpu.memory_space<hbm>>) target(%arg11 : memref<1000x16xf32, #tpu.memory_space<vmem>>) target_semaphore(%run_scoped3A : memref<!tpu.dma_semaphore, #tpu.memory_space<semaphore_mem>>)
          %dma_wait3A = arith.constant 32 : i32
          %dma_wait3A_32 = tpu.memref_slice %arg2[%add3A, %dma_wait3A] : memref<400000x128xf32, #tpu.memory_space<hbm>> -> memref<1000x16xf32, #tpu.memory_space<hbm>>
          %dma_wait3A_33 = arith.constant 32 : i32
          %dma_wait3A_34 = tpu.memref_slice %arg2[%add3A, %dma_wait3A_33] : memref<400000x128xf32, #tpu.memory_space<hbm>> -> memref<1000x16xf32, #tpu.memory_space<hbm>>
          tpu.wait_dma2 semaphore(%run_scoped3A : memref<!tpu.dma_semaphore, #tpu.memory_space<semaphore_mem>>) src(%dma_wait3A_34 : memref<1000x16xf32, #tpu.memory_space<hbm>>) dst(%arg11 : memref<1000x16xf32, #tpu.memory_space<vmem>>)
          tpu.yield
        }) : () -> ()
        "tpu.region"() ({
          %run_scoped3A = tpu.sem_alloc : memref<!tpu.dma_semaphore, #tpu.memory_space<semaphore_mem>>
          %dma_start3A = arith.constant 0 : i32
          %dma_start3A_29 = arith.constant 0 : i32
          %dma_start3A_30 = tpu.memref_slice %arg12[%dma_start3A, %dma_start3A_29] : memref<50048x16xf32, #tpu.memory_space<vmem_shared>> -> memref<50048x16xf32, #tpu.memory_space<vmem_shared>>
          tpu.enqueue_indirect_dma source(%arg11 : memref<1000x16xf32, #tpu.memory_space<vmem>>) target(%dma_start3A_30 : memref<50048x16xf32, #tpu.memory_space<vmem_shared>>) offsets(%arg10 : memref<1000xi32, #tpu.memory_space<vmem>>) semaphore(%run_scoped3A : memref<!tpu.dma_semaphore, #tpu.memory_space<semaphore_mem>>) {add = true}
          %dma_wait3A = arith.constant 0 : i32
          %dma_wait3A_31 = arith.constant 0 : i32
          %dma_wait3A_32 = tpu.memref_slice %arg12[%dma_wait3A, %dma_wait3A_31] : memref<50048x16xf32, #tpu.memory_space<vmem_shared>> -> memref<50048x16xf32, #tpu.memory_space<vmem_shared>>
          tpu.wait_indirect_dma semaphore(%run_scoped3A : memref<!tpu.dma_semaphore, #tpu.memory_space<semaphore_mem>>) src(%arg11 : memref<1000x16xf32, #tpu.memory_space<vmem>>) dst(%dma_wait3A_32 : memref<50048x16xf32, #tpu.memory_space<vmem_shared>>)
          tpu.yield
        }) : () -> ()
        "tpu.region"() ({
          %run_scoped3A = tpu.sem_alloc : memref<!tpu.dma_semaphore, #tpu.memory_space<semaphore_mem>>
          %dma_start3A = tpu.memref_slice %arg4[%add3A] : memref<400000xi32, #tpu.memory_space<hbm>> -> memref<1000xi32, #tpu.memory_space<hbm>>
          %dma_start3A_29 = tpu.memref_slice %arg4[%add3A] : memref<400000xi32, #tpu.memory_space<hbm>> -> memref<1000xi32, #tpu.memory_space<hbm>>
          tpu.enqueue_dma source(%dma_start3A_29 : memref<1000xi32, #tpu.memory_space<hbm>>) target(%arg10 : memref<1000xi32, #tpu.memory_space<vmem>>) target_semaphore(%run_scoped3A : memref<!tpu.dma_semaphore, #tpu.memory_space<semaphore_mem>>)
          %dma_wait3A = tpu.memref_slice %arg4[%add3A] : memref<400000xi32, #tpu.memory_space<hbm>> -> memref<1000xi32, #tpu.memory_space<hbm>>
          %dma_wait3A_30 = tpu.memref_slice %arg4[%add3A] : memref<400000xi32, #tpu.memory_space<hbm>> -> memref<1000xi32, #tpu.memory_space<hbm>>
          tpu.wait_dma2 semaphore(%run_scoped3A : memref<!tpu.dma_semaphore, #tpu.memory_space<semaphore_mem>>) src(%dma_wait3A_30 : memref<1000xi32, #tpu.memory_space<hbm>>) dst(%arg10 : memref<1000xi32, #tpu.memory_space<vmem>>)
          tpu.yield
        }) : () -> ()
        "tpu.region"() ({
          %run_scoped3A = tpu.sem_alloc : memref<!tpu.dma_semaphore, #tpu.memory_space<semaphore_mem>>
          %dma_start3A = arith.constant 96 : i32
          %dma_start3A_29 = tpu.memref_slice %arg2[%add3A, %dma_start3A] : memref<400000x128xf32, #tpu.memory_space<hbm>> -> memref<1000x16xf32, #tpu.memory_space<hbm>>
          %dma_start3A_30 = arith.constant 96 : i32
          %dma_start3A_31 = tpu.memref_slice %arg2[%add3A, %dma_start3A_30] : memref<400000x128xf32, #tpu.memory_space<hbm>> -> memref<1000x16xf32, #tpu.memory_space<hbm>>
          tpu.enqueue_dma source(%dma_start3A_31 : memref<1000x16xf32, #tpu.memory_space<hbm>>) target(%arg11 : memref<1000x16xf32, #tpu.memory_space<vmem>>) target_semaphore(%run_scoped3A : memref<!tpu.dma_semaphore, #tpu.memory_space<semaphore_mem>>)
          %dma_wait3A = arith.constant 96 : i32
          %dma_wait3A_32 = tpu.memref_slice %arg2[%add3A, %dma_wait3A] : memref<400000x128xf32, #tpu.memory_space<hbm>> -> memref<1000x16xf32, #tpu.memory_space<hbm>>
          %dma_wait3A_33 = arith.constant 96 : i32
          %dma_wait3A_34 = tpu.memref_slice %arg2[%add3A, %dma_wait3A_33] : memref<400000x128xf32, #tpu.memory_space<hbm>> -> memref<1000x16xf32, #tpu.memory_space<hbm>>
          tpu.wait_dma2 semaphore(%run_scoped3A : memref<!tpu.dma_semaphore, #tpu.memory_space<semaphore_mem>>) src(%dma_wait3A_34 : memref<1000x16xf32, #tpu.memory_space<hbm>>) dst(%arg11 : memref<1000x16xf32, #tpu.memory_space<vmem>>)
          tpu.yield
        }) : () -> ()
        "tpu.region"() ({
          %run_scoped3A = tpu.sem_alloc : memref<!tpu.dma_semaphore, #tpu.memory_space<semaphore_mem>>
          %dma_start3A = arith.constant 0 : i32
          %dma_start3A_29 = arith.constant 0 : i32
          %dma_start3A_30 = tpu.memref_slice %arg12[%dma_start3A, %dma_start3A_29] : memref<50048x16xf32, #tpu.memory_space<vmem_shared>> -> memref<50048x16xf32, #tpu.memory_space<vmem_shared>>
          tpu.enqueue_indirect_dma source(%arg11 : memref<1000x16xf32, #tpu.memory_space<vmem>>) target(%dma_start3A_30 : memref<50048x16xf32, #tpu.memory_space<vmem_shared>>) offsets(%arg10 : memref<1000xi32, #tpu.memory_space<vmem>>) semaphore(%run_scoped3A : memref<!tpu.dma_semaphore, #tpu.memory_space<semaphore_mem>>) {add = true}
          %dma_wait3A = arith.constant 0 : i32
          %dma_wait3A_31 = arith.constant 0 : i32
          %dma_wait3A_32 = tpu.memref_slice %arg12[%dma_wait3A, %dma_wait3A_31] : memref<50048x16xf32, #tpu.memory_space<vmem_shared>> -> memref<50048x16xf32, #tpu.memory_space<vmem_shared>>
          tpu.wait_indirect_dma semaphore(%run_scoped3A : memref<!tpu.dma_semaphore, #tpu.memory_space<semaphore_mem>>) src(%arg11 : memref<1000x16xf32, #tpu.memory_space<vmem>>) dst(%dma_wait3A_32 : memref<50048x16xf32, #tpu.memory_space<vmem_shared>>)
          tpu.yield
        }) : () -> ()
      }
      %scan3A_12 = arith.constant 25 : i32
      %barrier3A_13 = arith.constant 0 : index
      tpu.barrier barrier_id(%barrier3A_13)
      "tpu.region"() ({
        %run_scoped3A = tpu.sem_alloc : memref<!tpu.dma_semaphore, #tpu.memory_space<semaphore_mem>>
        %dma_start3A = arith.constant 0 : i32
        %dma_start3A_24 = tpu.memref_slice %arg8[%mul3A_0, %dma_start3A] : memref<50048x16xf32, #tpu.memory_space<hbm>> -> memref<3128x16xf32, #tpu.memory_space<hbm>>
        %dma_start3A_25 = arith.constant 0 : i32
        %dma_start3A_26 = tpu.memref_slice %arg12[%mul3A_0, %dma_start3A_25] : memref<50048x16xf32, #tpu.memory_space<vmem_shared>> -> memref<3128x16xf32, #tpu.memory_space<vmem_shared>>
        tpu.enqueue_dma source(%dma_start3A_26 : memref<3128x16xf32, #tpu.memory_space<vmem_shared>>) target(%dma_start3A_24 : memref<3128x16xf32, #tpu.memory_space<hbm>>) target_semaphore(%run_scoped3A : memref<!tpu.dma_semaphore, #tpu.memory_space<semaphore_mem>>)
        %dma_wait3A = arith.constant 0 : i32
        %dma_wait3A_27 = tpu.memref_slice %arg8[%mul3A_0, %dma_wait3A] : memref<50048x16xf32, #tpu.memory_space<hbm>> -> memref<3128x16xf32, #tpu.memory_space<hbm>>
        %dma_wait3A_28 = arith.constant 0 : i32
        %dma_wait3A_29 = tpu.memref_slice %arg12[%mul3A_0, %dma_wait3A_28] : memref<50048x16xf32, #tpu.memory_space<vmem_shared>> -> memref<3128x16xf32, #tpu.memory_space<vmem_shared>>
        tpu.wait_dma2 semaphore(%run_scoped3A : memref<!tpu.dma_semaphore, #tpu.memory_space<semaphore_mem>>) src(%dma_wait3A_29 : memref<3128x16xf32, #tpu.memory_space<vmem_shared>>) dst(%dma_wait3A_27 : memref<3128x16xf32, #tpu.memory_space<hbm>>)
        tpu.yield
      }) : () -> ()
      %barrier3A_14 = arith.constant 0 : index
      tpu.barrier barrier_id(%barrier3A_14)
      "tpu.region"() ({
        %run_scoped3A = tpu.sem_alloc : memref<!tpu.dma_semaphore, #tpu.memory_space<semaphore_mem>>
        %dma_start3A = arith.constant 0 : i32
        %dma_start3A_24 = tpu.memref_slice %arg12[%mul3A_0, %dma_start3A] : memref<50048x16xf32, #tpu.memory_space<vmem_shared>> -> memref<3128x16xf32, #tpu.memory_space<vmem_shared>>
        tpu.enqueue_dma source(%arg5 : memref<3128x16xf32, #tpu.memory_space<hbm>>) target(%dma_start3A_24 : memref<3128x16xf32, #tpu.memory_space<vmem_shared>>) target_semaphore(%run_scoped3A : memref<!tpu.dma_semaphore, #tpu.memory_space<semaphore_mem>>)
        %dma_wait3A = arith.constant 0 : i32
        %dma_wait3A_25 = tpu.memref_slice %arg12[%mul3A_0, %dma_wait3A] : memref<50048x16xf32, #tpu.memory_space<vmem_shared>> -> memref<3128x16xf32, #tpu.memory_space<vmem_shared>>
        tpu.wait_dma2 semaphore(%run_scoped3A : memref<!tpu.dma_semaphore, #tpu.memory_space<semaphore_mem>>) src(%arg5 : memref<3128x16xf32, #tpu.memory_space<hbm>>) dst(%dma_wait3A_25 : memref<3128x16xf32, #tpu.memory_space<vmem_shared>>)
        tpu.yield
      }) : () -> ()
      %barrier3A_15 = arith.constant 0 : index
      tpu.barrier barrier_id(%barrier3A_15)
      %scan3A_16 = arith.constant 0 : i32
      %scan3A_17 = arith.constant 0 : i32
      %scan3A_18 = arith.constant 25 : i32
      %scan3A_19 = arith.addi %scan3A_17, %scan3A_18 : i32
      %scan3A_20 = arith.constant 1 : i32
      scf.for %scan3A_24 = %scan3A_17 to %scan3A_19 step %scan3A_20  : i32 {
        %mul3A_25 = arith.constant 25000 : i32
        %mul3A_26 = arith.muli %arg1, %mul3A_25 : i32
        %mul3A_27 = arith.constant 1000 : i32
        %mul3A_28 = arith.muli %scan3A_24, %mul3A_27 : i32
        %add3A = arith.addi %mul3A_26, %mul3A_28 : i32
        "tpu.region"() ({
          %run_scoped3A = tpu.sem_alloc : memref<!tpu.dma_semaphore, #tpu.memory_space<semaphore_mem>>
          %dma_start3A = tpu.memref_slice %arg3[%add3A] : memref<400000xi32, #tpu.memory_space<hbm>> -> memref<1000xi32, #tpu.memory_space<hbm>>
          %dma_start3A_29 = tpu.memref_slice %arg3[%add3A] : memref<400000xi32, #tpu.memory_space<hbm>> -> memref<1000xi32, #tpu.memory_space<hbm>>
          tpu.enqueue_dma source(%dma_start3A_29 : memref<1000xi32, #tpu.memory_space<hbm>>) target(%arg10 : memref<1000xi32, #tpu.memory_space<vmem>>) target_semaphore(%run_scoped3A : memref<!tpu.dma_semaphore, #tpu.memory_space<semaphore_mem>>)
          %dma_wait3A = tpu.memref_slice %arg3[%add3A] : memref<400000xi32, #tpu.memory_space<hbm>> -> memref<1000xi32, #tpu.memory_space<hbm>>
          %dma_wait3A_30 = tpu.memref_slice %arg3[%add3A] : memref<400000xi32, #tpu.memory_space<hbm>> -> memref<1000xi32, #tpu.memory_space<hbm>>
          tpu.wait_dma2 semaphore(%run_scoped3A : memref<!tpu.dma_semaphore, #tpu.memory_space<semaphore_mem>>) src(%dma_wait3A_30 : memref<1000xi32, #tpu.memory_space<hbm>>) dst(%arg10 : memref<1000xi32, #tpu.memory_space<vmem>>)
          tpu.yield
        }) : () -> ()
        "tpu.region"() ({
          %run_scoped3A = tpu.sem_alloc : memref<!tpu.dma_semaphore, #tpu.memory_space<semaphore_mem>>
          %dma_start3A = arith.constant 48 : i32
          %dma_start3A_29 = tpu.memref_slice %arg2[%add3A, %dma_start3A] : memref<400000x128xf32, #tpu.memory_space<hbm>> -> memref<1000x16xf32, #tpu.memory_space<hbm>>
          %dma_start3A_30 = arith.constant 48 : i32
          %dma_start3A_31 = tpu.memref_slice %arg2[%add3A, %dma_start3A_30] : memref<400000x128xf32, #tpu.memory_space<hbm>> -> memref<1000x16xf32, #tpu.memory_space<hbm>>
          tpu.enqueue_dma source(%dma_start3A_31 : memref<1000x16xf32, #tpu.memory_space<hbm>>) target(%arg11 : memref<1000x16xf32, #tpu.memory_space<vmem>>) target_semaphore(%run_scoped3A : memref<!tpu.dma_semaphore, #tpu.memory_space<semaphore_mem>>)
          %dma_wait3A = arith.constant 48 : i32
          %dma_wait3A_32 = tpu.memref_slice %arg2[%add3A, %dma_wait3A] : memref<400000x128xf32, #tpu.memory_space<hbm>> -> memref<1000x16xf32, #tpu.memory_space<hbm>>
          %dma_wait3A_33 = arith.constant 48 : i32
          %dma_wait3A_34 = tpu.memref_slice %arg2[%add3A, %dma_wait3A_33] : memref<400000x128xf32, #tpu.memory_space<hbm>> -> memref<1000x16xf32, #tpu.memory_space<hbm>>
          tpu.wait_dma2 semaphore(%run_scoped3A : memref<!tpu.dma_semaphore, #tpu.memory_space<semaphore_mem>>) src(%dma_wait3A_34 : memref<1000x16xf32, #tpu.memory_space<hbm>>) dst(%arg11 : memref<1000x16xf32, #tpu.memory_space<vmem>>)
          tpu.yield
        }) : () -> ()
        "tpu.region"() ({
          %run_scoped3A = tpu.sem_alloc : memref<!tpu.dma_semaphore, #tpu.memory_space<semaphore_mem>>
          %dma_start3A = arith.constant 0 : i32
          %dma_start3A_29 = arith.constant 0 : i32
          %dma_start3A_30 = tpu.memref_slice %arg12[%dma_start3A, %dma_start3A_29] : memref<50048x16xf32, #tpu.memory_space<vmem_shared>> -> memref<50048x16xf32, #tpu.memory_space<vmem_shared>>
          tpu.enqueue_indirect_dma source(%arg11 : memref<1000x16xf32, #tpu.memory_space<vmem>>) target(%dma_start3A_30 : memref<50048x16xf32, #tpu.memory_space<vmem_shared>>) offsets(%arg10 : memref<1000xi32, #tpu.memory_space<vmem>>) semaphore(%run_scoped3A : memref<!tpu.dma_semaphore, #tpu.memory_space<semaphore_mem>>) {add = true}
          %dma_wait3A = arith.constant 0 : i32
          %dma_wait3A_31 = arith.constant 0 : i32
          %dma_wait3A_32 = tpu.memref_slice %arg12[%dma_wait3A, %dma_wait3A_31] : memref<50048x16xf32, #tpu.memory_space<vmem_shared>> -> memref<50048x16xf32, #tpu.memory_space<vmem_shared>>
          tpu.wait_indirect_dma semaphore(%run_scoped3A : memref<!tpu.dma_semaphore, #tpu.memory_space<semaphore_mem>>) src(%arg11 : memref<1000x16xf32, #tpu.memory_space<vmem>>) dst(%dma_wait3A_32 : memref<50048x16xf32, #tpu.memory_space<vmem_shared>>)
          tpu.yield
        }) : () -> ()
        "tpu.region"() ({
          %run_scoped3A = tpu.sem_alloc : memref<!tpu.dma_semaphore, #tpu.memory_space<semaphore_mem>>
          %dma_start3A = tpu.memref_slice %arg4[%add3A] : memref<400000xi32, #tpu.memory_space<hbm>> -> memref<1000xi32, #tpu.memory_space<hbm>>
          %dma_start3A_29 = tpu.memref_slice %arg4[%add3A] : memref<400000xi32, #tpu.memory_space<hbm>> -> memref<1000xi32, #tpu.memory_space<hbm>>
          tpu.enqueue_dma source(%dma_start3A_29 : memref<1000xi32, #tpu.memory_space<hbm>>) target(%arg10 : memref<1000xi32, #tpu.memory_space<vmem>>) target_semaphore(%run_scoped3A : memref<!tpu.dma_semaphore, #tpu.memory_space<semaphore_mem>>)
          %dma_wait3A = tpu.memref_slice %arg4[%add3A] : memref<400000xi32, #tpu.memory_space<hbm>> -> memref<1000xi32, #tpu.memory_space<hbm>>
          %dma_wait3A_30 = tpu.memref_slice %arg4[%add3A] : memref<400000xi32, #tpu.memory_space<hbm>> -> memref<1000xi32, #tpu.memory_space<hbm>>
          tpu.wait_dma2 semaphore(%run_scoped3A : memref<!tpu.dma_semaphore, #tpu.memory_space<semaphore_mem>>) src(%dma_wait3A_30 : memref<1000xi32, #tpu.memory_space<hbm>>) dst(%arg10 : memref<1000xi32, #tpu.memory_space<vmem>>)
          tpu.yield
        }) : () -> ()
        "tpu.region"() ({
          %run_scoped3A = tpu.sem_alloc : memref<!tpu.dma_semaphore, #tpu.memory_space<semaphore_mem>>
          %dma_start3A = arith.constant 112 : i32
          %dma_start3A_29 = tpu.memref_slice %arg2[%add3A, %dma_start3A] : memref<400000x128xf32, #tpu.memory_space<hbm>> -> memref<1000x16xf32, #tpu.memory_space<hbm>>
          %dma_start3A_30 = arith.constant 112 : i32
          %dma_start3A_31 = tpu.memref_slice %arg2[%add3A, %dma_start3A_30] : memref<400000x128xf32, #tpu.memory_space<hbm>> -> memref<1000x16xf32, #tpu.memory_space<hbm>>
          tpu.enqueue_dma source(%dma_start3A_31 : memref<1000x16xf32, #tpu.memory_space<hbm>>) target(%arg11 : memref<1000x16xf32, #tpu.memory_space<vmem>>) target_semaphore(%run_scoped3A : memref<!tpu.dma_semaphore, #tpu.memory_space<semaphore_mem>>)
          %dma_wait3A = arith.constant 112 : i32
          %dma_wait3A_32 = tpu.memref_slice %arg2[%add3A, %dma_wait3A] : memref<400000x128xf32, #tpu.memory_space<hbm>> -> memref<1000x16xf32, #tpu.memory_space<hbm>>
          %dma_wait3A_33 = arith.constant 112 : i32
          %dma_wait3A_34 = tpu.memref_slice %arg2[%add3A, %dma_wait3A_33] : memref<400000x128xf32, #tpu.memory_space<hbm>> -> memref<1000x16xf32, #tpu.memory_space<hbm>>
          tpu.wait_dma2 semaphore(%run_scoped3A : memref<!tpu.dma_semaphore, #tpu.memory_space<semaphore_mem>>) src(%dma_wait3A_34 : memref<1000x16xf32, #tpu.memory_space<hbm>>) dst(%arg11 : memref<1000x16xf32, #tpu.memory_space<vmem>>)
          tpu.yield
        }) : () -> ()
        "tpu.region"() ({
          %run_scoped3A = tpu.sem_alloc : memref<!tpu.dma_semaphore, #tpu.memory_space<semaphore_mem>>
          %dma_start3A = arith.constant 0 : i32
          %dma_start3A_29 = arith.constant 0 : i32
          %dma_start3A_30 = tpu.memref_slice %arg12[%dma_start3A, %dma_start3A_29] : memref<50048x16xf32, #tpu.memory_space<vmem_shared>> -> memref<50048x16xf32, #tpu.memory_space<vmem_shared>>
          tpu.enqueue_indirect_dma source(%arg11 : memref<1000x16xf32, #tpu.memory_space<vmem>>) target(%dma_start3A_30 : memref<50048x16xf32, #tpu.memory_space<vmem_shared>>) offsets(%arg10 : memref<1000xi32, #tpu.memory_space<vmem>>) semaphore(%run_scoped3A : memref<!tpu.dma_semaphore, #tpu.memory_space<semaphore_mem>>) {add = true}
          %dma_wait3A = arith.constant 0 : i32
          %dma_wait3A_31 = arith.constant 0 : i32
          %dma_wait3A_32 = tpu.memref_slice %arg12[%dma_wait3A, %dma_wait3A_31] : memref<50048x16xf32, #tpu.memory_space<vmem_shared>> -> memref<50048x16xf32, #tpu.memory_space<vmem_shared>>
          tpu.wait_indirect_dma semaphore(%run_scoped3A : memref<!tpu.dma_semaphore, #tpu.memory_space<semaphore_mem>>) src(%arg11 : memref<1000x16xf32, #tpu.memory_space<vmem>>) dst(%dma_wait3A_32 : memref<50048x16xf32, #tpu.memory_space<vmem_shared>>)
          tpu.yield
        }) : () -> ()
      }
      %scan3A_21 = arith.constant 25 : i32
      %barrier3A_22 = arith.constant 0 : index
      tpu.barrier barrier_id(%barrier3A_22)
      "tpu.region"() ({
        %run_scoped3A = tpu.sem_alloc : memref<!tpu.dma_semaphore, #tpu.memory_space<semaphore_mem>>
        %dma_start3A = arith.constant 0 : i32
        %dma_start3A_24 = tpu.memref_slice %arg9[%mul3A_0, %dma_start3A] : memref<50048x16xf32, #tpu.memory_space<hbm>> -> memref<3128x16xf32, #tpu.memory_space<hbm>>
        %dma_start3A_25 = arith.constant 0 : i32
        %dma_start3A_26 = tpu.memref_slice %arg12[%mul3A_0, %dma_start3A_25] : memref<50048x16xf32, #tpu.memory_space<vmem_shared>> -> memref<3128x16xf32, #tpu.memory_space<vmem_shared>>
        tpu.enqueue_dma source(%dma_start3A_26 : memref<3128x16xf32, #tpu.memory_space<vmem_shared>>) target(%dma_start3A_24 : memref<3128x16xf32, #tpu.memory_space<hbm>>) target_semaphore(%run_scoped3A : memref<!tpu.dma_semaphore, #tpu.memory_space<semaphore_mem>>)
        %dma_wait3A = arith.constant 0 : i32
        %dma_wait3A_27 = tpu.memref_slice %arg9[%mul3A_0, %dma_wait3A] : memref<50048x16xf32, #tpu.memory_space<hbm>> -> memref<3128x16xf32, #tpu.memory_space<hbm>>
        %dma_wait3A_28 = arith.constant 0 : i32
        %dma_wait3A_29 = tpu.memref_slice %arg12[%mul3A_0, %dma_wait3A_28] : memref<50048x16xf32, #tpu.memory_space<vmem_shared>> -> memref<3128x16xf32, #tpu.memory_space<vmem_shared>>
        tpu.wait_dma2 semaphore(%run_scoped3A : memref<!tpu.dma_semaphore, #tpu.memory_space<semaphore_mem>>) src(%dma_wait3A_29 : memref<3128x16xf32, #tpu.memory_space<vmem_shared>>) dst(%dma_wait3A_27 : memref<3128x16xf32, #tpu.memory_space<hbm>>)
        tpu.yield
      }) : () -> ()
      %barrier3A_23 = arith.constant 0 : index
      tpu.barrier barrier_id(%barrier3A_23)
    } else {
    }
    return
  }
}

module attributes {stable_mosaic.version = 14 : i64} {
  func.func @_edge_body(%arg0: i32, %arg1: i32, %arg2: memref<4000x128xf32, #tpu.memory_space<vmem>>, %arg3: memref<4000x41xf32, #tpu.memory_space<vmem>>, %arg4: memref<41x128xf32, #tpu.memory_space<vmem>>, %arg5: memref<1x128xf32, #tpu.memory_space<vmem>>, %arg6: memref<1x128xf32, #tpu.memory_space<vmem>>, %arg7: memref<1x128xf32, #tpu.memory_space<vmem>>, %arg8: memref<2000x128xf32, #tpu.memory_space<vmem>>, %arg9: memref<8x128xf32, #tpu.memory_space<vmem>>) attributes {dimension_semantics = [#tpu.dimension_semantics<arbitrary>, #tpu.dimension_semantics<arbitrary>], iteration_bounds = array<i64: 2, 200>, scalar_prefetch = 0 : i64, scratch_operands = 1 : i64, tpu.core_type = #tpu.core_type<tc>, window_params = [{transform_indices = @transform_0, window_bounds = array<i64: 4000, 128>}, {transform_indices = @transform_1, window_bounds = array<i64: 4000, 41>}, {pipeline_mode = #tpu.pipeline_mode<synchronous>, transform_indices = @transform_2, window_bounds = array<i64: 41, 128>}, {pipeline_mode = #tpu.pipeline_mode<synchronous>, transform_indices = @transform_3, window_bounds = array<i64: 1, 128>}, {pipeline_mode = #tpu.pipeline_mode<synchronous>, transform_indices = @transform_4, window_bounds = array<i64: 1, 128>}, {pipeline_mode = #tpu.pipeline_mode<synchronous>, transform_indices = @transform_5, window_bounds = array<i64: 1, 128>}, {transform_indices = @transform_6, window_bounds = array<i64: 2000, 128>}]} {
    %eq3A = arith.constant 0 : i32
    %eq3A_0 = arith.cmpi eq, %arg0, %eq3A : i32
    %eq3A_1 = arith.constant 0 : i32
    %eq3A_2 = arith.cmpi eq, %arg1, %eq3A_1 : i32
    %and3A = arith.andi %eq3A_0, %eq3A_2 : i1
    %convert_element_type3A = arith.extui %and3A : i1 to i32
    %cond3A = arith.constant 0 : i32
    %cond3A_3 = arith.cmpi ne, %convert_element_type3A, %cond3A : i32
    scf.if %cond3A_3 {
      %broadcast_in_dim3A = arith.constant 0.000000e+00 : f32
      %broadcast_in_dim3A_28 = vector.broadcast %broadcast_in_dim3A : f32 to vector<8x128xf32>
      %swap3A = arith.constant 0 : index
      %swap3A_29 = arith.constant 0 : index
      %swap3A_30 = vector.load %arg9[%swap3A, %swap3A_29] : memref<8x128xf32, #tpu.memory_space<vmem>>, vector<8x128xf32>
      tpu.vector_store %arg9[%swap3A, %swap3A_29], %broadcast_in_dim3A_28 {strides = array<i32>} : memref<8x128xf32, #tpu.memory_space<vmem>>, vector<8x128xf32>,
    } else {
    }
    %get3A = arith.constant 0 : index
    %get3A_4 = arith.constant 0 : index
    %get3A_5 = vector.load %arg2[%get3A, %get3A_4] : memref<4000x128xf32, #tpu.memory_space<vmem>>, vector<4000x128xf32>
    %get3A_6 = arith.constant 0 : index
    %get3A_7 = arith.constant 0 : index
    %get3A_8 = vector.load %arg3[%get3A_6, %get3A_7] : memref<4000x41xf32, #tpu.memory_space<vmem>>, vector<4000x41xf32>
    %get3A_9 = arith.constant 0 : index
    %get3A_10 = arith.constant 0 : index
    %get3A_11 = vector.load %arg4[%get3A_9, %get3A_10] : memref<41x128xf32, #tpu.memory_space<vmem>>, vector<41x128xf32>
    %dot_general3A = arith.constant dense<0.000000e+00> : vector<4000x128xf32>
    %dot_general3A_12 = tpu.matmul %get3A_8, %get3A_11, %dot_general3A {dimension_numbers = #tpu.dot_dimension_numbers<[1], [0], [0], [1], [0, 0, 1, 1], [], []>, transpose_lhs_hint = false} : vector<4000x41xf32>, vector<41x128xf32>, vector<4000x128xf32> -> vector<4000x128xf32>
    %add3A = arith.addf %get3A_5, %dot_general3A_12 : vector<4000x128xf32>
    %get3A_13 = arith.constant 0 : index
    %get3A_14 = arith.constant 0 : index
    %get3A_15 = vector.load %arg5[%get3A_13, %get3A_14] : memref<1x128xf32, #tpu.memory_space<vmem>>, vector<1x128xf32>
    %add3A_16 = vector.broadcast %get3A_15 : vector<1x128xf32> to vector<4000x128xf32>
    %add3A_17 = arith.addf %add3A, %add3A_16 : vector<4000x128xf32>
    %eq3A_18 = arith.constant 0 : i32
    %eq3A_19 = arith.cmpi eq, %arg0, %eq3A_18 : i32
    %convert_element_type3A_20 = arith.extui %eq3A_19 : i1 to i32
    %cond3A_21 = arith.constant 0 : i32
    %cond3A_22 = arith.cmpi ne, %convert_element_type3A_20, %cond3A_21 : i32
    scf.if %cond3A_22 {
      %get3A_28 = arith.constant 0 : index
      %get3A_29 = arith.constant 0 : index
      %get3A_30 = vector.load %arg9[%get3A_28, %get3A_29] : memref<8x128xf32, #tpu.memory_space<vmem>>, vector<1x128xf32>
      %reduce_sum3A = arith.constant dense<0.000000e+00> : vector<128xf32>
      %reduce_sum3A_31 = vector.multi_reduction <add>, %add3A_17, %reduce_sum3A [0] : vector<4000x128xf32> to vector<128xf32>
      %broadcast_in_dim3A = vector.shape_cast %reduce_sum3A_31 : vector<128xf32> to vector<1x128xf32>
      %add3A_32 = arith.addf %get3A_30, %broadcast_in_dim3A : vector<1x128xf32>
      %swap3A = arith.constant 0 : index
      %swap3A_33 = arith.constant 0 : index
      %swap3A_34 = vector.load %arg9[%swap3A, %swap3A_33] : memref<8x128xf32, #tpu.memory_space<vmem>>, vector<1x128xf32>
      tpu.vector_store %arg9[%swap3A, %swap3A_33], %add3A_32 {strides = array<i32>} : memref<8x128xf32, #tpu.memory_space<vmem>>, vector<1x128xf32>,
      %get3A_35 = arith.constant 1 : index
      %get3A_36 = arith.constant 0 : index
      %get3A_37 = vector.load %arg9[%get3A_35, %get3A_36] : memref<8x128xf32, #tpu.memory_space<vmem>>, vector<1x128xf32>
      %mul3A = arith.mulf %add3A_17, %add3A_17 : vector<4000x128xf32>
      %reduce_sum3A_38 = arith.constant dense<0.000000e+00> : vector<128xf32>
      %reduce_sum3A_39 = vector.multi_reduction <add>, %mul3A, %reduce_sum3A_38 [0] : vector<4000x128xf32> to vector<128xf32>
      %broadcast_in_dim3A_40 = vector.shape_cast %reduce_sum3A_39 : vector<128xf32> to vector<1x128xf32>
      %add3A_41 = arith.addf %get3A_37, %broadcast_in_dim3A_40 : vector<1x128xf32>
      %swap3A_42 = arith.constant 1 : index
      %swap3A_43 = arith.constant 0 : index
      %swap3A_44 = vector.load %arg9[%swap3A_42, %swap3A_43] : memref<8x128xf32, #tpu.memory_space<vmem>>, vector<1x128xf32>
      tpu.vector_store %arg9[%swap3A_42, %swap3A_43], %add3A_41 {strides = array<i32>} : memref<8x128xf32, #tpu.memory_space<vmem>>, vector<1x128xf32>,
    } else {
    }
    %eq3A_23 = arith.constant 1 : i32
    %eq3A_24 = arith.cmpi eq, %arg0, %eq3A_23 : i32
    %convert_element_type3A_25 = arith.extui %eq3A_24 : i1 to i32
    %cond3A_26 = arith.constant 0 : i32
    %cond3A_27 = arith.cmpi ne, %convert_element_type3A_25, %cond3A_26 : i32
    scf.if %cond3A_27 {
      %eq3A_28 = arith.constant 0 : i32
      %eq3A_29 = arith.cmpi eq, %arg1, %eq3A_28 : i32
      %convert_element_type3A_30 = arith.extui %eq3A_29 : i1 to i32
      %cond3A_31 = arith.constant 0 : i32
      %cond3A_32 = arith.cmpi ne, %convert_element_type3A_30, %cond3A_31 : i32
      scf.if %cond3A_32 {
        %get3A_58 = arith.constant 0 : index
        %get3A_59 = arith.constant 0 : index
        %get3A_60 = vector.load %arg9[%get3A_58, %get3A_59] : memref<8x128xf32, #tpu.memory_space<vmem>>, vector<1x128xf32>
        %div3A = arith.constant 8.000000e+05 : f32
        %div3A_61 = vector.broadcast %div3A : f32 to vector<1x128xf32>
        %div3A_62 = arith.divf %get3A_60, %div3A_61 : vector<1x128xf32>
        %get3A_63 = arith.constant 1 : index
        %get3A_64 = arith.constant 0 : index
        %get3A_65 = vector.load %arg9[%get3A_63, %get3A_64] : memref<8x128xf32, #tpu.memory_space<vmem>>, vector<1x128xf32>
        %div3A_66 = arith.constant 8.000000e+05 : f32
        %div3A_67 = vector.broadcast %div3A_66 : f32 to vector<1x128xf32>
        %div3A_68 = arith.divf %get3A_65, %div3A_67 : vector<1x128xf32>
        %mul3A_69 = arith.mulf %div3A_62, %div3A_62 : vector<1x128xf32>
        %sub3A = arith.subf %div3A_68, %mul3A_69 : vector<1x128xf32>
        %get3A_70 = arith.constant 0 : index
        %get3A_71 = arith.constant 0 : index
        %get3A_72 = vector.load %arg6[%get3A_70, %get3A_71] : memref<1x128xf32, #tpu.memory_space<vmem>>, vector<1x128xf32>
        %add3A_73 = arith.constant 9.99999974E-6 : f32
        %add3A_74 = vector.broadcast %add3A_73 : f32 to vector<1x128xf32>
        %add3A_75 = arith.addf %sub3A, %add3A_74 : vector<1x128xf32>
        %sqrt3A = math.sqrt %add3A_75 : vector<1x128xf32>
        %div3A_76 = arith.divf %get3A_72, %sqrt3A : vector<1x128xf32>
        %swap3A_77 = arith.constant 2 : index
        %swap3A_78 = arith.constant 0 : index
        %swap3A_79 = vector.load %arg9[%swap3A_77, %swap3A_78] : memref<8x128xf32, #tpu.memory_space<vmem>>, vector<1x128xf32>
        tpu.vector_store %arg9[%swap3A_77, %swap3A_78], %div3A_76 {strides = array<i32>} : memref<8x128xf32, #tpu.memory_space<vmem>>, vector<1x128xf32>,
        %get3A_80 = arith.constant 0 : index
        %get3A_81 = arith.constant 0 : index
        %get3A_82 = vector.load %arg7[%get3A_80, %get3A_81] : memref<1x128xf32, #tpu.memory_space<vmem>>, vector<1x128xf32>
        %mul3A_83 = arith.mulf %div3A_62, %div3A_76 : vector<1x128xf32>
        %sub3A_84 = arith.subf %get3A_82, %mul3A_83 : vector<1x128xf32>
        %swap3A_85 = arith.constant 3 : index
        %swap3A_86 = arith.constant 0 : index
        %swap3A_87 = vector.load %arg9[%swap3A_85, %swap3A_86] : memref<8x128xf32, #tpu.memory_space<vmem>>, vector<1x128xf32>
        tpu.vector_store %arg9[%swap3A_85, %swap3A_86], %sub3A_84 {strides = array<i32>} : memref<8x128xf32, #tpu.memory_space<vmem>>, vector<1x128xf32>,
      } else {
      }
      %get3A_33 = arith.constant 2 : index
      %get3A_34 = arith.constant 0 : index
      %get3A_35 = vector.load %arg9[%get3A_33, %get3A_34] : memref<8x128xf32, #tpu.memory_space<vmem>>, vector<1x128xf32>
      %mul3A = vector.broadcast %get3A_35 : vector<1x128xf32> to vector<4000x128xf32>
      %mul3A_36 = arith.mulf %add3A_17, %mul3A : vector<4000x128xf32>
      %get3A_37 = arith.constant 3 : index
      %get3A_38 = arith.constant 0 : index
      %get3A_39 = vector.load %arg9[%get3A_37, %get3A_38] : memref<8x128xf32, #tpu.memory_space<vmem>>, vector<1x128xf32>
      %add3A_40 = vector.broadcast %get3A_39 : vector<1x128xf32> to vector<4000x128xf32>
      %add3A_41 = arith.addf %mul3A_36, %add3A_40 : vector<4000x128xf32>
      %slice3A = vector.extract_strided_slice %add3A_41 {offsets = [0, 0], sizes = [4000, 64], strides = [1, 1]} : vector<4000x128xf32> to vector<4000x64xf32>
      %logistic3A = arith.negf %slice3A : vector<4000x64xf32>
      %logistic3A_42 = math.exp %logistic3A : vector<4000x64xf32>
      %logistic3A_43 = arith.constant 1.000000e+00 : f32
      %logistic3A_44 = vector.broadcast %logistic3A_43 : f32 to vector<4000x64xf32>
      %logistic3A_45 = arith.addf %logistic3A_44, %logistic3A_42 : vector<4000x64xf32>
      %logistic3A_46 = arith.divf %logistic3A_44, %logistic3A_45 : vector<4000x64xf32>
      %slice3A_47 = vector.extract_strided_slice %add3A_41 {offsets = [0, 64], sizes = [4000, 64], strides = [1, 1]} : vector<4000x128xf32> to vector<4000x64xf32>
      %max3A = arith.constant 0.000000e+00 : f32
      %max3A_48 = vector.broadcast %max3A : f32 to vector<4000x64xf32>
      %max3A_49 = arith.maximumf %slice3A_47, %max3A_48 : vector<4000x64xf32>
      %abs3A = math.absf %slice3A_47 : vector<4000x64xf32>
      %neg3A = arith.constant 0.000000e+00 : f32
      %neg3A_50 = vector.broadcast %neg3A : f32 to vector<4000x64xf32>
      %neg3A_51 = arith.subf %neg3A_50, %abs3A : vector<4000x64xf32>
      %exp3A = math.exp %neg3A_51 : vector<4000x64xf32>
      %log1p3A = math.log1p %exp3A : vector<4000x64xf32>
      %add3A_52 = arith.addf %max3A_49, %log1p3A : vector<4000x64xf32>
      %mul3A_53 = arith.mulf %logistic3A_46, %add3A_52 : vector<4000x64xf32>
      %slice3A_54 = vector.extract_strided_slice %mul3A_53 {offsets = [0, 0], sizes = [2000, 64], strides = [1, 1]} : vector<4000x64xf32> to vector<2000x64xf32>
      %slice3A_55 = vector.extract_strided_slice %mul3A_53 {offsets = [2000, 0], sizes = [2000, 64], strides = [1, 1]} : vector<4000x64xf32> to vector<2000x64xf32>
      %concatenate3A = tpu.concatenate %slice3A_54, %slice3A_55 in 1 : vector<2000x64xf32>, vector<2000x64xf32> -> vector<2000x128xf32>
      %swap3A = arith.constant 0 : index
      %swap3A_56 = arith.constant 0 : index
      %swap3A_57 = vector.load %arg8[%swap3A, %swap3A_56] : memref<2000x128xf32, #tpu.memory_space<vmem>>, vector<2000x128xf32>
      tpu.vector_store %arg8[%swap3A, %swap3A_56], %concatenate3A {strides = array<i32>} : memref<2000x128xf32, #tpu.memory_space<vmem>>, vector<2000x128xf32>,
    } else {
    }
    return
  }
  func.func @transform_0(%arg0: i32, %arg1: i32) -> (i32, i32) {
    %c0_i32 = arith.constant 0 : i32
    %c0_i32_0 = arith.constant 0 : i32
    return %arg1, %c0_i32 : i32, i32
  }
  func.func @transform_1(%arg0: i32, %arg1: i32) -> (i32, i32) {
    %c0_i32 = arith.constant 0 : i32
    %c0_i32_0 = arith.constant 0 : i32
    return %arg1, %c0_i32 : i32, i32
  }
  func.func @transform_2(%arg0: i32, %arg1: i32) -> (i32, i32) {
    %c0_i32 = arith.constant 0 : i32
    %c0_i32_0 = arith.constant 0 : i32
    %c0_i32_1 = arith.constant 0 : i32
    return %c0_i32, %c0_i32_0 : i32, i32
  }
  func.func @transform_3(%arg0: i32, %arg1: i32) -> (i32, i32) {
    %c0_i32 = arith.constant 0 : i32
    %c0_i32_0 = arith.constant 0 : i32
    %c0_i32_1 = arith.constant 0 : i32
    return %c0_i32, %c0_i32_0 : i32, i32
  }
  func.func @transform_4(%arg0: i32, %arg1: i32) -> (i32, i32) {
    %c0_i32 = arith.constant 0 : i32
    %c0_i32_0 = arith.constant 0 : i32
    %c0_i32_1 = arith.constant 0 : i32
    return %c0_i32, %c0_i32_0 : i32, i32
  }
  func.func @transform_5(%arg0: i32, %arg1: i32) -> (i32, i32) {
    %c0_i32 = arith.constant 0 : i32
    %c0_i32_0 = arith.constant 0 : i32
    %c0_i32_1 = arith.constant 0 : i32
    return %c0_i32, %c0_i32_0 : i32, i32
  }
  func.func @transform_6(%arg0: i32, %arg1: i32) -> (i32, i32) {
    %eq3A = arith.constant 1 : i32
    %eq3A_0 = arith.cmpi eq, %arg0, %eq3A : i32
    %jit3A = arith.constant 0 : i32
    %select_n3A = arith.select %eq3A_0, %arg1, %jit3A : i32
    %c0_i32 = arith.constant 0 : i32
    %c0_i32_1 = arith.constant 0 : i32
    return %select_n3A, %c0_i32 : i32, i32
  }
}

</mosaic_0001>

<sc_bundles>
// kernel: kernel.11.cloned.1.call-start
scs
__scs_entry_jumppad:
0x0: {  	(pc) =	sbr.rel $0x88, $3  }
0x1: {  	(tag) =	ssettag $0x0;
	lr =	simm.s32 $0x1  }
0x2: {  	[smem:$0x3F91] =	sst lr;
	_ =	strace $0xD0000000  }
0x3: {  	_ = 	snop  }
0x4: {  	_ = 	snop  }
0x5: {  	_ = 	snop  }
0x6: {  	_ = 	snop  }
0x7: {  	_ = 	snop  }
__scs_overlays_trampoline_lowered:
0x8: {  	[smem:$0x3FA0] =	sst s0  }
0x9: {  	[smem:$0x3FA1] =	sst s1  }
0xa: {  	[smem:$0x3FA2] =	sst s2  }
0xb: {  	[smem:$0x3FA3] =	sst s3  }
0xc: {  	[smem:$0x3FA4] =	sst s4  }
0xd: {  	[smem:$0x3FA5] =	sst s5  }
0xe: {  	[smem:$0x3FA6] =	sst s6  }
0xf: {  	[smem:$0x3FA7] =	sst s7  }
0x10: {  	[smem:$0x3FA8] =	sst s8  }
0x11: {  	[smem:$0x3FA9] =	sst s9;
	s0 =	simm.s32 @!p0 $0x0  }
0x12: {  	s1 =	sld [smem:$0x3F8F];
	s0 =	simm.s32 @p0 $0x1  }
0x13: {  	[smem:$0x3FAA] =	sst s0;
	s0 =	simm.s32 @!p1 $0x0  }
0x14: {  	s2 =	sld [smem:$0x3F8E];
	s0 =	simm.s32 @p1 $0x1  }
0x15: {  	[smem:$0x3FAB] =	sst s0;
	s0 =	simm.s32 @!p2 $0x0  }
0x16: {  	s3 =	sld [smem:$0x3FDB];
	s0 =	simm.s32 @p2 $0x1  }
0x17: {  	s4 =	simm.s32 $0x1BF5;
	[smem:$0x3FAD] =	sst s0  }
0x18: {  	s0 =	sld [smem:$0x3F90];
	_ =	swait.ge [sflag:s4], $0x0  }
0x19: {  	s7 =	sld [smem:$0x3F91]  }
0x1a: {  	s8 =	sadd.s32 $0xFFFFE003, lr  }
0x1b: {  	s9 =	sadd.s32 $0xFFFFFEF7, lr;
	s5 =	simm.s32 $0xFFFFFFFF;
	p2 =	slt.u32 s8, $0xFFFFF086  }
0x1c: {  	p1 =	slt.u32 s9, $0xF7A;
	s5 =	simm.s32 @!p2 $0x0  }
0x1d: {  	s5 =	simm.s32 @p1 $0x1;
	p0 =	seq.s32 s7, s2  }
0x1e: {  	s7 =	smul.u32 @!p0 $0xF7A, s2;
	p2 =	seq.s32 @!p0 s5, $0x0  }
0x1f: {  	s9 =	smul.u32 $0xF7A, s1;
	s8 =	simm.s32 @!p0 $0x1BF5;
	p2 =	por !p2, p0  }
0x20: {  	[sflag:s8] =	ssyncset.s32 @!p0 $0xFFFFF086;
	s6 =	sadd.s32 @!p0 s3, s7;
	s7 =	simm.s32 @!p0 $0x108  }
0x21: {  	s3 =	sadd.s32 s3, s9;
	s6 =	sadd.s32 @!p0 $0x88, s6;
	s7 =	simm.s32 @p2 $0x1082  }
0x22: {  	[simem:s7], [sflag:s8] =	dma.local @!p0 [hbm:s6], $0xF7A  }
0x23: {  	s9 =	sor.u32 $0xD0000000, s2;
	s6 =	simm.s32 $0x108;
	_ =	swait.ge @!p0 [sflag:s8], $0x0  }
0x24: {  	s3 =	sadd.s32 $0x88, s3;
	s6 =	simm.s32 @!p1 $0x1082;
	[sflag:s4] =	ssyncset.s32 $0xFFFFF086  }
0x25: {  	[simem:s6], [sflag:s4] =	dma.local [hbm:s3], $0xF7A  }
0x26: {  	[smem:$0x3F91] =	sst s1;
	(tag) =	ssettag s2;
	_ =	strace s9  }
0x27: {  	s1 =	sld [smem:$0x3FA1]  }
0x28: {  	s2 =	sld [smem:$0x3FA2]  }
0x29: {  	s4 =	sld [smem:$0x3FA4]  }
0x2a: {  	p0 =	seq.s32 s5, $0x0;
	s5 =	sld [smem:$0x3FA5]  }
0x2b: {  	s6 =	sld [smem:$0x3FA6]  }
0x2c: {  	s7 =	sld [smem:$0x3FA7]  }
0x2d: {  	s3 =	simm.s32 $0x108;
	s8 =	sld [smem:$0x3FA8]  }
0x2e: {  	s3 =	simm.s32 @!p0 $0x1082;
	s9 =	sld [smem:$0x3FA9]  }
0x2f: {  	lr =	sadd.s32 s0, s3;
	s0 =	sld [smem:$0x3FA0]  }
0x30: {  	s3 =	sld [smem:$0x3FA3]  }
0x31: {  	[smem:$0x3FAC] =	sst s10  }
0x32: {  	s10 =	sld [smem:$0x3FAA];
	_ =	sdelay $0x3  }
0x33: {  	p0 =	seq.s32 s10, $0x1;
	s10 =	sld [smem:$0x3FAC];
	_ =	sdelay $0x3  }
0x34: {  	[smem:$0x3FAC] =	sst s10  }
0x35: {  	s10 =	sld [smem:$0x3FAB];
	_ =	sdelay $0x3  }
0x36: {  	p1 =	seq.s32 s10, $0x1;
	s10 =	sld [smem:$0x3FAC];
	_ =	sdelay $0x3  }
0x37: {  	[smem:$0x3FAC] =	sst s10  }
0x38: {  	s10 =	sld [smem:$0x3FAD]  }
0x39: {  	_ = 	snop;
	(pc) =	sbr.ind lr, $3  }
0x3a: {  	_ = 	snop  }
0x3b: {  	_ = 	snop  }
0x3c: {  	p2 =	seq.s32 s10, $0x1;
	s10 =	sld [smem:$0x3FAC]  }
0x3d: {  	_ =	shalt  }
0x3e: {  	_ =	shalt  }
0x3f: {  	_ =	shalt  }
0x40: {  	_ =	shalt  }
0x41: {  	_ =	shalt  }
0x42: {  	_ =	shalt  }
0x43: {  	_ =	shalt  }
0x44: {  	_ =	shalt  }
0x45: {  	_ =	shalt  }
0x46: {  	_ =	shalt  }
0x47: {  	_ =	shalt  }
0x48: {  	_ =	shalt  }
0x49: {  	_ =	shalt  }
0x4a: {  	_ =	shalt  }
0x4b: {  	_ =	shalt  }
0x4c: {  	_ =	shalt  }
0x4d: {  	_ =	shalt  }
0x4e: {  	_ =	shalt  }
0x4f: {  	_ =	shalt  }
0x50: {  	_ =	shalt  }
0x51: {  	_ =	shalt  }
0x52: {  	_ =	shalt  }
0x53: {  	_ =	shalt  }
0x54: {  	_ =	shalt  }
0x55: {  	_ =	shalt  }
0x56: {  	_ =	shalt  }
0x57: {  	_ =	shalt  }
0x58: {  	_ =	shalt  }
0x59: {  	_ =	shalt  }
0x5a: {  	_ =	shalt  }
0x5b: {  	_ =	shalt  }
0x5c: {  	_ =	shalt  }
0x5d: {  	_ =	shalt  }
0x5e: {  	_ =	shalt  }
0x5f: {  	_ =	shalt  }
0x60: {  	_ =	shalt  }
0x61: {  	_ =	shalt  }
0x62: {  	_ =	shalt  }
0x63: {  	_ =	shalt  }
0x64: {  	_ =	shalt  }
0x65: {  	_ =	shalt  }
0x66: {  	_ =	shalt  }
0x67: {  	_ =	shalt  }
0x68: {  	_ =	shalt  }
0x69: {  	_ =	shalt  }
0x6a: {  	_ =	shalt  }
0x6b: {  	_ =	shalt  }
0x6c: {  	_ =	shalt  }
0x6d: {  	_ =	shalt  }
0x6e: {  	_ =	shalt  }
0x6f: {  	_ =	shalt  }
0x70: {  	_ =	shalt  }
0x71: {  	_ =	shalt  }
0x72: {  	_ =	shalt  }
0x73: {  	_ =	shalt  }
0x74: {  	_ =	shalt  }
0x75: {  	_ =	shalt  }
0x76: {  	_ =	shalt  }
0x77: {  	_ =	shalt  }
0x78: {  	_ =	shalt  }
0x79: {  	_ =	shalt  }
0x7a: {  	_ =	shalt  }
0x7b: {  	_ =	shalt  }
0x7c: {  	_ =	shalt  }
0x7d: {  	_ =	shalt  }
0x7e: {  	_ =	shalt  }
0x7f: {  	_ =	shalt  }
0x80: {  	_ =	shalt  }
0x81: {  	_ =	shalt  }
0x82: {  	_ =	shalt  }
0x83: {  	_ =	shalt  }
0x84: {  	_ =	shalt  }
0x85: {  	_ =	shalt  }
0x86: {  	_ =	shalt  }
0x87: {  	_ =	shalt  }
.Lfunc_end0:
.L_simem_size_0:
called_computation.2_lowered:
.L_overlay_start_0:
0x88: {  	s2 =	sld [smem:$0x3FD9]  }
0x89: {  	s3 =	sld [smem:$0x3FFE];
	_ =	sdelay $0x1  }
0x8a: {  	s1 =	srdreg.scid  }
0x8b: {  	s0 =	sand.u32 $0x1, s1  }
0x8c: {  	s16 =	sshll.u32 s0, $0xA;
	s2 =	sadd.s32 s3, s2  }
0x8d: {  	s2 =	sadd.s32 s2, s16  }
0x8e: {  	[smem:$0x3FB8] =	sst s2  }
0x8f: {  	_ = 	snop  }
0x90: {  	(tm) =	ssettm $0x1  }
0x91: {  	s17 =	sld [smem:$0x3FFB];
	_ =	sdelay $0x3  }
0x92: {  	_ =	strace s17  }
0x93: {  	s2 =	sld [smem:$0x3FFC];
	_ =	sdelay $0x3  }
0x94: {  	_ =	strace s2  }
0x95: {  	s2 =	sld [smem:$0x3FFD];
	_ =	sdelay $0x3  }
0x96: {  	_ =	strace s2  }
0x97: {  	_ =	strace $0x8FFFFFFF  }
0x98: {  	s18 =	sld [smem:$0x3FDB];
	_ =	sdelay $0x1  }
0x99: {  	s19 =	simm.s32 $_scs_section_size  }
0x9a: {  	s4 =	simm.s32 $_size__tile_overlayer_lowered;
	s5 =	simm.s32 $_tile_overlayer_lowered  }
0x9b: {  	s22 =	simm.s32 $0x1BFF;
	s21 =	sshll.u32 s5, $0x1;
	s2 =	sadd.s32 s19, s18  }
0x9c: {  	s6 =	simm.s32 $0x0;
	s20 =	sshll.u32 s4, $0x1;
	s4 =	sadd.s32 s21, s2  }
0x9d: {  	[timem:s6], [sflag:s22] =	dma.local [hbm:s4], s20  }
0x9e: {  	_ =	swait.ge [sflag:s22], s20  }
0x9f: {  	s3 =	ssub.s32 $0x0, s20;
	[sflag:s22] =	ssyncset.done $0x0  }
0xa0: {  	[sflag:s22] =	ssyncadd.s32 s3;
	_ =	sdelay $0x1  }
0xa1: {  	s23 =	simm.s32 $0x1B8B  }
0xa2: {  	_ =	swait.ge [sflag:s23], $0x1  }
0xa3: {  	[sflag:s23] =	ssyncset.done $0x0  }
0xa4: {  	s25 =	simm.s32 $0x1B8E;
	s24 =	sld [smem:$0x3FFE];
	[sflag:s23] =	ssyncadd.s32 $0xFFFFFFFF  }
0xa5: {  	s26 =	simm.s32 $execute0_lowered;
	[smem:$0x3FD2] =	sst s25  }
0xa6: {  	s4 =	sshll.u32 s26, $0x1;
	_ =	strace $0x80000046;
	[dreg:$0x1] =	wrdreg $0xFFFFFFFF  }
0xa7: {  	s28 =	simm.s32 $_size_execute0_lowered;
	s2 =	sadd.s32 s2, s4;
	[dreg:$0x0] =	wrdreg $0x0  }
0xa8: {  	s4 =	sshll.u32 s28, $0x1;
	[dreg:$0x2] =	wrdreg s2  }
0xa9: {  	[dreg:$0x3] =	wrdreg s4  }
0xaa: {  	[dreg:$0x4] =	wrdreg $0xC0  }
0xab: {  	_ =	task [dreg:s6], $0x5FFFF  }
0xac: {  	[dreg:$0x1] =	wrdreg $0xFFFFFFFF  }
0xad: {  	[dreg:$0x0] =	wrdreg $0x60  }
0xae: {  	[dreg:$0x2] =	wrdreg s24  }
0xaf: {  	[dreg:$0x3] =	wrdreg $0x9  }
0xb0: {  	_ =	task.clear_ibuf [dreg:s6], $0x4FFFF;
	_ =	strace $0x90000046  }
0xb1: {  	s29 =	simm.s32 $0x9;
	_ =	strace $0x80000048  }
0xb2: {  	_ =	swait.ge [sflag:s29], $0x1  }
0xb3: {  	[sflag:s29] =	ssyncadd.s32 $0xFFFFFFFF  }
0xb4: {  	_ =	strace $0x90000048  }
0xb5: {  	_ =	sfence  }
0xb6: {  	s30 =	sld [smem:$0x0];
	_ =	sdelay $0x2  }
0xb7: {  	s31 =	sshll.u32 s1, $0xD;
	s1 =	sshrl.u32 s1, $0x2  }
0xb8: {  	s3 =	sand.u32 $0x4000, s31;
	s1 =	sadd.s32 s1, s30  }
0xb9: {  	s0 =	sor.u32 s3, s0;
	s1 =	sshll.u32 s1, $0x11  }
0xba: {  	s0 =	sor.u32 s1, s0  }
0xbb: {  	s0 =	sadd.s32 $0x8F2B, s0  }
0xbc: {  	[sflag:s0] =	ssyncadd.remote.s32 $0x1  }
0xbd: {  	_ =	sfence.sel $0xFFFF  }
0xbe: {  	[dreg:$0x0] =	wrdreg $0xFFFFFFFF;
	(pc) =	sbr.abs _section_cstart, $3  }
0xbf: {  	[dreg:$0x1] =	wrdreg $0xFFFFFFFF  }
0xc0: {  	_ =	task.clear_ibuf [dreg:s6], $0x2FFFF;
	_ =	strace $0x9FFFFFFF  }
0xc1: {  	(tm) =	ssettm $0x7FFFFFFF  }
tec
execute0_lowered:
.L_overlay_start_1:
0x0: {  	(tag) =	ssettag $0x1  }
0x1: {  	s7 =	rddreg [dreg:$0x0]  }
0x2: {  	s0 =	rddreg [dreg:$0x1];
	s1 =	simm.s32 $0x0  }
0x3: {  	s2 =	srdreg.scid;
	s12 =	simm.s32 $0x6BD0;
	s13 =	simm.s32 $0x1  }
0x4: {  	s14 =	simm.s32 $0x2;
	s15 =	simm.s32 $0x3;
	s16 =	simm.s32 $0x0  }
0x5: {  	[smem:$0x7FF] =	sst s1;
	s3 =	sadd.s32 $0xC8800, s7;
	s4 =	sadd.s32 $0x18BE00, s7  }
0x6: {  	s8 =	sand.u32 $0x1, s2;
	s5 =	sadd.s32 $0x267C00, s7;
	s2 =	stileid.u32  }
0x7: {  	s6 =	sadd.s32 $0x24F400, s7;
	s7 =	sadd.s32 $0x280400, s7;
	s9 =	ssub.s32 $0x2, s8  }
0x8: {  	_ =	strace $0x80000047;
	s11 =	sshll.u32 s2, $0x1;
	s10 =	sshrl.u32 s9, $0x1  }
0x9: {  	s8 =	sor.u32 s8, s11;
	s11 =	simm.s32 $0x7D0;
	s9 =	ssub.s32 s9, s10  }
0xa: {  	s8 =	smul.u32 $0x61A8, s8;
	s10 =	simm.s32 $0xC8;
	s9 =	smax.u32 s9, $0x1  }
.LBB2_1:
0xb: {  	s17 =	simm.s32 $0x0  }
.LBB2_2:
0xc: {  	s18 =	smul.u32 $0xCD, s17;
	_ =	sdelay $0x1  }
0xd: {  	s18 =	sshrl.u32 s18, $0xA  }
0xe: {  	s18 =	sand.u32 $0x3F, s18  }
0xf: {  	s18 =	smul.u32 $0x5, s18;
	_ =	sdelay $0x1  }
0x10: {  	s19 =	smul.u32 $0xC8, s17;
	s18 =	ssub.s32 s17, s18  }
0x11: {  	s20 =	sand.u32 $0xFF, s18  }
0x12: {  	s18 =	sadd.s32 s8, s19;
	p0 =	sne.s32 s20, $0x0  }
0x13: {  	s19 =	sshrl.u32 @!p0 s18, $0x3  }
0x14: {  	s22 =	simm.s32 @!p0 $0x0;
	s21 =	sadd.s32 @!p0 s5, s19  }
0x15: {  	[tilespmem:s22], [sflag:$0x3] =	stream.linear.gather @!p0 [hbm4b:s21+s22], $0x3E8, $0x38;
	[tilespmem:$0xCFD0] =	vst v63  }
0x16: {  	s21 =	simm.s32 @!p0 $0x3  }
0x17: {  	_ =	swait.ge @!p0 [sflag:s21], $0x3E8  }
0x18: {  	[sflag:s21] =	ssyncset.done @!p0 $0x0  }
0x19: {  	s23 =	simm.s32 @!p0 $0x3E8;
	s19 =	sadd.s32 @!p0 s6, s19;
	[sflag:s21] =	ssyncadd.s32 @!p0 $0xFFFFFC18  }
0x1a: {  	[tilespmem:s23], [sflag:$0x3] =	stream.linear.gather @!p0 [hbm4b:s19+s22], $0x3E8, $0x38;
	[tilespmem:$0xCFD0] =	vst v63  }
0x1b: {  	_ =	swait.ge @!p0 [sflag:s21], $0x3E8  }
0x1c: {  	s31 =	smul.u32 $0xC8, s20;
	[sflag:s21] =	ssyncset.done @!p0 $0x0  }
0x1d: {  	[sflag:s21] =	ssyncadd.s32 @!p0 $0xFFFFFC18  }
0x1e: {  	[tilespmem:s11], [sflag:$0x1] =	stream.indirect.gather [hbm4b:s3+s10], $0x80, s31, s10, $0xb8;
	[tilespmem:$0xCFD0] =	vst v63  }
0x1f: {  	s19 =	sadd.s32 $0x3E8, s31  }
0x20: {  	[tilespmem:s12], [sflag:$0x2] =	stream.indirect.gather [hbm4b:s4+s10], $0x80, s19, s10, $0xb8;
	[tilespmem:$0xCFD0] =	vst v63  }
0x21: {  	_ =	swait.ge [sflag:s13], $0x6400  }
0x22: {  	[sflag:s13] =	ssyncset.done $0x0  }
0x23: {  	[sflag:s13] =	ssyncadd.s32 $0xFFFF9C00  }
0x24: {  	_ =	swait.ge [sflag:s14], $0x6400  }
0x25: {  	[sflag:s14] =	ssyncset.done $0x0  }
0x26: {  	s19 =	simm.s32 $0x0;
	[sflag:s14] =	ssyncadd.s32 $0xFFFF9C00  }
0x27: {  	v7 =	vld [tilespmem:s19+$0x6BD0]  }
0x28: {  	v11 =	vld [tilespmem:s19+$0x6BE0]  }
0x29: {  	v5 =	vld [tilespmem:s19+$0x6BF0]  }
0x2a: {  	v4 =	vld [tilespmem:s19+$0x6C00]  }
0x2b: {  	v3 =	vld [tilespmem:s19+$0x6C10]  }
0x2c: {  	v2 =	vld [tilespmem:s19+$0x6C20]  }
0x2d: {  	v1 =	vld [tilespmem:s19+$0x6C30]  }
0x2e: {  	v0 =	vld [tilespmem:s19+$0x6C40]  }
0x2f: {  	v12 =	vld [tilespmem:s19+$0x7D0]  }
0x30: {  	v13 =	vld [tilespmem:s19+$0x7E0]  }
0x31: {  	v10 =	vld [tilespmem:s19+$0x7F0]  }
0x32: {  	v9 =	vld [tilespmem:s19+$0x800]  }
0x33: {  	v8 =	vld [tilespmem:s19+$0x810]  }
0x34: {  	v6 =	vld [tilespmem:s19+$0x820];
	v12 =	vadd.f32 v7, v12  }
0x35: {  	s20 =	simm.s32 $0x200;
	v11 =	vadd.f32 v11, v13;
	v7 =	vld [tilespmem:s19+$0x830]  }
.LBB2_3:
0x36: {  	s21 =	sshra.s32 s20, $0x2;
	p0 =	sne.s32 s20, $0x18E00;
	[tilespmem:s19+$0x7D0] =	vst v12;
	v5 =	vadd.f32 v5, v10;
	v10 =	vld [tilespmem:s19+$0x840]  }
0x37: {  	v12 =	vld [tilespmem:s21+$0x6BD0];
	[tilespmem:s19+$0x7E0] =	vst v11;
	v4 =	vadd.f32 v4, v9  }
0x38: {  	v11 =	vld [tilespmem:s21+$0x6BE0];
	[tilespmem:s19+$0x7F0] =	vst v5;
	v3 =	vadd.f32 v3, v8  }
0x39: {  	v5 =	vld [tilespmem:s21+$0x6BF0];
	[tilespmem:s19+$0x800] =	vst v4;
	v2 =	vadd.f32 v2, v6  }
0x3a: {  	v4 =	vld [tilespmem:s21+$0x6C00];
	[tilespmem:s19+$0x810] =	vst v3;
	v1 =	vadd.f32 v1, v7  }
0x3b: {  	v3 =	vld [tilespmem:s21+$0x6C10];
	[tilespmem:s19+$0x820] =	vst v2;
	v0 =	vadd.f32 v0, v10  }
0x3c: {  	v2 =	vld [tilespmem:s21+$0x6C20];
	[tilespmem:s19+$0x830] =	vst v1  }
0x3d: {  	v1 =	vld [tilespmem:s21+$0x6C30];
	[tilespmem:s19+$0x840] =	vst v0;
	s19 =	smov.u32 s21  }
0x3e: {  	v0 =	vld [tilespmem:s19+$0x6C40]  }
0x3f: {  	v6 =	vld [tilespmem:s19+$0x7D0]  }
0x40: {  	v7 =	vld [tilespmem:s19+$0x7E0]  }
.Ltmp0:
0x41: {  	v10 =	vld [tilespmem:s19+$0x7F0];
	(pc) =	sbr.rel @p0 .LBB2_3-.Ltmp0, $4  }
0x42: {  	v9 =	vld [tilespmem:s19+$0x800]  }
0x43: {  	v8 =	vld [tilespmem:s19+$0x810]  }
0x44: {  	v12 =	vadd.f32 v12, v6;
	v6 =	vld [tilespmem:s19+$0x820]  }
0x45: {  	s20 =	sadd.s32 $0x200, s20;
	v11 =	vadd.f32 v11, v7;
	v7 =	vld [tilespmem:s19+$0x830]  }
0x46: {  	[tilespmem:s19+$0x7D0] =	vst v12;
	v5 =	vadd.f32 v5, v10;
	v63 =	vld [tilespmem:s19+$0x840]  }
0x47: {  	[tilespmem:s19+$0x7E0] =	vst v11;
	v4 =	vadd.f32 v4, v9  }
0x48: {  	[tilespmem:s19+$0x7F0] =	vst v5;
	v3 =	vadd.f32 v3, v8  }
0x49: {  	[tilespmem:s19+$0x800] =	vst v4;
	v2 =	vadd.f32 v2, v6  }
0x4a: {  	[tilespmem:s19+$0x810] =	vst v3;
	v1 =	vadd.f32 v1, v7  }
0x4b: {  	s17 =	sadd.s32 $0x1, s17;
	[tilespmem:s19+$0x820] =	vst v2;
	v0 =	vadd.f32 v0, v63  }
0x4c: {  	s18 =	sshll.u32 s18, $0x4;
	p0 =	sne.s32 s17, $0x7D;
	[tilespmem:s19+$0x830] =	vst v1  }
.Ltmp1:
0x4d: {  	s18 =	sadd.s32 s7, s18;
	[tilespmem:s19+$0x840] =	vst v0;
	(pc) =	sbr.rel @p0 .LBB2_2-.Ltmp1, $4  }
0x4e: {  	[hbm4b:s18+s1] =	stream.linear.scatter [tilespmem:s11], [sflag:$0x3], $0x6400, $0x38;
	[tilespmem:$0xCFD0] =	vst v63  }
0x4f: {  	_ =	swait.ge [sflag:s15], $0x6400  }
0x50: {  	[sflag:s15] =	ssyncset.done $0x0  }
0x51: {  	[sflag:s15] =	ssyncadd.s32 $0xFFFF9C00  }
0x52: {  	s16 =	sadd.s32 $0x1, s16  }
0x53: {  	p0 =	sne.s32 s16, s9  }
.Ltmp2:
0x54: {  	_ = 	snop;
	(pc) =	sbr.rel @p0 .LBB2_1-.Ltmp2, $1  }
0x55: {  	_ =	sdelay $0x3  }
0x56: {  	_ =	sfence.sel $0x180000  }
0x57: {  	[bflag:$0x0] =	sbarrier.arrive $0xFFFF  }
0x58: {  	p0 =	sne.s32 s2, $0x0;
	_ =	strace $0x90000047  }
0x59: {  	s0 =	sadd.s32 @!p0 $0x100000, s0;
	[bflag:$0x2] =	sbarrier.arrive $0xFFFF  }
0x5a: {  	[sflag:s0] =	ssyncadd.tile.s32 @!p0 $0x1;
	_ =	shalt  }
.Lfunc_end2:
_tile_overlayer_lowered:
.L_overlay_start_2:
0x5b: {  	(tag) =	ssettag $0x2  }
0x5c: {  	s0 =	rddreg [dreg:$0x0];
	s2 =	stileid.u32  }
0x5d: {  	s1 =	rddreg [dreg:$0x1];
	p0 =	sne.s32 s2, $0x0  }
0x5e: {  	s3 =	rddreg [dreg:$0x2];
	[bflag:$0x3] =	sbarrier.arrive $0xFFFF;
	s2 =	simm.s32 @!p0 $0x1C03  }
0x5f: {  	[timem:s3], [sflag:s2] =	dma.local @!p0 [hbm:s0], s1  }
0x60: {  	s0 =	simm.s32 @!p0 $0x3  }
0x61: {  	_ =	swait.ge @!p0 [sflag:s0], s1  }
0x62: {  	s1 =	ssub.s32 @!p0 $0x0, s1;
	[sflag:s0] =	ssyncset.done @!p0 $0x0  }
0x63: {  	[sflag:s0] =	ssyncadd.s32 @!p0 s1  }
0x64: {  	[bflag:$0x3] =	sbarrier.arrive $0xFFFF  }
0x65: {  	_ =	shalt  }

// kernel: kernel.14.cloned.1.call-start
scs
__scs_entry_jumppad:
0x0: {  	(pc) =	sbr.rel $0x88, $3  }
0x1: {  	(tag) =	ssettag $0x0;
	lr =	simm.s32 $0x1  }
0x2: {  	[smem:$0x3F91] =	sst lr;
	_ =	strace $0xD0000000  }
0x3: {  	_ = 	snop  }
0x4: {  	_ = 	snop  }
0x5: {  	_ = 	snop  }
0x6: {  	_ = 	snop  }
0x7: {  	_ = 	snop  }
__scs_overlays_trampoline_lowered:
0x8: {  	[smem:$0x3FA0] =	sst s0  }
0x9: {  	[smem:$0x3FA1] =	sst s1  }
0xa: {  	[smem:$0x3FA2] =	sst s2  }
0xb: {  	[smem:$0x3FA3] =	sst s3  }
0xc: {  	[smem:$0x3FA4] =	sst s4  }
0xd: {  	[smem:$0x3FA5] =	sst s5  }
0xe: {  	[smem:$0x3FA6] =	sst s6  }
0xf: {  	[smem:$0x3FA7] =	sst s7  }
0x10: {  	[smem:$0x3FA8] =	sst s8  }
0x11: {  	[smem:$0x3FA9] =	sst s9;
	s0 =	simm.s32 @!p0 $0x0  }
0x12: {  	s1 =	sld [smem:$0x3F8F];
	s0 =	simm.s32 @p0 $0x1  }
0x13: {  	[smem:$0x3FAA] =	sst s0;
	s0 =	simm.s32 @!p1 $0x0  }
0x14: {  	s2 =	sld [smem:$0x3F8E];
	s0 =	simm.s32 @p1 $0x1  }
0x15: {  	[smem:$0x3FAB] =	sst s0;
	s0 =	simm.s32 @!p2 $0x0  }
0x16: {  	s3 =	sld [smem:$0x3FDB];
	s0 =	simm.s32 @p2 $0x1  }
0x17: {  	s4 =	simm.s32 $0x1BF5;
	[smem:$0x3FAD] =	sst s0  }
0x18: {  	s0 =	sld [smem:$0x3F90];
	_ =	swait.ge [sflag:s4], $0x0  }
0x19: {  	s7 =	sld [smem:$0x3F91]  }
0x1a: {  	s8 =	sadd.s32 $0xFFFFE003, lr  }
0x1b: {  	s9 =	sadd.s32 $0xFFFFFEF7, lr;
	s5 =	simm.s32 $0xFFFFFFFF;
	p2 =	slt.u32 s8, $0xFFFFF086  }
0x1c: {  	p1 =	slt.u32 s9, $0xF7A;
	s5 =	simm.s32 @!p2 $0x0  }
0x1d: {  	s5 =	simm.s32 @p1 $0x1;
	p0 =	seq.s32 s7, s2  }
0x1e: {  	s7 =	smul.u32 @!p0 $0xF7A, s2;
	p2 =	seq.s32 @!p0 s5, $0x0  }
0x1f: {  	s9 =	smul.u32 $0xF7A, s1;
	s8 =	simm.s32 @!p0 $0x1BF5;
	p2 =	por !p2, p0  }
0x20: {  	[sflag:s8] =	ssyncset.s32 @!p0 $0xFFFFF086;
	s6 =	sadd.s32 @!p0 s3, s7;
	s7 =	simm.s32 @!p0 $0x108  }
0x21: {  	s3 =	sadd.s32 s3, s9;
	s6 =	sadd.s32 @!p0 $0x88, s6;
	s7 =	simm.s32 @p2 $0x1082  }
0x22: {  	[simem:s7], [sflag:s8] =	dma.local @!p0 [hbm:s6], $0xF7A  }
0x23: {  	s9 =	sor.u32 $0xD0000000, s2;
	s6 =	simm.s32 $0x108;
	_ =	swait.ge @!p0 [sflag:s8], $0x0  }
0x24: {  	s3 =	sadd.s32 $0x88, s3;
	s6 =	simm.s32 @!p1 $0x1082;
	[sflag:s4] =	ssyncset.s32 $0xFFFFF086  }
0x25: {  	[simem:s6], [sflag:s4] =	dma.local [hbm:s3], $0xF7A  }
0x26: {  	[smem:$0x3F91] =	sst s1;
	(tag) =	ssettag s2;
	_ =	strace s9  }
0x27: {  	s1 =	sld [smem:$0x3FA1]  }
0x28: {  	s2 =	sld [smem:$0x3FA2]  }
0x29: {  	s4 =	sld [smem:$0x3FA4]  }
0x2a: {  	p0 =	seq.s32 s5, $0x0;
	s5 =	sld [smem:$0x3FA5]  }
0x2b: {  	s6 =	sld [smem:$0x3FA6]  }
0x2c: {  	s7 =	sld [smem:$0x3FA7]  }
0x2d: {  	s3 =	simm.s32 $0x108;
	s8 =	sld [smem:$0x3FA8]  }
0x2e: {  	s3 =	simm.s32 @!p0 $0x1082;
	s9 =	sld [smem:$0x3FA9]  }
0x2f: {  	lr =	sadd.s32 s0, s3;
	s0 =	sld [smem:$0x3FA0]  }
0x30: {  	s3 =	sld [smem:$0x3FA3]  }
0x31: {  	[smem:$0x3FAC] =	sst s10  }
0x32: {  	s10 =	sld [smem:$0x3FAA];
	_ =	sdelay $0x3  }
0x33: {  	p0 =	seq.s32 s10, $0x1;
	s10 =	sld [smem:$0x3FAC];
	_ =	sdelay $0x3  }
0x34: {  	[smem:$0x3FAC] =	sst s10  }
0x35: {  	s10 =	sld [smem:$0x3FAB];
	_ =	sdelay $0x3  }
0x36: {  	p1 =	seq.s32 s10, $0x1;
	s10 =	sld [smem:$0x3FAC];
	_ =	sdelay $0x3  }
0x37: {  	[smem:$0x3FAC] =	sst s10  }
0x38: {  	s10 =	sld [smem:$0x3FAD]  }
0x39: {  	_ = 	snop;
	(pc) =	sbr.ind lr, $3  }
0x3a: {  	_ = 	snop  }
0x3b: {  	_ = 	snop  }
0x3c: {  	p2 =	seq.s32 s10, $0x1;
	s10 =	sld [smem:$0x3FAC]  }
0x3d: {  	_ =	shalt  }
0x3e: {  	_ =	shalt  }
0x3f: {  	_ =	shalt  }
0x40: {  	_ =	shalt  }
0x41: {  	_ =	shalt  }
0x42: {  	_ =	shalt  }
0x43: {  	_ =	shalt  }
0x44: {  	_ =	shalt  }
0x45: {  	_ =	shalt  }
0x46: {  	_ =	shalt  }
0x47: {  	_ =	shalt  }
0x48: {  	_ =	shalt  }
0x49: {  	_ =	shalt  }
0x4a: {  	_ =	shalt  }
0x4b: {  	_ =	shalt  }
0x4c: {  	_ =	shalt  }
0x4d: {  	_ =	shalt  }
0x4e: {  	_ =	shalt  }
0x4f: {  	_ =	shalt  }
0x50: {  	_ =	shalt  }
0x51: {  	_ =	shalt  }
0x52: {  	_ =	shalt  }
0x53: {  	_ =	shalt  }
0x54: {  	_ =	shalt  }
0x55: {  	_ =	shalt  }
0x56: {  	_ =	shalt  }
0x57: {  	_ =	shalt  }
0x58: {  	_ =	shalt  }
0x59: {  	_ =	shalt  }
0x5a: {  	_ =	shalt  }
0x5b: {  	_ =	shalt  }
0x5c: {  	_ =	shalt  }
0x5d: {  	_ =	shalt  }
0x5e: {  	_ =	shalt  }
0x5f: {  	_ =	shalt  }
0x60: {  	_ =	shalt  }
0x61: {  	_ =	shalt  }
0x62: {  	_ =	shalt  }
0x63: {  	_ =	shalt  }
0x64: {  	_ =	shalt  }
0x65: {  	_ =	shalt  }
0x66: {  	_ =	shalt  }
0x67: {  	_ =	shalt  }
0x68: {  	_ =	shalt  }
0x69: {  	_ =	shalt  }
0x6a: {  	_ =	shalt  }
0x6b: {  	_ =	shalt  }
0x6c: {  	_ =	shalt  }
0x6d: {  	_ =	shalt  }
0x6e: {  	_ =	shalt  }
0x6f: {  	_ =	shalt  }
0x70: {  	_ =	shalt  }
0x71: {  	_ =	shalt  }
0x72: {  	_ =	shalt  }
0x73: {  	_ =	shalt  }
0x74: {  	_ =	shalt  }
0x75: {  	_ =	shalt  }
0x76: {  	_ =	shalt  }
0x77: {  	_ =	shalt  }
0x78: {  	_ =	shalt  }
0x79: {  	_ =	shalt  }
0x7a: {  	_ =	shalt  }
0x7b: {  	_ =	shalt  }
0x7c: {  	_ =	shalt  }
0x7d: {  	_ =	shalt  }
0x7e: {  	_ =	shalt  }
0x7f: {  	_ =	shalt  }
0x80: {  	_ =	shalt  }
0x81: {  	_ =	shalt  }
0x82: {  	_ =	shalt  }
0x83: {  	_ =	shalt  }
0x84: {  	_ =	shalt  }
0x85: {  	_ =	shalt  }
0x86: {  	_ =	shalt  }
0x87: {  	_ =	shalt  }
.Lfunc_end0:
.L_simem_size_0:
called_computation.3_lowered:
.L_overlay_start_0:
0x88: {  	s2 =	sld [smem:$0x3FD9]  }
0x89: {  	s3 =	sld [smem:$0x3FFE];
	_ =	sdelay $0x1  }
0x8a: {  	s1 =	srdreg.scid  }
0x8b: {  	s0 =	sand.u32 $0x1, s1  }
0x8c: {  	s16 =	sshll.u32 s0, $0xA;
	s2 =	sadd.s32 s3, s2  }
0x8d: {  	s2 =	sadd.s32 s2, s16  }
0x8e: {  	[smem:$0x3FB8] =	sst s2  }
0x8f: {  	_ = 	snop  }
0x90: {  	(tm) =	ssettm $0x1  }
0x91: {  	s17 =	sld [smem:$0x3FFB];
	_ =	sdelay $0x3  }
0x92: {  	_ =	strace s17  }
0x93: {  	s2 =	sld [smem:$0x3FFC];
	_ =	sdelay $0x3  }
0x94: {  	_ =	strace s2  }
0x95: {  	s2 =	sld [smem:$0x3FFD];
	_ =	sdelay $0x3  }
0x96: {  	_ =	strace s2  }
0x97: {  	_ =	strace $0x8FFFFFFF  }
0x98: {  	s18 =	sld [smem:$0x3FDB];
	_ =	sdelay $0x1  }
0x99: {  	s19 =	simm.s32 $_scs_section_size  }
0x9a: {  	s4 =	simm.s32 $_size__tile_overlayer_lowered;
	s5 =	simm.s32 $_tile_overlayer_lowered  }
0x9b: {  	s22 =	simm.s32 $0x1BFF;
	s21 =	sshll.u32 s5, $0x1;
	s2 =	sadd.s32 s19, s18  }
0x9c: {  	s6 =	simm.s32 $0x0;
	s20 =	sshll.u32 s4, $0x1;
	s4 =	sadd.s32 s21, s2  }
0x9d: {  	[timem:s6], [sflag:s22] =	dma.local [hbm:s4], s20  }
0x9e: {  	_ =	swait.ge [sflag:s22], s20  }
0x9f: {  	s3 =	ssub.s32 $0x0, s20;
	[sflag:s22] =	ssyncset.done $0x0  }
0xa0: {  	[sflag:s22] =	ssyncadd.s32 s3;
	_ =	sdelay $0x1  }
0xa1: {  	s23 =	simm.s32 $0x1B8B  }
0xa2: {  	_ =	swait.ge [sflag:s23], $0x1  }
0xa3: {  	[sflag:s23] =	ssyncset.done $0x0  }
0xa4: {  	s25 =	simm.s32 $0x1B8E;
	s24 =	sld [smem:$0x3FFE];
	[sflag:s23] =	ssyncadd.s32 $0xFFFFFFFF  }
0xa5: {  	s26 =	simm.s32 $execute0_lowered;
	[smem:$0x3FD2] =	sst s25  }
0xa6: {  	s4 =	sshll.u32 s26, $0x1;
	_ =	strace $0x80000049;
	[dreg:$0x1] =	wrdreg $0xFFFFFFFF  }
0xa7: {  	s28 =	simm.s32 $_size_execute0_lowered;
	s2 =	sadd.s32 s2, s4;
	[dreg:$0x0] =	wrdreg $0x0  }
0xa8: {  	s4 =	sshll.u32 s28, $0x1;
	[dreg:$0x2] =	wrdreg s2  }
0xa9: {  	[dreg:$0x3] =	wrdreg s4  }
0xaa: {  	[dreg:$0x4] =	wrdreg $0xC0  }
0xab: {  	_ =	task [dreg:s6], $0x5FFFF  }
0xac: {  	[dreg:$0x1] =	wrdreg $0xFFFFFFFF  }
0xad: {  	[dreg:$0x0] =	wrdreg $0x60  }
0xae: {  	[dreg:$0x2] =	wrdreg s24  }
0xaf: {  	[dreg:$0x3] =	wrdreg $0x42680  }
0xb0: {  	[dreg:$0x4] =	wrdreg $0x9  }
0xb1: {  	_ =	task.clear_ibuf [dreg:s6], $0x5FFFF;
	_ =	strace $0x90000049  }
0xb2: {  	s29 =	simm.s32 $0x9;
	_ =	strace $0x8000004B  }
0xb3: {  	_ =	swait.ge [sflag:s29], $0x1  }
0xb4: {  	[sflag:s29] =	ssyncadd.s32 $0xFFFFFFFF  }
0xb5: {  	_ =	strace $0x9000004B  }
0xb6: {  	_ =	sfence  }
0xb7: {  	s30 =	sld [smem:$0x0];
	_ =	sdelay $0x2  }
0xb8: {  	s31 =	sshll.u32 s1, $0xD;
	s1 =	sshrl.u32 s1, $0x2  }
0xb9: {  	s3 =	sand.u32 $0x4000, s31;
	s1 =	sadd.s32 s1, s30  }
0xba: {  	s0 =	sor.u32 s3, s0;
	s1 =	sshll.u32 s1, $0x11  }
0xbb: {  	s0 =	sor.u32 s1, s0  }
0xbc: {  	s0 =	sadd.s32 $0x8F2B, s0  }
0xbd: {  	[sflag:s0] =	ssyncadd.remote.s32 $0x1  }
0xbe: {  	_ =	sfence.sel $0xFFFF  }
0xbf: {  	[dreg:$0x0] =	wrdreg $0xFFFFFFFF;
	(pc) =	sbr.abs _section_cstart, $3  }
0xc0: {  	[dreg:$0x1] =	wrdreg $0xFFFFFFFF  }
0xc1: {  	_ =	task.clear_ibuf [dreg:s6], $0x2FFFF;
	_ =	strace $0x9FFFFFFF  }
0xc2: {  	(tm) =	ssettm $0x7FFFFFFF  }
0xc3: {  	_ =	shalt  }
tec
execute0_lowered:
.L_overlay_start_1:
0x0: {  	(tag) =	ssettag $0x1  }
0x1: {  	s7 =	rddreg [dreg:$0x0]  }
0x2: {  	s2 =	rddreg [dreg:$0x1];
	s1 =	stileid.u32  }
0x3: {  	s0 =	rddreg [dreg:$0x2];
	s3 =	simm.s32 $0x0;
	s6 =	srdreg.scid  }
0x4: {  	s19 =	simm.s32 $0x1;
	s20 =	simm.s32 $0x10;
	s4 =	smul.u32 $0x61A80, s1  }
0x5: {  	s21 =	simm.s32 $0x80;
	s22 =	simm.s32 $0x3E8;
	s5 =	smul.u32 $0xC35, s1  }
0x6: {  	s23 =	simm.s32 $0x0;
	[smem:$0x7FF] =	sst s3;
	s13 =	smul.u32 $0xC380, s1  }
0x7: {  	s11 =	sand.u32 $0x1, s6;
	s6 =	sadd.s32 $0xE2A00, s7;
	s31 =	sshll.u32 s1, $0x6  }
0x8: {  	_ =	strace $0x8000004A;
	s8 =	ssub.s32 $0x2, s11;
	s17 =	sadd.s32 s4, s7  }
0x9: {  	s14 =	sadd.s32 s5, s7;
	s4 =	sadd.s32 $0xC8800, s7;
	s5 =	sshrl.u32 s13, $0x3  }
0xa: {  	s10 =	sshrl.u32 s8, $0x1;
	s9 =	sadd.s32 s5, s7;
	s7 =	sadd.s32 $0x113A00, s7  }
.Ltmp0:
0xb: {  	s15 =	ssub.s32 s8, s10;
	s10 =	sor.u32 $0x1C01, s31;
	(pc) =	sbr.rel .LBB2_1-.Ltmp0, $4  }
0xc: {  	p0 =	seq.s32 s11, $0x1;
	s11 =	sadd.s32 $0x1B03808, s17;
	s12 =	sadd.s32 $0xEB5800, s14  }
0xd: {  	s18 =	sadd.s32 s13, s2;
	s13 =	sadd.s32 $0xEC1C00, s14;
	s14 =	sadd.s32 $0x1B0380A, s17  }
0xe: {  	s16 =	sadd.s32 $0x1B0380C, s17;
	s17 =	sadd.s32 $0x1B0380E, s17;
	s18 =	sshrl.u32 s18, $0x3  }
0xf: {  	s8 =	sadd.s32 $0xCA200, s9;
	s9 =	sadd.s32 $0xFB200, s9;
	s15 =	smax.u32 s15, $0x1  }
.LBB2_11:
0x10: {  	s26 =	sadd.s32 s25, s13;
	[sflag:s19] =	ssyncadd.s32 $0xFFFFC180  }
0x11: {  	[tilespmem:s3], [sflag:$0x1] =	stream.linear.gather [hbm4b:s26+s3], $0x3E8, $0x38;
	[tilespmem:$0x105E8] =	vst v63  }
0x12: {  	_ =	swait.ge [sflag:s19], $0x3E8  }
0x13: {  	[sflag:s19] =	ssyncset.done $0x0  }
0x14: {  	s30 =	sadd.s32 $0xFFFFFFF8, s24;
	[sflag:s19] =	ssyncadd.s32 $0xFFFFFC18  }
0x15: {  	[tilespmem:s22], [sflag:$0x1] =	stream.strided.gather [hbm4b:s30+s20], $0x3E80, s21, s20, $0x38;
	[tilespmem:$0x105E8] =	vst v63  }
0x16: {  	_ =	swait.ge [sflag:s19], $0x3E80  }
0x17: {  	[sflag:s19] =	ssyncset.done $0x0  }
0x18: {  	[sflag:s19] =	ssyncadd.s32 $0xFFFFC180  }
0x19: {  	[spmem:s2] =	stream.indirect.scatter.add.f32 [tilespmem:s22], [sflag:$0x1], $0x10, s3, s22, $0xb8;
	[tilespmem:$0x105E8] =	vst v63  }
0x1a: {  	_ =	swait.ge [sflag:s19], $0x3E80  }
0x1b: {  	[sflag:s19] =	ssyncset.done $0x0  }
0x1c: {  	s31 =	sadd.s32 s25, s12;
	[sflag:s19] =	ssyncadd.s32 $0xFFFFC180  }
0x1d: {  	[tilespmem:s3], [sflag:$0x1] =	stream.linear.gather [hbm4b:s31+s3], $0x3E8, $0x38;
	[tilespmem:$0x105E8] =	vst v63  }
0x1e: {  	_ =	swait.ge [sflag:s19], $0x3E8  }
0x1f: {  	[sflag:s19] =	ssyncset.done $0x0  }
0x20: {  	[sflag:s19] =	ssyncadd.s32 $0xFFFFFC18  }
0x21: {  	[tilespmem:s22], [sflag:$0x1] =	stream.strided.gather [hbm4b:s24+s20], $0x3E80, s21, s20, $0x38;
	[tilespmem:$0x105E8] =	vst v63  }
0x22: {  	_ =	swait.ge [sflag:s19], $0x3E80  }
0x23: {  	[sflag:s19] =	ssyncset.done $0x0  }
0x24: {  	[sflag:s19] =	ssyncadd.s32 $0xFFFFC180  }
0x25: {  	[spmem:s2] =	stream.indirect.scatter.add.f32 [tilespmem:s22], [sflag:$0x1], $0x10, s3, s22, $0xb8;
	[tilespmem:$0x105E8] =	vst v63  }
0x26: {  	_ =	swait.ge [sflag:s19], $0x3E80  }
0x27: {  	[sflag:s19] =	ssyncset.done $0x0  }
0x28: {  	s24 =	smov.u32 s7;
	[sflag:s19] =	ssyncadd.s32 $0xFFFFC180  }
.LBB2_12:
0x29: {  	s24 =	sadd.s32 s24, s5;
	[bflag:$0x0] =	sbarrier.arrive $0xFFFF;
	s23 =	sadd.s32 $0x1, s23  }
0x2a: {  	[hbm:s24], [sflag:s10] =	dma.local [spmem:s18], $0x1870  }
0x2b: {  	p1 =	sne.s32 s23, s15  }
.Ltmp1:
0x2c: {  	_ =	swait.ge [sflag:s19], $0x1870;
	(pc) =	sbr.rel @!p1 .LBB2_13-.Ltmp1, $3  }
0x2d: {  	[sflag:s19] =	ssyncset.done $0x0  }
0x2e: {  	[sflag:s19] =	ssyncadd.s32 $0xFFFFE790  }
0x2f: {  	[bflag:$0x0] =	sbarrier.arrive $0xFFFF;
	_ =	sdelay $0x1  }
.LBB2_1:
0x30: {  	[spmem:s18], [sflag:s10] =	dma.local [hbm:s4], $0x1870  }
.Ltmp2:
0x31: {  	_ =	swait.ge [sflag:s19], $0x1870;
	(pc) =	sbr.rel @!p0 .LBB2_2-.Ltmp2, $4  }
0x32: {  	[sflag:s19] =	ssyncset.done $0x0  }
0x33: {  	[sflag:s19] =	ssyncadd.s32 $0xFFFFE790  }
0x34: {  	[bflag:$0x0] =	sbarrier.arrive $0xFFFF  }
0x35: {  	s24 =	sadd.s32 $0x0, s13  }
0x36: {  	[tilespmem:s3], [sflag:$0x1] =	stream.linear.gather [hbm4b:s24+s3], $0x3E8, $0x38;
	[tilespmem:$0x105E8] =	vst v63  }
0x37: {  	_ =	swait.ge [sflag:s19], $0x3E8  }
0x38: {  	[sflag:s19] =	ssyncset.done $0x0  }
0x39: {  	s30 =	sadd.s32 $0xFFFFFFF8, s16;
	[sflag:s19] =	ssyncadd.s32 $0xFFFFFC18  }
0x3a: {  	[tilespmem:s22], [sflag:$0x1] =	stream.strided.gather [hbm4b:s30+s20], $0x3E80, s21, s20, $0x38;
	[tilespmem:$0x105E8] =	vst v63  }
0x3b: {  	_ =	swait.ge [sflag:s19], $0x3E80  }
0x3c: {  	[sflag:s19] =	ssyncset.done $0x0  }
0x3d: {  	[sflag:s19] =	ssyncadd.s32 $0xFFFFC180  }
0x3e: {  	[spmem:s2] =	stream.indirect.scatter.add.f32 [tilespmem:s22], [sflag:$0x1], $0x10, s3, s22, $0xb8;
	[tilespmem:$0x105E8] =	vst v63  }
0x3f: {  	_ =	swait.ge [sflag:s19], $0x3E80  }
0x40: {  	[sflag:s19] =	ssyncset.done $0x0  }
0x41: {  	s31 =	sadd.s32 $0x0, s12;
	[sflag:s19] =	ssyncadd.s32 $0xFFFFC180  }
0x42: {  	[tilespmem:s3], [sflag:$0x1] =	stream.linear.gather [hbm4b:s31+s3], $0x3E8, $0x38;
	[tilespmem:$0x105E8] =	vst v63  }
0x43: {  	_ =	swait.ge [sflag:s19], $0x3E8  }
0x44: {  	[sflag:s19] =	ssyncset.done $0x0  }
0x45: {  	[sflag:s19] =	ssyncadd.s32 $0xFFFFFC18  }
0x46: {  	[tilespmem:s22], [sflag:$0x1] =	stream.strided.gather [hbm4b:s16+s20], $0x3E80, s21, s20, $0x38;
	[tilespmem:$0x105E8] =	vst v63  }
0x47: {  	_ =	swait.ge [sflag:s19], $0x3E80  }
0x48: {  	[sflag:s19] =	ssyncset.done $0x0  }
0x49: {  	[sflag:s19] =	ssyncadd.s32 $0xFFFFC180  }
0x4a: {  	[spmem:s2] =	stream.indirect.scatter.add.f32 [tilespmem:s22], [sflag:$0x1], $0x10, s3, s22, $0xb8;
	[tilespmem:$0x105E8] =	vst v63  }
0x4b: {  	s25 =	simm.s32 $0x7D;
	_ =	swait.ge [sflag:s19], $0x3E80  }
0x4c: {  	s26 =	simm.s32 $0xFA;
	s24 =	sadd.s32 $0x3E80, s16;
	[sflag:s19] =	ssyncset.done $0x0  }
.LBB2_8:
0x4d: {  	s28 =	sadd.s32 s25, s13  }
0x4e: {  	[sflag:s19] =	ssyncadd.s32 $0xFFFFC180;
	s29 =	smov.u32 s26;
	s30 =	sadd.s32 $0x7D, s26  }
0x4f: {  	[tilespmem:s3], [sflag:$0x1] =	stream.linear.gather [hbm4b:s28+s3], $0x3E8, $0x38;
	[tilespmem:$0x105E8] =	vst v63  }
0x50: {  	p1 =	sne.s32 s26, $0xBB8;
	_ =	swait.ge [sflag:s19], $0x3E8  }
0x51: {  	[sflag:s19] =	ssyncset.done $0x0  }
0x52: {  	s26 =	sadd.s32 $0xFFFFFFF8, s24;
	[sflag:s19] =	ssyncadd.s32 $0xFFFFFC18  }
0x53: {  	[tilespmem:s22], [sflag:$0x1] =	stream.strided.gather [hbm4b:s26+s20], $0x3E80, s21, s20, $0x38;
	[tilespmem:$0x105E8] =	vst v63  }
0x54: {  	_ =	swait.ge [sflag:s19], $0x3E80  }
0x55: {  	[sflag:s19] =	ssyncset.done $0x0  }
0x56: {  	[sflag:s19] =	ssyncadd.s32 $0xFFFFC180  }
0x57: {  	[spmem:s2] =	stream.indirect.scatter.add.f32 [tilespmem:s22], [sflag:$0x1], $0x10, s3, s22, $0xb8;
	[tilespmem:$0x105E8] =	vst v63  }
0x58: {  	_ =	swait.ge [sflag:s19], $0x3E80  }
0x59: {  	[sflag:s19] =	ssyncset.done $0x0  }
0x5a: {  	s26 =	sadd.s32 s25, s12;
	s25 =	smov.u32 s29;
	[sflag:s19] =	ssyncadd.s32 $0xFFFFC180  }
0x5b: {  	[tilespmem:s3], [sflag:$0x1] =	stream.linear.gather [hbm4b:s26+s3], $0x3E8, $0x38;
	[tilespmem:$0x105E8] =	vst v63  }
0x5c: {  	_ =	swait.ge [sflag:s19], $0x3E8  }
0x5d: {  	[sflag:s19] =	ssyncset.done $0x0  }
0x5e: {  	[sflag:s19] =	ssyncadd.s32 $0xFFFFFC18  }
0x5f: {  	[tilespmem:s22], [sflag:$0x1] =	stream.strided.gather [hbm4b:s24+s20], $0x3E80, s21, s20, $0x38;
	[tilespmem:$0x105E8] =	vst v63  }
0x60: {  	_ =	swait.ge [sflag:s19], $0x3E80  }
.Ltmp3:
0x61: {  	[sflag:s19] =	ssyncset.done $0x0;
	(pc) =	sbr.rel @p1 .LBB2_8-.Ltmp3, $4  }
0x62: {  	[sflag:s19] =	ssyncadd.s32 $0xFFFFC180  }
0x63: {  	[spmem:s2] =	stream.indirect.scatter.add.f32 [tilespmem:s22], [sflag:$0x1], $0x10, s3, s22, $0xb8;
	[tilespmem:$0x105E8] =	vst v63  }
0x64: {  	_ =	swait.ge [sflag:s19], $0x3E80  }
0x65: {  	s26 =	smov.u32 s30;
	s24 =	sadd.s32 $0x3E80, s24;
	[sflag:s19] =	ssyncset.done $0x0  }
0x66: {  	s26 =	sadd.s32 s25, s13;
	[sflag:s19] =	ssyncadd.s32 $0xFFFFC180  }
0x67: {  	[tilespmem:s3], [sflag:$0x1] =	stream.linear.gather [hbm4b:s26+s3], $0x3E8, $0x38;
	[tilespmem:$0x105E8] =	vst v63  }
0x68: {  	_ =	swait.ge [sflag:s19], $0x3E8  }
0x69: {  	[sflag:s19] =	ssyncset.done $0x0  }
0x6a: {  	s31 =	sadd.s32 $0xFFFFFFF8, s24;
	[sflag:s19] =	ssyncadd.s32 $0xFFFFFC18  }
0x6b: {  	[tilespmem:s22], [sflag:$0x1] =	stream.strided.gather [hbm4b:s31+s20], $0x3E80, s21, s20, $0x38;
	[tilespmem:$0x105E8] =	vst v63  }
0x6c: {  	_ =	swait.ge [sflag:s19], $0x3E80  }
0x6d: {  	[sflag:s19] =	ssyncset.done $0x0  }
0x6e: {  	[sflag:s19] =	ssyncadd.s32 $0xFFFFC180  }
0x6f: {  	[spmem:s2] =	stream.indirect.scatter.add.f32 [tilespmem:s22], [sflag:$0x1], $0x10, s3, s22, $0xb8;
	[tilespmem:$0x105E8] =	vst v63  }
0x70: {  	_ =	swait.ge [sflag:s19], $0x3E80  }
0x71: {  	[sflag:s19] =	ssyncset.done $0x0  }
0x72: {  	s28 =	sadd.s32 s25, s12;
	[sflag:s19] =	ssyncadd.s32 $0xFFFFC180  }
0x73: {  	[tilespmem:s3], [sflag:$0x1] =	stream.linear.gather [hbm4b:s28+s3], $0x3E8, $0x38;
	[tilespmem:$0x105E8] =	vst v63  }
0x74: {  	_ =	swait.ge [sflag:s19], $0x3E8  }
0x75: {  	[sflag:s19] =	ssyncset.done $0x0  }
0x76: {  	[sflag:s19] =	ssyncadd.s32 $0xFFFFFC18  }
0x77: {  	[tilespmem:s22], [sflag:$0x1] =	stream.strided.gather [hbm4b:s24+s20], $0x3E80, s21, s20, $0x38;
	[tilespmem:$0x105E8] =	vst v63  }
0x78: {  	_ =	swait.ge [sflag:s19], $0x3E80  }
0x79: {  	[sflag:s19] =	ssyncset.done $0x0  }
0x7a: {  	[sflag:s19] =	ssyncadd.s32 $0xFFFFC180  }
0x7b: {  	[spmem:s2] =	stream.indirect.scatter.add.f32 [tilespmem:s22], [sflag:$0x1], $0x10, s3, s22, $0xb8;
	[tilespmem:$0x105E8] =	vst v63  }
0x7c: {  	_ =	swait.ge [sflag:s19], $0x3E80  }
0x7d: {  	[sflag:s19] =	ssyncset.done $0x0  }
0x7e: {  	[sflag:s19] =	ssyncadd.s32 $0xFFFFC180  }
0x7f: {  	[bflag:$0x0] =	sbarrier.arrive $0xFFFF  }
0x80: {  	[hbm:s9], [sflag:s10] =	dma.local [spmem:s18], $0x1870  }
0x81: {  	_ =	swait.ge [sflag:s19], $0x1870  }
0x82: {  	[sflag:s19] =	ssyncset.done $0x0  }
0x83: {  	[sflag:s19] =	ssyncadd.s32 $0xFFFFE790  }
0x84: {  	[bflag:$0x0] =	sbarrier.arrive $0xFFFF  }
0x85: {  	[spmem:s18], [sflag:s10] =	dma.local [hbm:s4], $0x1870  }
0x86: {  	_ =	swait.ge [sflag:s19], $0x1870  }
0x87: {  	[sflag:s19] =	ssyncset.done $0x0  }
0x88: {  	[sflag:s19] =	ssyncadd.s32 $0xFFFFE790  }
0x89: {  	s29 =	sadd.s32 $0x0, s13;
	[bflag:$0x0] =	sbarrier.arrive $0xFFFF  }
0x8a: {  	[tilespmem:s3], [sflag:$0x1] =	stream.linear.gather [hbm4b:s29+s3], $0x3E8, $0x38;
	[tilespmem:$0x105E8] =	vst v63  }
0x8b: {  	_ =	swait.ge [sflag:s19], $0x3E8  }
0x8c: {  	[sflag:s19] =	ssyncset.done $0x0  }
0x8d: {  	s30 =	sadd.s32 $0xFFFFFFF8, s17;
	[sflag:s19] =	ssyncadd.s32 $0xFFFFFC18  }
0x8e: {  	[tilespmem:s22], [sflag:$0x1] =	stream.strided.gather [hbm4b:s30+s20], $0x3E80, s21, s20, $0x38;
	[tilespmem:$0x105E8] =	vst v63  }
0x8f: {  	_ =	swait.ge [sflag:s19], $0x3E80  }
0x90: {  	[sflag:s19] =	ssyncset.done $0x0  }
0x91: {  	[sflag:s19] =	ssyncadd.s32 $0xFFFFC180  }
0x92: {  	[spmem:s2] =	stream.indirect.scatter.add.f32 [tilespmem:s22], [sflag:$0x1], $0x10, s3, s22, $0xb8;
	[tilespmem:$0x105E8] =	vst v63  }
0x93: {  	_ =	swait.ge [sflag:s19], $0x3E80  }
0x94: {  	[sflag:s19] =	ssyncset.done $0x0  }
0x95: {  	s31 =	sadd.s32 $0x0, s12;
	[sflag:s19] =	ssyncadd.s32 $0xFFFFC180  }
0x96: {  	[tilespmem:s3], [sflag:$0x1] =	stream.linear.gather [hbm4b:s31+s3], $0x3E8, $0x38;
	[tilespmem:$0x105E8] =	vst v63  }
0x97: {  	_ =	swait.ge [sflag:s19], $0x3E8  }
0x98: {  	[sflag:s19] =	ssyncset.done $0x0  }
0x99: {  	[sflag:s19] =	ssyncadd.s32 $0xFFFFFC18  }
0x9a: {  	[tilespmem:s22], [sflag:$0x1] =	stream.strided.gather [hbm4b:s17+s20], $0x3E80, s21, s20, $0x38;
	[tilespmem:$0x105E8] =	vst v63  }
0x9b: {  	_ =	swait.ge [sflag:s19], $0x3E80  }
0x9c: {  	[sflag:s19] =	ssyncset.done $0x0  }
0x9d: {  	[sflag:s19] =	ssyncadd.s32 $0xFFFFC180  }
0x9e: {  	[spmem:s2] =	stream.indirect.scatter.add.f32 [tilespmem:s22], [sflag:$0x1], $0x10, s3, s22, $0xb8;
	[tilespmem:$0x105E8] =	vst v63  }
0x9f: {  	s25 =	simm.s32 $0x7D;
	_ =	swait.ge [sflag:s19], $0x3E80  }
0xa0: {  	s26 =	simm.s32 $0xFA;
	s24 =	sadd.s32 $0x3E80, s17;
	[sflag:s19] =	ssyncset.done $0x0  }
.LBB2_10:
0xa1: {  	s28 =	sadd.s32 s25, s13  }
0xa2: {  	[sflag:s19] =	ssyncadd.s32 $0xFFFFC180;
	s29 =	smov.u32 s26;
	s30 =	sadd.s32 $0x7D, s26  }
0xa3: {  	[tilespmem:s3], [sflag:$0x1] =	stream.linear.gather [hbm4b:s28+s3], $0x3E8, $0x38;
	[tilespmem:$0x105E8] =	vst v63  }
0xa4: {  	p1 =	sne.s32 s26, $0xBB8;
	_ =	swait.ge [sflag:s19], $0x3E8  }
0xa5: {  	[sflag:s19] =	ssyncset.done $0x0  }
0xa6: {  	s26 =	sadd.s32 $0xFFFFFFF8, s24;
	[sflag:s19] =	ssyncadd.s32 $0xFFFFFC18  }
0xa7: {  	[tilespmem:s22], [sflag:$0x1] =	stream.strided.gather [hbm4b:s26+s20], $0x3E80, s21, s20, $0x38;
	[tilespmem:$0x105E8] =	vst v63  }
0xa8: {  	_ =	swait.ge [sflag:s19], $0x3E80  }
0xa9: {  	[sflag:s19] =	ssyncset.done $0x0  }
0xaa: {  	[sflag:s19] =	ssyncadd.s32 $0xFFFFC180  }
0xab: {  	[spmem:s2] =	stream.indirect.scatter.add.f32 [tilespmem:s22], [sflag:$0x1], $0x10, s3, s22, $0xb8;
	[tilespmem:$0x105E8] =	vst v63  }
0xac: {  	_ =	swait.ge [sflag:s19], $0x3E80  }
0xad: {  	[sflag:s19] =	ssyncset.done $0x0  }
0xae: {  	s26 =	sadd.s32 s25, s12;
	s25 =	smov.u32 s29;
	[sflag:s19] =	ssyncadd.s32 $0xFFFFC180  }
0xaf: {  	[tilespmem:s3], [sflag:$0x1] =	stream.linear.gather [hbm4b:s26+s3], $0x3E8, $0x38;
	[tilespmem:$0x105E8] =	vst v63  }
0xb0: {  	_ =	swait.ge [sflag:s19], $0x3E8  }
0xb1: {  	[sflag:s19] =	ssyncset.done $0x0  }
0xb2: {  	[sflag:s19] =	ssyncadd.s32 $0xFFFFFC18  }
0xb3: {  	[tilespmem:s22], [sflag:$0x1] =	stream.strided.gather [hbm4b:s24+s20], $0x3E80, s21, s20, $0x38;
	[tilespmem:$0x105E8] =	vst v63  }
0xb4: {  	_ =	swait.ge [sflag:s19], $0x3E80  }
.Ltmp4:
0xb5: {  	[sflag:s19] =	ssyncset.done $0x0;
	(pc) =	sbr.rel @p1 .LBB2_10-.Ltmp4, $4  }
0xb6: {  	[sflag:s19] =	ssyncadd.s32 $0xFFFFC180  }
0xb7: {  	[spmem:s2] =	stream.indirect.scatter.add.f32 [tilespmem:s22], [sflag:$0x1], $0x10, s3, s22, $0xb8;
	[tilespmem:$0x105E8] =	vst v63  }
0xb8: {  	_ =	swait.ge [sflag:s19], $0x3E80  }
0xb9: {  	s26 =	smov.u32 s30;
	s24 =	sadd.s32 $0x3E80, s24;
	[sflag:s19] =	ssyncset.done $0x0  }
.Ltmp5:
0xba: {  	_ = 	snop;
	(pc) =	sbr.rel .LBB2_11-.Ltmp5, $1  }
0xbb: {  	_ =	sdelay $0x3  }
.LBB2_2:
0xbc: {  	[tilespmem:s3], [sflag:$0x1] =	stream.linear.gather [hbm4b:s24+s3], $0x3E8, $0x38;
	[tilespmem:$0x105E8] =	vst v63  }
0xbd: {  	_ =	swait.ge [sflag:s19], $0x3E8  }
0xbe: {  	[sflag:s19] =	ssyncset.done $0x0  }
0xbf: {  	s30 =	sadd.s32 $0xFFFFFFF8, s11;
	[sflag:s19] =	ssyncadd.s32 $0xFFFFFC18  }
0xc0: {  	[tilespmem:s22], [sflag:$0x1] =	stream.strided.gather [hbm4b:s30+s20], $0x3E80, s21, s20, $0x38;
	[tilespmem:$0x105E8] =	vst v63  }
0xc1: {  	_ =	swait.ge [sflag:s19], $0x3E80  }
0xc2: {  	[sflag:s19] =	ssyncset.done $0x0  }
0xc3: {  	[sflag:s19] =	ssyncadd.s32 $0xFFFFC180  }
0xc4: {  	[spmem:s2] =	stream.indirect.scatter.add.f32 [tilespmem:s22], [sflag:$0x1], $0x10, s3, s22, $0xb8;
	[tilespmem:$0x105E8] =	vst v63  }
0xc5: {  	_ =	swait.ge [sflag:s19], $0x3E80  }
0xc6: {  	[sflag:s19] =	ssyncset.done $0x0  }
0xc7: {  	s31 =	sadd.s32 $0x0, s12;
	[sflag:s19] =	ssyncadd.s32 $0xFFFFC180  }
0xc8: {  	[tilespmem:s3], [sflag:$0x1] =	stream.linear.gather [hbm4b:s31+s3], $0x3E8, $0x38;
	[tilespmem:$0x105E8] =	vst v63  }
0xc9: {  	_ =	swait.ge [sflag:s19], $0x3E8  }
0xca: {  	[sflag:s19] =	ssyncset.done $0x0  }
0xcb: {  	[sflag:s19] =	ssyncadd.s32 $0xFFFFFC18  }
0xcc: {  	[tilespmem:s22], [sflag:$0x1] =	stream.strided.gather [hbm4b:s11+s20], $0x3E80, s21, s20, $0x38;
	[tilespmem:$0x105E8] =	vst v63  }
0xcd: {  	_ =	swait.ge [sflag:s19], $0x3E80  }
0xce: {  	[sflag:s19] =	ssyncset.done $0x0  }
0xcf: {  	[sflag:s19] =	ssyncadd.s32 $0xFFFFC180  }
0xd0: {  	[spmem:s2] =	stream.indirect.scatter.add.f32 [tilespmem:s22], [sflag:$0x1], $0x10, s3, s22, $0xb8;
	[tilespmem:$0x105E8] =	vst v63  }
0xd1: {  	s25 =	simm.s32 $0x7D;
	_ =	swait.ge [sflag:s19], $0x3E80  }
0xd2: {  	s26 =	simm.s32 $0xFA;
	s24 =	sadd.s32 $0x3E80, s11;
	[sflag:s19] =	ssyncset.done $0x0  }
.LBB2_3:
0xd3: {  	s28 =	sadd.s32 s25, s13  }
0xd4: {  	[sflag:s19] =	ssyncadd.s32 $0xFFFFC180;
	s29 =	smov.u32 s26;
	s30 =	sadd.s32 $0x7D, s26  }
0xd5: {  	[tilespmem:s3], [sflag:$0x1] =	stream.linear.gather [hbm4b:s28+s3], $0x3E8, $0x38;
	[tilespmem:$0x105E8] =	vst v63  }
0xd6: {  	p1 =	sne.s32 s26, $0xBB8;
	_ =	swait.ge [sflag:s19], $0x3E8  }
0xd7: {  	[sflag:s19] =	ssyncset.done $0x0  }
0xd8: {  	s26 =	sadd.s32 $0xFFFFFFF8, s24;
	[sflag:s19] =	ssyncadd.s32 $0xFFFFFC18  }
0xd9: {  	[tilespmem:s22], [sflag:$0x1] =	stream.strided.gather [hbm4b:s26+s20], $0x3E80, s21, s20, $0x38;
	[tilespmem:$0x105E8] =	vst v63  }
0xda: {  	_ =	swait.ge [sflag:s19], $0x3E80  }
0xdb: {  	[sflag:s19] =	ssyncset.done $0x0  }
0xdc: {  	[sflag:s19] =	ssyncadd.s32 $0xFFFFC180  }
0xdd: {  	[spmem:s2] =	stream.indirect.scatter.add.f32 [tilespmem:s22], [sflag:$0x1], $0x10, s3, s22, $0xb8;
	[tilespmem:$0x105E8] =	vst v63  }
0xde: {  	_ =	swait.ge [sflag:s19], $0x3E80  }
0xdf: {  	[sflag:s19] =	ssyncset.done $0x0  }
0xe0: {  	s26 =	sadd.s32 s25, s12;
	s25 =	smov.u32 s29;
	[sflag:s19] =	ssyncadd.s32 $0xFFFFC180  }
0xe1: {  	[tilespmem:s3], [sflag:$0x1] =	stream.linear.gather [hbm4b:s26+s3], $0x3E8, $0x38;
	[tilespmem:$0x105E8] =	vst v63  }
0xe2: {  	_ =	swait.ge [sflag:s19], $0x3E8  }
0xe3: {  	[sflag:s19] =	ssyncset.done $0x0  }
0xe4: {  	[sflag:s19] =	ssyncadd.s32 $0xFFFFFC18  }
0xe5: {  	[tilespmem:s22], [sflag:$0x1] =	stream.strided.gather [hbm4b:s24+s20], $0x3E80, s21, s20, $0x38;
	[tilespmem:$0x105E8] =	vst v63  }
0xe6: {  	_ =	swait.ge [sflag:s19], $0x3E80  }
.Ltmp6:
0xe7: {  	[sflag:s19] =	ssyncset.done $0x0;
	(pc) =	sbr.rel @p1 .LBB2_3-.Ltmp6, $4  }
0xe8: {  	[sflag:s19] =	ssyncadd.s32 $0xFFFFC180  }
0xe9: {  	[spmem:s2] =	stream.indirect.scatter.add.f32 [tilespmem:s22], [sflag:$0x1], $0x10, s3, s22, $0xb8;
	[tilespmem:$0x105E8] =	vst v63  }
0xea: {  	_ =	swait.ge [sflag:s19], $0x3E80  }
0xeb: {  	s26 =	smov.u32 s30;
	s24 =	sadd.s32 $0x3E80, s24;
	[sflag:s19] =	ssyncset.done $0x0  }
0xec: {  	s26 =	sadd.s32 s25, s13;
	[sflag:s19] =	ssyncadd.s32 $0xFFFFC180  }
0xed: {  	[tilespmem:s3], [sflag:$0x1] =	stream.linear.gather [hbm4b:s26+s3], $0x3E8, $0x38;
	[tilespmem:$0x105E8] =	vst v63  }
0xee: {  	_ =	swait.ge [sflag:s19], $0x3E8  }
0xef: {  	[sflag:s19] =	ssyncset.done $0x0  }
0xf0: {  	s31 =	sadd.s32 $0xFFFFFFF8, s24;
	[sflag:s19] =	ssyncadd.s32 $0xFFFFFC18  }
0xf1: {  	[tilespmem:s22], [sflag:$0x1] =	stream.strided.gather [hbm4b:s31+s20], $0x3E80, s21, s20, $0x38;
	[tilespmem:$0x105E8] =	vst v63  }
0xf2: {  	_ =	swait.ge [sflag:s19], $0x3E80  }
0xf3: {  	[sflag:s19] =	ssyncset.done $0x0  }
0xf4: {  	[sflag:s19] =	ssyncadd.s32 $0xFFFFC180  }
0xf5: {  	[spmem:s2] =	stream.indirect.scatter.add.f32 [tilespmem:s22], [sflag:$0x1], $0x10, s3, s22, $0xb8;
	[tilespmem:$0x105E8] =	vst v63  }
0xf6: {  	_ =	swait.ge [sflag:s19], $0x3E80  }
0xf7: {  	[sflag:s19] =	ssyncset.done $0x0  }
0xf8: {  	s28 =	sadd.s32 s25, s12;
	[sflag:s19] =	ssyncadd.s32 $0xFFFFC180  }
0xf9: {  	[tilespmem:s3], [sflag:$0x1] =	stream.linear.gather [hbm4b:s28+s3], $0x3E8, $0x38;
	[tilespmem:$0x105E8] =	vst v63  }
0xfa: {  	_ =	swait.ge [sflag:s19], $0x3E8  }
0xfb: {  	[sflag:s19] =	ssyncset.done $0x0  }
0xfc: {  	[sflag:s19] =	ssyncadd.s32 $0xFFFFFC18  }
0xfd: {  	[tilespmem:s22], [sflag:$0x1] =	stream.strided.gather [hbm4b:s24+s20], $0x3E80, s21, s20, $0x38;
	[tilespmem:$0x105E8] =	vst v63  }
0xfe: {  	_ =	swait.ge [sflag:s19], $0x3E80  }
0xff: {  	[sflag:s19] =	ssyncset.done $0x0  }
0x100: {  	[sflag:s19] =	ssyncadd.s32 $0xFFFFC180  }
0x101: {  	[spmem:s2] =	stream.indirect.scatter.add.f32 [tilespmem:s22], [sflag:$0x1], $0x10, s3, s22, $0xb8;
	[tilespmem:$0x105E8] =	vst v63  }
0x102: {  	_ =	swait.ge [sflag:s19], $0x3E80  }
0x103: {  	[sflag:s19] =	ssyncset.done $0x0  }
0x104: {  	[sflag:s19] =	ssyncadd.s32 $0xFFFFC180  }
0x105: {  	[bflag:$0x0] =	sbarrier.arrive $0xFFFF  }
0x106: {  	[hbm:s8], [sflag:s10] =	dma.local [spmem:s18], $0x1870  }
0x107: {  	_ =	swait.ge [sflag:s19], $0x1870  }
0x108: {  	[sflag:s19] =	ssyncset.done $0x0  }
0x109: {  	[sflag:s19] =	ssyncadd.s32 $0xFFFFE790  }
0x10a: {  	[bflag:$0x0] =	sbarrier.arrive $0xFFFF  }
0x10b: {  	[spmem:s18], [sflag:s10] =	dma.local [hbm:s4], $0x1870  }
0x10c: {  	_ =	swait.ge [sflag:s19], $0x1870  }
0x10d: {  	[sflag:s19] =	ssyncset.done $0x0  }
0x10e: {  	[sflag:s19] =	ssyncadd.s32 $0xFFFFE790  }
0x10f: {  	s29 =	sadd.s32 $0x0, s13;
	[bflag:$0x0] =	sbarrier.arrive $0xFFFF  }
0x110: {  	[tilespmem:s3], [sflag:$0x1] =	stream.linear.gather [hbm4b:s29+s3], $0x3E8, $0x38;
	[tilespmem:$0x105E8] =	vst v63  }
0x111: {  	_ =	swait.ge [sflag:s19], $0x3E8  }
0x112: {  	[sflag:s19] =	ssyncset.done $0x0  }
0x113: {  	s30 =	sadd.s32 $0xFFFFFFF8, s14;
	[sflag:s19] =	ssyncadd.s32 $0xFFFFFC18  }
0x114: {  	[tilespmem:s22], [sflag:$0x1] =	stream.strided.gather [hbm4b:s30+s20], $0x3E80, s21, s20, $0x38;
	[tilespmem:$0x105E8] =	vst v63  }
0x115: {  	_ =	swait.ge [sflag:s19], $0x3E80  }
0x116: {  	[sflag:s19] =	ssyncset.done $0x0  }
0x117: {  	[sflag:s19] =	ssyncadd.s32 $0xFFFFC180  }
0x118: {  	[spmem:s2] =	stream.indirect.scatter.add.f32 [tilespmem:s22], [sflag:$0x1], $0x10, s3, s22, $0xb8;
	[tilespmem:$0x105E8] =	vst v63  }
0x119: {  	_ =	swait.ge [sflag:s19], $0x3E80  }
0x11a: {  	[sflag:s19] =	ssyncset.done $0x0  }
0x11b: {  	s31 =	sadd.s32 $0x0, s12;
	[sflag:s19] =	ssyncadd.s32 $0xFFFFC180  }
0x11c: {  	[tilespmem:s3], [sflag:$0x1] =	stream.linear.gather [hbm4b:s31+s3], $0x3E8, $0x38;
	[tilespmem:$0x105E8] =	vst v63  }
0x11d: {  	_ =	swait.ge [sflag:s19], $0x3E8  }
0x11e: {  	[sflag:s19] =	ssyncset.done $0x0  }
0x11f: {  	[sflag:s19] =	ssyncadd.s32 $0xFFFFFC18  }
0x120: {  	[tilespmem:s22], [sflag:$0x1] =	stream.strided.gather [hbm4b:s14+s20], $0x3E80, s21, s20, $0x38;
	[tilespmem:$0x105E8] =	vst v63  }
0x121: {  	_ =	swait.ge [sflag:s19], $0x3E80  }
0x122: {  	[sflag:s19] =	ssyncset.done $0x0  }
0x123: {  	[sflag:s19] =	ssyncadd.s32 $0xFFFFC180  }
0x124: {  	[spmem:s2] =	stream.indirect.scatter.add.f32 [tilespmem:s22], [sflag:$0x1], $0x10, s3, s22, $0xb8;
	[tilespmem:$0x105E8] =	vst v63  }
0x125: {  	s25 =	simm.s32 $0x7D;
	_ =	swait.ge [sflag:s19], $0x3E80  }
0x126: {  	s26 =	simm.s32 $0xFA;
	s24 =	sadd.s32 $0x3E80, s14;
	[sflag:s19] =	ssyncset.done $0x0  }
.LBB2_5:
0x127: {  	s28 =	sadd.s32 s25, s13  }
0x128: {  	[sflag:s19] =	ssyncadd.s32 $0xFFFFC180;
	s29 =	smov.u32 s26;
	s30 =	sadd.s32 $0x7D, s26  }
0x129: {  	[tilespmem:s3], [sflag:$0x1] =	stream.linear.gather [hbm4b:s28+s3], $0x3E8, $0x38;
	[tilespmem:$0x105E8] =	vst v63  }
0x12a: {  	p1 =	seq.s32 s26, $0xBB8;
	_ =	swait.ge [sflag:s19], $0x3E8  }
0x12b: {  	[sflag:s19] =	ssyncset.done $0x0  }
0x12c: {  	s26 =	sadd.s32 $0xFFFFFFF8, s24;
	[sflag:s19] =	ssyncadd.s32 $0xFFFFFC18  }
0x12d: {  	[tilespmem:s22], [sflag:$0x1] =	stream.strided.gather [hbm4b:s26+s20], $0x3E80, s21, s20, $0x38;
	[tilespmem:$0x105E8] =	vst v63  }
0x12e: {  	_ =	swait.ge [sflag:s19], $0x3E80  }
0x12f: {  	[sflag:s19] =	ssyncset.done $0x0  }
0x130: {  	[sflag:s19] =	ssyncadd.s32 $0xFFFFC180  }
0x131: {  	[spmem:s2] =	stream.indirect.scatter.add.f32 [tilespmem:s22], [sflag:$0x1], $0x10, s3, s22, $0xb8;
	[tilespmem:$0x105E8] =	vst v63  }
0x132: {  	_ =	swait.ge [sflag:s19], $0x3E80  }
0x133: {  	[sflag:s19] =	ssyncset.done $0x0  }
0x134: {  	s26 =	sadd.s32 s25, s12;
	s25 =	smov.u32 s29;
	[sflag:s19] =	ssyncadd.s32 $0xFFFFC180  }
0x135: {  	[tilespmem:s3], [sflag:$0x1] =	stream.linear.gather [hbm4b:s26+s3], $0x3E8, $0x38;
	[tilespmem:$0x105E8] =	vst v63  }
0x136: {  	_ =	swait.ge [sflag:s19], $0x3E8  }
0x137: {  	[sflag:s19] =	ssyncset.done $0x0  }
0x138: {  	[sflag:s19] =	ssyncadd.s32 $0xFFFFFC18  }
0x139: {  	[tilespmem:s22], [sflag:$0x1] =	stream.strided.gather [hbm4b:s24+s20], $0x3E80, s21, s20, $0x38;
	[tilespmem:$0x105E8] =	vst v63  }
0x13a: {  	_ =	swait.ge [sflag:s19], $0x3E80  }
.Ltmp7:
0x13b: {  	[sflag:s19] =	ssyncset.done $0x0;
	(pc) =	sbr.rel @!p1 .LBB2_5-.Ltmp7, $4  }
0x13c: {  	[sflag:s19] =	ssyncadd.s32 $0xFFFFC180  }
0x13d: {  	[spmem:s2] =	stream.indirect.scatter.add.f32 [tilespmem:s22], [sflag:$0x1], $0x10, s3, s22, $0xb8;
	[tilespmem:$0x105E8] =	vst v63  }
0x13e: {  	_ =	swait.ge [sflag:s19], $0x3E80  }
0x13f: {  	s26 =	smov.u32 s30;
	s24 =	sadd.s32 $0x3E80, s24;
	[sflag:s19] =	ssyncset.done $0x0  }
0x140: {  	s26 =	sadd.s32 s25, s13;
	[sflag:s19] =	ssyncadd.s32 $0xFFFFC180  }
0x141: {  	[tilespmem:s3], [sflag:$0x1] =	stream.linear.gather [hbm4b:s26+s3], $0x3E8, $0x38;
	[tilespmem:$0x105E8] =	vst v63  }
0x142: {  	_ =	swait.ge [sflag:s19], $0x3E8  }
0x143: {  	[sflag:s19] =	ssyncset.done $0x0  }
0x144: {  	s30 =	sadd.s32 $0xFFFFFFF8, s24;
	[sflag:s19] =	ssyncadd.s32 $0xFFFFFC18  }
0x145: {  	[tilespmem:s22], [sflag:$0x1] =	stream.strided.gather [hbm4b:s30+s20], $0x3E80, s21, s20, $0x38;
	[tilespmem:$0x105E8] =	vst v63  }
0x146: {  	_ =	swait.ge [sflag:s19], $0x3E80  }
0x147: {  	[sflag:s19] =	ssyncset.done $0x0  }
0x148: {  	[sflag:s19] =	ssyncadd.s32 $0xFFFFC180  }
0x149: {  	[spmem:s2] =	stream.indirect.scatter.add.f32 [tilespmem:s22], [sflag:$0x1], $0x10, s3, s22, $0xb8;
	[tilespmem:$0x105E8] =	vst v63  }
0x14a: {  	_ =	swait.ge [sflag:s19], $0x3E80  }
0x14b: {  	[sflag:s19] =	ssyncset.done $0x0  }
0x14c: {  	s31 =	sadd.s32 s25, s12;
	[sflag:s19] =	ssyncadd.s32 $0xFFFFC180  }
0x14d: {  	[tilespmem:s3], [sflag:$0x1] =	stream.linear.gather [hbm4b:s31+s3], $0x3E8, $0x38;
	[tilespmem:$0x105E8] =	vst v63  }
0x14e: {  	_ =	swait.ge [sflag:s19], $0x3E8  }
0x14f: {  	[sflag:s19] =	ssyncset.done $0x0  }
0x150: {  	[sflag:s19] =	ssyncadd.s32 $0xFFFFFC18  }
0x151: {  	[tilespmem:s22], [sflag:$0x1] =	stream.strided.gather [hbm4b:s24+s20], $0x3E80, s21, s20, $0x38;
	[tilespmem:$0x105E8] =	vst v63  }
0x152: {  	_ =	swait.ge [sflag:s19], $0x3E80  }
0x153: {  	[sflag:s19] =	ssyncset.done $0x0  }
.Ltmp8:
0x154: {  	[sflag:s19] =	ssyncadd.s32 $0xFFFFC180;
	(pc) =	sbr.rel .LBB2_12-.Ltmp8, $4  }
0x155: {  	[spmem:s2] =	stream.indirect.scatter.add.f32 [tilespmem:s22], [sflag:$0x1], $0x10, s3, s22, $0xb8;
	[tilespmem:$0x105E8] =	vst v63  }
0x156: {  	_ =	swait.ge [sflag:s19], $0x3E80  }
0x157: {  	[sflag:s19] =	ssyncset.done $0x0  }
0x158: {  	s24 =	smov.u32 s6;
	[sflag:s19] =	ssyncadd.s32 $0xFFFFC180  }
.LBB2_13:
0x159: {  	_ =	sfence.sel $0x180000  }
0x15a: {  	[bflag:$0x0] =	sbarrier.arrive $0xFFFF  }
0x15b: {  	p0 =	sne.s32 s1, $0x0;
	_ =	strace $0x9000004A  }
0x15c: {  	s0 =	sadd.s32 @!p0 $0x100000, s0;
	[bflag:$0x2] =	sbarrier.arrive $0xFFFF  }
0x15d: {  	[sflag:s0] =	ssyncadd.tile.s32 @!p0 $0x1;
	_ =	shalt  }
.Lfunc_end2:
_tile_overlayer_lowered:
.L_overlay_start_2:
0x15e: {  	(tag) =	ssettag $0x2  }
0x15f: {  	s0 =	rddreg [dreg:$0x0];
	s2 =	stileid.u32  }
0x160: {  	s1 =	rddreg [dreg:$0x1];
	p0 =	sne.s32 s2, $0x0  }
0x161: {  	s3 =	rddreg [dreg:$0x2];
	[bflag:$0x3] =	sbarrier.arrive $0xFFFF;
	s2 =	simm.s32 @!p0 $0x1C01  }
0x162: {  	[timem:s3], [sflag:s2] =	dma.local @!p0 [hbm:s0], s1  }
0x163: {  	s0 =	simm.s32 @!p0 $0x1  }
0x164: {  	_ =	swait.ge @!p0 [sflag:s0], s1  }
0x165: {  	s1 =	ssub.s32 @!p0 $0x0, s1;
	[sflag:s0] =	ssyncset.done @!p0 $0x0  }
0x166: {  	[sflag:s0] =	ssyncadd.s32 @!p0 s1  }
0x167: {  	[bflag:$0x3] =	sbarrier.arrive $0xFFFF  }
0x168: {  	_ =	shalt  }

// kernel: kernel.17.cloned.1.call-start
scs
__scs_entry_jumppad:
0x0: {  	(pc) =	sbr.rel $0x88, $3  }
0x1: {  	(tag) =	ssettag $0x0;
	lr =	simm.s32 $0x1  }
0x2: {  	[smem:$0x3F91] =	sst lr;
	_ =	strace $0xD0000000  }
0x3: {  	_ = 	snop  }
0x4: {  	_ = 	snop  }
0x5: {  	_ = 	snop  }
0x6: {  	_ = 	snop  }
0x7: {  	_ = 	snop  }
__scs_overlays_trampoline_lowered:
0x8: {  	[smem:$0x3FA0] =	sst s0  }
0x9: {  	[smem:$0x3FA1] =	sst s1  }
0xa: {  	[smem:$0x3FA2] =	sst s2  }
0xb: {  	[smem:$0x3FA3] =	sst s3  }
0xc: {  	[smem:$0x3FA4] =	sst s4  }
0xd: {  	[smem:$0x3FA5] =	sst s5  }
0xe: {  	[smem:$0x3FA6] =	sst s6  }
0xf: {  	[smem:$0x3FA7] =	sst s7  }
0x10: {  	[smem:$0x3FA8] =	sst s8  }
0x11: {  	[smem:$0x3FA9] =	sst s9;
	s0 =	simm.s32 @!p0 $0x0  }
0x12: {  	s1 =	sld [smem:$0x3F8F];
	s0 =	simm.s32 @p0 $0x1  }
0x13: {  	[smem:$0x3FAA] =	sst s0;
	s0 =	simm.s32 @!p1 $0x0  }
0x14: {  	s2 =	sld [smem:$0x3F8E];
	s0 =	simm.s32 @p1 $0x1  }
0x15: {  	[smem:$0x3FAB] =	sst s0;
	s0 =	simm.s32 @!p2 $0x0  }
0x16: {  	s3 =	sld [smem:$0x3FDB];
	s0 =	simm.s32 @p2 $0x1  }
0x17: {  	s4 =	simm.s32 $0x1BF5;
	[smem:$0x3FAD] =	sst s0  }
0x18: {  	s0 =	sld [smem:$0x3F90];
	_ =	swait.ge [sflag:s4], $0x0  }
0x19: {  	s7 =	sld [smem:$0x3F91]  }
0x1a: {  	s8 =	sadd.s32 $0xFFFFE003, lr  }
0x1b: {  	s9 =	sadd.s32 $0xFFFFFEF7, lr;
	s5 =	simm.s32 $0xFFFFFFFF;
	p2 =	slt.u32 s8, $0xFFFFF086  }
0x1c: {  	p1 =	slt.u32 s9, $0xF7A;
	s5 =	simm.s32 @!p2 $0x0  }
0x1d: {  	s5 =	simm.s32 @p1 $0x1;
	p0 =	seq.s32 s7, s2  }
0x1e: {  	s7 =	smul.u32 @!p0 $0xF7A, s2;
	p2 =	seq.s32 @!p0 s5, $0x0  }
0x1f: {  	s9 =	smul.u32 $0xF7A, s1;
	s8 =	simm.s32 @!p0 $0x1BF5;
	p2 =	por !p2, p0  }
0x20: {  	[sflag:s8] =	ssyncset.s32 @!p0 $0xFFFFF086;
	s6 =	sadd.s32 @!p0 s3, s7;
	s7 =	simm.s32 @!p0 $0x108  }
0x21: {  	s3 =	sadd.s32 s3, s9;
	s6 =	sadd.s32 @!p0 $0x88, s6;
	s7 =	simm.s32 @p2 $0x1082  }
0x22: {  	[simem:s7], [sflag:s8] =	dma.local @!p0 [hbm:s6], $0xF7A  }
0x23: {  	s9 =	sor.u32 $0xD0000000, s2;
	s6 =	simm.s32 $0x108;
	_ =	swait.ge @!p0 [sflag:s8], $0x0  }
0x24: {  	s3 =	sadd.s32 $0x88, s3;
	s6 =	simm.s32 @!p1 $0x1082;
	[sflag:s4] =	ssyncset.s32 $0xFFFFF086  }
0x25: {  	[simem:s6], [sflag:s4] =	dma.local [hbm:s3], $0xF7A  }
0x26: {  	[smem:$0x3F91] =	sst s1;
	(tag) =	ssettag s2;
	_ =	strace s9  }
0x27: {  	s1 =	sld [smem:$0x3FA1]  }
0x28: {  	s2 =	sld [smem:$0x3FA2]  }
0x29: {  	s4 =	sld [smem:$0x3FA4]  }
0x2a: {  	p0 =	seq.s32 s5, $0x0;
	s5 =	sld [smem:$0x3FA5]  }
0x2b: {  	s6 =	sld [smem:$0x3FA6]  }
0x2c: {  	s7 =	sld [smem:$0x3FA7]  }
0x2d: {  	s3 =	simm.s32 $0x108;
	s8 =	sld [smem:$0x3FA8]  }
0x2e: {  	s3 =	simm.s32 @!p0 $0x1082;
	s9 =	sld [smem:$0x3FA9]  }
0x2f: {  	lr =	sadd.s32 s0, s3;
	s0 =	sld [smem:$0x3FA0]  }
0x30: {  	s3 =	sld [smem:$0x3FA3]  }
0x31: {  	[smem:$0x3FAC] =	sst s10  }
0x32: {  	s10 =	sld [smem:$0x3FAA];
	_ =	sdelay $0x3  }
0x33: {  	p0 =	seq.s32 s10, $0x1;
	s10 =	sld [smem:$0x3FAC];
	_ =	sdelay $0x3  }
0x34: {  	[smem:$0x3FAC] =	sst s10  }
0x35: {  	s10 =	sld [smem:$0x3FAB];
	_ =	sdelay $0x3  }
0x36: {  	p1 =	seq.s32 s10, $0x1;
	s10 =	sld [smem:$0x3FAC];
	_ =	sdelay $0x3  }
0x37: {  	[smem:$0x3FAC] =	sst s10  }
0x38: {  	s10 =	sld [smem:$0x3FAD]  }
0x39: {  	_ = 	snop;
	(pc) =	sbr.ind lr, $3  }
0x3a: {  	_ = 	snop  }
0x3b: {  	_ = 	snop  }
0x3c: {  	p2 =	seq.s32 s10, $0x1;
	s10 =	sld [smem:$0x3FAC]  }
0x3d: {  	_ =	shalt  }
0x3e: {  	_ =	shalt  }
0x3f: {  	_ =	shalt  }
0x40: {  	_ =	shalt  }
0x41: {  	_ =	shalt  }
0x42: {  	_ =	shalt  }
0x43: {  	_ =	shalt  }
0x44: {  	_ =	shalt  }
0x45: {  	_ =	shalt  }
0x46: {  	_ =	shalt  }
0x47: {  	_ =	shalt  }
0x48: {  	_ =	shalt  }
0x49: {  	_ =	shalt  }
0x4a: {  	_ =	shalt  }
0x4b: {  	_ =	shalt  }
0x4c: {  	_ =	shalt  }
0x4d: {  	_ =	shalt  }
0x4e: {  	_ =	shalt  }
0x4f: {  	_ =	shalt  }
0x50: {  	_ =	shalt  }
0x51: {  	_ =	shalt  }
0x52: {  	_ =	shalt  }
0x53: {  	_ =	shalt  }
0x54: {  	_ =	shalt  }
0x55: {  	_ =	shalt  }
0x56: {  	_ =	shalt  }
0x57: {  	_ =	shalt  }
0x58: {  	_ =	shalt  }
0x59: {  	_ =	shalt  }
0x5a: {  	_ =	shalt  }
0x5b: {  	_ =	shalt  }
0x5c: {  	_ =	shalt  }
0x5d: {  	_ =	shalt  }
0x5e: {  	_ =	shalt  }
0x5f: {  	_ =	shalt  }
0x60: {  	_ =	shalt  }
0x61: {  	_ =	shalt  }
0x62: {  	_ =	shalt  }
0x63: {  	_ =	shalt  }
0x64: {  	_ =	shalt  }
0x65: {  	_ =	shalt  }
0x66: {  	_ =	shalt  }
0x67: {  	_ =	shalt  }
0x68: {  	_ =	shalt  }
0x69: {  	_ =	shalt  }
0x6a: {  	_ =	shalt  }
0x6b: {  	_ =	shalt  }
0x6c: {  	_ =	shalt  }
0x6d: {  	_ =	shalt  }
0x6e: {  	_ =	shalt  }
0x6f: {  	_ =	shalt  }
0x70: {  	_ =	shalt  }
0x71: {  	_ =	shalt  }
0x72: {  	_ =	shalt  }
0x73: {  	_ =	shalt  }
0x74: {  	_ =	shalt  }
0x75: {  	_ =	shalt  }
0x76: {  	_ =	shalt  }
0x77: {  	_ =	shalt  }
0x78: {  	_ =	shalt  }
0x79: {  	_ =	shalt  }
0x7a: {  	_ =	shalt  }
0x7b: {  	_ =	shalt  }
0x7c: {  	_ =	shalt  }
0x7d: {  	_ =	shalt  }
0x7e: {  	_ =	shalt  }
0x7f: {  	_ =	shalt  }
0x80: {  	_ =	shalt  }
0x81: {  	_ =	shalt  }
0x82: {  	_ =	shalt  }
0x83: {  	_ =	shalt  }
0x84: {  	_ =	shalt  }
0x85: {  	_ =	shalt  }
0x86: {  	_ =	shalt  }
0x87: {  	_ =	shalt  }
.Lfunc_end0:
.L_simem_size_0:
called_computation.4_lowered:
.L_overlay_start_0:
0x88: {  	s2 =	sld [smem:$0x3FD9]  }
0x89: {  	s3 =	sld [smem:$0x3FFE];
	_ =	sdelay $0x1  }
0x8a: {  	s1 =	srdreg.scid  }
0x8b: {  	s0 =	sand.u32 $0x1, s1  }
0x8c: {  	s16 =	sshll.u32 s0, $0xA;
	s2 =	sadd.s32 s3, s2  }
0x8d: {  	s2 =	sadd.s32 s2, s16  }
0x8e: {  	[smem:$0x3FB8] =	sst s2  }
0x8f: {  	_ = 	snop  }
0x90: {  	(tm) =	ssettm $0x1  }
0x91: {  	s17 =	sld [smem:$0x3FFB];
	_ =	sdelay $0x3  }
0x92: {  	_ =	strace s17  }
0x93: {  	s2 =	sld [smem:$0x3FFC];
	_ =	sdelay $0x3  }
0x94: {  	_ =	strace s2  }
0x95: {  	s2 =	sld [smem:$0x3FFD];
	_ =	sdelay $0x3  }
0x96: {  	_ =	strace s2  }
0x97: {  	_ =	strace $0x8FFFFFFF  }
0x98: {  	s18 =	sld [smem:$0x3FDB];
	_ =	sdelay $0x1  }
0x99: {  	s19 =	simm.s32 $_scs_section_size  }
0x9a: {  	s4 =	simm.s32 $_size__tile_overlayer_lowered;
	s5 =	simm.s32 $_tile_overlayer_lowered  }
0x9b: {  	s22 =	simm.s32 $0x1BFF;
	s21 =	sshll.u32 s5, $0x1;
	s2 =	sadd.s32 s19, s18  }
0x9c: {  	s6 =	simm.s32 $0x0;
	s20 =	sshll.u32 s4, $0x1;
	s4 =	sadd.s32 s21, s2  }
0x9d: {  	[timem:s6], [sflag:s22] =	dma.local [hbm:s4], s20  }
0x9e: {  	_ =	swait.ge [sflag:s22], s20  }
0x9f: {  	s3 =	ssub.s32 $0x0, s20;
	[sflag:s22] =	ssyncset.done $0x0  }
0xa0: {  	[sflag:s22] =	ssyncadd.s32 s3;
	_ =	sdelay $0x1  }
0xa1: {  	s23 =	simm.s32 $0x1B8B  }
0xa2: {  	_ =	swait.ge [sflag:s23], $0x1  }
0xa3: {  	[sflag:s23] =	ssyncset.done $0x0  }
0xa4: {  	s25 =	simm.s32 $0x1B8E;
	s24 =	sld [smem:$0x3FFE];
	[sflag:s23] =	ssyncadd.s32 $0xFFFFFFFF  }
0xa5: {  	s26 =	simm.s32 $execute0_lowered;
	[smem:$0x3FD2] =	sst s25  }
0xa6: {  	s4 =	sshll.u32 s26, $0x1;
	_ =	strace $0x8000004C;
	[dreg:$0x1] =	wrdreg $0xFFFFFFFF  }
0xa7: {  	s28 =	simm.s32 $_size_execute0_lowered;
	s2 =	sadd.s32 s2, s4;
	[dreg:$0x0] =	wrdreg $0x0  }
0xa8: {  	s4 =	sshll.u32 s28, $0x1;
	[dreg:$0x2] =	wrdreg s2  }
0xa9: {  	[dreg:$0x3] =	wrdreg s4  }
0xaa: {  	[dreg:$0x4] =	wrdreg $0xC0  }
0xab: {  	_ =	task [dreg:s6], $0x5FFFF  }
0xac: {  	[dreg:$0x1] =	wrdreg $0xFFFFFFFF  }
0xad: {  	[dreg:$0x0] =	wrdreg $0x60  }
0xae: {  	[dreg:$0x2] =	wrdreg s24  }
0xaf: {  	[dreg:$0x3] =	wrdreg $0x9  }
0xb0: {  	_ =	task.clear_ibuf [dreg:s6], $0x4FFFF;
	_ =	strace $0x9000004C  }
0xb1: {  	s29 =	simm.s32 $0x9;
	_ =	strace $0x8000004E  }
0xb2: {  	_ =	swait.ge [sflag:s29], $0x1  }
0xb3: {  	[sflag:s29] =	ssyncadd.s32 $0xFFFFFFFF  }
0xb4: {  	_ =	strace $0x9000004E  }
0xb5: {  	_ =	sfence  }
0xb6: {  	s30 =	sld [smem:$0x0];
	_ =	sdelay $0x2  }
0xb7: {  	s31 =	sshll.u32 s1, $0xD;
	s1 =	sshrl.u32 s1, $0x2  }
0xb8: {  	s3 =	sand.u32 $0x4000, s31;
	s1 =	sadd.s32 s1, s30  }
0xb9: {  	s0 =	sor.u32 s3, s0;
	s1 =	sshll.u32 s1, $0x11  }
0xba: {  	s0 =	sor.u32 s1, s0  }
0xbb: {  	s0 =	sadd.s32 $0x8F2B, s0  }
0xbc: {  	[sflag:s0] =	ssyncadd.remote.s32 $0x1  }
0xbd: {  	_ =	sfence.sel $0xFFFF  }
0xbe: {  	[dreg:$0x0] =	wrdreg $0xFFFFFFFF;
	(pc) =	sbr.abs _section_cstart, $3  }
0xbf: {  	[dreg:$0x1] =	wrdreg $0xFFFFFFFF  }
0xc0: {  	_ =	task.clear_ibuf [dreg:s6], $0x2FFFF;
	_ =	strace $0x9FFFFFFF  }
0xc1: {  	(tm) =	ssettm $0x7FFFFFFF  }
tec
execute0_lowered:
.L_overlay_start_1:
0x0: {  	(tag) =	ssettag $0x1  }
0x1: {  	s7 =	rddreg [dreg:$0x0]  }
0x2: {  	s0 =	rddreg [dreg:$0x1];
	s1 =	simm.s32 $0x0  }
0x3: {  	s2 =	srdreg.scid;
	s12 =	simm.s32 $0x6BD0;
	s13 =	simm.s32 $0x1  }
0x4: {  	s14 =	simm.s32 $0x2;
	s15 =	simm.s32 $0x3;
	s16 =	simm.s32 $0x0  }
0x5: {  	[smem:$0x7FF] =	sst s1;
	s3 =	sadd.s32 $0xCA200, s7;
	s4 =	sadd.s32 $0x280400, s7  }
0x6: {  	s8 =	sand.u32 $0x1, s2;
	s5 =	sadd.s32 $0x267C00, s7;
	s2 =	stileid.u32  }
0x7: {  	s6 =	sadd.s32 $0x24F400, s7;
	s7 =	sadd.s32 $0x1B03800, s7;
	s9 =	ssub.s32 $0x2, s8  }
0x8: {  	_ =	strace $0x8000004D;
	s11 =	sshll.u32 s2, $0x1;
	s10 =	sshrl.u32 s9, $0x1  }
0x9: {  	s8 =	sor.u32 s8, s11;
	s11 =	simm.s32 $0x7D0;
	s9 =	ssub.s32 s9, s10  }
0xa: {  	s8 =	smul.u32 $0x61A8, s8;
	s10 =	simm.s32 $0xC8;
	s9 =	smax.u32 s9, $0x1  }
.LBB2_1:
0xb: {  	s17 =	simm.s32 $0x0  }
.LBB2_2:
0xc: {  	s18 =	smul.u32 $0xCD, s17;
	_ =	sdelay $0x1  }
0xd: {  	s18 =	sshrl.u32 s18, $0xA  }
0xe: {  	s18 =	sand.u32 $0x3F, s18  }
0xf: {  	s18 =	smul.u32 $0x5, s18;
	_ =	sdelay $0x1  }
0x10: {  	s19 =	smul.u32 $0xC8, s17;
	s18 =	ssub.s32 s17, s18  }
0x11: {  	s20 =	sand.u32 $0xFF, s18  }
0x12: {  	s18 =	sadd.s32 s8, s19;
	p0 =	sne.s32 s20, $0x0  }
0x13: {  	s19 =	sshrl.u32 @!p0 s18, $0x3  }
0x14: {  	s22 =	simm.s32 @!p0 $0x0;
	s21 =	sadd.s32 @!p0 s5, s19  }
0x15: {  	[tilespmem:s22], [sflag:$0x3] =	stream.linear.gather @!p0 [hbm4b:s21+s22], $0x3E8, $0x38;
	[tilespmem:$0xCFD0] =	vst v63  }
0x16: {  	s21 =	simm.s32 @!p0 $0x3  }
0x17: {  	_ =	swait.ge @!p0 [sflag:s21], $0x3E8  }
0x18: {  	[sflag:s21] =	ssyncset.done @!p0 $0x0  }
0x19: {  	s23 =	simm.s32 @!p0 $0x3E8;
	s19 =	sadd.s32 @!p0 s6, s19;
	[sflag:s21] =	ssyncadd.s32 @!p0 $0xFFFFFC18  }
0x1a: {  	[tilespmem:s23], [sflag:$0x3] =	stream.linear.gather @!p0 [hbm4b:s19+s22], $0x3E8, $0x38;
	[tilespmem:$0xCFD0] =	vst v63  }
0x1b: {  	_ =	swait.ge @!p0 [sflag:s21], $0x3E8  }
0x1c: {  	s31 =	smul.u32 $0xC8, s20;
	[sflag:s21] =	ssyncset.done @!p0 $0x0  }
0x1d: {  	[sflag:s21] =	ssyncadd.s32 @!p0 $0xFFFFFC18  }
0x1e: {  	[tilespmem:s11], [sflag:$0x1] =	stream.indirect.gather [hbm4b:s3+s10], $0x80, s31, s10, $0xb8;
	[tilespmem:$0xCFD0] =	vst v63  }
0x1f: {  	s19 =	sadd.s32 $0x3E8, s31  }
0x20: {  	[tilespmem:s12], [sflag:$0x2] =	stream.indirect.gather [hbm4b:s4+s10], $0x80, s19, s10, $0xb8;
	[tilespmem:$0xCFD0] =	vst v63  }
0x21: {  	_ =	swait.ge [sflag:s13], $0x6400  }
0x22: {  	[sflag:s13] =	ssyncset.done $0x0  }
0x23: {  	[sflag:s13] =	ssyncadd.s32 $0xFFFF9C00  }
0x24: {  	_ =	swait.ge [sflag:s14], $0x6400  }
0x25: {  	[sflag:s14] =	ssyncset.done $0x0  }
0x26: {  	s19 =	simm.s32 $0x0;
	[sflag:s14] =	ssyncadd.s32 $0xFFFF9C00  }
0x27: {  	v7 =	vld [tilespmem:s19+$0x6BD0]  }
0x28: {  	v11 =	vld [tilespmem:s19+$0x6BE0]  }
0x29: {  	v5 =	vld [tilespmem:s19+$0x6BF0]  }
0x2a: {  	v4 =	vld [tilespmem:s19+$0x6C00]  }
0x2b: {  	v3 =	vld [tilespmem:s19+$0x6C10]  }
0x2c: {  	v2 =	vld [tilespmem:s19+$0x6C20]  }
0x2d: {  	v1 =	vld [tilespmem:s19+$0x6C30]  }
0x2e: {  	v0 =	vld [tilespmem:s19+$0x6C40]  }
0x2f: {  	v12 =	vld [tilespmem:s19+$0x7D0]  }
0x30: {  	v13 =	vld [tilespmem:s19+$0x7E0]  }
0x31: {  	v10 =	vld [tilespmem:s19+$0x7F0]  }
0x32: {  	v9 =	vld [tilespmem:s19+$0x800]  }
0x33: {  	v8 =	vld [tilespmem:s19+$0x810]  }
0x34: {  	v6 =	vld [tilespmem:s19+$0x820];
	v12 =	vadd.f32 v7, v12  }
0x35: {  	s20 =	simm.s32 $0x200;
	v11 =	vadd.f32 v11, v13;
	v7 =	vld [tilespmem:s19+$0x830]  }
.LBB2_3:
0x36: {  	s21 =	sshra.s32 s20, $0x2;
	p0 =	sne.s32 s20, $0x18E00;
	[tilespmem:s19+$0x7D0] =	vst v12;
	v5 =	vadd.f32 v5, v10;
	v10 =	vld [tilespmem:s19+$0x840]  }
0x37: {  	v12 =	vld [tilespmem:s21+$0x6BD0];
	[tilespmem:s19+$0x7E0] =	vst v11;
	v4 =	vadd.f32 v4, v9  }
0x38: {  	v11 =	vld [tilespmem:s21+$0x6BE0];
	[tilespmem:s19+$0x7F0] =	vst v5;
	v3 =	vadd.f32 v3, v8  }
0x39: {  	v5 =	vld [tilespmem:s21+$0x6BF0];
	[tilespmem:s19+$0x800] =	vst v4;
	v2 =	vadd.f32 v2, v6  }
0x3a: {  	v4 =	vld [tilespmem:s21+$0x6C00];
	[tilespmem:s19+$0x810] =	vst v3;
	v1 =	vadd.f32 v1, v7  }
0x3b: {  	v3 =	vld [tilespmem:s21+$0x6C10];
	[tilespmem:s19+$0x820] =	vst v2;
	v0 =	vadd.f32 v0, v10  }
0x3c: {  	v2 =	vld [tilespmem:s21+$0x6C20];
	[tilespmem:s19+$0x830] =	vst v1  }
0x3d: {  	v1 =	vld [tilespmem:s21+$0x6C30];
	[tilespmem:s19+$0x840] =	vst v0;
	s19 =	smov.u32 s21  }
0x3e: {  	v0 =	vld [tilespmem:s19+$0x6C40]  }
0x3f: {  	v6 =	vld [tilespmem:s19+$0x7D0]  }
0x40: {  	v7 =	vld [tilespmem:s19+$0x7E0]  }
.Ltmp0:
0x41: {  	v10 =	vld [tilespmem:s19+$0x7F0];
	(pc) =	sbr.rel @p0 .LBB2_3-.Ltmp0, $4  }
0x42: {  	v9 =	vld [tilespmem:s19+$0x800]  }
0x43: {  	v8 =	vld [tilespmem:s19+$0x810]  }
0x44: {  	v12 =	vadd.f32 v12, v6;
	v6 =	vld [tilespmem:s19+$0x820]  }
0x45: {  	s20 =	sadd.s32 $0x200, s20;
	v11 =	vadd.f32 v11, v7;
	v7 =	vld [tilespmem:s19+$0x830]  }
0x46: {  	[tilespmem:s19+$0x7D0] =	vst v12;
	v5 =	vadd.f32 v5, v10;
	v63 =	vld [tilespmem:s19+$0x840]  }
0x47: {  	[tilespmem:s19+$0x7E0] =	vst v11;
	v4 =	vadd.f32 v4, v9  }
0x48: {  	[tilespmem:s19+$0x7F0] =	vst v5;
	v3 =	vadd.f32 v3, v8  }
0x49: {  	[tilespmem:s19+$0x800] =	vst v4;
	v2 =	vadd.f32 v2, v6  }
0x4a: {  	[tilespmem:s19+$0x810] =	vst v3;
	v1 =	vadd.f32 v1, v7  }
0x4b: {  	s17 =	sadd.s32 $0x1, s17;
	[tilespmem:s19+$0x820] =	vst v2;
	v0 =	vadd.f32 v0, v63  }
0x4c: {  	s18 =	sshll.u32 s18, $0x4;
	p0 =	sne.s32 s17, $0x7D;
	[tilespmem:s19+$0x830] =	vst v1  }
.Ltmp1:
0x4d: {  	s18 =	sadd.s32 s7, s18;
	[tilespmem:s19+$0x840] =	vst v0;
	(pc) =	sbr.rel @p0 .LBB2_2-.Ltmp1, $4  }
0x4e: {  	[hbm4b:s18+s1] =	stream.linear.scatter [tilespmem:s11], [sflag:$0x3], $0x6400, $0x38;
	[tilespmem:$0xCFD0] =	vst v63  }
0x4f: {  	_ =	swait.ge [sflag:s15], $0x6400  }
0x50: {  	[sflag:s15] =	ssyncset.done $0x0  }
0x51: {  	[sflag:s15] =	ssyncadd.s32 $0xFFFF9C00  }
0x52: {  	s16 =	sadd.s32 $0x1, s16  }
0x53: {  	p0 =	sne.s32 s16, s9  }
.Ltmp2:
0x54: {  	_ = 	snop;
	(pc) =	sbr.rel @p0 .LBB2_1-.Ltmp2, $1  }
0x55: {  	_ =	sdelay $0x3  }
0x56: {  	_ =	sfence.sel $0x180000  }
0x57: {  	[bflag:$0x0] =	sbarrier.arrive $0xFFFF  }
0x58: {  	p0 =	sne.s32 s2, $0x0;
	_ =	strace $0x9000004D  }
0x59: {  	s0 =	sadd.s32 @!p0 $0x100000, s0;
	[bflag:$0x2] =	sbarrier.arrive $0xFFFF  }
0x5a: {  	[sflag:s0] =	ssyncadd.tile.s32 @!p0 $0x1;
	_ =	shalt  }
.Lfunc_end2:
_tile_overlayer_lowered:
.L_overlay_start_2:
0x5b: {  	(tag) =	ssettag $0x2  }
0x5c: {  	s0 =	rddreg [dreg:$0x0];
	s2 =	stileid.u32  }
0x5d: {  	s1 =	rddreg [dreg:$0x1];
	p0 =	sne.s32 s2, $0x0  }
0x5e: {  	s3 =	rddreg [dreg:$0x2];
	[bflag:$0x3] =	sbarrier.arrive $0xFFFF;
	s2 =	simm.s32 @!p0 $0x1C03  }
0x5f: {  	[timem:s3], [sflag:s2] =	dma.local @!p0 [hbm:s0], s1  }
0x60: {  	s0 =	simm.s32 @!p0 $0x3  }
0x61: {  	_ =	swait.ge @!p0 [sflag:s0], s1  }
0x62: {  	s1 =	ssub.s32 @!p0 $0x0, s1;
	[sflag:s0] =	ssyncset.done @!p0 $0x0  }
0x63: {  	[sflag:s0] =	ssyncadd.s32 @!p0 s1  }
0x64: {  	[bflag:$0x3] =	sbarrier.arrive $0xFFFF  }
0x65: {  	_ =	shalt  }

// kernel: kernel.20.cloned.1.call-start
scs
__scs_entry_jumppad:
0x0: {  	(pc) =	sbr.rel $0x88, $3  }
0x1: {  	(tag) =	ssettag $0x0;
	lr =	simm.s32 $0x1  }
0x2: {  	[smem:$0x3F91] =	sst lr;
	_ =	strace $0xD0000000  }
0x3: {  	_ = 	snop  }
0x4: {  	_ = 	snop  }
0x5: {  	_ = 	snop  }
0x6: {  	_ = 	snop  }
0x7: {  	_ = 	snop  }
__scs_overlays_trampoline_lowered:
0x8: {  	[smem:$0x3FA0] =	sst s0  }
0x9: {  	[smem:$0x3FA1] =	sst s1  }
0xa: {  	[smem:$0x3FA2] =	sst s2  }
0xb: {  	[smem:$0x3FA3] =	sst s3  }
0xc: {  	[smem:$0x3FA4] =	sst s4  }
0xd: {  	[smem:$0x3FA5] =	sst s5  }
0xe: {  	[smem:$0x3FA6] =	sst s6  }
0xf: {  	[smem:$0x3FA7] =	sst s7  }
0x10: {  	[smem:$0x3FA8] =	sst s8  }
0x11: {  	[smem:$0x3FA9] =	sst s9;
	s0 =	simm.s32 @!p0 $0x0  }
0x12: {  	s1 =	sld [smem:$0x3F8F];
	s0 =	simm.s32 @p0 $0x1  }
0x13: {  	[smem:$0x3FAA] =	sst s0;
	s0 =	simm.s32 @!p1 $0x0  }
0x14: {  	s2 =	sld [smem:$0x3F8E];
	s0 =	simm.s32 @p1 $0x1  }
0x15: {  	[smem:$0x3FAB] =	sst s0;
	s0 =	simm.s32 @!p2 $0x0  }
0x16: {  	s3 =	sld [smem:$0x3FDB];
	s0 =	simm.s32 @p2 $0x1  }
0x17: {  	s4 =	simm.s32 $0x1BF5;
	[smem:$0x3FAD] =	sst s0  }
0x18: {  	s0 =	sld [smem:$0x3F90];
	_ =	swait.ge [sflag:s4], $0x0  }
0x19: {  	s7 =	sld [smem:$0x3F91]  }
0x1a: {  	s8 =	sadd.s32 $0xFFFFE003, lr  }
0x1b: {  	s9 =	sadd.s32 $0xFFFFFEF7, lr;
	s5 =	simm.s32 $0xFFFFFFFF;
	p2 =	slt.u32 s8, $0xFFFFF086  }
0x1c: {  	p1 =	slt.u32 s9, $0xF7A;
	s5 =	simm.s32 @!p2 $0x0  }
0x1d: {  	s5 =	simm.s32 @p1 $0x1;
	p0 =	seq.s32 s7, s2  }
0x1e: {  	s7 =	smul.u32 @!p0 $0xF7A, s2;
	p2 =	seq.s32 @!p0 s5, $0x0  }
0x1f: {  	s9 =	smul.u32 $0xF7A, s1;
	s8 =	simm.s32 @!p0 $0x1BF5;
	p2 =	por !p2, p0  }
0x20: {  	[sflag:s8] =	ssyncset.s32 @!p0 $0xFFFFF086;
	s6 =	sadd.s32 @!p0 s3, s7;
	s7 =	simm.s32 @!p0 $0x108  }
0x21: {  	s3 =	sadd.s32 s3, s9;
	s6 =	sadd.s32 @!p0 $0x88, s6;
	s7 =	simm.s32 @p2 $0x1082  }
0x22: {  	[simem:s7], [sflag:s8] =	dma.local @!p0 [hbm:s6], $0xF7A  }
0x23: {  	s9 =	sor.u32 $0xD0000000, s2;
	s6 =	simm.s32 $0x108;
	_ =	swait.ge @!p0 [sflag:s8], $0x0  }
0x24: {  	s3 =	sadd.s32 $0x88, s3;
	s6 =	simm.s32 @!p1 $0x1082;
	[sflag:s4] =	ssyncset.s32 $0xFFFFF086  }
0x25: {  	[simem:s6], [sflag:s4] =	dma.local [hbm:s3], $0xF7A  }
0x26: {  	[smem:$0x3F91] =	sst s1;
	(tag) =	ssettag s2;
	_ =	strace s9  }
0x27: {  	s1 =	sld [smem:$0x3FA1]  }
0x28: {  	s2 =	sld [smem:$0x3FA2]  }
0x29: {  	s4 =	sld [smem:$0x3FA4]  }
0x2a: {  	p0 =	seq.s32 s5, $0x0;
	s5 =	sld [smem:$0x3FA5]  }
0x2b: {  	s6 =	sld [smem:$0x3FA6]  }
0x2c: {  	s7 =	sld [smem:$0x3FA7]  }
0x2d: {  	s3 =	simm.s32 $0x108;
	s8 =	sld [smem:$0x3FA8]  }
0x2e: {  	s3 =	simm.s32 @!p0 $0x1082;
	s9 =	sld [smem:$0x3FA9]  }
0x2f: {  	lr =	sadd.s32 s0, s3;
	s0 =	sld [smem:$0x3FA0]  }
0x30: {  	s3 =	sld [smem:$0x3FA3]  }
0x31: {  	[smem:$0x3FAC] =	sst s10  }
0x32: {  	s10 =	sld [smem:$0x3FAA];
	_ =	sdelay $0x3  }
0x33: {  	p0 =	seq.s32 s10, $0x1;
	s10 =	sld [smem:$0x3FAC];
	_ =	sdelay $0x3  }
0x34: {  	[smem:$0x3FAC] =	sst s10  }
0x35: {  	s10 =	sld [smem:$0x3FAB];
	_ =	sdelay $0x3  }
0x36: {  	p1 =	seq.s32 s10, $0x1;
	s10 =	sld [smem:$0x3FAC];
	_ =	sdelay $0x3  }
0x37: {  	[smem:$0x3FAC] =	sst s10  }
0x38: {  	s10 =	sld [smem:$0x3FAD]  }
0x39: {  	_ = 	snop;
	(pc) =	sbr.ind lr, $3  }
0x3a: {  	_ = 	snop  }
0x3b: {  	_ = 	snop  }
0x3c: {  	p2 =	seq.s32 s10, $0x1;
	s10 =	sld [smem:$0x3FAC]  }
0x3d: {  	_ =	shalt  }
0x3e: {  	_ =	shalt  }
0x3f: {  	_ =	shalt  }
0x40: {  	_ =	shalt  }
0x41: {  	_ =	shalt  }
0x42: {  	_ =	shalt  }
0x43: {  	_ =	shalt  }
0x44: {  	_ =	shalt  }
0x45: {  	_ =	shalt  }
0x46: {  	_ =	shalt  }
0x47: {  	_ =	shalt  }
0x48: {  	_ =	shalt  }
0x49: {  	_ =	shalt  }
0x4a: {  	_ =	shalt  }
0x4b: {  	_ =	shalt  }
0x4c: {  	_ =	shalt  }
0x4d: {  	_ =	shalt  }
0x4e: {  	_ =	shalt  }
0x4f: {  	_ =	shalt  }
0x50: {  	_ =	shalt  }
0x51: {  	_ =	shalt  }
0x52: {  	_ =	shalt  }
0x53: {  	_ =	shalt  }
0x54: {  	_ =	shalt  }
0x55: {  	_ =	shalt  }
0x56: {  	_ =	shalt  }
0x57: {  	_ =	shalt  }
0x58: {  	_ =	shalt  }
0x59: {  	_ =	shalt  }
0x5a: {  	_ =	shalt  }
0x5b: {  	_ =	shalt  }
0x5c: {  	_ =	shalt  }
0x5d: {  	_ =	shalt  }
0x5e: {  	_ =	shalt  }
0x5f: {  	_ =	shalt  }
0x60: {  	_ =	shalt  }
0x61: {  	_ =	shalt  }
0x62: {  	_ =	shalt  }
0x63: {  	_ =	shalt  }
0x64: {  	_ =	shalt  }
0x65: {  	_ =	shalt  }
0x66: {  	_ =	shalt  }
0x67: {  	_ =	shalt  }
0x68: {  	_ =	shalt  }
0x69: {  	_ =	shalt  }
0x6a: {  	_ =	shalt  }
0x6b: {  	_ =	shalt  }
0x6c: {  	_ =	shalt  }
0x6d: {  	_ =	shalt  }
0x6e: {  	_ =	shalt  }
0x6f: {  	_ =	shalt  }
0x70: {  	_ =	shalt  }
0x71: {  	_ =	shalt  }
0x72: {  	_ =	shalt  }
0x73: {  	_ =	shalt  }
0x74: {  	_ =	shalt  }
0x75: {  	_ =	shalt  }
0x76: {  	_ =	shalt  }
0x77: {  	_ =	shalt  }
0x78: {  	_ =	shalt  }
0x79: {  	_ =	shalt  }
0x7a: {  	_ =	shalt  }
0x7b: {  	_ =	shalt  }
0x7c: {  	_ =	shalt  }
0x7d: {  	_ =	shalt  }
0x7e: {  	_ =	shalt  }
0x7f: {  	_ =	shalt  }
0x80: {  	_ =	shalt  }
0x81: {  	_ =	shalt  }
0x82: {  	_ =	shalt  }
0x83: {  	_ =	shalt  }
0x84: {  	_ =	shalt  }
0x85: {  	_ =	shalt  }
0x86: {  	_ =	shalt  }
0x87: {  	_ =	shalt  }
.Lfunc_end0:
.L_simem_size_0:
called_computation.5_lowered:
.L_overlay_start_0:
0x88: {  	s2 =	sld [smem:$0x3FD9]  }
0x89: {  	s3 =	sld [smem:$0x3FFE];
	_ =	sdelay $0x1  }
0x8a: {  	s1 =	srdreg.scid  }
0x8b: {  	s0 =	sand.u32 $0x1, s1  }
0x8c: {  	s16 =	sshll.u32 s0, $0xA;
	s2 =	sadd.s32 s3, s2  }
0x8d: {  	s2 =	sadd.s32 s2, s16  }
0x8e: {  	[smem:$0x3FB8] =	sst s2  }
0x8f: {  	_ = 	snop  }
0x90: {  	(tm) =	ssettm $0x1  }
0x91: {  	s17 =	sld [smem:$0x3FFB];
	_ =	sdelay $0x3  }
0x92: {  	_ =	strace s17  }
0x93: {  	s2 =	sld [smem:$0x3FFC];
	_ =	sdelay $0x3  }
0x94: {  	_ =	strace s2  }
0x95: {  	s2 =	sld [smem:$0x3FFD];
	_ =	sdelay $0x3  }
0x96: {  	_ =	strace s2  }
0x97: {  	_ =	strace $0x8FFFFFFF  }
0x98: {  	s18 =	sld [smem:$0x3FDB];
	_ =	sdelay $0x1  }
0x99: {  	s19 =	simm.s32 $_scs_section_size  }
0x9a: {  	s4 =	simm.s32 $_size__tile_overlayer_lowered;
	s5 =	simm.s32 $_tile_overlayer_lowered  }
0x9b: {  	s22 =	simm.s32 $0x1BFF;
	s21 =	sshll.u32 s5, $0x1;
	s2 =	sadd.s32 s19, s18  }
0x9c: {  	s6 =	simm.s32 $0x0;
	s20 =	sshll.u32 s4, $0x1;
	s4 =	sadd.s32 s21, s2  }
0x9d: {  	[timem:s6], [sflag:s22] =	dma.local [hbm:s4], s20  }
0x9e: {  	_ =	swait.ge [sflag:s22], s20  }
0x9f: {  	s3 =	ssub.s32 $0x0, s20;
	[sflag:s22] =	ssyncset.done $0x0  }
0xa0: {  	[sflag:s22] =	ssyncadd.s32 s3;
	_ =	sdelay $0x1  }
0xa1: {  	s23 =	simm.s32 $0x1B8B  }
0xa2: {  	_ =	swait.ge [sflag:s23], $0x1  }
0xa3: {  	[sflag:s23] =	ssyncset.done $0x0  }
0xa4: {  	s25 =	simm.s32 $0x1B8E;
	s24 =	sld [smem:$0x3FFE];
	[sflag:s23] =	ssyncadd.s32 $0xFFFFFFFF  }
0xa5: {  	s26 =	simm.s32 $execute0_lowered;
	[smem:$0x3FD2] =	sst s25  }
0xa6: {  	s4 =	sshll.u32 s26, $0x1;
	_ =	strace $0x8000004F;
	[dreg:$0x1] =	wrdreg $0xFFFFFFFF  }
0xa7: {  	s28 =	simm.s32 $_size_execute0_lowered;
	s2 =	sadd.s32 s2, s4;
	[dreg:$0x0] =	wrdreg $0x0  }
0xa8: {  	s4 =	sshll.u32 s28, $0x1;
	[dreg:$0x2] =	wrdreg s2  }
0xa9: {  	[dreg:$0x3] =	wrdreg s4  }
0xaa: {  	[dreg:$0x4] =	wrdreg $0xC0  }
0xab: {  	_ =	task [dreg:s6], $0x5FFFF  }
0xac: {  	[dreg:$0x1] =	wrdreg $0xFFFFFFFF  }
0xad: {  	[dreg:$0x0] =	wrdreg $0x60  }
0xae: {  	[dreg:$0x2] =	wrdreg s24  }
0xaf: {  	[dreg:$0x3] =	wrdreg $0x42680  }
0xb0: {  	[dreg:$0x4] =	wrdreg $0x9  }
0xb1: {  	_ =	task.clear_ibuf [dreg:s6], $0x5FFFF;
	_ =	strace $0x9000004F  }
0xb2: {  	s29 =	simm.s32 $0x9;
	_ =	strace $0x80000051  }
0xb3: {  	_ =	swait.ge [sflag:s29], $0x1  }
0xb4: {  	[sflag:s29] =	ssyncadd.s32 $0xFFFFFFFF  }
0xb5: {  	_ =	strace $0x90000051  }
0xb6: {  	_ =	sfence  }
0xb7: {  	s30 =	sld [smem:$0x0];
	_ =	sdelay $0x2  }
0xb8: {  	s31 =	sshll.u32 s1, $0xD;
	s1 =	sshrl.u32 s1, $0x2  }
0xb9: {  	s3 =	sand.u32 $0x4000, s31;
	s1 =	sadd.s32 s1, s30  }
0xba: {  	s0 =	sor.u32 s3, s0;
	s1 =	sshll.u32 s1, $0x11  }
0xbb: {  	s0 =	sor.u32 s1, s0  }
0xbc: {  	s0 =	sadd.s32 $0x8F2B, s0  }
0xbd: {  	[sflag:s0] =	ssyncadd.remote.s32 $0x1  }
0xbe: {  	_ =	sfence.sel $0xFFFF  }
0xbf: {  	[dreg:$0x0] =	wrdreg $0xFFFFFFFF;
	(pc) =	sbr.abs _section_cstart, $3  }
0xc0: {  	[dreg:$0x1] =	wrdreg $0xFFFFFFFF  }
0xc1: {  	_ =	task.clear_ibuf [dreg:s6], $0x2FFFF;
	_ =	strace $0x9FFFFFFF  }
0xc2: {  	(tm) =	ssettm $0x7FFFFFFF  }
0xc3: {  	_ =	shalt  }
tec
execute0_lowered:
.L_overlay_start_1:
0x0: {  	(tag) =	ssettag $0x1  }
0x1: {  	s7 =	rddreg [dreg:$0x0]  }
0x2: {  	s2 =	rddreg [dreg:$0x1];
	s1 =	stileid.u32  }
0x3: {  	s0 =	rddreg [dreg:$0x2];
	s3 =	simm.s32 $0x0;
	s6 =	srdreg.scid  }
0x4: {  	s19 =	simm.s32 $0x1;
	s20 =	simm.s32 $0x10;
	s4 =	smul.u32 $0x61A80, s1  }
0x5: {  	s21 =	simm.s32 $0x80;
	s22 =	simm.s32 $0x3E8;
	s5 =	smul.u32 $0xC35, s1  }
0x6: {  	s23 =	simm.s32 $0x0;
	[smem:$0x7FF] =	sst s3;
	s13 =	smul.u32 $0xC380, s1  }
0x7: {  	s11 =	sand.u32 $0x1, s6;
	s6 =	sadd.s32 $0xE2A00, s7;
	s31 =	sshll.u32 s1, $0x6  }
0x8: {  	_ =	strace $0x80000050;
	s8 =	ssub.s32 $0x2, s11;
	s17 =	sadd.s32 s4, s7  }
0x9: {  	s14 =	sadd.s32 s5, s7;
	s4 =	sadd.s32 $0xC8800, s7;
	s5 =	sshrl.u32 s13, $0x3  }
0xa: {  	s10 =	sshrl.u32 s8, $0x1;
	s9 =	sadd.s32 s5, s7;
	s7 =	sadd.s32 $0x113A00, s7  }
.Ltmp0:
0xb: {  	s15 =	ssub.s32 s8, s10;
	s10 =	sor.u32 $0x1C01, s31;
	(pc) =	sbr.rel .LBB2_1-.Ltmp0, $4  }
0xc: {  	p0 =	seq.s32 s11, $0x1;
	s11 =	sadd.s32 $0x280408, s17;
	s12 =	sadd.s32 $0xEB5800, s14  }
0xd: {  	s18 =	sadd.s32 s13, s2;
	s13 =	sadd.s32 $0xEC1C00, s14;
	s14 =	sadd.s32 $0x28040A, s17  }
0xe: {  	s16 =	sadd.s32 $0x28040C, s17;
	s17 =	sadd.s32 $0x28040E, s17;
	s18 =	sshrl.u32 s18, $0x3  }
0xf: {  	s8 =	sadd.s32 $0xCA200, s9;
	s9 =	sadd.s32 $0xFB200, s9;
	s15 =	smax.u32 s15, $0x1  }
.LBB2_11:
0x10: {  	s26 =	sadd.s32 s25, s13;
	[sflag:s19] =	ssyncadd.s32 $0xFFFFC180  }
0x11: {  	[tilespmem:s3], [sflag:$0x1] =	stream.linear.gather [hbm4b:s26+s3], $0x3E8, $0x38;
	[tilespmem:$0x105E8] =	vst v63  }
0x12: {  	_ =	swait.ge [sflag:s19], $0x3E8  }
0x13: {  	[sflag:s19] =	ssyncset.done $0x0  }
0x14: {  	s30 =	sadd.s32 $0xFFFFFFF8, s24;
	[sflag:s19] =	ssyncadd.s32 $0xFFFFFC18  }
0x15: {  	[tilespmem:s22], [sflag:$0x1] =	stream.strided.gather [hbm4b:s30+s20], $0x3E80, s21, s20, $0x38;
	[tilespmem:$0x105E8] =	vst v63  }
0x16: {  	_ =	swait.ge [sflag:s19], $0x3E80  }
0x17: {  	[sflag:s19] =	ssyncset.done $0x0  }
0x18: {  	[sflag:s19] =	ssyncadd.s32 $0xFFFFC180  }
0x19: {  	[spmem:s2] =	stream.indirect.scatter.add.f32 [tilespmem:s22], [sflag:$0x1], $0x10, s3, s22, $0xb8;
	[tilespmem:$0x105E8] =	vst v63  }
0x1a: {  	_ =	swait.ge [sflag:s19], $0x3E80  }
0x1b: {  	[sflag:s19] =	ssyncset.done $0x0  }
0x1c: {  	s31 =	sadd.s32 s25, s12;
	[sflag:s19] =	ssyncadd.s32 $0xFFFFC180  }
0x1d: {  	[tilespmem:s3], [sflag:$0x1] =	stream.linear.gather [hbm4b:s31+s3], $0x3E8, $0x38;
	[tilespmem:$0x105E8] =	vst v63  }
0x1e: {  	_ =	swait.ge [sflag:s19], $0x3E8  }
0x1f: {  	[sflag:s19] =	ssyncset.done $0x0  }
0x20: {  	[sflag:s19] =	ssyncadd.s32 $0xFFFFFC18  }
0x21: {  	[tilespmem:s22], [sflag:$0x1] =	stream.strided.gather [hbm4b:s24+s20], $0x3E80, s21, s20, $0x38;
	[tilespmem:$0x105E8] =	vst v63  }
0x22: {  	_ =	swait.ge [sflag:s19], $0x3E80  }
0x23: {  	[sflag:s19] =	ssyncset.done $0x0  }
0x24: {  	[sflag:s19] =	ssyncadd.s32 $0xFFFFC180  }
0x25: {  	[spmem:s2] =	stream.indirect.scatter.add.f32 [tilespmem:s22], [sflag:$0x1], $0x10, s3, s22, $0xb8;
	[tilespmem:$0x105E8] =	vst v63  }
0x26: {  	_ =	swait.ge [sflag:s19], $0x3E80  }
0x27: {  	[sflag:s19] =	ssyncset.done $0x0  }
0x28: {  	s24 =	smov.u32 s7;
	[sflag:s19] =	ssyncadd.s32 $0xFFFFC180  }
.LBB2_12:
0x29: {  	s24 =	sadd.s32 s24, s5;
	[bflag:$0x0] =	sbarrier.arrive $0xFFFF;
	s23 =	sadd.s32 $0x1, s23  }
0x2a: {  	[hbm:s24], [sflag:s10] =	dma.local [spmem:s18], $0x1870  }
0x2b: {  	p1 =	sne.s32 s23, s15  }
.Ltmp1:
0x2c: {  	_ =	swait.ge [sflag:s19], $0x1870;
	(pc) =	sbr.rel @!p1 .LBB2_13-.Ltmp1, $3  }
0x2d: {  	[sflag:s19] =	ssyncset.done $0x0  }
0x2e: {  	[sflag:s19] =	ssyncadd.s32 $0xFFFFE790  }
0x2f: {  	[bflag:$0x0] =	sbarrier.arrive $0xFFFF;
	_ =	sdelay $0x1  }
.LBB2_1:
0x30: {  	[spmem:s18], [sflag:s10] =	dma.local [hbm:s4], $0x1870  }
.Ltmp2:
0x31: {  	_ =	swait.ge [sflag:s19], $0x1870;
	(pc) =	sbr.rel @!p0 .LBB2_2-.Ltmp2, $4  }
0x32: {  	[sflag:s19] =	ssyncset.done $0x0  }
0x33: {  	[sflag:s19] =	ssyncadd.s32 $0xFFFFE790  }
0x34: {  	[bflag:$0x0] =	sbarrier.arrive $0xFFFF  }
0x35: {  	s24 =	sadd.s32 $0x0, s13  }
0x36: {  	[tilespmem:s3], [sflag:$0x1] =	stream.linear.gather [hbm4b:s24+s3], $0x3E8, $0x38;
	[tilespmem:$0x105E8] =	vst v63  }
0x37: {  	_ =	swait.ge [sflag:s19], $0x3E8  }
0x38: {  	[sflag:s19] =	ssyncset.done $0x0  }
0x39: {  	s30 =	sadd.s32 $0xFFFFFFF8, s16;
	[sflag:s19] =	ssyncadd.s32 $0xFFFFFC18  }
0x3a: {  	[tilespmem:s22], [sflag:$0x1] =	stream.strided.gather [hbm4b:s30+s20], $0x3E80, s21, s20, $0x38;
	[tilespmem:$0x105E8] =	vst v63  }
0x3b: {  	_ =	swait.ge [sflag:s19], $0x3E80  }
0x3c: {  	[sflag:s19] =	ssyncset.done $0x0  }
0x3d: {  	[sflag:s19] =	ssyncadd.s32 $0xFFFFC180  }
0x3e: {  	[spmem:s2] =	stream.indirect.scatter.add.f32 [tilespmem:s22], [sflag:$0x1], $0x10, s3, s22, $0xb8;
	[tilespmem:$0x105E8] =	vst v63  }
0x3f: {  	_ =	swait.ge [sflag:s19], $0x3E80  }
0x40: {  	[sflag:s19] =	ssyncset.done $0x0  }
0x41: {  	s31 =	sadd.s32 $0x0, s12;
	[sflag:s19] =	ssyncadd.s32 $0xFFFFC180  }
0x42: {  	[tilespmem:s3], [sflag:$0x1] =	stream.linear.gather [hbm4b:s31+s3], $0x3E8, $0x38;
	[tilespmem:$0x105E8] =	vst v63  }
0x43: {  	_ =	swait.ge [sflag:s19], $0x3E8  }
0x44: {  	[sflag:s19] =	ssyncset.done $0x0  }
0x45: {  	[sflag:s19] =	ssyncadd.s32 $0xFFFFFC18  }
0x46: {  	[tilespmem:s22], [sflag:$0x1] =	stream.strided.gather [hbm4b:s16+s20], $0x3E80, s21, s20, $0x38;
	[tilespmem:$0x105E8] =	vst v63  }
0x47: {  	_ =	swait.ge [sflag:s19], $0x3E80  }
0x48: {  	[sflag:s19] =	ssyncset.done $0x0  }
0x49: {  	[sflag:s19] =	ssyncadd.s32 $0xFFFFC180  }
0x4a: {  	[spmem:s2] =	stream.indirect.scatter.add.f32 [tilespmem:s22], [sflag:$0x1], $0x10, s3, s22, $0xb8;
	[tilespmem:$0x105E8] =	vst v63  }
0x4b: {  	s25 =	simm.s32 $0x7D;
	_ =	swait.ge [sflag:s19], $0x3E80  }
0x4c: {  	s26 =	simm.s32 $0xFA;
	s24 =	sadd.s32 $0x3E80, s16;
	[sflag:s19] =	ssyncset.done $0x0  }
.LBB2_8:
0x4d: {  	s28 =	sadd.s32 s25, s13  }
0x4e: {  	[sflag:s19] =	ssyncadd.s32 $0xFFFFC180;
	s29 =	smov.u32 s26;
	s30 =	sadd.s32 $0x7D, s26  }
0x4f: {  	[tilespmem:s3], [sflag:$0x1] =	stream.linear.gather [hbm4b:s28+s3], $0x3E8, $0x38;
	[tilespmem:$0x105E8] =	vst v63  }
0x50: {  	p1 =	sne.s32 s26, $0xBB8;
	_ =	swait.ge [sflag:s19], $0x3E8  }
0x51: {  	[sflag:s19] =	ssyncset.done $0x0  }
0x52: {  	s26 =	sadd.s32 $0xFFFFFFF8, s24;
	[sflag:s19] =	ssyncadd.s32 $0xFFFFFC18  }
0x53: {  	[tilespmem:s22], [sflag:$0x1] =	stream.strided.gather [hbm4b:s26+s20], $0x3E80, s21, s20, $0x38;
	[tilespmem:$0x105E8] =	vst v63  }
0x54: {  	_ =	swait.ge [sflag:s19], $0x3E80  }
0x55: {  	[sflag:s19] =	ssyncset.done $0x0  }
0x56: {  	[sflag:s19] =	ssyncadd.s32 $0xFFFFC180  }
0x57: {  	[spmem:s2] =	stream.indirect.scatter.add.f32 [tilespmem:s22], [sflag:$0x1], $0x10, s3, s22, $0xb8;
	[tilespmem:$0x105E8] =	vst v63  }
0x58: {  	_ =	swait.ge [sflag:s19], $0x3E80  }
0x59: {  	[sflag:s19] =	ssyncset.done $0x0  }
0x5a: {  	s26 =	sadd.s32 s25, s12;
	s25 =	smov.u32 s29;
	[sflag:s19] =	ssyncadd.s32 $0xFFFFC180  }
0x5b: {  	[tilespmem:s3], [sflag:$0x1] =	stream.linear.gather [hbm4b:s26+s3], $0x3E8, $0x38;
	[tilespmem:$0x105E8] =	vst v63  }
0x5c: {  	_ =	swait.ge [sflag:s19], $0x3E8  }
0x5d: {  	[sflag:s19] =	ssyncset.done $0x0  }
0x5e: {  	[sflag:s19] =	ssyncadd.s32 $0xFFFFFC18  }
0x5f: {  	[tilespmem:s22], [sflag:$0x1] =	stream.strided.gather [hbm4b:s24+s20], $0x3E80, s21, s20, $0x38;
	[tilespmem:$0x105E8] =	vst v63  }
0x60: {  	_ =	swait.ge [sflag:s19], $0x3E80  }
.Ltmp3:
0x61: {  	[sflag:s19] =	ssyncset.done $0x0;
	(pc) =	sbr.rel @p1 .LBB2_8-.Ltmp3, $4  }
0x62: {  	[sflag:s19] =	ssyncadd.s32 $0xFFFFC180  }
0x63: {  	[spmem:s2] =	stream.indirect.scatter.add.f32 [tilespmem:s22], [sflag:$0x1], $0x10, s3, s22, $0xb8;
	[tilespmem:$0x105E8] =	vst v63  }
0x64: {  	_ =	swait.ge [sflag:s19], $0x3E80  }
0x65: {  	s26 =	smov.u32 s30;
	s24 =	sadd.s32 $0x3E80, s24;
	[sflag:s19] =	ssyncset.done $0x0  }
0x66: {  	s26 =	sadd.s32 s25, s13;
	[sflag:s19] =	ssyncadd.s32 $0xFFFFC180  }
0x67: {  	[tilespmem:s3], [sflag:$0x1] =	stream.linear.gather [hbm4b:s26+s3], $0x3E8, $0x38;
	[tilespmem:$0x105E8] =	vst v63  }
0x68: {  	_ =	swait.ge [sflag:s19], $0x3E8  }
0x69: {  	[sflag:s19] =	ssyncset.done $0x0  }
0x6a: {  	s31 =	sadd.s32 $0xFFFFFFF8, s24;
	[sflag:s19] =	ssyncadd.s32 $0xFFFFFC18  }
0x6b: {  	[tilespmem:s22], [sflag:$0x1] =	stream.strided.gather [hbm4b:s31+s20], $0x3E80, s21, s20, $0x38;
	[tilespmem:$0x105E8] =	vst v63  }
0x6c: {  	_ =	swait.ge [sflag:s19], $0x3E80  }
0x6d: {  	[sflag:s19] =	ssyncset.done $0x0  }
0x6e: {  	[sflag:s19] =	ssyncadd.s32 $0xFFFFC180  }
0x6f: {  	[spmem:s2] =	stream.indirect.scatter.add.f32 [tilespmem:s22], [sflag:$0x1], $0x10, s3, s22, $0xb8;
	[tilespmem:$0x105E8] =	vst v63  }
0x70: {  	_ =	swait.ge [sflag:s19], $0x3E80  }
0x71: {  	[sflag:s19] =	ssyncset.done $0x0  }
0x72: {  	s28 =	sadd.s32 s25, s12;
	[sflag:s19] =	ssyncadd.s32 $0xFFFFC180  }
0x73: {  	[tilespmem:s3], [sflag:$0x1] =	stream.linear.gather [hbm4b:s28+s3], $0x3E8, $0x38;
	[tilespmem:$0x105E8] =	vst v63  }
0x74: {  	_ =	swait.ge [sflag:s19], $0x3E8  }
0x75: {  	[sflag:s19] =	ssyncset.done $0x0  }
0x76: {  	[sflag:s19] =	ssyncadd.s32 $0xFFFFFC18  }
0x77: {  	[tilespmem:s22], [sflag:$0x1] =	stream.strided.gather [hbm4b:s24+s20], $0x3E80, s21, s20, $0x38;
	[tilespmem:$0x105E8] =	vst v63  }
0x78: {  	_ =	swait.ge [sflag:s19], $0x3E80  }
0x79: {  	[sflag:s19] =	ssyncset.done $0x0  }
0x7a: {  	[sflag:s19] =	ssyncadd.s32 $0xFFFFC180  }
0x7b: {  	[spmem:s2] =	stream.indirect.scatter.add.f32 [tilespmem:s22], [sflag:$0x1], $0x10, s3, s22, $0xb8;
	[tilespmem:$0x105E8] =	vst v63  }
0x7c: {  	_ =	swait.ge [sflag:s19], $0x3E80  }
0x7d: {  	[sflag:s19] =	ssyncset.done $0x0  }
0x7e: {  	[sflag:s19] =	ssyncadd.s32 $0xFFFFC180  }
0x7f: {  	[bflag:$0x0] =	sbarrier.arrive $0xFFFF  }
0x80: {  	[hbm:s9], [sflag:s10] =	dma.local [spmem:s18], $0x1870  }
0x81: {  	_ =	swait.ge [sflag:s19], $0x1870  }
0x82: {  	[sflag:s19] =	ssyncset.done $0x0  }
0x83: {  	[sflag:s19] =	ssyncadd.s32 $0xFFFFE790  }
0x84: {  	[bflag:$0x0] =	sbarrier.arrive $0xFFFF  }
0x85: {  	[spmem:s18], [sflag:s10] =	dma.local [hbm:s4], $0x1870  }
0x86: {  	_ =	swait.ge [sflag:s19], $0x1870  }
0x87: {  	[sflag:s19] =	ssyncset.done $0x0  }
0x88: {  	[sflag:s19] =	ssyncadd.s32 $0xFFFFE790  }
0x89: {  	s29 =	sadd.s32 $0x0, s13;
	[bflag:$0x0] =	sbarrier.arrive $0xFFFF  }
0x8a: {  	[tilespmem:s3], [sflag:$0x1] =	stream.linear.gather [hbm4b:s29+s3], $0x3E8, $0x38;
	[tilespmem:$0x105E8] =	vst v63  }
0x8b: {  	_ =	swait.ge [sflag:s19], $0x3E8  }
0x8c: {  	[sflag:s19] =	ssyncset.done $0x0  }
0x8d: {  	s30 =	sadd.s32 $0xFFFFFFF8, s17;
	[sflag:s19] =	ssyncadd.s32 $0xFFFFFC18  }
0x8e: {  	[tilespmem:s22], [sflag:$0x1] =	stream.strided.gather [hbm4b:s30+s20], $0x3E80, s21, s20, $0x38;
	[tilespmem:$0x105E8] =	vst v63  }
0x8f: {  	_ =	swait.ge [sflag:s19], $0x3E80  }
0x90: {  	[sflag:s19] =	ssyncset.done $0x0  }
0x91: {  	[sflag:s19] =	ssyncadd.s32 $0xFFFFC180  }
0x92: {  	[spmem:s2] =	stream.indirect.scatter.add.f32 [tilespmem:s22], [sflag:$0x1], $0x10, s3, s22, $0xb8;
	[tilespmem:$0x105E8] =	vst v63  }
0x93: {  	_ =	swait.ge [sflag:s19], $0x3E80  }
0x94: {  	[sflag:s19] =	ssyncset.done $0x0  }
0x95: {  	s31 =	sadd.s32 $0x0, s12;
	[sflag:s19] =	ssyncadd.s32 $0xFFFFC180  }
0x96: {  	[tilespmem:s3], [sflag:$0x1] =	stream.linear.gather [hbm4b:s31+s3], $0x3E8, $0x38;
	[tilespmem:$0x105E8] =	vst v63  }
0x97: {  	_ =	swait.ge [sflag:s19], $0x3E8  }
0x98: {  	[sflag:s19] =	ssyncset.done $0x0  }
0x99: {  	[sflag:s19] =	ssyncadd.s32 $0xFFFFFC18  }
0x9a: {  	[tilespmem:s22], [sflag:$0x1] =	stream.strided.gather [hbm4b:s17+s20], $0x3E80, s21, s20, $0x38;
	[tilespmem:$0x105E8] =	vst v63  }
0x9b: {  	_ =	swait.ge [sflag:s19], $0x3E80  }
0x9c: {  	[sflag:s19] =	ssyncset.done $0x0  }
0x9d: {  	[sflag:s19] =	ssyncadd.s32 $0xFFFFC180  }
0x9e: {  	[spmem:s2] =	stream.indirect.scatter.add.f32 [tilespmem:s22], [sflag:$0x1], $0x10, s3, s22, $0xb8;
	[tilespmem:$0x105E8] =	vst v63  }
0x9f: {  	s25 =	simm.s32 $0x7D;
	_ =	swait.ge [sflag:s19], $0x3E80  }
0xa0: {  	s26 =	simm.s32 $0xFA;
	s24 =	sadd.s32 $0x3E80, s17;
	[sflag:s19] =	ssyncset.done $0x0  }
.LBB2_10:
0xa1: {  	s28 =	sadd.s32 s25, s13  }
0xa2: {  	[sflag:s19] =	ssyncadd.s32 $0xFFFFC180;
	s29 =	smov.u32 s26;
	s30 =	sadd.s32 $0x7D, s26  }
0xa3: {  	[tilespmem:s3], [sflag:$0x1] =	stream.linear.gather [hbm4b:s28+s3], $0x3E8, $0x38;
	[tilespmem:$0x105E8] =	vst v63  }
0xa4: {  	p1 =	sne.s32 s26, $0xBB8;
	_ =	swait.ge [sflag:s19], $0x3E8  }
0xa5: {  	[sflag:s19] =	ssyncset.done $0x0  }
0xa6: {  	s26 =	sadd.s32 $0xFFFFFFF8, s24;
	[sflag:s19] =	ssyncadd.s32 $0xFFFFFC18  }
0xa7: {  	[tilespmem:s22], [sflag:$0x1] =	stream.strided.gather [hbm4b:s26+s20], $0x3E80, s21, s20, $0x38;
	[tilespmem:$0x105E8] =	vst v63  }
0xa8: {  	_ =	swait.ge [sflag:s19], $0x3E80  }
0xa9: {  	[sflag:s19] =	ssyncset.done $0x0  }
0xaa: {  	[sflag:s19] =	ssyncadd.s32 $0xFFFFC180  }
0xab: {  	[spmem:s2] =	stream.indirect.scatter.add.f32 [tilespmem:s22], [sflag:$0x1], $0x10, s3, s22, $0xb8;
	[tilespmem:$0x105E8] =	vst v63  }
0xac: {  	_ =	swait.ge [sflag:s19], $0x3E80  }
0xad: {  	[sflag:s19] =	ssyncset.done $0x0  }
0xae: {  	s26 =	sadd.s32 s25, s12;
	s25 =	smov.u32 s29;
	[sflag:s19] =	ssyncadd.s32 $0xFFFFC180  }
0xaf: {  	[tilespmem:s3], [sflag:$0x1] =	stream.linear.gather [hbm4b:s26+s3], $0x3E8, $0x38;
	[tilespmem:$0x105E8] =	vst v63  }
0xb0: {  	_ =	swait.ge [sflag:s19], $0x3E8  }
0xb1: {  	[sflag:s19] =	ssyncset.done $0x0  }
0xb2: {  	[sflag:s19] =	ssyncadd.s32 $0xFFFFFC18  }
0xb3: {  	[tilespmem:s22], [sflag:$0x1] =	stream.strided.gather [hbm4b:s24+s20], $0x3E80, s21, s20, $0x38;
	[tilespmem:$0x105E8] =	vst v63  }
0xb4: {  	_ =	swait.ge [sflag:s19], $0x3E80  }
.Ltmp4:
0xb5: {  	[sflag:s19] =	ssyncset.done $0x0;
	(pc) =	sbr.rel @p1 .LBB2_10-.Ltmp4, $4  }
0xb6: {  	[sflag:s19] =	ssyncadd.s32 $0xFFFFC180  }
0xb7: {  	[spmem:s2] =	stream.indirect.scatter.add.f32 [tilespmem:s22], [sflag:$0x1], $0x10, s3, s22, $0xb8;
	[tilespmem:$0x105E8] =	vst v63  }
0xb8: {  	_ =	swait.ge [sflag:s19], $0x3E80  }
0xb9: {  	s26 =	smov.u32 s30;
	s24 =	sadd.s32 $0x3E80, s24;
	[sflag:s19] =	ssyncset.done $0x0  }
.Ltmp5:
0xba: {  	_ = 	snop;
	(pc) =	sbr.rel .LBB2_11-.Ltmp5, $1  }
0xbb: {  	_ =	sdelay $0x3  }
.LBB2_2:
0xbc: {  	[tilespmem:s3], [sflag:$0x1] =	stream.linear.gather [hbm4b:s24+s3], $0x3E8, $0x38;
	[tilespmem:$0x105E8] =	vst v63  }
0xbd: {  	_ =	swait.ge [sflag:s19], $0x3E8  }
0xbe: {  	[sflag:s19] =	ssyncset.done $0x0  }
0xbf: {  	s30 =	sadd.s32 $0xFFFFFFF8, s11;
	[sflag:s19] =	ssyncadd.s32 $0xFFFFFC18  }
0xc0: {  	[tilespmem:s22], [sflag:$0x1] =	stream.strided.gather [hbm4b:s30+s20], $0x3E80, s21, s20, $0x38;
	[tilespmem:$0x105E8] =	vst v63  }
0xc1: {  	_ =	swait.ge [sflag:s19], $0x3E80  }
0xc2: {  	[sflag:s19] =	ssyncset.done $0x0  }
0xc3: {  	[sflag:s19] =	ssyncadd.s32 $0xFFFFC180  }
0xc4: {  	[spmem:s2] =	stream.indirect.scatter.add.f32 [tilespmem:s22], [sflag:$0x1], $0x10, s3, s22, $0xb8;
	[tilespmem:$0x105E8] =	vst v63  }
0xc5: {  	_ =	swait.ge [sflag:s19], $0x3E80  }
0xc6: {  	[sflag:s19] =	ssyncset.done $0x0  }
0xc7: {  	s31 =	sadd.s32 $0x0, s12;
	[sflag:s19] =	ssyncadd.s32 $0xFFFFC180  }
0xc8: {  	[tilespmem:s3], [sflag:$0x1] =	stream.linear.gather [hbm4b:s31+s3], $0x3E8, $0x38;
	[tilespmem:$0x105E8] =	vst v63  }
0xc9: {  	_ =	swait.ge [sflag:s19], $0x3E8  }
0xca: {  	[sflag:s19] =	ssyncset.done $0x0  }
0xcb: {  	[sflag:s19] =	ssyncadd.s32 $0xFFFFFC18  }
0xcc: {  	[tilespmem:s22], [sflag:$0x1] =	stream.strided.gather [hbm4b:s11+s20], $0x3E80, s21, s20, $0x38;
	[tilespmem:$0x105E8] =	vst v63  }
0xcd: {  	_ =	swait.ge [sflag:s19], $0x3E80  }
0xce: {  	[sflag:s19] =	ssyncset.done $0x0  }
0xcf: {  	[sflag:s19] =	ssyncadd.s32 $0xFFFFC180  }
0xd0: {  	[spmem:s2] =	stream.indirect.scatter.add.f32 [tilespmem:s22], [sflag:$0x1], $0x10, s3, s22, $0xb8;
	[tilespmem:$0x105E8] =	vst v63  }
0xd1: {  	s25 =	simm.s32 $0x7D;
	_ =	swait.ge [sflag:s19], $0x3E80  }
0xd2: {  	s26 =	simm.s32 $0xFA;
	s24 =	sadd.s32 $0x3E80, s11;
	[sflag:s19] =	ssyncset.done $0x0  }
.LBB2_3:
0xd3: {  	s28 =	sadd.s32 s25, s13  }
0xd4: {  	[sflag:s19] =	ssyncadd.s32 $0xFFFFC180;
	s29 =	smov.u32 s26;
	s30 =	sadd.s32 $0x7D, s26  }
0xd5: {  	[tilespmem:s3], [sflag:$0x1] =	stream.linear.gather [hbm4b:s28+s3], $0x3E8, $0x38;
	[tilespmem:$0x105E8] =	vst v63  }
0xd6: {  	p1 =	sne.s32 s26, $0xBB8;
	_ =	swait.ge [sflag:s19], $0x3E8  }
0xd7: {  	[sflag:s19] =	ssyncset.done $0x0  }
0xd8: {  	s26 =	sadd.s32 $0xFFFFFFF8, s24;
	[sflag:s19] =	ssyncadd.s32 $0xFFFFFC18  }
0xd9: {  	[tilespmem:s22], [sflag:$0x1] =	stream.strided.gather [hbm4b:s26+s20], $0x3E80, s21, s20, $0x38;
	[tilespmem:$0x105E8] =	vst v63  }
0xda: {  	_ =	swait.ge [sflag:s19], $0x3E80  }
0xdb: {  	[sflag:s19] =	ssyncset.done $0x0  }
0xdc: {  	[sflag:s19] =	ssyncadd.s32 $0xFFFFC180  }
0xdd: {  	[spmem:s2] =	stream.indirect.scatter.add.f32 [tilespmem:s22], [sflag:$0x1], $0x10, s3, s22, $0xb8;
	[tilespmem:$0x105E8] =	vst v63  }
0xde: {  	_ =	swait.ge [sflag:s19], $0x3E80  }
0xdf: {  	[sflag:s19] =	ssyncset.done $0x0  }
0xe0: {  	s26 =	sadd.s32 s25, s12;
	s25 =	smov.u32 s29;
	[sflag:s19] =	ssyncadd.s32 $0xFFFFC180  }
0xe1: {  	[tilespmem:s3], [sflag:$0x1] =	stream.linear.gather [hbm4b:s26+s3], $0x3E8, $0x38;
	[tilespmem:$0x105E8] =	vst v63  }
0xe2: {  	_ =	swait.ge [sflag:s19], $0x3E8  }
0xe3: {  	[sflag:s19] =	ssyncset.done $0x0  }
0xe4: {  	[sflag:s19] =	ssyncadd.s32 $0xFFFFFC18  }
0xe5: {  	[tilespmem:s22], [sflag:$0x1] =	stream.strided.gather [hbm4b:s24+s20], $0x3E80, s21, s20, $0x38;
	[tilespmem:$0x105E8] =	vst v63  }
0xe6: {  	_ =	swait.ge [sflag:s19], $0x3E80  }
.Ltmp6:
0xe7: {  	[sflag:s19] =	ssyncset.done $0x0;
	(pc) =	sbr.rel @p1 .LBB2_3-.Ltmp6, $4  }
0xe8: {  	[sflag:s19] =	ssyncadd.s32 $0xFFFFC180  }
0xe9: {  	[spmem:s2] =	stream.indirect.scatter.add.f32 [tilespmem:s22], [sflag:$0x1], $0x10, s3, s22, $0xb8;
	[tilespmem:$0x105E8] =	vst v63  }
0xea: {  	_ =	swait.ge [sflag:s19], $0x3E80  }
0xeb: {  	s26 =	smov.u32 s30;
	s24 =	sadd.s32 $0x3E80, s24;
	[sflag:s19] =	ssyncset.done $0x0  }
0xec: {  	s26 =	sadd.s32 s25, s13;
	[sflag:s19] =	ssyncadd.s32 $0xFFFFC180  }
0xed: {  	[tilespmem:s3], [sflag:$0x1] =	stream.linear.gather [hbm4b:s26+s3], $0x3E8, $0x38;
	[tilespmem:$0x105E8] =	vst v63  }
0xee: {  	_ =	swait.ge [sflag:s19], $0x3E8  }
0xef: {  	[sflag:s19] =	ssyncset.done $0x0  }
0xf0: {  	s31 =	sadd.s32 $0xFFFFFFF8, s24;
	[sflag:s19] =	ssyncadd.s32 $0xFFFFFC18  }
0xf1: {  	[tilespmem:s22], [sflag:$0x1] =	stream.strided.gather [hbm4b:s31+s20], $0x3E80, s21, s20, $0x38;
	[tilespmem:$0x105E8] =	vst v63  }
0xf2: {  	_ =	swait.ge [sflag:s19], $0x3E80  }
0xf3: {  	[sflag:s19] =	ssyncset.done $0x0  }
0xf4: {  	[sflag:s19] =	ssyncadd.s32 $0xFFFFC180  }
0xf5: {  	[spmem:s2] =	stream.indirect.scatter.add.f32 [tilespmem:s22], [sflag:$0x1], $0x10, s3, s22, $0xb8;
	[tilespmem:$0x105E8] =	vst v63  }
0xf6: {  	_ =	swait.ge [sflag:s19], $0x3E80  }
0xf7: {  	[sflag:s19] =	ssyncset.done $0x0  }
0xf8: {  	s28 =	sadd.s32 s25, s12;
	[sflag:s19] =	ssyncadd.s32 $0xFFFFC180  }
0xf9: {  	[tilespmem:s3], [sflag:$0x1] =	stream.linear.gather [hbm4b:s28+s3], $0x3E8, $0x38;
	[tilespmem:$0x105E8] =	vst v63  }
0xfa: {  	_ =	swait.ge [sflag:s19], $0x3E8  }
0xfb: {  	[sflag:s19] =	ssyncset.done $0x0  }
0xfc: {  	[sflag:s19] =	ssyncadd.s32 $0xFFFFFC18  }
0xfd: {  	[tilespmem:s22], [sflag:$0x1] =	stream.strided.gather [hbm4b:s24+s20], $0x3E80, s21, s20, $0x38;
	[tilespmem:$0x105E8] =	vst v63  }
0xfe: {  	_ =	swait.ge [sflag:s19], $0x3E80  }
0xff: {  	[sflag:s19] =	ssyncset.done $0x0  }
0x100: {  	[sflag:s19] =	ssyncadd.s32 $0xFFFFC180  }
0x101: {  	[spmem:s2] =	stream.indirect.scatter.add.f32 [tilespmem:s22], [sflag:$0x1], $0x10, s3, s22, $0xb8;
	[tilespmem:$0x105E8] =	vst v63  }
0x102: {  	_ =	swait.ge [sflag:s19], $0x3E80  }
0x103: {  	[sflag:s19] =	ssyncset.done $0x0  }
0x104: {  	[sflag:s19] =	ssyncadd.s32 $0xFFFFC180  }
0x105: {  	[bflag:$0x0] =	sbarrier.arrive $0xFFFF  }
0x106: {  	[hbm:s8], [sflag:s10] =	dma.local [spmem:s18], $0x1870  }
0x107: {  	_ =	swait.ge [sflag:s19], $0x1870  }
0x108: {  	[sflag:s19] =	ssyncset.done $0x0  }
0x109: {  	[sflag:s19] =	ssyncadd.s32 $0xFFFFE790  }
0x10a: {  	[bflag:$0x0] =	sbarrier.arrive $0xFFFF  }
0x10b: {  	[spmem:s18], [sflag:s10] =	dma.local [hbm:s4], $0x1870  }
0x10c: {  	_ =	swait.ge [sflag:s19], $0x1870  }
0x10d: {  	[sflag:s19] =	ssyncset.done $0x0  }
0x10e: {  	[sflag:s19] =	ssyncadd.s32 $0xFFFFE790  }
0x10f: {  	s29 =	sadd.s32 $0x0, s13;
	[bflag:$0x0] =	sbarrier.arrive $0xFFFF  }
0x110: {  	[tilespmem:s3], [sflag:$0x1] =	stream.linear.gather [hbm4b:s29+s3], $0x3E8, $0x38;
	[tilespmem:$0x105E8] =	vst v63  }
0x111: {  	_ =	swait.ge [sflag:s19], $0x3E8  }
0x112: {  	[sflag:s19] =	ssyncset.done $0x0  }
0x113: {  	s30 =	sadd.s32 $0xFFFFFFF8, s14;
	[sflag:s19] =	ssyncadd.s32 $0xFFFFFC18  }
0x114: {  	[tilespmem:s22], [sflag:$0x1] =	stream.strided.gather [hbm4b:s30+s20], $0x3E80, s21, s20, $0x38;
	[tilespmem:$0x105E8] =	vst v63  }
0x115: {  	_ =	swait.ge [sflag:s19], $0x3E80  }
0x116: {  	[sflag:s19] =	ssyncset.done $0x0  }
0x117: {  	[sflag:s19] =	ssyncadd.s32 $0xFFFFC180  }
0x118: {  	[spmem:s2] =	stream.indirect.scatter.add.f32 [tilespmem:s22], [sflag:$0x1], $0x10, s3, s22, $0xb8;
	[tilespmem:$0x105E8] =	vst v63  }
0x119: {  	_ =	swait.ge [sflag:s19], $0x3E80  }
0x11a: {  	[sflag:s19] =	ssyncset.done $0x0  }
0x11b: {  	s31 =	sadd.s32 $0x0, s12;
	[sflag:s19] =	ssyncadd.s32 $0xFFFFC180  }
0x11c: {  	[tilespmem:s3], [sflag:$0x1] =	stream.linear.gather [hbm4b:s31+s3], $0x3E8, $0x38;
	[tilespmem:$0x105E8] =	vst v63  }
0x11d: {  	_ =	swait.ge [sflag:s19], $0x3E8  }
0x11e: {  	[sflag:s19] =	ssyncset.done $0x0  }
0x11f: {  	[sflag:s19] =	ssyncadd.s32 $0xFFFFFC18  }
0x120: {  	[tilespmem:s22], [sflag:$0x1] =	stream.strided.gather [hbm4b:s14+s20], $0x3E80, s21, s20, $0x38;
	[tilespmem:$0x105E8] =	vst v63  }
0x121: {  	_ =	swait.ge [sflag:s19], $0x3E80  }
0x122: {  	[sflag:s19] =	ssyncset.done $0x0  }
0x123: {  	[sflag:s19] =	ssyncadd.s32 $0xFFFFC180  }
0x124: {  	[spmem:s2] =	stream.indirect.scatter.add.f32 [tilespmem:s22], [sflag:$0x1], $0x10, s3, s22, $0xb8;
	[tilespmem:$0x105E8] =	vst v63  }
0x125: {  	s25 =	simm.s32 $0x7D;
	_ =	swait.ge [sflag:s19], $0x3E80  }
0x126: {  	s26 =	simm.s32 $0xFA;
	s24 =	sadd.s32 $0x3E80, s14;
	[sflag:s19] =	ssyncset.done $0x0  }
.LBB2_5:
0x127: {  	s28 =	sadd.s32 s25, s13  }
0x128: {  	[sflag:s19] =	ssyncadd.s32 $0xFFFFC180;
	s29 =	smov.u32 s26;
	s30 =	sadd.s32 $0x7D, s26  }
0x129: {  	[tilespmem:s3], [sflag:$0x1] =	stream.linear.gather [hbm4b:s28+s3], $0x3E8, $0x38;
	[tilespmem:$0x105E8] =	vst v63  }
0x12a: {  	p1 =	seq.s32 s26, $0xBB8;
	_ =	swait.ge [sflag:s19], $0x3E8  }
0x12b: {  	[sflag:s19] =	ssyncset.done $0x0  }
0x12c: {  	s26 =	sadd.s32 $0xFFFFFFF8, s24;
	[sflag:s19] =	ssyncadd.s32 $0xFFFFFC18  }
0x12d: {  	[tilespmem:s22], [sflag:$0x1] =	stream.strided.gather [hbm4b:s26+s20], $0x3E80, s21, s20, $0x38;
	[tilespmem:$0x105E8] =	vst v63  }
0x12e: {  	_ =	swait.ge [sflag:s19], $0x3E80  }
0x12f: {  	[sflag:s19] =	ssyncset.done $0x0  }
0x130: {  	[sflag:s19] =	ssyncadd.s32 $0xFFFFC180  }
0x131: {  	[spmem:s2] =	stream.indirect.scatter.add.f32 [tilespmem:s22], [sflag:$0x1], $0x10, s3, s22, $0xb8;
	[tilespmem:$0x105E8] =	vst v63  }
0x132: {  	_ =	swait.ge [sflag:s19], $0x3E80  }
0x133: {  	[sflag:s19] =	ssyncset.done $0x0  }
0x134: {  	s26 =	sadd.s32 s25, s12;
	s25 =	smov.u32 s29;
	[sflag:s19] =	ssyncadd.s32 $0xFFFFC180  }
0x135: {  	[tilespmem:s3], [sflag:$0x1] =	stream.linear.gather [hbm4b:s26+s3], $0x3E8, $0x38;
	[tilespmem:$0x105E8] =	vst v63  }
0x136: {  	_ =	swait.ge [sflag:s19], $0x3E8  }
0x137: {  	[sflag:s19] =	ssyncset.done $0x0  }
0x138: {  	[sflag:s19] =	ssyncadd.s32 $0xFFFFFC18  }
0x139: {  	[tilespmem:s22], [sflag:$0x1] =	stream.strided.gather [hbm4b:s24+s20], $0x3E80, s21, s20, $0x38;
	[tilespmem:$0x105E8] =	vst v63  }
0x13a: {  	_ =	swait.ge [sflag:s19], $0x3E80  }
.Ltmp7:
0x13b: {  	[sflag:s19] =	ssyncset.done $0x0;
	(pc) =	sbr.rel @!p1 .LBB2_5-.Ltmp7, $4  }
0x13c: {  	[sflag:s19] =	ssyncadd.s32 $0xFFFFC180  }
0x13d: {  	[spmem:s2] =	stream.indirect.scatter.add.f32 [tilespmem:s22], [sflag:$0x1], $0x10, s3, s22, $0xb8;
	[tilespmem:$0x105E8] =	vst v63  }
0x13e: {  	_ =	swait.ge [sflag:s19], $0x3E80  }
0x13f: {  	s26 =	smov.u32 s30;
	s24 =	sadd.s32 $0x3E80, s24;
	[sflag:s19] =	ssyncset.done $0x0  }
0x140: {  	s26 =	sadd.s32 s25, s13;
	[sflag:s19] =	ssyncadd.s32 $0xFFFFC180  }
0x141: {  	[tilespmem:s3], [sflag:$0x1] =	stream.linear.gather [hbm4b:s26+s3], $0x3E8, $0x38;
	[tilespmem:$0x105E8] =	vst v63  }
0x142: {  	_ =	swait.ge [sflag:s19], $0x3E8  }
0x143: {  	[sflag:s19] =	ssyncset.done $0x0  }
0x144: {  	s30 =	sadd.s32 $0xFFFFFFF8, s24;
	[sflag:s19] =	ssyncadd.s32 $0xFFFFFC18  }
0x145: {  	[tilespmem:s22], [sflag:$0x1] =	stream.strided.gather [hbm4b:s30+s20], $0x3E80, s21, s20, $0x38;
	[tilespmem:$0x105E8] =	vst v63  }
0x146: {  	_ =	swait.ge [sflag:s19], $0x3E80  }
0x147: {  	[sflag:s19] =	ssyncset.done $0x0  }
0x148: {  	[sflag:s19] =	ssyncadd.s32 $0xFFFFC180  }
0x149: {  	[spmem:s2] =	stream.indirect.scatter.add.f32 [tilespmem:s22], [sflag:$0x1], $0x10, s3, s22, $0xb8;
	[tilespmem:$0x105E8] =	vst v63  }
0x14a: {  	_ =	swait.ge [sflag:s19], $0x3E80  }
0x14b: {  	[sflag:s19] =	ssyncset.done $0x0  }
0x14c: {  	s31 =	sadd.s32 s25, s12;
	[sflag:s19] =	ssyncadd.s32 $0xFFFFC180  }
0x14d: {  	[tilespmem:s3], [sflag:$0x1] =	stream.linear.gather [hbm4b:s31+s3], $0x3E8, $0x38;
	[tilespmem:$0x105E8] =	vst v63  }
0x14e: {  	_ =	swait.ge [sflag:s19], $0x3E8  }
0x14f: {  	[sflag:s19] =	ssyncset.done $0x0  }
0x150: {  	[sflag:s19] =	ssyncadd.s32 $0xFFFFFC18  }
0x151: {  	[tilespmem:s22], [sflag:$0x1] =	stream.strided.gather [hbm4b:s24+s20], $0x3E80, s21, s20, $0x38;
	[tilespmem:$0x105E8] =	vst v63  }
0x152: {  	_ =	swait.ge [sflag:s19], $0x3E80  }
0x153: {  	[sflag:s19] =	ssyncset.done $0x0  }
.Ltmp8:
0x154: {  	[sflag:s19] =	ssyncadd.s32 $0xFFFFC180;
	(pc) =	sbr.rel .LBB2_12-.Ltmp8, $4  }
0x155: {  	[spmem:s2] =	stream.indirect.scatter.add.f32 [tilespmem:s22], [sflag:$0x1], $0x10, s3, s22, $0xb8;
	[tilespmem:$0x105E8] =	vst v63  }
0x156: {  	_ =	swait.ge [sflag:s19], $0x3E80  }
0x157: {  	[sflag:s19] =	ssyncset.done $0x0  }
0x158: {  	s24 =	smov.u32 s6;
	[sflag:s19] =	ssyncadd.s32 $0xFFFFC180  }
.LBB2_13:
0x159: {  	_ =	sfence.sel $0x180000  }
0x15a: {  	[bflag:$0x0] =	sbarrier.arrive $0xFFFF  }
0x15b: {  	p0 =	sne.s32 s1, $0x0;
	_ =	strace $0x90000050  }
0x15c: {  	s0 =	sadd.s32 @!p0 $0x100000, s0;
	[bflag:$0x2] =	sbarrier.arrive $0xFFFF  }
0x15d: {  	[sflag:s0] =	ssyncadd.tile.s32 @!p0 $0x1;
	_ =	shalt  }
.Lfunc_end2:
_tile_overlayer_lowered:
.L_overlay_start_2:
0x15e: {  	(tag) =	ssettag $0x2  }
0x15f: {  	s0 =	rddreg [dreg:$0x0];
	s2 =	stileid.u32  }
0x160: {  	s1 =	rddreg [dreg:$0x1];
	p0 =	sne.s32 s2, $0x0  }
0x161: {  	s3 =	rddreg [dreg:$0x2];
	[bflag:$0x3] =	sbarrier.arrive $0xFFFF;
	s2 =	simm.s32 @!p0 $0x1C01  }
0x162: {  	[timem:s3], [sflag:s2] =	dma.local @!p0 [hbm:s0], s1  }
0x163: {  	s0 =	simm.s32 @!p0 $0x1  }
0x164: {  	_ =	swait.ge @!p0 [sflag:s0], s1  }
0x165: {  	s1 =	ssub.s32 @!p0 $0x0, s1;
	[sflag:s0] =	ssyncset.done @!p0 $0x0  }
0x166: {  	[sflag:s0] =	ssyncadd.s32 @!p0 s1  }
0x167: {  	[bflag:$0x3] =	sbarrier.arrive $0xFFFF  }
0x168: {  	_ =	shalt  }

// kernel: kernel.23.cloned.1.call-start
scs
__scs_entry_jumppad:
0x0: {  	(pc) =	sbr.rel $0x88, $3  }
0x1: {  	(tag) =	ssettag $0x0;
	lr =	simm.s32 $0x1  }
0x2: {  	[smem:$0x3F91] =	sst lr;
	_ =	strace $0xD0000000  }
0x3: {  	_ = 	snop  }
0x4: {  	_ = 	snop  }
0x5: {  	_ = 	snop  }
0x6: {  	_ = 	snop  }
0x7: {  	_ = 	snop  }
__scs_overlays_trampoline_lowered:
0x8: {  	[smem:$0x3FA0] =	sst s0  }
0x9: {  	[smem:$0x3FA1] =	sst s1  }
0xa: {  	[smem:$0x3FA2] =	sst s2  }
0xb: {  	[smem:$0x3FA3] =	sst s3  }
0xc: {  	[smem:$0x3FA4] =	sst s4  }
0xd: {  	[smem:$0x3FA5] =	sst s5  }
0xe: {  	[smem:$0x3FA6] =	sst s6  }
0xf: {  	[smem:$0x3FA7] =	sst s7  }
0x10: {  	[smem:$0x3FA8] =	sst s8  }
0x11: {  	[smem:$0x3FA9] =	sst s9;
	s0 =	simm.s32 @!p0 $0x0  }
0x12: {  	s1 =	sld [smem:$0x3F8F];
	s0 =	simm.s32 @p0 $0x1  }
0x13: {  	[smem:$0x3FAA] =	sst s0;
	s0 =	simm.s32 @!p1 $0x0  }
0x14: {  	s2 =	sld [smem:$0x3F8E];
	s0 =	simm.s32 @p1 $0x1  }
0x15: {  	[smem:$0x3FAB] =	sst s0;
	s0 =	simm.s32 @!p2 $0x0  }
0x16: {  	s3 =	sld [smem:$0x3FDB];
	s0 =	simm.s32 @p2 $0x1  }
0x17: {  	s4 =	simm.s32 $0x1BF5;
	[smem:$0x3FAD] =	sst s0  }
0x18: {  	s0 =	sld [smem:$0x3F90];
	_ =	swait.ge [sflag:s4], $0x0  }
0x19: {  	s7 =	sld [smem:$0x3F91]  }
0x1a: {  	s8 =	sadd.s32 $0xFFFFE003, lr  }
0x1b: {  	s9 =	sadd.s32 $0xFFFFFEF7, lr;
	s5 =	simm.s32 $0xFFFFFFFF;
	p2 =	slt.u32 s8, $0xFFFFF086  }
0x1c: {  	p1 =	slt.u32 s9, $0xF7A;
	s5 =	simm.s32 @!p2 $0x0  }
0x1d: {  	s5 =	simm.s32 @p1 $0x1;
	p0 =	seq.s32 s7, s2  }
0x1e: {  	s7 =	smul.u32 @!p0 $0xF7A, s2;
	p2 =	seq.s32 @!p0 s5, $0x0  }
0x1f: {  	s9 =	smul.u32 $0xF7A, s1;
	s8 =	simm.s32 @!p0 $0x1BF5;
	p2 =	por !p2, p0  }
0x20: {  	[sflag:s8] =	ssyncset.s32 @!p0 $0xFFFFF086;
	s6 =	sadd.s32 @!p0 s3, s7;
	s7 =	simm.s32 @!p0 $0x108  }
0x21: {  	s3 =	sadd.s32 s3, s9;
	s6 =	sadd.s32 @!p0 $0x88, s6;
	s7 =	simm.s32 @p2 $0x1082  }
0x22: {  	[simem:s7], [sflag:s8] =	dma.local @!p0 [hbm:s6], $0xF7A  }
0x23: {  	s9 =	sor.u32 $0xD0000000, s2;
	s6 =	simm.s32 $0x108;
	_ =	swait.ge @!p0 [sflag:s8], $0x0  }
0x24: {  	s3 =	sadd.s32 $0x88, s3;
	s6 =	simm.s32 @!p1 $0x1082;
	[sflag:s4] =	ssyncset.s32 $0xFFFFF086  }
0x25: {  	[simem:s6], [sflag:s4] =	dma.local [hbm:s3], $0xF7A  }
0x26: {  	[smem:$0x3F91] =	sst s1;
	(tag) =	ssettag s2;
	_ =	strace s9  }
0x27: {  	s1 =	sld [smem:$0x3FA1]  }
0x28: {  	s2 =	sld [smem:$0x3FA2]  }
0x29: {  	s4 =	sld [smem:$0x3FA4]  }
0x2a: {  	p0 =	seq.s32 s5, $0x0;
	s5 =	sld [smem:$0x3FA5]  }
0x2b: {  	s6 =	sld [smem:$0x3FA6]  }
0x2c: {  	s7 =	sld [smem:$0x3FA7]  }
0x2d: {  	s3 =	simm.s32 $0x108;
	s8 =	sld [smem:$0x3FA8]  }
0x2e: {  	s3 =	simm.s32 @!p0 $0x1082;
	s9 =	sld [smem:$0x3FA9]  }
0x2f: {  	lr =	sadd.s32 s0, s3;
	s0 =	sld [smem:$0x3FA0]  }
0x30: {  	s3 =	sld [smem:$0x3FA3]  }
0x31: {  	[smem:$0x3FAC] =	sst s10  }
0x32: {  	s10 =	sld [smem:$0x3FAA];
	_ =	sdelay $0x3  }
0x33: {  	p0 =	seq.s32 s10, $0x1;
	s10 =	sld [smem:$0x3FAC];
	_ =	sdelay $0x3  }
0x34: {  	[smem:$0x3FAC] =	sst s10  }
0x35: {  	s10 =	sld [smem:$0x3FAB];
	_ =	sdelay $0x3  }
0x36: {  	p1 =	seq.s32 s10, $0x1;
	s10 =	sld [smem:$0x3FAC];
	_ =	sdelay $0x3  }
0x37: {  	[smem:$0x3FAC] =	sst s10  }
0x38: {  	s10 =	sld [smem:$0x3FAD]  }
0x39: {  	_ = 	snop;
	(pc) =	sbr.ind lr, $3  }
0x3a: {  	_ = 	snop  }
0x3b: {  	_ = 	snop  }
0x3c: {  	p2 =	seq.s32 s10, $0x1;
	s10 =	sld [smem:$0x3FAC]  }
0x3d: {  	_ =	shalt  }
0x3e: {  	_ =	shalt  }
0x3f: {  	_ =	shalt  }
0x40: {  	_ =	shalt  }
0x41: {  	_ =	shalt  }
0x42: {  	_ =	shalt  }
0x43: {  	_ =	shalt  }
0x44: {  	_ =	shalt  }
0x45: {  	_ =	shalt  }
0x46: {  	_ =	shalt  }
0x47: {  	_ =	shalt  }
0x48: {  	_ =	shalt  }
0x49: {  	_ =	shalt  }
0x4a: {  	_ =	shalt  }
0x4b: {  	_ =	shalt  }
0x4c: {  	_ =	shalt  }
0x4d: {  	_ =	shalt  }
0x4e: {  	_ =	shalt  }
0x4f: {  	_ =	shalt  }
0x50: {  	_ =	shalt  }
0x51: {  	_ =	shalt  }
0x52: {  	_ =	shalt  }
0x53: {  	_ =	shalt  }
0x54: {  	_ =	shalt  }
0x55: {  	_ =	shalt  }
0x56: {  	_ =	shalt  }
0x57: {  	_ =	shalt  }
0x58: {  	_ =	shalt  }
0x59: {  	_ =	shalt  }
0x5a: {  	_ =	shalt  }
0x5b: {  	_ =	shalt  }
0x5c: {  	_ =	shalt  }
0x5d: {  	_ =	shalt  }
0x5e: {  	_ =	shalt  }
0x5f: {  	_ =	shalt  }
0x60: {  	_ =	shalt  }
0x61: {  	_ =	shalt  }
0x62: {  	_ =	shalt  }
0x63: {  	_ =	shalt  }
0x64: {  	_ =	shalt  }
0x65: {  	_ =	shalt  }
0x66: {  	_ =	shalt  }
0x67: {  	_ =	shalt  }
0x68: {  	_ =	shalt  }
0x69: {  	_ =	shalt  }
0x6a: {  	_ =	shalt  }
0x6b: {  	_ =	shalt  }
0x6c: {  	_ =	shalt  }
0x6d: {  	_ =	shalt  }
0x6e: {  	_ =	shalt  }
0x6f: {  	_ =	shalt  }
0x70: {  	_ =	shalt  }
0x71: {  	_ =	shalt  }
0x72: {  	_ =	shalt  }
0x73: {  	_ =	shalt  }
0x74: {  	_ =	shalt  }
0x75: {  	_ =	shalt  }
0x76: {  	_ =	shalt  }
0x77: {  	_ =	shalt  }
0x78: {  	_ =	shalt  }
0x79: {  	_ =	shalt  }
0x7a: {  	_ =	shalt  }
0x7b: {  	_ =	shalt  }
0x7c: {  	_ =	shalt  }
0x7d: {  	_ =	shalt  }
0x7e: {  	_ =	shalt  }
0x7f: {  	_ =	shalt  }
0x80: {  	_ =	shalt  }
0x81: {  	_ =	shalt  }
0x82: {  	_ =	shalt  }
0x83: {  	_ =	shalt  }
0x84: {  	_ =	shalt  }
0x85: {  	_ =	shalt  }
0x86: {  	_ =	shalt  }
0x87: {  	_ =	shalt  }
.Lfunc_end0:
.L_simem_size_0:
called_computation.6_lowered:
.L_overlay_start_0:
0x88: {  	s2 =	sld [smem:$0x3FD9]  }
0x89: {  	s3 =	sld [smem:$0x3FFE];
	_ =	sdelay $0x1  }
0x8a: {  	s1 =	srdreg.scid  }
0x8b: {  	s0 =	sand.u32 $0x1, s1  }
0x8c: {  	s16 =	sshll.u32 s0, $0xA;
	s2 =	sadd.s32 s3, s2  }
0x8d: {  	s2 =	sadd.s32 s2, s16  }
0x8e: {  	[smem:$0x3FB8] =	sst s2  }
0x8f: {  	_ = 	snop  }
0x90: {  	(tm) =	ssettm $0x1  }
0x91: {  	s17 =	sld [smem:$0x3FFB];
	_ =	sdelay $0x3  }
0x92: {  	_ =	strace s17  }
0x93: {  	s2 =	sld [smem:$0x3FFC];
	_ =	sdelay $0x3  }
0x94: {  	_ =	strace s2  }
0x95: {  	s2 =	sld [smem:$0x3FFD];
	_ =	sdelay $0x3  }
0x96: {  	_ =	strace s2  }
0x97: {  	_ =	strace $0x8FFFFFFF  }
0x98: {  	s18 =	sld [smem:$0x3FDB];
	_ =	sdelay $0x1  }
0x99: {  	s19 =	simm.s32 $_scs_section_size  }
0x9a: {  	s4 =	simm.s32 $_size__tile_overlayer_lowered;
	s5 =	simm.s32 $_tile_overlayer_lowered  }
0x9b: {  	s22 =	simm.s32 $0x1BFF;
	s21 =	sshll.u32 s5, $0x1;
	s2 =	sadd.s32 s19, s18  }
0x9c: {  	s6 =	simm.s32 $0x0;
	s20 =	sshll.u32 s4, $0x1;
	s4 =	sadd.s32 s21, s2  }
0x9d: {  	[timem:s6], [sflag:s22] =	dma.local [hbm:s4], s20  }
0x9e: {  	_ =	swait.ge [sflag:s22], s20  }
0x9f: {  	s3 =	ssub.s32 $0x0, s20;
	[sflag:s22] =	ssyncset.done $0x0  }
0xa0: {  	[sflag:s22] =	ssyncadd.s32 s3;
	_ =	sdelay $0x1  }
0xa1: {  	s23 =	simm.s32 $0x1B8B  }
0xa2: {  	_ =	swait.ge [sflag:s23], $0x1  }
0xa3: {  	[sflag:s23] =	ssyncset.done $0x0  }
0xa4: {  	s25 =	simm.s32 $0x1B8E;
	s24 =	sld [smem:$0x3FFE];
	[sflag:s23] =	ssyncadd.s32 $0xFFFFFFFF  }
0xa5: {  	s26 =	simm.s32 $execute0_lowered;
	[smem:$0x3FD2] =	sst s25  }
0xa6: {  	s4 =	sshll.u32 s26, $0x1;
	_ =	strace $0x80000052;
	[dreg:$0x1] =	wrdreg $0xFFFFFFFF  }
0xa7: {  	s28 =	simm.s32 $_size_execute0_lowered;
	s2 =	sadd.s32 s2, s4;
	[dreg:$0x0] =	wrdreg $0x0  }
0xa8: {  	s4 =	sshll.u32 s28, $0x1;
	[dreg:$0x2] =	wrdreg s2  }
0xa9: {  	[dreg:$0x3] =	wrdreg s4  }
0xaa: {  	[dreg:$0x4] =	wrdreg $0xC0  }
0xab: {  	_ =	task [dreg:s6], $0x5FFFF  }
0xac: {  	[dreg:$0x1] =	wrdreg $0xFFFFFFFF  }
0xad: {  	[dreg:$0x0] =	wrdreg $0x60  }
0xae: {  	[dreg:$0x2] =	wrdreg s24  }
0xaf: {  	[dreg:$0x3] =	wrdreg $0x9  }
0xb0: {  	_ =	task.clear_ibuf [dreg:s6], $0x4FFFF;
	_ =	strace $0x90000052  }
0xb1: {  	s29 =	simm.s32 $0x9;
	_ =	strace $0x80000054  }
0xb2: {  	_ =	swait.ge [sflag:s29], $0x1  }
0xb3: {  	[sflag:s29] =	ssyncadd.s32 $0xFFFFFFFF  }
0xb4: {  	_ =	strace $0x90000054  }
0xb5: {  	_ =	sfence  }
0xb6: {  	s30 =	sld [smem:$0x0];
	_ =	sdelay $0x2  }
0xb7: {  	s31 =	sshll.u32 s1, $0xD;
	s1 =	sshrl.u32 s1, $0x2  }
0xb8: {  	s3 =	sand.u32 $0x4000, s31;
	s1 =	sadd.s32 s1, s30  }
0xb9: {  	s0 =	sor.u32 s3, s0;
	s1 =	sshll.u32 s1, $0x11  }
0xba: {  	s0 =	sor.u32 s1, s0  }
0xbb: {  	s0 =	sadd.s32 $0x8F2B, s0  }
0xbc: {  	[sflag:s0] =	ssyncadd.remote.s32 $0x1  }
0xbd: {  	_ =	sfence.sel $0xFFFF  }
0xbe: {  	[dreg:$0x0] =	wrdreg $0xFFFFFFFF;
	(pc) =	sbr.abs _section_cstart, $3  }
0xbf: {  	[dreg:$0x1] =	wrdreg $0xFFFFFFFF  }
0xc0: {  	_ =	task.clear_ibuf [dreg:s6], $0x2FFFF;
	_ =	strace $0x9FFFFFFF  }
0xc1: {  	(tm) =	ssettm $0x7FFFFFFF  }
tec
execute0_lowered:
.L_overlay_start_1:
0x0: {  	(tag) =	ssettag $0x1  }
0x1: {  	s7 =	rddreg [dreg:$0x0]  }
0x2: {  	s0 =	rddreg [dreg:$0x1];
	s1 =	simm.s32 $0x0  }
0x3: {  	s2 =	srdreg.scid;
	s12 =	simm.s32 $0x6BD0;
	s13 =	simm.s32 $0x1  }
0x4: {  	s14 =	simm.s32 $0x2;
	s15 =	simm.s32 $0x3;
	s16 =	simm.s32 $0x0  }
0x5: {  	[smem:$0x7FF] =	sst s1;
	s3 =	sadd.s32 $0xCA200, s7;
	s4 =	sadd.s32 $0x280400, s7  }
0x6: {  	s8 =	sand.u32 $0x1, s2;
	s5 =	sadd.s32 $0x267C00, s7;
	s2 =	stileid.u32  }
0x7: {  	s6 =	sadd.s32 $0x24F400, s7;
	s7 =	sadd.s32 $0x1B03800, s7;
	s9 =	ssub.s32 $0x2, s8  }
0x8: {  	_ =	strace $0x80000053;
	s11 =	sshll.u32 s2, $0x1;
	s10 =	sshrl.u32 s9, $0x1  }
0x9: {  	s8 =	sor.u32 s8, s11;
	s11 =	simm.s32 $0x7D0;
	s9 =	ssub.s32 s9, s10  }
0xa: {  	s8 =	smul.u32 $0x61A8, s8;
	s10 =	simm.s32 $0xC8;
	s9 =	smax.u32 s9, $0x1  }
.LBB2_1:
0xb: {  	s17 =	simm.s32 $0x0  }
.LBB2_2:
0xc: {  	s18 =	smul.u32 $0xCD, s17;
	_ =	sdelay $0x1  }
0xd: {  	s18 =	sshrl.u32 s18, $0xA  }
0xe: {  	s18 =	sand.u32 $0x3F, s18  }
0xf: {  	s18 =	smul.u32 $0x5, s18;
	_ =	sdelay $0x1  }
0x10: {  	s19 =	smul.u32 $0xC8, s17;
	s18 =	ssub.s32 s17, s18  }
0x11: {  	s20 =	sand.u32 $0xFF, s18  }
0x12: {  	s18 =	sadd.s32 s8, s19;
	p0 =	sne.s32 s20, $0x0  }
0x13: {  	s19 =	sshrl.u32 @!p0 s18, $0x3  }
0x14: {  	s22 =	simm.s32 @!p0 $0x0;
	s21 =	sadd.s32 @!p0 s5, s19  }
0x15: {  	[tilespmem:s22], [sflag:$0x3] =	stream.linear.gather @!p0 [hbm4b:s21+s22], $0x3E8, $0x38;
	[tilespmem:$0xCFD0] =	vst v63  }
0x16: {  	s21 =	simm.s32 @!p0 $0x3  }
0x17: {  	_ =	swait.ge @!p0 [sflag:s21], $0x3E8  }
0x18: {  	[sflag:s21] =	ssyncset.done @!p0 $0x0  }
0x19: {  	s23 =	simm.s32 @!p0 $0x3E8;
	s19 =	sadd.s32 @!p0 s6, s19;
	[sflag:s21] =	ssyncadd.s32 @!p0 $0xFFFFFC18  }
0x1a: {  	[tilespmem:s23], [sflag:$0x3] =	stream.linear.gather @!p0 [hbm4b:s19+s22], $0x3E8, $0x38;
	[tilespmem:$0xCFD0] =	vst v63  }
0x1b: {  	_ =	swait.ge @!p0 [sflag:s21], $0x3E8  }
0x1c: {  	s31 =	smul.u32 $0xC8, s20;
	[sflag:s21] =	ssyncset.done @!p0 $0x0  }
0x1d: {  	[sflag:s21] =	ssyncadd.s32 @!p0 $0xFFFFFC18  }
0x1e: {  	[tilespmem:s11], [sflag:$0x1] =	stream.indirect.gather [hbm4b:s3+s10], $0x80, s31, s10, $0xb8;
	[tilespmem:$0xCFD0] =	vst v63  }
0x1f: {  	s19 =	sadd.s32 $0x3E8, s31  }
0x20: {  	[tilespmem:s12], [sflag:$0x2] =	stream.indirect.gather [hbm4b:s4+s10], $0x80, s19, s10, $0xb8;
	[tilespmem:$0xCFD0] =	vst v63  }
0x21: {  	_ =	swait.ge [sflag:s13], $0x6400  }
0x22: {  	[sflag:s13] =	ssyncset.done $0x0  }
0x23: {  	[sflag:s13] =	ssyncadd.s32 $0xFFFF9C00  }
0x24: {  	_ =	swait.ge [sflag:s14], $0x6400  }
0x25: {  	[sflag:s14] =	ssyncset.done $0x0  }
0x26: {  	s19 =	simm.s32 $0x0;
	[sflag:s14] =	ssyncadd.s32 $0xFFFF9C00  }
0x27: {  	v7 =	vld [tilespmem:s19+$0x6BD0]  }
0x28: {  	v11 =	vld [tilespmem:s19+$0x6BE0]  }
0x29: {  	v5 =	vld [tilespmem:s19+$0x6BF0]  }
0x2a: {  	v4 =	vld [tilespmem:s19+$0x6C00]  }
0x2b: {  	v3 =	vld [tilespmem:s19+$0x6C10]  }
0x2c: {  	v2 =	vld [tilespmem:s19+$0x6C20]  }
0x2d: {  	v1 =	vld [tilespmem:s19+$0x6C30]  }
0x2e: {  	v0 =	vld [tilespmem:s19+$0x6C40]  }
0x2f: {  	v12 =	vld [tilespmem:s19+$0x7D0]  }
0x30: {  	v13 =	vld [tilespmem:s19+$0x7E0]  }
0x31: {  	v10 =	vld [tilespmem:s19+$0x7F0]  }
0x32: {  	v9 =	vld [tilespmem:s19+$0x800]  }
0x33: {  	v8 =	vld [tilespmem:s19+$0x810]  }
0x34: {  	v6 =	vld [tilespmem:s19+$0x820];
	v12 =	vadd.f32 v7, v12  }
0x35: {  	s20 =	simm.s32 $0x200;
	v11 =	vadd.f32 v11, v13;
	v7 =	vld [tilespmem:s19+$0x830]  }
.LBB2_3:
0x36: {  	s21 =	sshra.s32 s20, $0x2;
	p0 =	sne.s32 s20, $0x18E00;
	[tilespmem:s19+$0x7D0] =	vst v12;
	v5 =	vadd.f32 v5, v10;
	v10 =	vld [tilespmem:s19+$0x840]  }
0x37: {  	v12 =	vld [tilespmem:s21+$0x6BD0];
	[tilespmem:s19+$0x7E0] =	vst v11;
	v4 =	vadd.f32 v4, v9  }
0x38: {  	v11 =	vld [tilespmem:s21+$0x6BE0];
	[tilespmem:s19+$0x7F0] =	vst v5;
	v3 =	vadd.f32 v3, v8  }
0x39: {  	v5 =	vld [tilespmem:s21+$0x6BF0];
	[tilespmem:s19+$0x800] =	vst v4;
	v2 =	vadd.f32 v2, v6  }
0x3a: {  	v4 =	vld [tilespmem:s21+$0x6C00];
	[tilespmem:s19+$0x810] =	vst v3;
	v1 =	vadd.f32 v1, v7  }
0x3b: {  	v3 =	vld [tilespmem:s21+$0x6C10];
	[tilespmem:s19+$0x820] =	vst v2;
	v0 =	vadd.f32 v0, v10  }
0x3c: {  	v2 =	vld [tilespmem:s21+$0x6C20];
	[tilespmem:s19+$0x830] =	vst v1  }
0x3d: {  	v1 =	vld [tilespmem:s21+$0x6C30];
	[tilespmem:s19+$0x840] =	vst v0;
	s19 =	smov.u32 s21  }
0x3e: {  	v0 =	vld [tilespmem:s19+$0x6C40]  }
0x3f: {  	v6 =	vld [tilespmem:s19+$0x7D0]  }
0x40: {  	v7 =	vld [tilespmem:s19+$0x7E0]  }
.Ltmp0:
0x41: {  	v10 =	vld [tilespmem:s19+$0x7F0];
	(pc) =	sbr.rel @p0 .LBB2_3-.Ltmp0, $4  }
0x42: {  	v9 =	vld [tilespmem:s19+$0x800]  }
0x43: {  	v8 =	vld [tilespmem:s19+$0x810]  }
0x44: {  	v12 =	vadd.f32 v12, v6;
	v6 =	vld [tilespmem:s19+$0x820]  }
0x45: {  	s20 =	sadd.s32 $0x200, s20;
	v11 =	vadd.f32 v11, v7;
	v7 =	vld [tilespmem:s19+$0x830]  }
0x46: {  	[tilespmem:s19+$0x7D0] =	vst v12;
	v5 =	vadd.f32 v5, v10;
	v63 =	vld [tilespmem:s19+$0x840]  }
0x47: {  	[tilespmem:s19+$0x7E0] =	vst v11;
	v4 =	vadd.f32 v4, v9  }
0x48: {  	[tilespmem:s19+$0x7F0] =	vst v5;
	v3 =	vadd.f32 v3, v8  }
0x49: {  	[tilespmem:s19+$0x800] =	vst v4;
	v2 =	vadd.f32 v2, v6  }
0x4a: {  	[tilespmem:s19+$0x810] =	vst v3;
	v1 =	vadd.f32 v1, v7  }
0x4b: {  	s17 =	sadd.s32 $0x1, s17;
	[tilespmem:s19+$0x820] =	vst v2;
	v0 =	vadd.f32 v0, v63  }
0x4c: {  	s18 =	sshll.u32 s18, $0x4;
	p0 =	sne.s32 s17, $0x7D;
	[tilespmem:s19+$0x830] =	vst v1  }
.Ltmp1:
0x4d: {  	s18 =	sadd.s32 s7, s18;
	[tilespmem:s19+$0x840] =	vst v0;
	(pc) =	sbr.rel @p0 .LBB2_2-.Ltmp1, $4  }
0x4e: {  	[hbm4b:s18+s1] =	stream.linear.scatter [tilespmem:s11], [sflag:$0x3], $0x6400, $0x38;
	[tilespmem:$0xCFD0] =	vst v63  }
0x4f: {  	_ =	swait.ge [sflag:s15], $0x6400  }
0x50: {  	[sflag:s15] =	ssyncset.done $0x0  }
0x51: {  	[sflag:s15] =	ssyncadd.s32 $0xFFFF9C00  }
0x52: {  	s16 =	sadd.s32 $0x1, s16  }
0x53: {  	p0 =	sne.s32 s16, s9  }
.Ltmp2:
0x54: {  	_ = 	snop;
	(pc) =	sbr.rel @p0 .LBB2_1-.Ltmp2, $1  }
0x55: {  	_ =	sdelay $0x3  }
0x56: {  	_ =	sfence.sel $0x180000  }
0x57: {  	[bflag:$0x0] =	sbarrier.arrive $0xFFFF  }
0x58: {  	p0 =	sne.s32 s2, $0x0;
	_ =	strace $0x90000053  }
0x59: {  	s0 =	sadd.s32 @!p0 $0x100000, s0;
	[bflag:$0x2] =	sbarrier.arrive $0xFFFF  }
0x5a: {  	[sflag:s0] =	ssyncadd.tile.s32 @!p0 $0x1;
	_ =	shalt  }
.Lfunc_end2:
_tile_overlayer_lowered:
.L_overlay_start_2:
0x5b: {  	(tag) =	ssettag $0x2  }
0x5c: {  	s0 =	rddreg [dreg:$0x0];
	s2 =	stileid.u32  }
0x5d: {  	s1 =	rddreg [dreg:$0x1];
	p0 =	sne.s32 s2, $0x0  }
0x5e: {  	s3 =	rddreg [dreg:$0x2];
	[bflag:$0x3] =	sbarrier.arrive $0xFFFF;
	s2 =	simm.s32 @!p0 $0x1C03  }
0x5f: {  	[timem:s3], [sflag:s2] =	dma.local @!p0 [hbm:s0], s1  }
0x60: {  	s0 =	simm.s32 @!p0 $0x3  }
0x61: {  	_ =	swait.ge @!p0 [sflag:s0], s1  }
0x62: {  	s1 =	ssub.s32 @!p0 $0x0, s1;
	[sflag:s0] =	ssyncset.done @!p0 $0x0  }
0x63: {  	[sflag:s0] =	ssyncadd.s32 @!p0 s1  }
0x64: {  	[bflag:$0x3] =	sbarrier.arrive $0xFFFF  }
0x65: {  	_ =	shalt  }

// kernel: kernel.26.cloned.1.call-start
scs
__scs_entry_jumppad:
0x0: {  	(pc) =	sbr.rel $0x88, $3  }
0x1: {  	(tag) =	ssettag $0x0;
	lr =	simm.s32 $0x1  }
0x2: {  	[smem:$0x3F91] =	sst lr;
	_ =	strace $0xD0000000  }
0x3: {  	_ = 	snop  }
0x4: {  	_ = 	snop  }
0x5: {  	_ = 	snop  }
0x6: {  	_ = 	snop  }
0x7: {  	_ = 	snop  }
__scs_overlays_trampoline_lowered:
0x8: {  	[smem:$0x3FA0] =	sst s0  }
0x9: {  	[smem:$0x3FA1] =	sst s1  }
0xa: {  	[smem:$0x3FA2] =	sst s2  }
0xb: {  	[smem:$0x3FA3] =	sst s3  }
0xc: {  	[smem:$0x3FA4] =	sst s4  }
0xd: {  	[smem:$0x3FA5] =	sst s5  }
0xe: {  	[smem:$0x3FA6] =	sst s6  }
0xf: {  	[smem:$0x3FA7] =	sst s7  }
0x10: {  	[smem:$0x3FA8] =	sst s8  }
0x11: {  	[smem:$0x3FA9] =	sst s9;
	s0 =	simm.s32 @!p0 $0x0  }
0x12: {  	s1 =	sld [smem:$0x3F8F];
	s0 =	simm.s32 @p0 $0x1  }
0x13: {  	[smem:$0x3FAA] =	sst s0;
	s0 =	simm.s32 @!p1 $0x0  }
0x14: {  	s2 =	sld [smem:$0x3F8E];
	s0 =	simm.s32 @p1 $0x1  }
0x15: {  	[smem:$0x3FAB] =	sst s0;
	s0 =	simm.s32 @!p2 $0x0  }
0x16: {  	s3 =	sld [smem:$0x3FDB];
	s0 =	simm.s32 @p2 $0x1  }
0x17: {  	s4 =	simm.s32 $0x1BF5;
	[smem:$0x3FAD] =	sst s0  }
0x18: {  	s0 =	sld [smem:$0x3F90];
	_ =	swait.ge [sflag:s4], $0x0  }
0x19: {  	s7 =	sld [smem:$0x3F91]  }
0x1a: {  	s8 =	sadd.s32 $0xFFFFE003, lr  }
0x1b: {  	s9 =	sadd.s32 $0xFFFFFEF7, lr;
	s5 =	simm.s32 $0xFFFFFFFF;
	p2 =	slt.u32 s8, $0xFFFFF086  }
0x1c: {  	p1 =	slt.u32 s9, $0xF7A;
	s5 =	simm.s32 @!p2 $0x0  }
0x1d: {  	s5 =	simm.s32 @p1 $0x1;
	p0 =	seq.s32 s7, s2  }
0x1e: {  	s7 =	smul.u32 @!p0 $0xF7A, s2;
	p2 =	seq.s32 @!p0 s5, $0x0  }
0x1f: {  	s9 =	smul.u32 $0xF7A, s1;
	s8 =	simm.s32 @!p0 $0x1BF5;
	p2 =	por !p2, p0  }
0x20: {  	[sflag:s8] =	ssyncset.s32 @!p0 $0xFFFFF086;
	s6 =	sadd.s32 @!p0 s3, s7;
	s7 =	simm.s32 @!p0 $0x108  }
0x21: {  	s3 =	sadd.s32 s3, s9;
	s6 =	sadd.s32 @!p0 $0x88, s6;
	s7 =	simm.s32 @p2 $0x1082  }
0x22: {  	[simem:s7], [sflag:s8] =	dma.local @!p0 [hbm:s6], $0xF7A  }
0x23: {  	s9 =	sor.u32 $0xD0000000, s2;
	s6 =	simm.s32 $0x108;
	_ =	swait.ge @!p0 [sflag:s8], $0x0  }
0x24: {  	s3 =	sadd.s32 $0x88, s3;
	s6 =	simm.s32 @!p1 $0x1082;
	[sflag:s4] =	ssyncset.s32 $0xFFFFF086  }
0x25: {  	[simem:s6], [sflag:s4] =	dma.local [hbm:s3], $0xF7A  }
0x26: {  	[smem:$0x3F91] =	sst s1;
	(tag) =	ssettag s2;
	_ =	strace s9  }
0x27: {  	s1 =	sld [smem:$0x3FA1]  }
0x28: {  	s2 =	sld [smem:$0x3FA2]  }
0x29: {  	s4 =	sld [smem:$0x3FA4]  }
0x2a: {  	p0 =	seq.s32 s5, $0x0;
	s5 =	sld [smem:$0x3FA5]  }
0x2b: {  	s6 =	sld [smem:$0x3FA6]  }
0x2c: {  	s7 =	sld [smem:$0x3FA7]  }
0x2d: {  	s3 =	simm.s32 $0x108;
	s8 =	sld [smem:$0x3FA8]  }
0x2e: {  	s3 =	simm.s32 @!p0 $0x1082;
	s9 =	sld [smem:$0x3FA9]  }
0x2f: {  	lr =	sadd.s32 s0, s3;
	s0 =	sld [smem:$0x3FA0]  }
0x30: {  	s3 =	sld [smem:$0x3FA3]  }
0x31: {  	[smem:$0x3FAC] =	sst s10  }
0x32: {  	s10 =	sld [smem:$0x3FAA];
	_ =	sdelay $0x3  }
0x33: {  	p0 =	seq.s32 s10, $0x1;
	s10 =	sld [smem:$0x3FAC];
	_ =	sdelay $0x3  }
0x34: {  	[smem:$0x3FAC] =	sst s10  }
0x35: {  	s10 =	sld [smem:$0x3FAB];
	_ =	sdelay $0x3  }
0x36: {  	p1 =	seq.s32 s10, $0x1;
	s10 =	sld [smem:$0x3FAC];
	_ =	sdelay $0x3  }
0x37: {  	[smem:$0x3FAC] =	sst s10  }
0x38: {  	s10 =	sld [smem:$0x3FAD]  }
0x39: {  	_ = 	snop;
	(pc) =	sbr.ind lr, $3  }
0x3a: {  	_ = 	snop  }
0x3b: {  	_ = 	snop  }
0x3c: {  	p2 =	seq.s32 s10, $0x1;
	s10 =	sld [smem:$0x3FAC]  }
0x3d: {  	_ =	shalt  }
0x3e: {  	_ =	shalt  }
0x3f: {  	_ =	shalt  }
0x40: {  	_ =	shalt  }
0x41: {  	_ =	shalt  }
0x42: {  	_ =	shalt  }
0x43: {  	_ =	shalt  }
0x44: {  	_ =	shalt  }
0x45: {  	_ =	shalt  }
0x46: {  	_ =	shalt  }
0x47: {  	_ =	shalt  }
0x48: {  	_ =	shalt  }
0x49: {  	_ =	shalt  }
0x4a: {  	_ =	shalt  }
0x4b: {  	_ =	shalt  }
0x4c: {  	_ =	shalt  }
0x4d: {  	_ =	shalt  }
0x4e: {  	_ =	shalt  }
0x4f: {  	_ =	shalt  }
0x50: {  	_ =	shalt  }
0x51: {  	_ =	shalt  }
0x52: {  	_ =	shalt  }
0x53: {  	_ =	shalt  }
0x54: {  	_ =	shalt  }
0x55: {  	_ =	shalt  }
0x56: {  	_ =	shalt  }
0x57: {  	_ =	shalt  }
0x58: {  	_ =	shalt  }
0x59: {  	_ =	shalt  }
0x5a: {  	_ =	shalt  }
0x5b: {  	_ =	shalt  }
0x5c: {  	_ =	shalt  }
0x5d: {  	_ =	shalt  }
0x5e: {  	_ =	shalt  }
0x5f: {  	_ =	shalt  }
0x60: {  	_ =	shalt  }
0x61: {  	_ =	shalt  }
0x62: {  	_ =	shalt  }
0x63: {  	_ =	shalt  }
0x64: {  	_ =	shalt  }
0x65: {  	_ =	shalt  }
0x66: {  	_ =	shalt  }
0x67: {  	_ =	shalt  }
0x68: {  	_ =	shalt  }
0x69: {  	_ =	shalt  }
0x6a: {  	_ =	shalt  }
0x6b: {  	_ =	shalt  }
0x6c: {  	_ =	shalt  }
0x6d: {  	_ =	shalt  }
0x6e: {  	_ =	shalt  }
0x6f: {  	_ =	shalt  }
0x70: {  	_ =	shalt  }
0x71: {  	_ =	shalt  }
0x72: {  	_ =	shalt  }
0x73: {  	_ =	shalt  }
0x74: {  	_ =	shalt  }
0x75: {  	_ =	shalt  }
0x76: {  	_ =	shalt  }
0x77: {  	_ =	shalt  }
0x78: {  	_ =	shalt  }
0x79: {  	_ =	shalt  }
0x7a: {  	_ =	shalt  }
0x7b: {  	_ =	shalt  }
0x7c: {  	_ =	shalt  }
0x7d: {  	_ =	shalt  }
0x7e: {  	_ =	shalt  }
0x7f: {  	_ =	shalt  }
0x80: {  	_ =	shalt  }
0x81: {  	_ =	shalt  }
0x82: {  	_ =	shalt  }
0x83: {  	_ =	shalt  }
0x84: {  	_ =	shalt  }
0x85: {  	_ =	shalt  }
0x86: {  	_ =	shalt  }
0x87: {  	_ =	shalt  }
.Lfunc_end0:
.L_simem_size_0:
called_computation.7_lowered:
.L_overlay_start_0:
0x88: {  	s2 =	sld [smem:$0x3FD9]  }
0x89: {  	s3 =	sld [smem:$0x3FFE];
	_ =	sdelay $0x1  }
0x8a: {  	s1 =	srdreg.scid  }
0x8b: {  	s0 =	sand.u32 $0x1, s1  }
0x8c: {  	s16 =	sshll.u32 s0, $0xA;
	s2 =	sadd.s32 s3, s2  }
0x8d: {  	s2 =	sadd.s32 s2, s16  }
0x8e: {  	[smem:$0x3FB8] =	sst s2  }
0x8f: {  	_ = 	snop  }
0x90: {  	(tm) =	ssettm $0x1  }
0x91: {  	s17 =	sld [smem:$0x3FFB];
	_ =	sdelay $0x3  }
0x92: {  	_ =	strace s17  }
0x93: {  	s2 =	sld [smem:$0x3FFC];
	_ =	sdelay $0x3  }
0x94: {  	_ =	strace s2  }
0x95: {  	s2 =	sld [smem:$0x3FFD];
	_ =	sdelay $0x3  }
0x96: {  	_ =	strace s2  }
0x97: {  	_ =	strace $0x8FFFFFFF  }
0x98: {  	s18 =	sld [smem:$0x3FDB];
	_ =	sdelay $0x1  }
0x99: {  	s19 =	simm.s32 $_scs_section_size  }
0x9a: {  	s4 =	simm.s32 $_size__tile_overlayer_lowered;
	s5 =	simm.s32 $_tile_overlayer_lowered  }
0x9b: {  	s22 =	simm.s32 $0x1BFF;
	s21 =	sshll.u32 s5, $0x1;
	s2 =	sadd.s32 s19, s18  }
0x9c: {  	s6 =	simm.s32 $0x0;
	s20 =	sshll.u32 s4, $0x1;
	s4 =	sadd.s32 s21, s2  }
0x9d: {  	[timem:s6], [sflag:s22] =	dma.local [hbm:s4], s20  }
0x9e: {  	_ =	swait.ge [sflag:s22], s20  }
0x9f: {  	s3 =	ssub.s32 $0x0, s20;
	[sflag:s22] =	ssyncset.done $0x0  }
0xa0: {  	[sflag:s22] =	ssyncadd.s32 s3;
	_ =	sdelay $0x1  }
0xa1: {  	s23 =	simm.s32 $0x1B8B  }
0xa2: {  	_ =	swait.ge [sflag:s23], $0x1  }
0xa3: {  	[sflag:s23] =	ssyncset.done $0x0  }
0xa4: {  	s25 =	simm.s32 $0x1B8E;
	s24 =	sld [smem:$0x3FFE];
	[sflag:s23] =	ssyncadd.s32 $0xFFFFFFFF  }
0xa5: {  	s26 =	simm.s32 $execute0_lowered;
	[smem:$0x3FD2] =	sst s25  }
0xa6: {  	s4 =	sshll.u32 s26, $0x1;
	_ =	strace $0x80000055;
	[dreg:$0x1] =	wrdreg $0xFFFFFFFF  }
0xa7: {  	s28 =	simm.s32 $_size_execute0_lowered;
	s2 =	sadd.s32 s2, s4;
	[dreg:$0x0] =	wrdreg $0x0  }
0xa8: {  	s4 =	sshll.u32 s28, $0x1;
	[dreg:$0x2] =	wrdreg s2  }
0xa9: {  	[dreg:$0x3] =	wrdreg s4  }
0xaa: {  	[dreg:$0x4] =	wrdreg $0xC0  }
0xab: {  	_ =	task [dreg:s6], $0x5FFFF  }
0xac: {  	[dreg:$0x1] =	wrdreg $0xFFFFFFFF  }
0xad: {  	[dreg:$0x0] =	wrdreg $0x60  }
0xae: {  	[dreg:$0x2] =	wrdreg s24  }
0xaf: {  	[dreg:$0x3] =	wrdreg $0x42680  }
0xb0: {  	[dreg:$0x4] =	wrdreg $0x9  }
0xb1: {  	_ =	task.clear_ibuf [dreg:s6], $0x5FFFF;
	_ =	strace $0x90000055  }
0xb2: {  	s29 =	simm.s32 $0x9;
	_ =	strace $0x80000057  }
0xb3: {  	_ =	swait.ge [sflag:s29], $0x1  }
0xb4: {  	[sflag:s29] =	ssyncadd.s32 $0xFFFFFFFF  }
0xb5: {  	_ =	strace $0x90000057  }
0xb6: {  	_ =	sfence  }
0xb7: {  	s30 =	sld [smem:$0x0];
	_ =	sdelay $0x2  }
0xb8: {  	s31 =	sshll.u32 s1, $0xD;
	s1 =	sshrl.u32 s1, $0x2  }
0xb9: {  	s3 =	sand.u32 $0x4000, s31;
	s1 =	sadd.s32 s1, s30  }
0xba: {  	s0 =	sor.u32 s3, s0;
	s1 =	sshll.u32 s1, $0x11  }
0xbb: {  	s0 =	sor.u32 s1, s0  }
0xbc: {  	s0 =	sadd.s32 $0x8F2B, s0  }
0xbd: {  	[sflag:s0] =	ssyncadd.remote.s32 $0x1  }
0xbe: {  	_ =	sfence.sel $0xFFFF  }
0xbf: {  	[dreg:$0x0] =	wrdreg $0xFFFFFFFF;
	(pc) =	sbr.abs _section_cstart, $3  }
0xc0: {  	[dreg:$0x1] =	wrdreg $0xFFFFFFFF  }
0xc1: {  	_ =	task.clear_ibuf [dreg:s6], $0x2FFFF;
	_ =	strace $0x9FFFFFFF  }
0xc2: {  	(tm) =	ssettm $0x7FFFFFFF  }
0xc3: {  	_ =	shalt  }
tec
execute0_lowered:
.L_overlay_start_1:
0x0: {  	(tag) =	ssettag $0x1  }
0x1: {  	s7 =	rddreg [dreg:$0x0]  }
0x2: {  	s2 =	rddreg [dreg:$0x1];
	s1 =	stileid.u32  }
0x3: {  	s0 =	rddreg [dreg:$0x2];
	s3 =	simm.s32 $0x0;
	s6 =	srdreg.scid  }
0x4: {  	s19 =	simm.s32 $0x1;
	s20 =	simm.s32 $0x10;
	s4 =	smul.u32 $0x61A80, s1  }
0x5: {  	s21 =	simm.s32 $0x80;
	s22 =	simm.s32 $0x3E8;
	s5 =	smul.u32 $0xC35, s1  }
0x6: {  	s23 =	simm.s32 $0x0;
	[smem:$0x7FF] =	sst s3;
	s8 =	smul.u32 $0xC380, s1  }
0x7: {  	s9 =	sand.u32 $0x1, s6;
	s6 =	sadd.s32 $0x6FD200, s7;
	s31 =	sshll.u32 s1, $0x6  }
0x8: {  	_ =	strace $0x80000056;
	s10 =	ssub.s32 $0x2, s9;
	p0 =	seq.s32 s9, $0x1  }
0x9: {  	s17 =	sadd.s32 s4, s7;
	s14 =	sadd.s32 s5, s7;
	s4 =	sadd.s32 $0xC8800, s7  }
0xa: {  	s5 =	sshrl.u32 s8, $0x3;
	s12 =	sshrl.u32 s10, $0x1;
	s18 =	sadd.s32 s8, s2  }
.Ltmp0:
0xb: {  	s11 =	sadd.s32 s5, s7;
	s7 =	sadd.s32 $0x72E200, s7;
	(pc) =	sbr.rel .LBB2_1-.Ltmp0, $4  }
0xc: {  	s12 =	ssub.s32 s10, s12;
	s10 =	sor.u32 $0x1C01, s31;
	s13 =	sadd.s32 $0xEB5800, s14  }
0xd: {  	s14 =	sadd.s32 $0xEC1C00, s14;
	s15 =	sadd.s32 $0xCA20A, s17;
	s16 =	sadd.s32 $0xCA20C, s17  }
0xe: {  	s18 =	sshrl.u32 s18, $0x3;
	s8 =	sadd.s32 $0x6E4A00, s11;
	s9 =	sadd.s32 $0x715A00, s11  }
0xf: {  	s11 =	sadd.s32 $0xCA208, s17;
	s12 =	smax.u32 s12, $0x1;
	s17 =	sadd.s32 $0xCA20E, s17  }
.LBB2_11:
0x10: {  	s26 =	sadd.s32 s25, s14;
	[sflag:s19] =	ssyncadd.s32 $0xFFFFC180  }
0x11: {  	[tilespmem:s3], [sflag:$0x1] =	stream.linear.gather [hbm4b:s26+s3], $0x3E8, $0x38;
	[tilespmem:$0x105E8] =	vst v63  }
0x12: {  	_ =	swait.ge [sflag:s19], $0x3E8  }
0x13: {  	[sflag:s19] =	ssyncset.done $0x0  }
0x14: {  	s30 =	sadd.s32 $0xFFFFFFF8, s24;
	[sflag:s19] =	ssyncadd.s32 $0xFFFFFC18  }
0x15: {  	[tilespmem:s22], [sflag:$0x1] =	stream.strided.gather [hbm4b:s30+s20], $0x3E80, s21, s20, $0x38;
	[tilespmem:$0x105E8] =	vst v63  }
0x16: {  	_ =	swait.ge [sflag:s19], $0x3E80  }
0x17: {  	[sflag:s19] =	ssyncset.done $0x0  }
0x18: {  	[sflag:s19] =	ssyncadd.s32 $0xFFFFC180  }
0x19: {  	[spmem:s2] =	stream.indirect.scatter.add.f32 [tilespmem:s22], [sflag:$0x1], $0x10, s3, s22, $0xb8;
	[tilespmem:$0x105E8] =	vst v63  }
0x1a: {  	_ =	swait.ge [sflag:s19], $0x3E80  }
0x1b: {  	[sflag:s19] =	ssyncset.done $0x0  }
0x1c: {  	s31 =	sadd.s32 s25, s13;
	[sflag:s19] =	ssyncadd.s32 $0xFFFFC180  }
0x1d: {  	[tilespmem:s3], [sflag:$0x1] =	stream.linear.gather [hbm4b:s31+s3], $0x3E8, $0x38;
	[tilespmem:$0x105E8] =	vst v63  }
0x1e: {  	_ =	swait.ge [sflag:s19], $0x3E8  }
0x1f: {  	[sflag:s19] =	ssyncset.done $0x0  }
0x20: {  	[sflag:s19] =	ssyncadd.s32 $0xFFFFFC18  }
0x21: {  	[tilespmem:s22], [sflag:$0x1] =	stream.strided.gather [hbm4b:s24+s20], $0x3E80, s21, s20, $0x38;
	[tilespmem:$0x105E8] =	vst v63  }
0x22: {  	_ =	swait.ge [sflag:s19], $0x3E80  }
0x23: {  	[sflag:s19] =	ssyncset.done $0x0  }
0x24: {  	[sflag:s19] =	ssyncadd.s32 $0xFFFFC180  }
0x25: {  	[spmem:s2] =	stream.indirect.scatter.add.f32 [tilespmem:s22], [sflag:$0x1], $0x10, s3, s22, $0xb8;
	[tilespmem:$0x105E8] =	vst v63  }
0x26: {  	_ =	swait.ge [sflag:s19], $0x3E80  }
0x27: {  	[sflag:s19] =	ssyncset.done $0x0  }
0x28: {  	s24 =	smov.u32 s7;
	[sflag:s19] =	ssyncadd.s32 $0xFFFFC180  }
.LBB2_12:
0x29: {  	s24 =	sadd.s32 s24, s5;
	[bflag:$0x0] =	sbarrier.arrive $0xFFFF;
	s23 =	sadd.s32 $0x1, s23  }
0x2a: {  	[hbm:s24], [sflag:s10] =	dma.local [spmem:s18], $0x1870  }
0x2b: {  	p1 =	sne.s32 s23, s12  }
.Ltmp1:
0x2c: {  	_ =	swait.ge [sflag:s19], $0x1870;
	(pc) =	sbr.rel @!p1 .LBB2_13-.Ltmp1, $3  }
0x2d: {  	[sflag:s19] =	ssyncset.done $0x0  }
0x2e: {  	[sflag:s19] =	ssyncadd.s32 $0xFFFFE790  }
0x2f: {  	[bflag:$0x0] =	sbarrier.arrive $0xFFFF;
	_ =	sdelay $0x1  }
.LBB2_1:
0x30: {  	[spmem:s18], [sflag:s10] =	dma.local [hbm:s4], $0x1870  }
.Ltmp2:
0x31: {  	_ =	swait.ge [sflag:s19], $0x1870;
	(pc) =	sbr.rel @!p0 .LBB2_2-.Ltmp2, $4  }
0x32: {  	[sflag:s19] =	ssyncset.done $0x0  }
0x33: {  	[sflag:s19] =	ssyncadd.s32 $0xFFFFE790  }
0x34: {  	[bflag:$0x0] =	sbarrier.arrive $0xFFFF  }
0x35: {  	s24 =	sadd.s32 $0x0, s14  }
0x36: {  	[tilespmem:s3], [sflag:$0x1] =	stream.linear.gather [hbm4b:s24+s3], $0x3E8, $0x38;
	[tilespmem:$0x105E8] =	vst v63  }
0x37: {  	_ =	swait.ge [sflag:s19], $0x3E8  }
0x38: {  	[sflag:s19] =	ssyncset.done $0x0  }
0x39: {  	s30 =	sadd.s32 $0xFFFFFFF8, s16;
	[sflag:s19] =	ssyncadd.s32 $0xFFFFFC18  }
0x3a: {  	[tilespmem:s22], [sflag:$0x1] =	stream.strided.gather [hbm4b:s30+s20], $0x3E80, s21, s20, $0x38;
	[tilespmem:$0x105E8] =	vst v63  }
0x3b: {  	_ =	swait.ge [sflag:s19], $0x3E80  }
0x3c: {  	[sflag:s19] =	ssyncset.done $0x0  }
0x3d: {  	[sflag:s19] =	ssyncadd.s32 $0xFFFFC180  }
0x3e: {  	[spmem:s2] =	stream.indirect.scatter.add.f32 [tilespmem:s22], [sflag:$0x1], $0x10, s3, s22, $0xb8;
	[tilespmem:$0x105E8] =	vst v63  }
0x3f: {  	_ =	swait.ge [sflag:s19], $0x3E80  }
0x40: {  	[sflag:s19] =	ssyncset.done $0x0  }
0x41: {  	s31 =	sadd.s32 $0x0, s13;
	[sflag:s19] =	ssyncadd.s32 $0xFFFFC180  }
0x42: {  	[tilespmem:s3], [sflag:$0x1] =	stream.linear.gather [hbm4b:s31+s3], $0x3E8, $0x38;
	[tilespmem:$0x105E8] =	vst v63  }
0x43: {  	_ =	swait.ge [sflag:s19], $0x3E8  }
0x44: {  	[sflag:s19] =	ssyncset.done $0x0  }
0x45: {  	[sflag:s19] =	ssyncadd.s32 $0xFFFFFC18  }
0x46: {  	[tilespmem:s22], [sflag:$0x1] =	stream.strided.gather [hbm4b:s16+s20], $0x3E80, s21, s20, $0x38;
	[tilespmem:$0x105E8] =	vst v63  }
0x47: {  	_ =	swait.ge [sflag:s19], $0x3E80  }
0x48: {  	[sflag:s19] =	ssyncset.done $0x0  }
0x49: {  	[sflag:s19] =	ssyncadd.s32 $0xFFFFC180  }
0x4a: {  	[spmem:s2] =	stream.indirect.scatter.add.f32 [tilespmem:s22], [sflag:$0x1], $0x10, s3, s22, $0xb8;
	[tilespmem:$0x105E8] =	vst v63  }
0x4b: {  	s25 =	simm.s32 $0x7D;
	_ =	swait.ge [sflag:s19], $0x3E80  }
0x4c: {  	s26 =	simm.s32 $0xFA;
	s24 =	sadd.s32 $0x3E80, s16;
	[sflag:s19] =	ssyncset.done $0x0  }
.LBB2_8:
0x4d: {  	s28 =	sadd.s32 s25, s14  }
0x4e: {  	[sflag:s19] =	ssyncadd.s32 $0xFFFFC180;
	s29 =	smov.u32 s26;
	s30 =	sadd.s32 $0x7D, s26  }
0x4f: {  	[tilespmem:s3], [sflag:$0x1] =	stream.linear.gather [hbm4b:s28+s3], $0x3E8, $0x38;
	[tilespmem:$0x105E8] =	vst v63  }
0x50: {  	p1 =	sne.s32 s26, $0xBB8;
	_ =	swait.ge [sflag:s19], $0x3E8  }
0x51: {  	[sflag:s19] =	ssyncset.done $0x0  }
0x52: {  	s26 =	sadd.s32 $0xFFFFFFF8, s24;
	[sflag:s19] =	ssyncadd.s32 $0xFFFFFC18  }
0x53: {  	[tilespmem:s22], [sflag:$0x1] =	stream.strided.gather [hbm4b:s26+s20], $0x3E80, s21, s20, $0x38;
	[tilespmem:$0x105E8] =	vst v63  }
0x54: {  	_ =	swait.ge [sflag:s19], $0x3E80  }
0x55: {  	[sflag:s19] =	ssyncset.done $0x0  }
0x56: {  	[sflag:s19] =	ssyncadd.s32 $0xFFFFC180  }
0x57: {  	[spmem:s2] =	stream.indirect.scatter.add.f32 [tilespmem:s22], [sflag:$0x1], $0x10, s3, s22, $0xb8;
	[tilespmem:$0x105E8] =	vst v63  }
0x58: {  	_ =	swait.ge [sflag:s19], $0x3E80  }
0x59: {  	[sflag:s19] =	ssyncset.done $0x0  }
0x5a: {  	s26 =	sadd.s32 s25, s13;
	s25 =	smov.u32 s29;
	[sflag:s19] =	ssyncadd.s32 $0xFFFFC180  }
0x5b: {  	[tilespmem:s3], [sflag:$0x1] =	stream.linear.gather [hbm4b:s26+s3], $0x3E8, $0x38;
	[tilespmem:$0x105E8] =	vst v63  }
0x5c: {  	_ =	swait.ge [sflag:s19], $0x3E8  }
0x5d: {  	[sflag:s19] =	ssyncset.done $0x0  }
0x5e: {  	[sflag:s19] =	ssyncadd.s32 $0xFFFFFC18  }
0x5f: {  	[tilespmem:s22], [sflag:$0x1] =	stream.strided.gather [hbm4b:s24+s20], $0x3E80, s21, s20, $0x38;
	[tilespmem:$0x105E8] =	vst v63  }
0x60: {  	_ =	swait.ge [sflag:s19], $0x3E80  }
.Ltmp3:
0x61: {  	[sflag:s19] =	ssyncset.done $0x0;
	(pc) =	sbr.rel @p1 .LBB2_8-.Ltmp3, $4  }
0x62: {  	[sflag:s19] =	ssyncadd.s32 $0xFFFFC180  }
0x63: {  	[spmem:s2] =	stream.indirect.scatter.add.f32 [tilespmem:s22], [sflag:$0x1], $0x10, s3, s22, $0xb8;
	[tilespmem:$0x105E8] =	vst v63  }
0x64: {  	_ =	swait.ge [sflag:s19], $0x3E80  }
0x65: {  	s26 =	smov.u32 s30;
	s24 =	sadd.s32 $0x3E80, s24;
	[sflag:s19] =	ssyncset.done $0x0  }
0x66: {  	s26 =	sadd.s32 s25, s14;
	[sflag:s19] =	ssyncadd.s32 $0xFFFFC180  }
0x67: {  	[tilespmem:s3], [sflag:$0x1] =	stream.linear.gather [hbm4b:s26+s3], $0x3E8, $0x38;
	[tilespmem:$0x105E8] =	vst v63  }
0x68: {  	_ =	swait.ge [sflag:s19], $0x3E8  }
0x69: {  	[sflag:s19] =	ssyncset.done $0x0  }
0x6a: {  	s31 =	sadd.s32 $0xFFFFFFF8, s24;
	[sflag:s19] =	ssyncadd.s32 $0xFFFFFC18  }
0x6b: {  	[tilespmem:s22], [sflag:$0x1] =	stream.strided.gather [hbm4b:s31+s20], $0x3E80, s21, s20, $0x38;
	[tilespmem:$0x105E8] =	vst v63  }
0x6c: {  	_ =	swait.ge [sflag:s19], $0x3E80  }
0x6d: {  	[sflag:s19] =	ssyncset.done $0x0  }
0x6e: {  	[sflag:s19] =	ssyncadd.s32 $0xFFFFC180  }
0x6f: {  	[spmem:s2] =	stream.indirect.scatter.add.f32 [tilespmem:s22], [sflag:$0x1], $0x10, s3, s22, $0xb8;
	[tilespmem:$0x105E8] =	vst v63  }
0x70: {  	_ =	swait.ge [sflag:s19], $0x3E80  }
0x71: {  	[sflag:s19] =	ssyncset.done $0x0  }
0x72: {  	s28 =	sadd.s32 s25, s13;
	[sflag:s19] =	ssyncadd.s32 $0xFFFFC180  }
0x73: {  	[tilespmem:s3], [sflag:$0x1] =	stream.linear.gather [hbm4b:s28+s3], $0x3E8, $0x38;
	[tilespmem:$0x105E8] =	vst v63  }
0x74: {  	_ =	swait.ge [sflag:s19], $0x3E8  }
0x75: {  	[sflag:s19] =	ssyncset.done $0x0  }
0x76: {  	[sflag:s19] =	ssyncadd.s32 $0xFFFFFC18  }
0x77: {  	[tilespmem:s22], [sflag:$0x1] =	stream.strided.gather [hbm4b:s24+s20], $0x3E80, s21, s20, $0x38;
	[tilespmem:$0x105E8] =	vst v63  }
0x78: {  	_ =	swait.ge [sflag:s19], $0x3E80  }
0x79: {  	[sflag:s19] =	ssyncset.done $0x0  }
0x7a: {  	[sflag:s19] =	ssyncadd.s32 $0xFFFFC180  }
0x7b: {  	[spmem:s2] =	stream.indirect.scatter.add.f32 [tilespmem:s22], [sflag:$0x1], $0x10, s3, s22, $0xb8;
	[tilespmem:$0x105E8] =	vst v63  }
0x7c: {  	_ =	swait.ge [sflag:s19], $0x3E80  }
0x7d: {  	[sflag:s19] =	ssyncset.done $0x0  }
0x7e: {  	[sflag:s19] =	ssyncadd.s32 $0xFFFFC180  }
0x7f: {  	[bflag:$0x0] =	sbarrier.arrive $0xFFFF  }
0x80: {  	[hbm:s9], [sflag:s10] =	dma.local [spmem:s18], $0x1870  }
0x81: {  	_ =	swait.ge [sflag:s19], $0x1870  }
0x82: {  	[sflag:s19] =	ssyncset.done $0x0  }
0x83: {  	[sflag:s19] =	ssyncadd.s32 $0xFFFFE790  }
0x84: {  	[bflag:$0x0] =	sbarrier.arrive $0xFFFF  }
0x85: {  	[spmem:s18], [sflag:s10] =	dma.local [hbm:s4], $0x1870  }
0x86: {  	_ =	swait.ge [sflag:s19], $0x1870  }
0x87: {  	[sflag:s19] =	ssyncset.done $0x0  }
0x88: {  	[sflag:s19] =	ssyncadd.s32 $0xFFFFE790  }
0x89: {  	s29 =	sadd.s32 $0x0, s14;
	[bflag:$0x0] =	sbarrier.arrive $0xFFFF  }
0x8a: {  	[tilespmem:s3], [sflag:$0x1] =	stream.linear.gather [hbm4b:s29+s3], $0x3E8, $0x38;
	[tilespmem:$0x105E8] =	vst v63  }
0x8b: {  	_ =	swait.ge [sflag:s19], $0x3E8  }
0x8c: {  	[sflag:s19] =	ssyncset.done $0x0  }
0x8d: {  	s30 =	sadd.s32 $0xFFFFFFF8, s17;
	[sflag:s19] =	ssyncadd.s32 $0xFFFFFC18  }
0x8e: {  	[tilespmem:s22], [sflag:$0x1] =	stream.strided.gather [hbm4b:s30+s20], $0x3E80, s21, s20, $0x38;
	[tilespmem:$0x105E8] =	vst v63  }
0x8f: {  	_ =	swait.ge [sflag:s19], $0x3E80  }
0x90: {  	[sflag:s19] =	ssyncset.done $0x0  }
0x91: {  	[sflag:s19] =	ssyncadd.s32 $0xFFFFC180  }
0x92: {  	[spmem:s2] =	stream.indirect.scatter.add.f32 [tilespmem:s22], [sflag:$0x1], $0x10, s3, s22, $0xb8;
	[tilespmem:$0x105E8] =	vst v63  }
0x93: {  	_ =	swait.ge [sflag:s19], $0x3E80  }
0x94: {  	[sflag:s19] =	ssyncset.done $0x0  }
0x95: {  	s31 =	sadd.s32 $0x0, s13;
	[sflag:s19] =	ssyncadd.s32 $0xFFFFC180  }
0x96: {  	[tilespmem:s3], [sflag:$0x1] =	stream.linear.gather [hbm4b:s31+s3], $0x3E8, $0x38;
	[tilespmem:$0x105E8] =	vst v63  }
0x97: {  	_ =	swait.ge [sflag:s19], $0x3E8  }
0x98: {  	[sflag:s19] =	ssyncset.done $0x0  }
0x99: {  	[sflag:s19] =	ssyncadd.s32 $0xFFFFFC18  }
0x9a: {  	[tilespmem:s22], [sflag:$0x1] =	stream.strided.gather [hbm4b:s17+s20], $0x3E80, s21, s20, $0x38;
	[tilespmem:$0x105E8] =	vst v63  }
0x9b: {  	_ =	swait.ge [sflag:s19], $0x3E80  }
0x9c: {  	[sflag:s19] =	ssyncset.done $0x0  }
0x9d: {  	[sflag:s19] =	ssyncadd.s32 $0xFFFFC180  }
0x9e: {  	[spmem:s2] =	stream.indirect.scatter.add.f32 [tilespmem:s22], [sflag:$0x1], $0x10, s3, s22, $0xb8;
	[tilespmem:$0x105E8] =	vst v63  }
0x9f: {  	s25 =	simm.s32 $0x7D;
	_ =	swait.ge [sflag:s19], $0x3E80  }
0xa0: {  	s26 =	simm.s32 $0xFA;
	s24 =	sadd.s32 $0x3E80, s17;
	[sflag:s19] =	ssyncset.done $0x0  }
.LBB2_10:
0xa1: {  	s28 =	sadd.s32 s25, s14  }
0xa2: {  	[sflag:s19] =	ssyncadd.s32 $0xFFFFC180;
	s29 =	smov.u32 s26;
	s30 =	sadd.s32 $0x7D, s26  }
0xa3: {  	[tilespmem:s3], [sflag:$0x1] =	stream.linear.gather [hbm4b:s28+s3], $0x3E8, $0x38;
	[tilespmem:$0x105E8] =	vst v63  }
0xa4: {  	p1 =	sne.s32 s26, $0xBB8;
	_ =	swait.ge [sflag:s19], $0x3E8  }
0xa5: {  	[sflag:s19] =	ssyncset.done $0x0  }
0xa6: {  	s26 =	sadd.s32 $0xFFFFFFF8, s24;
	[sflag:s19] =	ssyncadd.s32 $0xFFFFFC18  }
0xa7: {  	[tilespmem:s22], [sflag:$0x1] =	stream.strided.gather [hbm4b:s26+s20], $0x3E80, s21, s20, $0x38;
	[tilespmem:$0x105E8] =	vst v63  }
0xa8: {  	_ =	swait.ge [sflag:s19], $0x3E80  }
0xa9: {  	[sflag:s19] =	ssyncset.done $0x0  }
0xaa: {  	[sflag:s19] =	ssyncadd.s32 $0xFFFFC180  }
0xab: {  	[spmem:s2] =	stream.indirect.scatter.add.f32 [tilespmem:s22], [sflag:$0x1], $0x10, s3, s22, $0xb8;
	[tilespmem:$0x105E8] =	vst v63  }
0xac: {  	_ =	swait.ge [sflag:s19], $0x3E80  }
0xad: {  	[sflag:s19] =	ssyncset.done $0x0  }
0xae: {  	s26 =	sadd.s32 s25, s13;
	s25 =	smov.u32 s29;
	[sflag:s19] =	ssyncadd.s32 $0xFFFFC180  }
0xaf: {  	[tilespmem:s3], [sflag:$0x1] =	stream.linear.gather [hbm4b:s26+s3], $0x3E8, $0x38;
	[tilespmem:$0x105E8] =	vst v63  }
0xb0: {  	_ =	swait.ge [sflag:s19], $0x3E8  }
0xb1: {  	[sflag:s19] =	ssyncset.done $0x0  }
0xb2: {  	[sflag:s19] =	ssyncadd.s32 $0xFFFFFC18  }
0xb3: {  	[tilespmem:s22], [sflag:$0x1] =	stream.strided.gather [hbm4b:s24+s20], $0x3E80, s21, s20, $0x38;
	[tilespmem:$0x105E8] =	vst v63  }
0xb4: {  	_ =	swait.ge [sflag:s19], $0x3E80  }
.Ltmp4:
0xb5: {  	[sflag:s19] =	ssyncset.done $0x0;
	(pc) =	sbr.rel @p1 .LBB2_10-.Ltmp4, $4  }
0xb6: {  	[sflag:s19] =	ssyncadd.s32 $0xFFFFC180  }
0xb7: {  	[spmem:s2] =	stream.indirect.scatter.add.f32 [tilespmem:s22], [sflag:$0x1], $0x10, s3, s22, $0xb8;
	[tilespmem:$0x105E8] =	vst v63  }
0xb8: {  	_ =	swait.ge [sflag:s19], $0x3E80  }
0xb9: {  	s26 =	smov.u32 s30;
	s24 =	sadd.s32 $0x3E80, s24;
	[sflag:s19] =	ssyncset.done $0x0  }
.Ltmp5:
0xba: {  	_ = 	snop;
	(pc) =	sbr.rel .LBB2_11-.Ltmp5, $1  }
0xbb: {  	_ =	sdelay $0x3  }
.LBB2_2:
0xbc: {  	[tilespmem:s3], [sflag:$0x1] =	stream.linear.gather [hbm4b:s24+s3], $0x3E8, $0x38;
	[tilespmem:$0x105E8] =	vst v63  }
0xbd: {  	_ =	swait.ge [sflag:s19], $0x3E8  }
0xbe: {  	[sflag:s19] =	ssyncset.done $0x0  }
0xbf: {  	s30 =	sadd.s32 $0xFFFFFFF8, s11;
	[sflag:s19] =	ssyncadd.s32 $0xFFFFFC18  }
0xc0: {  	[tilespmem:s22], [sflag:$0x1] =	stream.strided.gather [hbm4b:s30+s20], $0x3E80, s21, s20, $0x38;
	[tilespmem:$0x105E8] =	vst v63  }
0xc1: {  	_ =	swait.ge [sflag:s19], $0x3E80  }
0xc2: {  	[sflag:s19] =	ssyncset.done $0x0  }
0xc3: {  	[sflag:s19] =	ssyncadd.s32 $0xFFFFC180  }
0xc4: {  	[spmem:s2] =	stream.indirect.scatter.add.f32 [tilespmem:s22], [sflag:$0x1], $0x10, s3, s22, $0xb8;
	[tilespmem:$0x105E8] =	vst v63  }
0xc5: {  	_ =	swait.ge [sflag:s19], $0x3E80  }
0xc6: {  	[sflag:s19] =	ssyncset.done $0x0  }
0xc7: {  	s31 =	sadd.s32 $0x0, s13;
	[sflag:s19] =	ssyncadd.s32 $0xFFFFC180  }
0xc8: {  	[tilespmem:s3], [sflag:$0x1] =	stream.linear.gather [hbm4b:s31+s3], $0x3E8, $0x38;
	[tilespmem:$0x105E8] =	vst v63  }
0xc9: {  	_ =	swait.ge [sflag:s19], $0x3E8  }
0xca: {  	[sflag:s19] =	ssyncset.done $0x0  }
0xcb: {  	[sflag:s19] =	ssyncadd.s32 $0xFFFFFC18  }
0xcc: {  	[tilespmem:s22], [sflag:$0x1] =	stream.strided.gather [hbm4b:s11+s20], $0x3E80, s21, s20, $0x38;
	[tilespmem:$0x105E8] =	vst v63  }
0xcd: {  	_ =	swait.ge [sflag:s19], $0x3E80  }
0xce: {  	[sflag:s19] =	ssyncset.done $0x0  }
0xcf: {  	[sflag:s19] =	ssyncadd.s32 $0xFFFFC180  }
0xd0: {  	[spmem:s2] =	stream.indirect.scatter.add.f32 [tilespmem:s22], [sflag:$0x1], $0x10, s3, s22, $0xb8;
	[tilespmem:$0x105E8] =	vst v63  }
0xd1: {  	s25 =	simm.s32 $0x7D;
	_ =	swait.ge [sflag:s19], $0x3E80  }
0xd2: {  	s26 =	simm.s32 $0xFA;
	s24 =	sadd.s32 $0x3E80, s11;
	[sflag:s19] =	ssyncset.done $0x0  }
.LBB2_3:
0xd3: {  	s28 =	sadd.s32 s25, s14  }
0xd4: {  	[sflag:s19] =	ssyncadd.s32 $0xFFFFC180;
	s29 =	smov.u32 s26;
	s30 =	sadd.s32 $0x7D, s26  }
0xd5: {  	[tilespmem:s3], [sflag:$0x1] =	stream.linear.gather [hbm4b:s28+s3], $0x3E8, $0x38;
	[tilespmem:$0x105E8] =	vst v63  }
0xd6: {  	p1 =	sne.s32 s26, $0xBB8;
	_ =	swait.ge [sflag:s19], $0x3E8  }
0xd7: {  	[sflag:s19] =	ssyncset.done $0x0  }
0xd8: {  	s26 =	sadd.s32 $0xFFFFFFF8, s24;
	[sflag:s19] =	ssyncadd.s32 $0xFFFFFC18  }
0xd9: {  	[tilespmem:s22], [sflag:$0x1] =	stream.strided.gather [hbm4b:s26+s20], $0x3E80, s21, s20, $0x38;
	[tilespmem:$0x105E8] =	vst v63  }
0xda: {  	_ =	swait.ge [sflag:s19], $0x3E80  }
0xdb: {  	[sflag:s19] =	ssyncset.done $0x0  }
0xdc: {  	[sflag:s19] =	ssyncadd.s32 $0xFFFFC180  }
0xdd: {  	[spmem:s2] =	stream.indirect.scatter.add.f32 [tilespmem:s22], [sflag:$0x1], $0x10, s3, s22, $0xb8;
	[tilespmem:$0x105E8] =	vst v63  }
0xde: {  	_ =	swait.ge [sflag:s19], $0x3E80  }
0xdf: {  	[sflag:s19] =	ssyncset.done $0x0  }
0xe0: {  	s26 =	sadd.s32 s25, s13;
	s25 =	smov.u32 s29;
	[sflag:s19] =	ssyncadd.s32 $0xFFFFC180  }
0xe1: {  	[tilespmem:s3], [sflag:$0x1] =	stream.linear.gather [hbm4b:s26+s3], $0x3E8, $0x38;
	[tilespmem:$0x105E8] =	vst v63  }
0xe2: {  	_ =	swait.ge [sflag:s19], $0x3E8  }
0xe3: {  	[sflag:s19] =	ssyncset.done $0x0  }
0xe4: {  	[sflag:s19] =	ssyncadd.s32 $0xFFFFFC18  }
0xe5: {  	[tilespmem:s22], [sflag:$0x1] =	stream.strided.gather [hbm4b:s24+s20], $0x3E80, s21, s20, $0x38;
	[tilespmem:$0x105E8] =	vst v63  }
0xe6: {  	_ =	swait.ge [sflag:s19], $0x3E80  }
.Ltmp6:
0xe7: {  	[sflag:s19] =	ssyncset.done $0x0;
	(pc) =	sbr.rel @p1 .LBB2_3-.Ltmp6, $4  }
0xe8: {  	[sflag:s19] =	ssyncadd.s32 $0xFFFFC180  }
0xe9: {  	[spmem:s2] =	stream.indirect.scatter.add.f32 [tilespmem:s22], [sflag:$0x1], $0x10, s3, s22, $0xb8;
	[tilespmem:$0x105E8] =	vst v63  }
0xea: {  	_ =	swait.ge [sflag:s19], $0x3E80  }
0xeb: {  	s26 =	smov.u32 s30;
	s24 =	sadd.s32 $0x3E80, s24;
	[sflag:s19] =	ssyncset.done $0x0  }
0xec: {  	s26 =	sadd.s32 s25, s14;
	[sflag:s19] =	ssyncadd.s32 $0xFFFFC180  }
0xed: {  	[tilespmem:s3], [sflag:$0x1] =	stream.linear.gather [hbm4b:s26+s3], $0x3E8, $0x38;
	[tilespmem:$0x105E8] =	vst v63  }
0xee: {  	_ =	swait.ge [sflag:s19], $0x3E8  }
0xef: {  	[sflag:s19] =	ssyncset.done $0x0  }
0xf0: {  	s31 =	sadd.s32 $0xFFFFFFF8, s24;
	[sflag:s19] =	ssyncadd.s32 $0xFFFFFC18  }
0xf1: {  	[tilespmem:s22], [sflag:$0x1] =	stream.strided.gather [hbm4b:s31+s20], $0x3E80, s21, s20, $0x38;
	[tilespmem:$0x105E8] =	vst v63  }
0xf2: {  	_ =	swait.ge [sflag:s19], $0x3E80  }
0xf3: {  	[sflag:s19] =	ssyncset.done $0x0  }
0xf4: {  	[sflag:s19] =	ssyncadd.s32 $0xFFFFC180  }
0xf5: {  	[spmem:s2] =	stream.indirect.scatter.add.f32 [tilespmem:s22], [sflag:$0x1], $0x10, s3, s22, $0xb8;
	[tilespmem:$0x105E8] =	vst v63  }
0xf6: {  	_ =	swait.ge [sflag:s19], $0x3E80  }
0xf7: {  	[sflag:s19] =	ssyncset.done $0x0  }
0xf8: {  	s28 =	sadd.s32 s25, s13;
	[sflag:s19] =	ssyncadd.s32 $0xFFFFC180  }
0xf9: {  	[tilespmem:s3], [sflag:$0x1] =	stream.linear.gather [hbm4b:s28+s3], $0x3E8, $0x38;
	[tilespmem:$0x105E8] =	vst v63  }
0xfa: {  	_ =	swait.ge [sflag:s19], $0x3E8  }
0xfb: {  	[sflag:s19] =	ssyncset.done $0x0  }
0xfc: {  	[sflag:s19] =	ssyncadd.s32 $0xFFFFFC18  }
0xfd: {  	[tilespmem:s22], [sflag:$0x1] =	stream.strided.gather [hbm4b:s24+s20], $0x3E80, s21, s20, $0x38;
	[tilespmem:$0x105E8] =	vst v63  }
0xfe: {  	_ =	swait.ge [sflag:s19], $0x3E80  }
0xff: {  	[sflag:s19] =	ssyncset.done $0x0  }
0x100: {  	[sflag:s19] =	ssyncadd.s32 $0xFFFFC180  }
0x101: {  	[spmem:s2] =	stream.indirect.scatter.add.f32 [tilespmem:s22], [sflag:$0x1], $0x10, s3, s22, $0xb8;
	[tilespmem:$0x105E8] =	vst v63  }
0x102: {  	_ =	swait.ge [sflag:s19], $0x3E80  }
0x103: {  	[sflag:s19] =	ssyncset.done $0x0  }
0x104: {  	[sflag:s19] =	ssyncadd.s32 $0xFFFFC180  }
0x105: {  	[bflag:$0x0] =	sbarrier.arrive $0xFFFF  }
0x106: {  	[hbm:s8], [sflag:s10] =	dma.local [spmem:s18], $0x1870  }
0x107: {  	_ =	swait.ge [sflag:s19], $0x1870  }
0x108: {  	[sflag:s19] =	ssyncset.done $0x0  }
0x109: {  	[sflag:s19] =	ssyncadd.s32 $0xFFFFE790  }
0x10a: {  	[bflag:$0x0] =	sbarrier.arrive $0xFFFF  }
0x10b: {  	[spmem:s18], [sflag:s10] =	dma.local [hbm:s4], $0x1870  }
0x10c: {  	_ =	swait.ge [sflag:s19], $0x1870  }
0x10d: {  	[sflag:s19] =	ssyncset.done $0x0  }
0x10e: {  	[sflag:s19] =	ssyncadd.s32 $0xFFFFE790  }
0x10f: {  	s29 =	sadd.s32 $0x0, s14;
	[bflag:$0x0] =	sbarrier.arrive $0xFFFF  }
0x110: {  	[tilespmem:s3], [sflag:$0x1] =	stream.linear.gather [hbm4b:s29+s3], $0x3E8, $0x38;
	[tilespmem:$0x105E8] =	vst v63  }
0x111: {  	_ =	swait.ge [sflag:s19], $0x3E8  }
0x112: {  	[sflag:s19] =	ssyncset.done $0x0  }
0x113: {  	s30 =	sadd.s32 $0xFFFFFFF8, s15;
	[sflag:s19] =	ssyncadd.s32 $0xFFFFFC18  }
0x114: {  	[tilespmem:s22], [sflag:$0x1] =	stream.strided.gather [hbm4b:s30+s20], $0x3E80, s21, s20, $0x38;
	[tilespmem:$0x105E8] =	vst v63  }
0x115: {  	_ =	swait.ge [sflag:s19], $0x3E80  }
0x116: {  	[sflag:s19] =	ssyncset.done $0x0  }
0x117: {  	[sflag:s19] =	ssyncadd.s32 $0xFFFFC180  }
0x118: {  	[spmem:s2] =	stream.indirect.scatter.add.f32 [tilespmem:s22], [sflag:$0x1], $0x10, s3, s22, $0xb8;
	[tilespmem:$0x105E8] =	vst v63  }
0x119: {  	_ =	swait.ge [sflag:s19], $0x3E80  }
0x11a: {  	[sflag:s19] =	ssyncset.done $0x0  }
0x11b: {  	s31 =	sadd.s32 $0x0, s13;
	[sflag:s19] =	ssyncadd.s32 $0xFFFFC180  }
0x11c: {  	[tilespmem:s3], [sflag:$0x1] =	stream.linear.gather [hbm4b:s31+s3], $0x3E8, $0x38;
	[tilespmem:$0x105E8] =	vst v63  }
0x11d: {  	_ =	swait.ge [sflag:s19], $0x3E8  }
0x11e: {  	[sflag:s19] =	ssyncset.done $0x0  }
0x11f: {  	[sflag:s19] =	ssyncadd.s32 $0xFFFFFC18  }
0x120: {  	[tilespmem:s22], [sflag:$0x1] =	stream.strided.gather [hbm4b:s15+s20], $0x3E80, s21, s20, $0x38;
	[tilespmem:$0x105E8] =	vst v63  }
0x121: {  	_ =	swait.ge [sflag:s19], $0x3E80  }
0x122: {  	[sflag:s19] =	ssyncset.done $0x0  }
0x123: {  	[sflag:s19] =	ssyncadd.s32 $0xFFFFC180  }
0x124: {  	[spmem:s2] =	stream.indirect.scatter.add.f32 [tilespmem:s22], [sflag:$0x1], $0x10, s3, s22, $0xb8;
	[tilespmem:$0x105E8] =	vst v63  }
0x125: {  	s25 =	simm.s32 $0x7D;
	_ =	swait.ge [sflag:s19], $0x3E80  }
0x126: {  	s26 =	simm.s32 $0xFA;
	s24 =	sadd.s32 $0x3E80, s15;
	[sflag:s19] =	ssyncset.done $0x0  }
.LBB2_5:
0x127: {  	s28 =	sadd.s32 s25, s14  }
0x128: {  	[sflag:s19] =	ssyncadd.s32 $0xFFFFC180;
	s29 =	smov.u32 s26;
	s30 =	sadd.s32 $0x7D, s26  }
0x129: {  	[tilespmem:s3], [sflag:$0x1] =	stream.linear.gather [hbm4b:s28+s3], $0x3E8, $0x38;
	[tilespmem:$0x105E8] =	vst v63  }
0x12a: {  	p1 =	seq.s32 s26, $0xBB8;
	_ =	swait.ge [sflag:s19], $0x3E8  }
0x12b: {  	[sflag:s19] =	ssyncset.done $0x0  }
0x12c: {  	s26 =	sadd.s32 $0xFFFFFFF8, s24;
	[sflag:s19] =	ssyncadd.s32 $0xFFFFFC18  }
0x12d: {  	[tilespmem:s22], [sflag:$0x1] =	stream.strided.gather [hbm4b:s26+s20], $0x3E80, s21, s20, $0x38;
	[tilespmem:$0x105E8] =	vst v63  }
0x12e: {  	_ =	swait.ge [sflag:s19], $0x3E80  }
0x12f: {  	[sflag:s19] =	ssyncset.done $0x0  }
0x130: {  	[sflag:s19] =	ssyncadd.s32 $0xFFFFC180  }
0x131: {  	[spmem:s2] =	stream.indirect.scatter.add.f32 [tilespmem:s22], [sflag:$0x1], $0x10, s3, s22, $0xb8;
	[tilespmem:$0x105E8] =	vst v63  }
0x132: {  	_ =	swait.ge [sflag:s19], $0x3E80  }
0x133: {  	[sflag:s19] =	ssyncset.done $0x0  }
0x134: {  	s26 =	sadd.s32 s25, s13;
	s25 =	smov.u32 s29;
	[sflag:s19] =	ssyncadd.s32 $0xFFFFC180  }
0x135: {  	[tilespmem:s3], [sflag:$0x1] =	stream.linear.gather [hbm4b:s26+s3], $0x3E8, $0x38;
	[tilespmem:$0x105E8] =	vst v63  }
0x136: {  	_ =	swait.ge [sflag:s19], $0x3E8  }
0x137: {  	[sflag:s19] =	ssyncset.done $0x0  }
0x138: {  	[sflag:s19] =	ssyncadd.s32 $0xFFFFFC18  }
0x139: {  	[tilespmem:s22], [sflag:$0x1] =	stream.strided.gather [hbm4b:s24+s20], $0x3E80, s21, s20, $0x38;
	[tilespmem:$0x105E8] =	vst v63  }
0x13a: {  	_ =	swait.ge [sflag:s19], $0x3E80  }
.Ltmp7:
0x13b: {  	[sflag:s19] =	ssyncset.done $0x0;
	(pc) =	sbr.rel @!p1 .LBB2_5-.Ltmp7, $4  }
0x13c: {  	[sflag:s19] =	ssyncadd.s32 $0xFFFFC180  }
0x13d: {  	[spmem:s2] =	stream.indirect.scatter.add.f32 [tilespmem:s22], [sflag:$0x1], $0x10, s3, s22, $0xb8;
	[tilespmem:$0x105E8] =	vst v63  }
0x13e: {  	_ =	swait.ge [sflag:s19], $0x3E80  }
0x13f: {  	s26 =	smov.u32 s30;
	s24 =	sadd.s32 $0x3E80, s24;
	[sflag:s19] =	ssyncset.done $0x0  }
0x140: {  	s26 =	sadd.s32 s25, s14;
	[sflag:s19] =	ssyncadd.s32 $0xFFFFC180  }
0x141: {  	[tilespmem:s3], [sflag:$0x1] =	stream.linear.gather [hbm4b:s26+s3], $0x3E8, $0x38;
	[tilespmem:$0x105E8] =	vst v63  }
0x142: {  	_ =	swait.ge [sflag:s19], $0x3E8  }
0x143: {  	[sflag:s19] =	ssyncset.done $0x0  }
0x144: {  	s30 =	sadd.s32 $0xFFFFFFF8, s24;
	[sflag:s19] =	ssyncadd.s32 $0xFFFFFC18  }
0x145: {  	[tilespmem:s22], [sflag:$0x1] =	stream.strided.gather [hbm4b:s30+s20], $0x3E80, s21, s20, $0x38;
	[tilespmem:$0x105E8] =	vst v63  }
0x146: {  	_ =	swait.ge [sflag:s19], $0x3E80  }
0x147: {  	[sflag:s19] =	ssyncset.done $0x0  }
0x148: {  	[sflag:s19] =	ssyncadd.s32 $0xFFFFC180  }
0x149: {  	[spmem:s2] =	stream.indirect.scatter.add.f32 [tilespmem:s22], [sflag:$0x1], $0x10, s3, s22, $0xb8;
	[tilespmem:$0x105E8] =	vst v63  }
0x14a: {  	_ =	swait.ge [sflag:s19], $0x3E80  }
0x14b: {  	[sflag:s19] =	ssyncset.done $0x0  }
0x14c: {  	s31 =	sadd.s32 s25, s13;
	[sflag:s19] =	ssyncadd.s32 $0xFFFFC180  }
0x14d: {  	[tilespmem:s3], [sflag:$0x1] =	stream.linear.gather [hbm4b:s31+s3], $0x3E8, $0x38;
	[tilespmem:$0x105E8] =	vst v63  }
0x14e: {  	_ =	swait.ge [sflag:s19], $0x3E8  }
0x14f: {  	[sflag:s19] =	ssyncset.done $0x0  }
0x150: {  	[sflag:s19] =	ssyncadd.s32 $0xFFFFFC18  }
0x151: {  	[tilespmem:s22], [sflag:$0x1] =	stream.strided.gather [hbm4b:s24+s20], $0x3E80, s21, s20, $0x38;
	[tilespmem:$0x105E8] =	vst v63  }
0x152: {  	_ =	swait.ge [sflag:s19], $0x3E80  }
0x153: {  	[sflag:s19] =	ssyncset.done $0x0  }
.Ltmp8:
0x154: {  	[sflag:s19] =	ssyncadd.s32 $0xFFFFC180;
	(pc) =	sbr.rel .LBB2_12-.Ltmp8, $4  }
0x155: {  	[spmem:s2] =	stream.indirect.scatter.add.f32 [tilespmem:s22], [sflag:$0x1], $0x10, s3, s22, $0xb8;
	[tilespmem:$0x105E8] =	vst v63  }
0x156: {  	_ =	swait.ge [sflag:s19], $0x3E80  }
0x157: {  	[sflag:s19] =	ssyncset.done $0x0  }
0x158: {  	s24 =	smov.u32 s6;
	[sflag:s19] =	ssyncadd.s32 $0xFFFFC180  }
.LBB2_13:
0x159: {  	_ =	sfence.sel $0x180000  }
0x15a: {  	[bflag:$0x0] =	sbarrier.arrive $0xFFFF  }
0x15b: {  	p0 =	sne.s32 s1, $0x0;
	_ =	strace $0x90000056  }
0x15c: {  	s0 =	sadd.s32 @!p0 $0x100000, s0;
	[bflag:$0x2] =	sbarrier.arrive $0xFFFF  }
0x15d: {  	[sflag:s0] =	ssyncadd.tile.s32 @!p0 $0x1;
	_ =	shalt  }
.Lfunc_end2:
_tile_overlayer_lowered:
.L_overlay_start_2:
0x15e: {  	(tag) =	ssettag $0x2  }
0x15f: {  	s0 =	rddreg [dreg:$0x0];
	s2 =	stileid.u32  }
0x160: {  	s1 =	rddreg [dreg:$0x1];
	p0 =	sne.s32 s2, $0x0  }
0x161: {  	s3 =	rddreg [dreg:$0x2];
	[bflag:$0x3] =	sbarrier.arrive $0xFFFF;
	s2 =	simm.s32 @!p0 $0x1C01  }
0x162: {  	[timem:s3], [sflag:s2] =	dma.local @!p0 [hbm:s0], s1  }
0x163: {  	s0 =	simm.s32 @!p0 $0x1  }
0x164: {  	_ =	swait.ge @!p0 [sflag:s0], s1  }
0x165: {  	s1 =	ssub.s32 @!p0 $0x0, s1;
	[sflag:s0] =	ssyncset.done @!p0 $0x0  }
0x166: {  	[sflag:s0] =	ssyncadd.s32 @!p0 s1  }
0x167: {  	[bflag:$0x3] =	sbarrier.arrive $0xFFFF  }
0x168: {  	_ =	shalt  }

// kernel: scatter_offload_async_start.1
scs
__scs_entry_jumppad:
0x0: {  	(pc) =	sbr.rel $0x88, $3  }
0x1: {  	(tag) =	ssettag $0x0;
	lr =	simm.s32 $0x1  }
0x2: {  	[smem:$0x3F91] =	sst lr;
	_ =	strace $0xD0000000  }
0x3: {  	_ = 	snop  }
0x4: {  	_ = 	snop  }
0x5: {  	_ = 	snop  }
0x6: {  	_ = 	snop  }
0x7: {  	_ = 	snop  }
__scs_overlays_trampoline_lowered:
0x8: {  	[smem:$0x3FA0] =	sst s0  }
0x9: {  	[smem:$0x3FA1] =	sst s1  }
0xa: {  	[smem:$0x3FA2] =	sst s2  }
0xb: {  	[smem:$0x3FA3] =	sst s3  }
0xc: {  	[smem:$0x3FA4] =	sst s4  }
0xd: {  	[smem:$0x3FA5] =	sst s5  }
0xe: {  	[smem:$0x3FA6] =	sst s6  }
0xf: {  	[smem:$0x3FA7] =	sst s7  }
0x10: {  	[smem:$0x3FA8] =	sst s8  }
0x11: {  	[smem:$0x3FA9] =	sst s9;
	s0 =	simm.s32 @!p0 $0x0  }
0x12: {  	s1 =	sld [smem:$0x3F8F];
	s0 =	simm.s32 @p0 $0x1  }
0x13: {  	[smem:$0x3FAA] =	sst s0;
	s0 =	simm.s32 @!p1 $0x0  }
0x14: {  	s2 =	sld [smem:$0x3F8E];
	s0 =	simm.s32 @p1 $0x1  }
0x15: {  	[smem:$0x3FAB] =	sst s0;
	s0 =	simm.s32 @!p2 $0x0  }
0x16: {  	s3 =	sld [smem:$0x3FDB];
	s0 =	simm.s32 @p2 $0x1  }
0x17: {  	s4 =	simm.s32 $0x1BF5;
	[smem:$0x3FAD] =	sst s0  }
0x18: {  	s0 =	sld [smem:$0x3F90];
	_ =	swait.ge [sflag:s4], $0x0  }
0x19: {  	s7 =	sld [smem:$0x3F91]  }
0x1a: {  	s8 =	sadd.s32 $0xFFFFE003, lr  }
0x1b: {  	s9 =	sadd.s32 $0xFFFFFEF7, lr;
	s5 =	simm.s32 $0xFFFFFFFF;
	p2 =	slt.u32 s8, $0xFFFFF086  }
0x1c: {  	p1 =	slt.u32 s9, $0xF7A;
	s5 =	simm.s32 @!p2 $0x0  }
0x1d: {  	s5 =	simm.s32 @p1 $0x1;
	p0 =	seq.s32 s7, s2  }
0x1e: {  	s7 =	smul.u32 @!p0 $0xF7A, s2;
	p2 =	seq.s32 @!p0 s5, $0x0  }
0x1f: {  	s9 =	smul.u32 $0xF7A, s1;
	s8 =	simm.s32 @!p0 $0x1BF5;
	p2 =	por !p2, p0  }
0x20: {  	[sflag:s8] =	ssyncset.s32 @!p0 $0xFFFFF086;
	s6 =	sadd.s32 @!p0 s3, s7;
	s7 =	simm.s32 @!p0 $0x108  }
0x21: {  	s3 =	sadd.s32 s3, s9;
	s6 =	sadd.s32 @!p0 $0x88, s6;
	s7 =	simm.s32 @p2 $0x1082  }
0x22: {  	[simem:s7], [sflag:s8] =	dma.local @!p0 [hbm:s6], $0xF7A  }
0x23: {  	s9 =	sor.u32 $0xD0000000, s2;
	s6 =	simm.s32 $0x108;
	_ =	swait.ge @!p0 [sflag:s8], $0x0  }
0x24: {  	s3 =	sadd.s32 $0x88, s3;
	s6 =	simm.s32 @!p1 $0x1082;
	[sflag:s4] =	ssyncset.s32 $0xFFFFF086  }
0x25: {  	[simem:s6], [sflag:s4] =	dma.local [hbm:s3], $0xF7A  }
0x26: {  	[smem:$0x3F91] =	sst s1;
	(tag) =	ssettag s2;
	_ =	strace s9  }
0x27: {  	s1 =	sld [smem:$0x3FA1]  }
0x28: {  	s2 =	sld [smem:$0x3FA2]  }
0x29: {  	s4 =	sld [smem:$0x3FA4]  }
0x2a: {  	p0 =	seq.s32 s5, $0x0;
	s5 =	sld [smem:$0x3FA5]  }
0x2b: {  	s6 =	sld [smem:$0x3FA6]  }
0x2c: {  	s7 =	sld [smem:$0x3FA7]  }
0x2d: {  	s3 =	simm.s32 $0x108;
	s8 =	sld [smem:$0x3FA8]  }
0x2e: {  	s3 =	simm.s32 @!p0 $0x1082;
	s9 =	sld [smem:$0x3FA9]  }
0x2f: {  	lr =	sadd.s32 s0, s3;
	s0 =	sld [smem:$0x3FA0]  }
0x30: {  	s3 =	sld [smem:$0x3FA3]  }
0x31: {  	[smem:$0x3FAC] =	sst s10  }
0x32: {  	s10 =	sld [smem:$0x3FAA];
	_ =	sdelay $0x3  }
0x33: {  	p0 =	seq.s32 s10, $0x1;
	s10 =	sld [smem:$0x3FAC];
	_ =	sdelay $0x3  }
0x34: {  	[smem:$0x3FAC] =	sst s10  }
0x35: {  	s10 =	sld [smem:$0x3FAB];
	_ =	sdelay $0x3  }
0x36: {  	p1 =	seq.s32 s10, $0x1;
	s10 =	sld [smem:$0x3FAC];
	_ =	sdelay $0x3  }
0x37: {  	[smem:$0x3FAC] =	sst s10  }
0x38: {  	s10 =	sld [smem:$0x3FAD]  }
0x39: {  	_ = 	snop;
	(pc) =	sbr.ind lr, $3  }
0x3a: {  	_ = 	snop  }
0x3b: {  	_ = 	snop  }
0x3c: {  	p2 =	seq.s32 s10, $0x1;
	s10 =	sld [smem:$0x3FAC]  }
0x3d: {  	_ =	shalt  }
0x3e: {  	_ =	shalt  }
0x3f: {  	_ =	shalt  }
0x40: {  	_ =	shalt  }
0x41: {  	_ =	shalt  }
0x42: {  	_ =	shalt  }
0x43: {  	_ =	shalt  }
0x44: {  	_ =	shalt  }
0x45: {  	_ =	shalt  }
0x46: {  	_ =	shalt  }
0x47: {  	_ =	shalt  }
0x48: {  	_ =	shalt  }
0x49: {  	_ =	shalt  }
0x4a: {  	_ =	shalt  }
0x4b: {  	_ =	shalt  }
0x4c: {  	_ =	shalt  }
0x4d: {  	_ =	shalt  }
0x4e: {  	_ =	shalt  }
0x4f: {  	_ =	shalt  }
0x50: {  	_ =	shalt  }
0x51: {  	_ =	shalt  }
0x52: {  	_ =	shalt  }
0x53: {  	_ =	shalt  }
0x54: {  	_ =	shalt  }
0x55: {  	_ =	shalt  }
0x56: {  	_ =	shalt  }
0x57: {  	_ =	shalt  }
0x58: {  	_ =	shalt  }
0x59: {  	_ =	shalt  }
0x5a: {  	_ =	shalt  }
0x5b: {  	_ =	shalt  }
0x5c: {  	_ =	shalt  }
0x5d: {  	_ =	shalt  }
0x5e: {  	_ =	shalt  }
0x5f: {  	_ =	shalt  }
0x60: {  	_ =	shalt  }
0x61: {  	_ =	shalt  }
0x62: {  	_ =	shalt  }
0x63: {  	_ =	shalt  }
0x64: {  	_ =	shalt  }
0x65: {  	_ =	shalt  }
0x66: {  	_ =	shalt  }
0x67: {  	_ =	shalt  }
0x68: {  	_ =	shalt  }
0x69: {  	_ =	shalt  }
0x6a: {  	_ =	shalt  }
0x6b: {  	_ =	shalt  }
0x6c: {  	_ =	shalt  }
0x6d: {  	_ =	shalt  }
0x6e: {  	_ =	shalt  }
0x6f: {  	_ =	shalt  }
0x70: {  	_ =	shalt  }
0x71: {  	_ =	shalt  }
0x72: {  	_ =	shalt  }
0x73: {  	_ =	shalt  }
0x74: {  	_ =	shalt  }
0x75: {  	_ =	shalt  }
0x76: {  	_ =	shalt  }
0x77: {  	_ =	shalt  }
0x78: {  	_ =	shalt  }
0x79: {  	_ =	shalt  }
0x7a: {  	_ =	shalt  }
0x7b: {  	_ =	shalt  }
0x7c: {  	_ =	shalt  }
0x7d: {  	_ =	shalt  }
0x7e: {  	_ =	shalt  }
0x7f: {  	_ =	shalt  }
0x80: {  	_ =	shalt  }
0x81: {  	_ =	shalt  }
0x82: {  	_ =	shalt  }
0x83: {  	_ =	shalt  }
0x84: {  	_ =	shalt  }
0x85: {  	_ =	shalt  }
0x86: {  	_ =	shalt  }
0x87: {  	_ =	shalt  }
.Lfunc_end0:
.L_simem_size_0:
called_computation.1_lowered:
.L_overlay_start_0:
0x88: {  	s0 =	sld [smem:$0x3FD9]  }
0x89: {  	s1 =	sld [smem:$0x3FFE];
	_ =	sdelay $0x3  }
0x8a: {  	s0 =	sadd.s32 s1, s0  }
0x8b: {  	[smem:$0x3FB8] =	sst s0  }
0x8c: {  	_ = 	snop  }
0x8d: {  	s0 =	sld [smem:$0x3FD0];
	(tm) =	ssettm $0x1  }
0x8e: {  	s16 =	sld [smem:$0x3FFB];
	_ =	sdelay $0x3  }
0x8f: {  	_ =	strace s16  }
0x90: {  	s1 =	sld [smem:$0x3FFC];
	_ =	sdelay $0x3  }
0x91: {  	_ =	strace s1  }
0x92: {  	s1 =	sld [smem:$0x3FFD];
	_ =	sdelay $0x3  }
0x93: {  	_ =	strace s1  }
0x94: {  	_ =	strace $0x8FFFFFFF  }
0x95: {  	s17 =	sld [smem:$0x3FDB];
	_ =	sdelay $0x1  }
0x96: {  	s2 =	simm.s32 $_scs_section_size  }
0x97: {  	s3 =	simm.s32 $_size__tile_overlayer_lowered;
	s4 =	simm.s32 $_tile_overlayer_lowered  }
0x98: {  	s20 =	simm.s32 $0x1BFF;
	s19 =	sshll.u32 s4, $0x1;
	s1 =	sadd.s32 s2, s17  }
0x99: {  	s5 =	simm.s32 $0x0;
	s18 =	sshll.u32 s3, $0x1;
	s3 =	sadd.s32 s19, s1  }
0x9a: {  	[timem:s5], [sflag:s20] =	dma.local [hbm:s3], s18  }
0x9b: {  	_ =	swait.ge [sflag:s20], s18  }
0x9c: {  	s2 =	ssub.s32 $0x0, s18;
	[sflag:s20] =	ssyncset.done $0x0  }
0x9d: {  	[sflag:s20] =	ssyncadd.s32 s2;
	_ =	sdelay $0x1  }
0x9e: {  	s21 =	simm.s32 $0x1B8B  }
0x9f: {  	_ =	swait.ge [sflag:s21], $0x1  }
0xa0: {  	[sflag:s21] =	ssyncset.done $0x0  }
0xa1: {  	s23 =	simm.s32 $0x1B8E;
	s22 =	sld [smem:$0x3FFE];
	[sflag:s21] =	ssyncadd.s32 $0xFFFFFFFF  }
0xa2: {  	s24 =	simm.s32 $execute0_lowered;
	[smem:$0x3FD2] =	sst s23  }
0xa3: {  	s3 =	sshll.u32 s24, $0x1;
	_ =	strace $0x80000058;
	[dreg:$0x1] =	wrdreg $0xFFFFFFFF  }
0xa4: {  	s25 =	simm.s32 $_size_execute0_lowered;
	s1 =	sadd.s32 s1, s3;
	[dreg:$0x0] =	wrdreg $0x0  }
0xa5: {  	s3 =	sshll.u32 s25, $0x1;
	[dreg:$0x2] =	wrdreg s1  }
0xa6: {  	[dreg:$0x3] =	wrdreg s3  }
0xa7: {  	[dreg:$0x4] =	wrdreg $0xC0  }
0xa8: {  	_ =	task [dreg:s5], $0x5FFFF  }
0xa9: {  	[dreg:$0x1] =	wrdreg $0xFFFFFFFF  }
0xaa: {  	[dreg:$0x0] =	wrdreg $0x60  }
0xab: {  	[dreg:$0x2] =	wrdreg s0  }
0xac: {  	[dreg:$0x3] =	wrdreg s22  }
0xad: {  	[dreg:$0x4] =	wrdreg $0xA  }
0xae: {  	_ =	task.clear_ibuf [dreg:s5], $0x5FFFF;
	_ =	strace $0x90000058  }
0xaf: {  	s26 =	simm.s32 $0xA;
	_ =	strace $0x8000005A  }
0xb0: {  	_ =	swait.ge [sflag:s26], $0x1  }
0xb1: {  	[sflag:s26] =	ssyncadd.s32 $0xFFFFFFFF  }
0xb2: {  	_ =	strace $0x9000005A  }
0xb3: {  	_ =	sfence  }
0xb4: {  	s28 =	sld [smem:$0x0];
	_ =	sdelay $0x1  }
0xb5: {  	s29 =	srdreg.scid  }
0xb6: {  	s30 =	sshll.u32 s29, $0xD;
	s31 =	sshrl.u32 s29, $0x2  }
0xb7: {  	s2 =	sand.u32 $0x4000, s30;
	s1 =	sand.u32 $0x1, s29;
	s0 =	sadd.s32 s31, s28  }
0xb8: {  	s1 =	sor.u32 s2, s1;
	s0 =	sshll.u32 s0, $0x11  }
0xb9: {  	s0 =	sor.u32 s0, s1  }
0xba: {  	s0 =	sadd.s32 $0x8F2B, s0  }
0xbb: {  	[sflag:s0] =	ssyncadd.remote.s32 $0x1  }
0xbc: {  	_ =	sfence.sel $0xFFFF  }
0xbd: {  	[dreg:$0x0] =	wrdreg $0xFFFFFFFF;
	(pc) =	sbr.abs _section_cstart, $3  }
0xbe: {  	[dreg:$0x1] =	wrdreg $0xFFFFFFFF  }
0xbf: {  	_ =	task.clear_ibuf [dreg:s5], $0x2FFFF;
	_ =	strace $0x9FFFFFFF  }
0xc0: {  	(tm) =	ssettm $0x7FFFFFFF  }
0xc1: {  	_ =	shalt  }
tec
execute0_lowered:
.L_overlay_start_1:
0x0: {  	(tag) =	ssettag $0x1  }
0x1: {  	s1 =	rddreg [dreg:$0x0];
	s6 =	stileid.u32  }
0x2: {  	s0 =	rddreg [dreg:$0x1];
	_ =	strace $0x80000059;
	s2 =	smin.u32 s6, $0x9  }
0x3: {  	s9 =	simm.s32 $0x1;
	p0 =	slt.u32 s6, $0x9;
	s2 =	sadd.s32 s6, s2  }
0x4: {  	v1 =	vimm.s32 $0xFFFFFFFF;
	[sflag:s9] =	ssyncpa.u1 $0x0;
	s3 =	smul.u32 $0x7D0, s2;
	s2 =	simm.s32 $0xFA0  }
0x5: {  	[tilespmem:$0x10] =	vst v1;
	s2 =	simm.s32 @!p0 $0x7D0  }
0x6: {  	v0 =	vimm.f32 $0.0e+00;
	[tilespmem:$0x20] =	vst v1;
	s2 =	sadd.s32 s2, s3  }
0x7: {  	[tilespmem:$0x30] =	vst v0;
	s4 =	smin.u32 s2, $0xC350  }
0x8: {  	[tilespmem:$0x40] =	vst v0;
	s2 =	ssub.s32 s4, s3  }
0x9: {  	[tilespmem:$0x50] =	vst v0;
	p0 =	sgt.s32 s2, $0x0  }
0xa: {  	[tilespmem:$0x60] =	vst v1;
	s2 =	simm.s32 @!p0 $0x0  }
0xb: {  	s7 =	simm.s32 $0x2;
	s8 =	simm.s32 $0x8;
	[tilespmem:$0x70] =	vst v1;
	s5 =	sand.u32 $0xFFF0, s2  }
0xc: {  	s31 =	simm.s32 $0x9;
	s16 =	simm.s32 $0x0;
	[tilespmem:$0x80] =	vst v1;
	s5 =	sshrl.u32 s5, $0x4  }
0xd: {  	s17 =	simm.s32 $0xF0;
	s18 =	simm.s32 $0xFFFFFFFF;
	v1 =	vimm.s32 $0x0;
	[tilespmem:$0xB0] =	vst v0;
	s5 =	smul.u32 $0x1063, s5  }
0xe: {  	s19 =	simm.s32 $0xFFFFF160;
	s20 =	simm.s32 $0xFFFFFFFE;
	s21 =	simm.s32 $0xF;
	[tilespmem:$0x90] =	vst v1  }
0xf: {  	[tilespmem:$0xA0] =	vst v1;
	[sflag:s7] =	ssyncpa.u1 $0x0;
	s7 =	simm.s32 $0x7;
	s10 =	sshrl.u32 s5, $0x13  }
0x10: {  	s25 =	simm.s32 $0x0;
	[sflag:s7] =	ssyncpa.u1 $0x0;
	s11 =	smul.u32 $0x7D0, s10  }
0x11: {  	s24 =	simm.s32 $0x0;
	s14 =	sshllo.u32 s6, $0x1;
	[sflag:s8] =	ssyncpa.u1 $0x0  }
.Ltmp0:
0x12: {  	s23 =	smov.u32 s3;
	p0 =	sne.s32 s2, s11;
	(pc) =	sbr.rel .LBB2_1-.Ltmp0, $4  }
0x13: {  	s5 =	sadd.s32 $0x748400, s0;
	s0 =	sadd.s32 $0x749E00, s0;
	s9 =	simm.s32 @!p0 $0x0  }
0x14: {  	[sflag:s31] =	ssyncpa.u1 $0x0;
	[dreg:$0x3] =	wrdreg s0;
	s9 =	sadd.s32 s10, s9  }
0x15: {  	vm0 =	vmmov $0xffff;
	v2 =	vlaneseq.u32;
	p0 =	por $0x0, $0x0;
	s10 =	sshll.u32 s6, $0x1;
	s11 =	sadd.s32 $0x1, s9  }
0x16: {  	vm1 =	vmxor vm1, vm1;
	vm2 =	vmmov $0x1;
	vm3 =	vcmask $0x3F3C;
	s12 =	sadd.s32 $0x2, s9;
	s13 =	sor.u32 $0x81, s10;
	s15 =	sor.u32 $0x80, s10  }
.LBB2_9:
0x17: {  	p1 =	slt.u32 s24, $0x3  }
0x18: {  	s0 =	simm.s32 @!p1 $0x2  }
0x19: {  	_ =	swait.ge @!p1 [sflag:s0], $0x7D0  }
0x1a: {  	[sflag:s0] =	ssyncset.done @!p1 $0x0  }
0x1b: {  	[sflag:s0] =	ssyncadd.s32 @!p1 $0xFFFFF830;
	s0 =	simm.s32 @!p1 $0x9  }
0x1c: {  	_ =	swait.ge @!p1 [sflag:s0], $0x10  }
0x1d: {  	[sflag:s0] =	ssyncset.done @!p1 $0x0  }
0x1e: {  	[sflag:s0] =	ssyncadd.s32 @!p1 $0xFFFFFFF0;
	p1 =	sne.s32 s24, s12  }
.Ltmp1:
0x1f: {  	s2 =	sadd.s32 $0x7D0, s23;
	(pc) =	sbr.rel @!p1 .LBB2_10-.Ltmp1, $4  }
0x20: {  	s6 =	smov.u32 s3;
	s31 =	sadd.s32 $0x1, s24;
	s17 =	sadd.s32 $0x7D0, s17  }
0x21: {  	s18 =	sadd.s32 $0x1, s18;
	s25 =	smov.u32 s23;
	p2 =	slt.s32 s2, s4  }
0x22: {  	p0 =	por !p0, !p0;
	s19 =	sadd.s32 $0x7D0, s19;
	s6 =	smov.u32 @p2 s2  }
0x23: {  	s20 =	sadd.s32 $0x1, s20;
	s23 =	smov.u32 s6;
	s24 =	smov.u32 s31  }
.LBB2_1:
0x24: {  	p1 =	sge.u32 s24, s9  }
0x25: {  	s0 =	smulhi.u32 @!p1 $0xAAAAAAAB, s24;
	_ =	sdelay $0x1  }
0x26: {  	s0 =	sshrl.u32 @!p1 s0, $0x1  }
0x27: {  	s0 =	smul.u32 @!p1 $0x3, s0;
	_ =	sdelay $0x1  }
0x28: {  	s0 =	ssub.s32 @!p1 s24, s0  }
0x29: {  	s0 =	smul.u32 @!p1 $0x1F40, s0;
	_ =	sdelay $0x1  }
0x2a: {  	s2 =	sshrl.u32 @!p1 s23, $0x3;
	s0 =	sshrl.u32 @!p1 s0, $0x2  }
0x2b: {  	s22 =	sand.u32 @!p1 $0x7, s23;
	s2 =	sadd.s32 @!p1 s5, s2;
	s0 =	sadd.s32 @!p1 $0x100, s0  }
0x2c: {  	[tilespmem:s0], [sflag:$0x7] =	stream.linear.gather @!p1 [hbm4b:s2+s22], $0x7D0, $0x38;
	[tilespmem:$0x4770] =	vst v63  }
0x2d: {  	s0 =	sadd.s32 $0xFFFFFFFF, s24  }
0x2e: {  	p1 =	sge.u32 s0, s9  }
.Ltmp2:
0x2f: {  	_ = 	snop;
	(pc) =	sbr.rel @p1 .LBB2_5-.Ltmp2, $1  }
0x30: {  	_ =	sdelay $0x3  }
0x31: {  	s2 =	smulhi.u32 $0xAAAAAAAB, s0;
	_ =	sdelay $0x1  }
0x32: {  	s2 =	sshrl.u32 s2, $0x1  }
0x33: {  	s2 =	smul.u32 $0x3, s2;
	_ =	sdelay $0x1  }
0x34: {  	s2 =	ssub.s32 s0, s2  }
0x35: {  	s2 =	smul.u32 $0x1F40, s2  }
0x36: {  	_ =	swait.ge [sflag:s7], $0x7D0  }
0x37: {  	[sflag:s7] =	ssyncset.done $0x0;
	s2 =	sshrl.u32 s2, $0x2  }
0x38: {  	[sflag:s7] =	ssyncadd.s32 $0xFFFFF830;
	(ifvalue) =	ssetifvalue $0xFFFFFFFF;
	v3 =	vld.msk [tilespmem:s2+$0x100 ss:$0x1], $0xffff;
	_ =	sdelay $0x2  }
0x39: {  	s30 =	smulhi.u32 $0xAAAAAAAB, s18;
	p1 =	sne.s32 s24, $0x1  }
0x3a: {  	v4 =	vimm.s32 @!p1 $0x0  }
0x3b: {  	s2 =	sshrl.u32 s30, $0x1;
	v4 =	vperm.xlane @!p1 v3, v4  }
0x3c: {  	s22 =	sshll.u32 s24, $0x4;
	s2 =	smul.u32 $0xFFFFA240, s2;
	vm4 =	vlt.u32 v3, $0x100  }
0x3d: {  	s22 =	sand.u32 $0x10, s22;
	v3 =	vnsel vm4, $0xFFFFFFFE, v3;
	vm4 =	vlt.u32 @!p1 v4, $0x100  }
0x3e: {  	s2 =	sshra.s32 s2, $0x2;
	[tilespmem:s22+$0x60] =	vst v3;
	v3 =	vnsel @!p1 vm4, $0xFFFFFFFE, v4  }
0x3f: {  	s28 =	sadd.s32 s2, s17;
	[tilespmem:$0x80] =	vst @!p1 v3  }
0x40: {  	v3 =	vld.msk [tilespmem:s28+$0x0 ss:$0x1], $0xffff;
	_ =	sdelay $0x4  }
0x41: {  	(xrf1) =	vunique.msk.u32 $0xffff, v3;
	_ =	sdelay $0xd  }
0x42: {  	v4 =	vimm.s32 $0xFFFFFFFF;
	v5, _, _ =	vpop (xrf1)  }
0x43: {  	vm5 =	vne.s32 v3, v4;
	vm4 =	veq.s32 v5, v2  }
0x44: {  	vm6 =	vlt.u32 v3, $0x100;
	vm4 =	vmand vm5, vm4  }
0x45: {  	vm4 =	vmand vm6, vm4  }
0x46: {  	v4 =	vnsel vm4, $0xFFFFFFFF, v3  }
0x47: {  	s31 =	sand.u32 $0x1, s0  }
0x48: {  	s0 =	simm.s32 $0x7D0;
	p1 =	seq.s32 s31, $0x1  }
0x49: {  	s0 =	simm.s32 @!p1 $0x0  }
0x4a: {  	s26 =	sadd.s32 $0x2030, s0;
	(ifvalue) =	ssetifvalue $0xFFFFFFFF  }
0x4b: {  	v3 =	vperm.xlane v3, v1;
	[tilespmem:s26], [sflag:$0x8] =	stream.indirect_vreg.gather [hbm4b:s1+s16], $0x1, v4, vm0, $0x4038;
	v4 =	vnsel vm6, $0xFFFFFFFE, v4;
	[tilespmem:$0x4770] =	vst v63  }
0x4c: {  	s2 =	simm.s32 $0x0;
	s22 =	sadd.s32 $0xFFFFFFF0, s28;
	[tilespmem:s28+$0x0] =	vst v4  }
.LBB2_3:
0x4d: {  	v4 =	vld.msk [tilespmem:s22+$0x0 ss:$0x1], $0xffff;
	s2 =	sadd.s32 $0x10, s2;
	v5 =	vmov v3;
	s28 =	smov.u32 s22  }
0x4e: {  	p1 =	slt.u32 s2, $0x7C0;
	_ =	sdelay $0x4  }
0x4f: {  	v3 =	vperm.xlane v4, v1;
	(xrf1) =	vunique.msk.u32 $0xffff, v4;
	_ =	sdelay $0xd  }
0x50: {  	v6, _, _ =	vpop (xrf1)  }
0x51: {  	vm5 =	vne.s32 v4, v5;
	vm4 =	veq.s32 v6, v2  }
0x52: {  	vm6 =	vlt.u32 v4, $0x100;
	vm4 =	vmand vm5, vm4  }
0x53: {  	vm4 =	vmand vm6, vm4  }
0x54: {  	v4 =	vnsel vm4, $0xFFFFFFFF, v4  }
.Ltmp3:
0x55: {  	v5 =	vnsel vm6, $0xFFFFFFFE, v4;
	(pc) =	sbr.rel @p1 .LBB2_3-.Ltmp3, $3  }
0x56: {  	_ =	sdelay $0x1  }
0x57: {  	s22 =	sadd.s32 $0xFFFFFFF0, s22;
	s26 =	sadd.s32 $0xFFFFFFF0, s26;
	(ifvalue) =	ssetifvalue $0xFFFFFFFF  }
0x58: {  	[tilespmem:s26], [sflag:$0x8] =	stream.indirect_vreg.gather [hbm4b:s1+s16], $0x1, v4, vm0, $0x4038;
	[tilespmem:s28+$0x0] =	vst v5  }
0x59: {  	s2 =	sshrl.u32 s25, $0x3;
	s6 =	rddreg [dreg:$0x3]  }
0x5a: {  	s0 =	sadd.s32 $0x2810, s0;
	s2 =	sadd.s32 s6, s2  }
0x5b: {  	[tilespmem:s0], [sflag:$0x8] =	stream.linear.gather [hbm:s2], $0x7D0, $0x38;
	[tilespmem:$0x4770] =	vst v63  }
.LBB2_5:
0x5c: {  	p1 =	slt.u32 s24, $0x2  }
0x5d: {  	p2 =	sge.u32 @!p1 s24, s12  }
0x5e: {  	p1 =	por p1, p2  }
.Ltmp4:
0x5f: {  	_ = 	snop;
	(pc) =	sbr.rel @p1 .LBB2_9-.Ltmp4, $1  }
0x60: {  	_ =	sdelay $0x3  }
0x61: {  	s0 =	sadd.s32 $0xFFFFFFFE, s24  }
0x62: {  	s2 =	smulhi.u32 $0xAAAAAAAB, s0;
	_ =	sdelay $0x1  }
0x63: {  	s2 =	sshrl.u32 s2, $0x1  }
0x64: {  	s2 =	smul.u32 $0x3, s2;
	_ =	sdelay $0x1  }
0x65: {  	s0 =	ssub.s32 s0, s2  }
0x66: {  	_ =	swait.ge [sflag:s8], $0xFA0;
	s0 =	smul.u32 $0x7D0, s0  }
0x67: {  	p1 =	sne.s32 s24, s11;
	[sflag:s8] =	ssyncset.done $0x0  }
0x68: {  	[sflag:s8] =	ssyncadd.s32 $0xFFFFF060;
	s2 =	sadd.s32 @!p1 $0x8CF, s0  }
0x69: {  	[spmem:s13] =	stream.linear.scatter @!p1 [tilespmem:s2], [sflag:$0x1], $0x1, $0x38;
	[tilespmem:$0x4770] =	vst v63  }
0x6a: {  	s2 =	simm.s32 @!p1 $0x1  }
0x6b: {  	_ =	swait.ge @!p1 [sflag:s2], $0x1  }
0x6c: {  	s22 =	sshll.u32 s24, $0x4;
	[sflag:s2] =	ssyncset.done @!p1 $0x0  }
0x6d: {  	s25 =	sand.u32 $0x10, s22;
	[sflag:s2] =	ssyncadd.s32 @!p1 $0xFFFFFFFF  }
0x6e: {  	s2 =	sxor.u32 $0x10, s25;
	v4 =	vld [tilespmem:s25+$0x10]  }
0x6f: {  	v5 =	vld [tilespmem:s2+$0x60]  }
0x70: {  	v3 =	vld [tilespmem:$0x80];
	_ =	sdelay $0x2  }
0x71: {  	(v2sf) =	vpush v4, $0x0  }
0x72: {  	(v2sf) =	vpush v5, $0x0  }
0x73: {  	(v2sf) =	vpush v3, $0x0;
	_ =	sdelay $0xc  }
0x74: {  	s6 =	spop (v2sf)  }
0x75: {  	s28 =	spop (v2sf)  }
0x76: {  	s26 =	spop (v2sf)  }
0x77: {  	p2 =	seq.s32 s6, s28;
	p3 =	seq.s32 s26, s6  }
0x78: {  	p3 =	por p2, p3  }
0x79: {  	s6 =	sand.u32 $0x1, s24;
	v4 =	vpsel p3, $0xFFFFFFFF, v4  }
0x7a: {  	s28 =	smul.u32 $0x7D0, s6;
	[tilespmem:s25+$0x10] =	vst.msk $0x1, v4  }
0x7b: {  	v4 =	vld [tilespmem:$0x30]  }
0x7c: {  	v5 =	vld [tilespmem:s28+$0x2810]  }
0x7d: {  	v6 =	vld [tilespmem:s25+$0x40];
	_ =	sdelay $0x3  }
0x7e: {  	vm4 =	vmmov vm1;
	v5 =	vadd.f32 v5, v4  }
0x7f: {  	vm5 =	vmmov vm2;
	vm4 =	vmmov @p2 vm2;
	v4 =	vadd.f32 v6, v4  }
0x80: {  	s22 =	sshll.u32 s6, $0x4;
	vm5 =	vmmov @p3 vm1;
	[tilespmem:s28+$0x2810] =	vst.msk vm4, v5  }
0x81: {  	[tilespmem:s22+$0x4750] =	vst.msk vm5, v4  }
0x82: {  	v4 =	vld [tilespmem:s28+$0x2030];
	_ =	sdelay $0x3  }
0x83: {  	v5 =	vimm.f32 $0.0e+00  }
0x84: {  	v4 =	vshift.insert v4, v5, s21  }
0x85: {  	s29 =	sor.u32 $0x40, s2  }
0x86: {  	[tilespmem:s29+$0x0] =	vst.msk $0x1, v4  }
0x87: {  	[tilespmem:s28+$0x203F] =	vst.msk $0x1, v5  }
0x88: {  	v4 =	vld [tilespmem:s0+$0x8C0];
	_ =	sdelay $0x1  }
0x89: {  	s29 =	smulhi.u32 $0xAAAAAAAB, s20;
	s0 =	simm.s32 $0x1  }
0x8a: {  	s0 =	simm.s32 @!p0 $0x0  }
0x8b: {  	s29 =	sshrl.u32 s29, $0x1;
	s0 =	smul.u32 $0x1F40, s0  }
0x8c: {  	s29 =	smul.u32 $0xFFFFA240, s29;
	v4 =	vshift.insert v4, v1, s21  }
0x8d: {  	s0 =	sshrl.u32 s0, $0x2  }
0x8e: {  	s29 =	sshra.s32 s29, $0x2;
	s30 =	sadd.s32 $0x2810, s0;
	[tilespmem:s2+$0x10] =	vst.msk $0x1, v4  }
0x8f: {  	s6 =	sadd.s32 s29, s19;
	v6 =	vld [tilespmem:s30+$0x0]  }
0x90: {  	v7 =	vld [tilespmem:s6+$0x0];
	_ =	sdelay $0x3  }
0x91: {  	v5 =	vadd.f32 v6, v5  }
0x92: {  	vm4 =	vne.s32 v7, $0xFFFFFFFF  }
0x93: {  	(xrf2) =	vadd.seg.scan.f32 vm4, v5;
	_ =	sdelay $0x3  }
0x94: {  	s31 =	sadd.s32 $0x1870, s0;
	v5 =	vperm.xlane v4, v1  }
0x95: {  	v6 =	vld [tilespmem:s31+$0x0]  }
0x96: {  	vm5 =	veq.s32 v7, v3;
	vm6 =	veq.s32 v7, v5  }
0x97: {  	vm7 =	vgt.u32 v7, $0xFFFFFFFD;
	vm6 =	vmor vm6, vm5  }
0x98: {  	vm6 =	vmor vm6, vm7  }
0x99: {  	v9 =	vld [tilespmem:$0xA0];
	v7 =	vsel vm6, $0xFFFFFFFF, v7  }
0x9a: {  	v10 =	vld [tilespmem:$0x90];
	v6 =	vsel vm5, $0x0, v6;
	v8, _, _ =	vpop (xrf2)  }
0x9b: {  	v6 =	vadd.f32 v8, v6  }
0x9c: {  	s0 =	sadd.s32 $0x37B0, s0  }
0x9d: {  	vm4 =	vmand vm4, vm3;
	[tilespmem:s0+$0x0] =	vst v6;
	(ifvalue) =	ssetifvalue $0xFFFFFFFF  }
0x9e: {  	vm6 =	veq.s32 v9, $0x1;
	[hbm4b:s1+s16] =	stream.indirect_vreg.scatter [tilespmem:s0], [sflag:$0x2], $0x1, v7, vm0, $0x4038;
	v7 =	vsel vm4, $0x0, v8;
	[tilespmem:$0x4770] =	vst v63  }
0x9f: {  	s29 =	sadd.s32 $0x4750, s22;
	s22 =	sadd.s32 $0x10, s6;
	s2 =	simm.s32 $0x0;
	vm4 =	vmor vm6, vm5;
	v6 =	vsel vm5, v8, v10;
	v7 =	vshift.insert v7, v0, s21  }
.LBB2_7:
0xa0: {  	v8 =	vld [tilespmem:s22+$0x0];
	s30 =	sadd.s32 $0x10, s30  }
0xa1: {  	s31 =	sadd.s32 $0x10, s31;
	v9 =	vld [tilespmem:s30+$0x0]  }
0xa2: {  	s2 =	sadd.s32 $0x10, s2;
	v10 =	vld [tilespmem:s31+$0x0]  }
0xa3: {  	p2 =	slt.u32 s2, $0x7C0;
	_ =	sdelay $0x2  }
0xa4: {  	v7 =	vadd.f32 v9, v7  }
0xa5: {  	vm5 =	vne.s32 v8, $0xFFFFFFFF  }
0xa6: {  	vm6 =	vmand vm5, vm3;
	(xrf2) =	vadd.seg.scan.f32 vm5, v7;
	_ =	sdelay $0x5  }
0xa7: {  	vm7 =	veq.s32 v8, v5;
	vm5 =	veq.s32 v8, v3  }
0xa8: {  	vm8 =	vgt.u32 v8, $0xFFFFFFFD;
	vm4 =	vmor vm4, vm5;
	vm7 =	vmor vm7, vm5  }
0xa9: {  	vm7 =	vmor vm7, vm8  }
0xaa: {  	v8 =	vsel vm7, $0xFFFFFFFF, v8  }
.Ltmp5:
0xab: {  	v7 =	vsel vm5, $0x0, v10;
	v9, _, _ =	vpop (xrf2);
	(pc) =	sbr.rel @p2 .LBB2_7-.Ltmp5, $4  }
0xac: {  	v6 =	vsel vm5, v9, v6;
	v10 =	vadd.f32 v9, v7;
	v7 =	vsel vm6, $0x0, v9  }
0xad: {  	s0 =	sadd.s32 $0x10, s0;
	v7 =	vshift.insert v7, v0, s21  }
0xae: {  	s22 =	sadd.s32 $0x10, s22;
	[tilespmem:s0+$0x0] =	vst v10;
	(ifvalue) =	ssetifvalue $0xFFFFFFFF  }
0xaf: {  	[hbm4b:s1+s16] =	stream.indirect_vreg.scatter [tilespmem:s0], [sflag:$0x2], $0x1, v8, vm0, $0x4038;
	[tilespmem:$0x4770] =	vst v63  }
0xb0: {  	v3 =	vld [tilespmem:s28+$0x3F70];
	_ =	sdelay $0x4  }
0xb1: {  	v3 =	vshift.insert v3, v0, s21  }
0xb2: {  	s0 =	simm.s32 $0x30  }
0xb3: {  	[tilespmem:s0+$0x0] =	vst.msk $0x1, v3  }
0xb4: {  	v3 =	vsel vm4, $0x1, v1;
	[tilespmem:$0x90] =	vst v6  }
0xb5: {  	s0 =	sadd.s32 @!p1 $0x3F7F, s28;
	[tilespmem:$0xA0] =	vst v3  }
0xb6: {  	[spmem:s14] =	stream.linear.scatter @!p1 [tilespmem:s0], [sflag:$0x1], $0x1, $0x38;
	[tilespmem:$0x4770] =	vst v63  }
0xb7: {  	s0 =	simm.s32 @!p1 $0x1  }
0xb8: {  	v3 =	vmctz.xlane @!p1 vm4;
	_ =	swait.ge @!p1 [sflag:s0], $0x1  }
0xb9: {  	(v2sf) =	vpush @!p1 v4, $0x0  }
0xba: {  	(v2sf) =	vpush @!p1 v3, $0x0;
	_ =	sdelay $0xd  }
0xbb: {  	s2 =	spop @!p1 (v2sf)  }
0xbc: {  	s6 =	spop @!p1 (v2sf)  }
0xbd: {  	p2 =	sne.s32 @!p1 s26, s2;
	p3 =	slt.s32 @!p1 s6, $0xF  }
0xbe: {  	[sflag:s0] =	ssyncset.done @!p1 $0x0;
	p2 =	por p2, p1;
	p3 =	por !p3, p1  }
0xbf: {  	[sflag:s0] =	ssyncadd.s32 @!p1 $0xFFFFFFFF;
	v3 =	vimm.s32 @!p2 $0xFFFFFFFF;
	s6 =	simm.s32 @p3 $0xF  }
0xc0: {  	[tilespmem:$0x80] =	vst @!p2 v3;
	s2 =	sadd.s32 @!p1 $0x90, s6  }
0xc1: {  	[spmem:s10] =	stream.linear.scatter @!p1 [tilespmem:s2], [sflag:$0x1], $0x1, $0x38;
	[tilespmem:$0x4770] =	vst v63  }
0xc2: {  	_ =	swait.ge @!p1 [sflag:s0], $0x1  }
0xc3: {  	[sflag:s0] =	ssyncset.done @!p1 $0x0  }
0xc4: {  	s2 =	simm.s32 @!p1 $0x80;
	[sflag:s0] =	ssyncadd.s32 @!p1 $0xFFFFFFFF  }
0xc5: {  	[spmem:s15] =	stream.linear.scatter @!p1 [tilespmem:s2], [sflag:$0x1], $0x1, $0x38;
	[tilespmem:$0x4770] =	vst v63  }
0xc6: {  	_ =	swait.ge @!p1 [sflag:s0], $0x1  }
0xc7: {  	[sflag:s0] =	ssyncset.done @!p1 $0x0  }
0xc8: {  	[sflag:s0] =	ssyncadd.s32 @!p1 $0xFFFFFFFF;
	(ifvalue) =	ssetifvalue $0xFFFFFFFF;
	v3 =	vld [tilespmem:s25+$0x10];
	_ =	sdelay $0x3  }
.Ltmp6:
0xc9: {  	_ = 	snop;
	(pc) =	sbr.rel .LBB2_9-.Ltmp6, $3  }
0xca: {  	_ =	sdelay $0x1  }
0xcb: {  	(ifvalue) =	ssetifvalue $0xFFFFFFFF  }
0xcc: {  	[hbm4b:s1+s16] =	stream.indirect_vreg.scatter [tilespmem:s29], [sflag:$0x9], $0x1, v3, vm0, $0x4038;
	[tilespmem:$0x4770] =	vst v63  }
.LBB2_10:
0xcd: {  	_ =	sfence.sel $0x180000  }
0xce: {  	s0 =	simm.s32 $0x7;
	[bflag:$0x0] =	sbarrier.arrive $0xFFFF  }
0xcf: {  	s26 =	simm.s32 $0x8;
	[sflag:s0] =	ssyncpa.u1 $0x1  }
0xd0: {  	s28 =	simm.s32 $0x9;
	[sflag:s26] =	ssyncpa.u1 $0x1  }
0xd1: {  	[sflag:s28] =	ssyncpa.u1 $0x1  }
0xd2: {  	_ =	sfence.stream.spmem  }
0xd3: {  	s29 =	simm.s32 $0x3;
	[bflag:$0x0] =	sbarrier.arrive $0xFFFF  }
0xd4: {  	s30 =	simm.s32 $0x4;
	[sflag:s29] =	ssyncpa.u1 $0x1  }
0xd5: {  	s31 =	simm.s32 $0x3C;
	s2 =	stileid.u32;
	[sflag:s30] =	ssyncpa.u1 $0x1  }
0xd6: {  	p0 =	sne.s32 s2, $0x0;
	[sflag:s31] =	ssyncpa.u1 $0x1  }
0xd7: {  	s0 =	simm.s32 @p0 $0x1;
	_ =	sfence @p0  }
0xd8: {  	[sflag:s0] =	ssyncpa.u1 @p0 $0x1;
	s0 =	simm.s32 @p0 $0x2  }
0xd9: {  	[sflag:s0] =	ssyncpa.u1 @p0 $0x1  }
0xda: {  	_ =	strace @p0 $0x90000059  }
0xdb: {  	[bflag:$0x2] =	sbarrier.arrive @p0 $0xFFFF  }
0xdc: {  	_ =	shalt @p0  }
.LBB2_11:
0xdd: {  	_ =	sfence.stream.spmem;
	s0 =	simm.s32 $0x5  }
0xde: {  	s2 =	simm.s32 $0x80;
	s3 =	simm.s32 $0xC0;
	[sflag:s0] =	ssyncpa.u1 $0x0  }
0xdf: {  	[tilespmem:s3], [sflag:$0x5] =	stream.linear.gather [spmem:s2], $0x20, $0x38;
	[tilespmem:$0x4770] =	vst v63  }
0xe0: {  	s2 =	simm.s32 $0x0;
	s3 =	simm.s32 $0xE0  }
0xe1: {  	[tilespmem:s3], [sflag:$0x5] =	stream.linear.gather [spmem:s2], $0x20, $0x38;
	[tilespmem:$0x4770] =	vst v63  }
.Ltmp7:
0xe2: {  	_ = 	snop;
	(pc) =	sbr.rel .LBB2_12-.Ltmp7, $4  }
0xe3: {  	_ =	swait.ge [sflag:s0], $0x40  }
0xe4: {  	[sflag:s0] =	ssyncset.done $0x0  }
0xe5: {  	s31 =	simm.s32 $0x6;
	[sflag:s0] =	ssyncadd.s32 $0xFFFFFFC0  }
0xe6: {  	s4 =	simm.s32 $0x0;
	[sflag:s31] =	ssyncpa.u1 $0x0  }
.LBB2_17:
0xe7: {  	p0 =	sgt.u32 s5, $0xFF  }
0xe8: {  	s0 =	sshrl.u32 @!p0 s5, $0x3  }
0xe9: {  	s5 =	sand.u32 @!p0 $0x7, s5;
	s6 =	simm.s32 @!p0 $0xB0;
	s0 =	sadd.s32 @!p0 s1, s0  }
0xea: {  	[tilespmem:s6], [sflag:$0x6] =	stream.linear.gather @!p0 [hbm4b:s0+s5], $0x1, $0x38;
	[tilespmem:$0x4770] =	vst v63  }
0xeb: {  	s0 =	simm.s32 @!p0 $0x6  }
0xec: {  	_ =	swait.ge @!p0 [sflag:s0], $0x1  }
0xed: {  	[sflag:s0] =	ssyncset.done @!p0 $0x0  }
0xee: {  	[sflag:s0] =	ssyncadd.s32 @!p0 $0xFFFFFFFF  }
0xef: {  	v2 =	vmov @!p0 s4;
	v1 =	vld.msk @!p0 [tilespmem:$0xB0], $0x1;
	_ =	sdelay $0x3  }
0xf0: {  	s0 =	simm.s32 @!p0 $0xE0  }
0xf1: {  	[tilespmem:v2+s0+$0x0], v1 =	vst.idx.ret.add.f32.msk @!p0 $0x1, v1  }
0xf2: {  	[tilespmem:s2+$0xC0] =	vst.msk $0x1, v0  }
0xf3: {  	v0 =	vld.msk [tilespmem:s4+$0xE0], $0x1;
	_ =	sdelay $0x4  }
0xf4: {  	[tilespmem:s2+$0xE0] =	vst.msk $0x1, v0;
	s2 =	sadd.s32 $0x1, s2  }
.LBB2_19:
0xf5: {  	s4 =	sadd.s32 $0x1, s4  }
0xf6: {  	p0 =	sne.s32 s4, $0x20  }
.Ltmp8:
0xf7: {  	_ = 	snop;
	(pc) =	sbr.rel @!p0 .LBB2_20-.Ltmp8, $1  }
0xf8: {  	_ =	sdelay $0x3  }
.LBB2_12:
0xf9: {  	v0 =	vld.msk [tilespmem:s4+$0xC0], $0x1;
	_ =	sdelay $0x4  }
0xfa: {  	(v2sf) =	vpush v0, $0x0;
	_ =	sdelay $0xe  }
0xfb: {  	s5 =	spop (v2sf)  }
0xfc: {  	p0 =	seq.s32 s5, $0xFFFFFFFF  }
.Ltmp9:
0xfd: {  	_ = 	snop;
	(pc) =	sbr.rel @p0 .LBB2_19-.Ltmp9, $1  }
0xfe: {  	_ =	sdelay $0x3  }
0xff: {  	p0 =	slt.s32 s2, $0x1  }
.Ltmp10:
0x100: {  	_ = 	snop;
	(pc) =	sbr.rel @p0 .LBB2_17-.Ltmp10, $1  }
0x101: {  	_ =	sdelay $0x3  }
0x102: {  	s0 =	simm.s32 $0xC0;
	p0 =	por $0x0, $0x0  }
0x103: {  	v1 =	vld.msk @!p0 [tilespmem:s0+$0x0], $0x1;
	_ =	sdelay $0x4  }
0x104: {  	(v2sf) =	vpush @!p0 v1, $0x0;
	_ =	sdelay $0xd  }
0x105: {  	p2 =	sne.s32 s2, $0x1  }
.Ltmp11:
0x106: {  	s6 =	spop @!p0 (v2sf);
	(pc) =	sbr.rel @!p2 .LBB2_16-.Ltmp11, $4  }
0x107: {  	p1 =	seq.s32 @!p0 s5, s6  }
0x108: {  	s6 =	simm.s32 $0x0;
	p1 =	por !p1, p0  }
0x109: {  	s8 =	simm.s32 $0xFFFFFFFF;
	s6 =	simm.s32 @p1 $0xFFFFFFFF  }
0x10a: {  	s7 =	simm.s32 $0x1;
	s6 =	smov.u32 @p0 s8  }
.LBB2_15:
0x10b: {  	s8 =	smov.u32 s6;
	p0 =	sne.s32 s6, $0xFFFFFFFF  }
0x10c: {  	s0 =	sadd.s32 $0x1, s0;
	s6 =	smov.u32 s7;
	s7 =	sadd.s32 $0x1, s7  }
0x10d: {  	p1 =	sne.s32 s2, s7;
	v1 =	vld.msk @!p0 [tilespmem:s0+$0x0], $0x1;
	_ =	sdelay $0x4  }
0x10e: {  	(v2sf) =	vpush @!p0 v1, $0x0;
	_ =	sdelay $0xe  }
.Ltmp12:
0x10f: {  	s9 =	spop @!p0 (v2sf);
	(pc) =	sbr.rel @p1 .LBB2_15-.Ltmp12, $4  }
0x110: {  	p2 =	seq.s32 @!p0 s5, s9  }
0x111: {  	p2 =	por !p2, p0  }
0x112: {  	s6 =	simm.s32 @p2 $0xFFFFFFFF  }
0x113: {  	s6 =	smov.u32 @p0 s8  }
.LBB2_16:
0x114: {  	p0 =	sne.s32 s6, $0xFFFFFFFF  }
.Ltmp13:
0x115: {  	_ = 	snop;
	(pc) =	sbr.rel @!p0 .LBB2_17-.Ltmp13, $1  }
0x116: {  	_ =	sdelay $0x3  }
0x117: {  	v0 =	vld.msk [tilespmem:s4+$0xE0], $0x1;
	v1 =	vmov s6  }
.Ltmp14:
0x118: {  	_ = 	snop;
	(pc) =	sbr.rel .LBB2_19-.Ltmp14, $2  }
0x119: {  	_ =	sdelay $0x2  }
0x11a: {  	[tilespmem:v1+s3+$0x0], v0 =	vst.idx.ret.add.f32.msk $0x1, v0  }
.LBB2_20:
0x11b: {  	p0 =	slt.s32 s2, $0x1  }
.Ltmp15:
0x11c: {  	_ = 	snop;
	(pc) =	sbr.rel @p0 .LBB2_24-.Ltmp15, $3  }
0x11d: {  	_ =	sdelay $0x1  }
0x11e: {  	s0 =	simm.s32 $0x6  }
0x11f: {  	s3 =	simm.s32 $0x0;
	[sflag:s0] =	ssyncpa.u1 $0x1  }
0x120: {  	s0 =	simm.s32 $0xC0  }
0x121: {  	v0 =	vld.msk [tilespmem:s0+$0x0], $0x1;
	_ =	sdelay $0x4  }
0x122: {  	(v2sf) =	vpush v0, $0x0;
	_ =	sdelay $0xe  }
0x123: {  	s2 =	sadd.s32 $0xFFFFFFFF, s2;
	s4 =	spop (v2sf)  }
0x124: {  	p1 =	sne.s32 s2, $0x0;
	p0 =	sgt.u32 s4, $0xFF  }
.Ltmp16:
0x125: {  	s5 =	sshrl.u32 @!p0 s4, $0x3;
	(pc) =	sbr.rel @!p1 .LBB2_23-.Ltmp16, $4  }
0x126: {  	s0 =	simm.s32 $0xE0;
	s4 =	sand.u32 @!p0 $0x7, s4;
	s5 =	sadd.s32 @!p0 s1, s5  }
0x127: {  	[hbm4b:s5+s4] =	stream.linear.scatter @!p0 [tilespmem:s0], [sflag:$0x5], $0x1, $0x38;
	[tilespmem:$0x4770] =	vst v63  }
0x128: {  	s5 =	simm.s32 $0x0  }
0x129: {  	s4 =	simm.s32 $0xC1;
	s5 =	simm.s32 @!p0 $0x4  }
.LBB2_22:
0x12a: {  	v0 =	vld.msk [tilespmem:s4+$0x0], $0x1;
	s2 =	sadd.s32 $0xFFFFFFFF, s2;
	s3 =	sadd.s32 s3, s5  }
0x12b: {  	p0 =	sne.s32 s2, $0x0;
	_ =	sdelay $0x3  }
0x12c: {  	(v2sf) =	vpush v0, $0x0;
	_ =	sdelay $0xe  }
.Ltmp17:
0x12d: {  	s6 =	spop (v2sf);
	(pc) =	sbr.rel @p0 .LBB2_22-.Ltmp17, $4  }
0x12e: {  	s5 =	simm.s32 $0x0;
	p1 =	sgt.u32 s6, $0xFF  }
0x12f: {  	s0 =	sadd.s32 $0x1, s0;
	s5 =	simm.s32 @!p1 $0x4;
	s7 =	sshrl.u32 @!p1 s6, $0x3  }
0x130: {  	s4 =	sadd.s32 $0x1, s4;
	s6 =	sand.u32 @!p1 $0x7, s6;
	s7 =	sadd.s32 @!p1 s1, s7  }
0x131: {  	[hbm4b:s7+s6] =	stream.linear.scatter @!p1 [tilespmem:s0], [sflag:$0x5], $0x1, $0x38;
	[tilespmem:$0x4770] =	vst v63  }
.LBB2_23:
0x132: {  	s0 =	sadd.s32 s3, s5  }
0x133: {  	s3 =	sshrl.u32 s0, $0x2  }
.LBB2_24:
0x134: {  	s0 =	simm.s32 $0x5  }
0x135: {  	_ =	swait.ge [sflag:s0], s3  }
0x136: {  	s1 =	ssub.s32 $0x0, s3;
	[sflag:s0] =	ssyncset.done $0x0  }
0x137: {  	[sflag:s0] =	ssyncadd.s32 s1  }
0x138: {  	[sflag:s0] =	ssyncpa.u1 $0x1  }
0x139: {  	s29 =	simm.s32 $0x1;
	_ =	sfence  }
0x13a: {  	s30 =	simm.s32 $0x2;
	[sflag:s29] =	ssyncpa.u1 $0x1  }
0x13b: {  	[sflag:s30] =	ssyncpa.u1 $0x1  }
0x13c: {  	_ =	strace $0x90000059  }
0x13d: {  	[bflag:$0x2] =	sbarrier.arrive $0xFFFF  }
0x13e: {  	s31 =	rddreg [dreg:$0x2]  }
0x13f: {  	s0 =	sadd.s32 $0x100000, s31  }
0x140: {  	[sflag:s0] =	ssyncadd.tile.s32 $0x1;
	_ =	shalt  }
.Lfunc_end2:
_tile_overlayer_lowered:
.L_overlay_start_2:
0x141: {  	(tag) =	ssettag $0x2  }
0x142: {  	s0 =	rddreg [dreg:$0x0];
	s2 =	stileid.u32  }
0x143: {  	s1 =	rddreg [dreg:$0x1];
	p0 =	sne.s32 s2, $0x0  }
0x144: {  	s3 =	rddreg [dreg:$0x2];
	[bflag:$0x3] =	sbarrier.arrive $0xFFFF;
	s2 =	simm.s32 @!p0 $0x1C01  }
0x145: {  	[timem:s3], [sflag:s2] =	dma.local @!p0 [hbm:s0], s1  }
0x146: {  	s0 =	simm.s32 @!p0 $0x1  }
0x147: {  	_ =	swait.ge @!p0 [sflag:s0], s1  }
0x148: {  	s1 =	ssub.s32 @!p0 $0x0, s1;
	[sflag:s0] =	ssyncset.done @!p0 $0x0  }
0x149: {  	[sflag:s0] =	ssyncadd.s32 @!p0 s1  }
0x14a: {  	[bflag:$0x3] =	sbarrier.arrive $0xFFFF  }
0x14b: {  	_ =	shalt  }

// kernel: scatter_offload_async_start
scs
__scs_entry_jumppad:
0x0: {  	(pc) =	sbr.rel $0x88, $3  }
0x1: {  	(tag) =	ssettag $0x0;
	lr =	simm.s32 $0x1  }
0x2: {  	[smem:$0x3F91] =	sst lr;
	_ =	strace $0xD0000000  }
0x3: {  	_ = 	snop  }
0x4: {  	_ = 	snop  }
0x5: {  	_ = 	snop  }
0x6: {  	_ = 	snop  }
0x7: {  	_ = 	snop  }
__scs_overlays_trampoline_lowered:
0x8: {  	[smem:$0x3FA0] =	sst s0  }
0x9: {  	[smem:$0x3FA1] =	sst s1  }
0xa: {  	[smem:$0x3FA2] =	sst s2  }
0xb: {  	[smem:$0x3FA3] =	sst s3  }
0xc: {  	[smem:$0x3FA4] =	sst s4  }
0xd: {  	[smem:$0x3FA5] =	sst s5  }
0xe: {  	[smem:$0x3FA6] =	sst s6  }
0xf: {  	[smem:$0x3FA7] =	sst s7  }
0x10: {  	[smem:$0x3FA8] =	sst s8  }
0x11: {  	[smem:$0x3FA9] =	sst s9;
	s0 =	simm.s32 @!p0 $0x0  }
0x12: {  	s1 =	sld [smem:$0x3F8F];
	s0 =	simm.s32 @p0 $0x1  }
0x13: {  	[smem:$0x3FAA] =	sst s0;
	s0 =	simm.s32 @!p1 $0x0  }
0x14: {  	s2 =	sld [smem:$0x3F8E];
	s0 =	simm.s32 @p1 $0x1  }
0x15: {  	[smem:$0x3FAB] =	sst s0;
	s0 =	simm.s32 @!p2 $0x0  }
0x16: {  	s3 =	sld [smem:$0x3FDB];
	s0 =	simm.s32 @p2 $0x1  }
0x17: {  	s4 =	simm.s32 $0x1BF5;
	[smem:$0x3FAD] =	sst s0  }
0x18: {  	s0 =	sld [smem:$0x3F90];
	_ =	swait.ge [sflag:s4], $0x0  }
0x19: {  	s7 =	sld [smem:$0x3F91]  }
0x1a: {  	s8 =	sadd.s32 $0xFFFFE003, lr  }
0x1b: {  	s9 =	sadd.s32 $0xFFFFFEF7, lr;
	s5 =	simm.s32 $0xFFFFFFFF;
	p2 =	slt.u32 s8, $0xFFFFF086  }
0x1c: {  	p1 =	slt.u32 s9, $0xF7A;
	s5 =	simm.s32 @!p2 $0x0  }
0x1d: {  	s5 =	simm.s32 @p1 $0x1;
	p0 =	seq.s32 s7, s2  }
0x1e: {  	s7 =	smul.u32 @!p0 $0xF7A, s2;
	p2 =	seq.s32 @!p0 s5, $0x0  }
0x1f: {  	s9 =	smul.u32 $0xF7A, s1;
	s8 =	simm.s32 @!p0 $0x1BF5;
	p2 =	por !p2, p0  }
0x20: {  	[sflag:s8] =	ssyncset.s32 @!p0 $0xFFFFF086;
	s6 =	sadd.s32 @!p0 s3, s7;
	s7 =	simm.s32 @!p0 $0x108  }
0x21: {  	s3 =	sadd.s32 s3, s9;
	s6 =	sadd.s32 @!p0 $0x88, s6;
	s7 =	simm.s32 @p2 $0x1082  }
0x22: {  	[simem:s7], [sflag:s8] =	dma.local @!p0 [hbm:s6], $0xF7A  }
0x23: {  	s9 =	sor.u32 $0xD0000000, s2;
	s6 =	simm.s32 $0x108;
	_ =	swait.ge @!p0 [sflag:s8], $0x0  }
0x24: {  	s3 =	sadd.s32 $0x88, s3;
	s6 =	simm.s32 @!p1 $0x1082;
	[sflag:s4] =	ssyncset.s32 $0xFFFFF086  }
0x25: {  	[simem:s6], [sflag:s4] =	dma.local [hbm:s3], $0xF7A  }
0x26: {  	[smem:$0x3F91] =	sst s1;
	(tag) =	ssettag s2;
	_ =	strace s9  }
0x27: {  	s1 =	sld [smem:$0x3FA1]  }
0x28: {  	s2 =	sld [smem:$0x3FA2]  }
0x29: {  	s4 =	sld [smem:$0x3FA4]  }
0x2a: {  	p0 =	seq.s32 s5, $0x0;
	s5 =	sld [smem:$0x3FA5]  }
0x2b: {  	s6 =	sld [smem:$0x3FA6]  }
0x2c: {  	s7 =	sld [smem:$0x3FA7]  }
0x2d: {  	s3 =	simm.s32 $0x108;
	s8 =	sld [smem:$0x3FA8]  }
0x2e: {  	s3 =	simm.s32 @!p0 $0x1082;
	s9 =	sld [smem:$0x3FA9]  }
0x2f: {  	lr =	sadd.s32 s0, s3;
	s0 =	sld [smem:$0x3FA0]  }
0x30: {  	s3 =	sld [smem:$0x3FA3]  }
0x31: {  	[smem:$0x3FAC] =	sst s10  }
0x32: {  	s10 =	sld [smem:$0x3FAA];
	_ =	sdelay $0x3  }
0x33: {  	p0 =	seq.s32 s10, $0x1;
	s10 =	sld [smem:$0x3FAC];
	_ =	sdelay $0x3  }
0x34: {  	[smem:$0x3FAC] =	sst s10  }
0x35: {  	s10 =	sld [smem:$0x3FAB];
	_ =	sdelay $0x3  }
0x36: {  	p1 =	seq.s32 s10, $0x1;
	s10 =	sld [smem:$0x3FAC];
	_ =	sdelay $0x3  }
0x37: {  	[smem:$0x3FAC] =	sst s10  }
0x38: {  	s10 =	sld [smem:$0x3FAD]  }
0x39: {  	_ = 	snop;
	(pc) =	sbr.ind lr, $3  }
0x3a: {  	_ = 	snop  }
0x3b: {  	_ = 	snop  }
0x3c: {  	p2 =	seq.s32 s10, $0x1;
	s10 =	sld [smem:$0x3FAC]  }
0x3d: {  	_ =	shalt  }
0x3e: {  	_ =	shalt  }
0x3f: {  	_ =	shalt  }
0x40: {  	_ =	shalt  }
0x41: {  	_ =	shalt  }
0x42: {  	_ =	shalt  }
0x43: {  	_ =	shalt  }
0x44: {  	_ =	shalt  }
0x45: {  	_ =	shalt  }
0x46: {  	_ =	shalt  }
0x47: {  	_ =	shalt  }
0x48: {  	_ =	shalt  }
0x49: {  	_ =	shalt  }
0x4a: {  	_ =	shalt  }
0x4b: {  	_ =	shalt  }
0x4c: {  	_ =	shalt  }
0x4d: {  	_ =	shalt  }
0x4e: {  	_ =	shalt  }
0x4f: {  	_ =	shalt  }
0x50: {  	_ =	shalt  }
0x51: {  	_ =	shalt  }
0x52: {  	_ =	shalt  }
0x53: {  	_ =	shalt  }
0x54: {  	_ =	shalt  }
0x55: {  	_ =	shalt  }
0x56: {  	_ =	shalt  }
0x57: {  	_ =	shalt  }
0x58: {  	_ =	shalt  }
0x59: {  	_ =	shalt  }
0x5a: {  	_ =	shalt  }
0x5b: {  	_ =	shalt  }
0x5c: {  	_ =	shalt  }
0x5d: {  	_ =	shalt  }
0x5e: {  	_ =	shalt  }
0x5f: {  	_ =	shalt  }
0x60: {  	_ =	shalt  }
0x61: {  	_ =	shalt  }
0x62: {  	_ =	shalt  }
0x63: {  	_ =	shalt  }
0x64: {  	_ =	shalt  }
0x65: {  	_ =	shalt  }
0x66: {  	_ =	shalt  }
0x67: {  	_ =	shalt  }
0x68: {  	_ =	shalt  }
0x69: {  	_ =	shalt  }
0x6a: {  	_ =	shalt  }
0x6b: {  	_ =	shalt  }
0x6c: {  	_ =	shalt  }
0x6d: {  	_ =	shalt  }
0x6e: {  	_ =	shalt  }
0x6f: {  	_ =	shalt  }
0x70: {  	_ =	shalt  }
0x71: {  	_ =	shalt  }
0x72: {  	_ =	shalt  }
0x73: {  	_ =	shalt  }
0x74: {  	_ =	shalt  }
0x75: {  	_ =	shalt  }
0x76: {  	_ =	shalt  }
0x77: {  	_ =	shalt  }
0x78: {  	_ =	shalt  }
0x79: {  	_ =	shalt  }
0x7a: {  	_ =	shalt  }
0x7b: {  	_ =	shalt  }
0x7c: {  	_ =	shalt  }
0x7d: {  	_ =	shalt  }
0x7e: {  	_ =	shalt  }
0x7f: {  	_ =	shalt  }
0x80: {  	_ =	shalt  }
0x81: {  	_ =	shalt  }
0x82: {  	_ =	shalt  }
0x83: {  	_ =	shalt  }
0x84: {  	_ =	shalt  }
0x85: {  	_ =	shalt  }
0x86: {  	_ =	shalt  }
0x87: {  	_ =	shalt  }
.Lfunc_end0:
.L_simem_size_0:
called_computation_lowered:
.L_overlay_start_0:
0x88: {  	s0 =	sld [smem:$0x3FD9]  }
0x89: {  	s1 =	sld [smem:$0x3FFE];
	_ =	sdelay $0x3  }
0x8a: {  	s0 =	sadd.s32 s1, s0  }
0x8b: {  	[smem:$0x3FB8] =	sst s0  }
0x8c: {  	_ = 	snop  }
0x8d: {  	(tm) =	ssettm $0x1  }
0x8e: {  	s15 =	sld [smem:$0x3FFB];
	_ =	sdelay $0x3  }
0x8f: {  	_ =	strace s15  }
0x90: {  	s0 =	sld [smem:$0x3FFC];
	_ =	sdelay $0x3  }
0x91: {  	_ =	strace s0  }
0x92: {  	s0 =	sld [smem:$0x3FFD];
	_ =	sdelay $0x3  }
0x93: {  	_ =	strace s0  }
0x94: {  	_ =	strace $0x8FFFFFFF  }
0x95: {  	s16 =	sld [smem:$0x3FDB];
	_ =	sdelay $0x1  }
0x96: {  	s17 =	simm.s32 $_scs_section_size  }
0x97: {  	s2 =	simm.s32 $_size__tile_overlayer_lowered;
	s3 =	simm.s32 $_tile_overlayer_lowered  }
0x98: {  	s20 =	simm.s32 $0x1BFF;
	s19 =	sshll.u32 s3, $0x1;
	s0 =	sadd.s32 s17, s16  }
0x99: {  	s4 =	simm.s32 $0x0;
	s18 =	sshll.u32 s2, $0x1;
	s2 =	sadd.s32 s19, s0  }
0x9a: {  	[timem:s4], [sflag:s20] =	dma.local [hbm:s2], s18  }
0x9b: {  	_ =	swait.ge [sflag:s20], s18  }
0x9c: {  	s1 =	ssub.s32 $0x0, s18;
	[sflag:s20] =	ssyncset.done $0x0  }
0x9d: {  	[sflag:s20] =	ssyncadd.s32 s1;
	_ =	sdelay $0x1  }
0x9e: {  	s21 =	simm.s32 $0x1B8B  }
0x9f: {  	_ =	swait.ge [sflag:s21], $0x1  }
0xa0: {  	[sflag:s21] =	ssyncset.done $0x0  }
0xa1: {  	s23 =	simm.s32 $0x1B8E;
	s22 =	sld [smem:$0x3FFE];
	[sflag:s21] =	ssyncadd.s32 $0xFFFFFFFF  }
0xa2: {  	s24 =	simm.s32 $execute0_lowered;
	[smem:$0x3FD2] =	sst s23  }
0xa3: {  	s2 =	sshll.u32 s24, $0x1;
	_ =	strace $0x8000005B;
	[dreg:$0x1] =	wrdreg $0xFFFFFFFF  }
0xa4: {  	s25 =	simm.s32 $_size_execute0_lowered;
	s0 =	sadd.s32 s0, s2;
	[dreg:$0x0] =	wrdreg $0x0  }
0xa5: {  	s2 =	sshll.u32 s25, $0x1;
	[dreg:$0x2] =	wrdreg s0  }
0xa6: {  	[dreg:$0x3] =	wrdreg s2  }
0xa7: {  	[dreg:$0x4] =	wrdreg $0xC0  }
0xa8: {  	_ =	task [dreg:s4], $0x5FFFF  }
0xa9: {  	[dreg:$0x1] =	wrdreg $0xFFFFFFFF  }
0xaa: {  	[dreg:$0x0] =	wrdreg $0x60  }
0xab: {  	[dreg:$0x2] =	wrdreg s22  }
0xac: {  	[dreg:$0x3] =	wrdreg $0x9  }
0xad: {  	_ =	task.clear_ibuf [dreg:s4], $0x4FFFF;
	_ =	strace $0x9000005B  }
0xae: {  	s26 =	simm.s32 $0x9;
	_ =	strace $0x8000005D  }
0xaf: {  	_ =	swait.ge [sflag:s26], $0x1  }
0xb0: {  	[sflag:s26] =	ssyncadd.s32 $0xFFFFFFFF  }
0xb1: {  	_ =	strace $0x9000005D  }
0xb2: {  	_ =	sfence  }
0xb3: {  	s28 =	sld [smem:$0x0];
	_ =	sdelay $0x1  }
0xb4: {  	s29 =	srdreg.scid  }
0xb5: {  	s30 =	sshll.u32 s29, $0xD;
	s31 =	sshrl.u32 s29, $0x2  }
0xb6: {  	s1 =	sand.u32 $0x1, s29;
	s2 =	sand.u32 $0x4000, s30;
	s0 =	sadd.s32 s31, s28  }
0xb7: {  	s1 =	sor.u32 s2, s1;
	s0 =	sshll.u32 s0, $0x11  }
0xb8: {  	s0 =	sor.u32 s0, s1  }
0xb9: {  	s0 =	sadd.s32 $0x8F2B, s0  }
0xba: {  	[sflag:s0] =	ssyncadd.remote.s32 $0x1  }
0xbb: {  	_ =	sfence.sel $0xFFFF  }
0xbc: {  	[dreg:$0x0] =	wrdreg $0xFFFFFFFF;
	(pc) =	sbr.abs _section_cstart, $3  }
0xbd: {  	[dreg:$0x1] =	wrdreg $0xFFFFFFFF  }
0xbe: {  	_ =	task.clear_ibuf [dreg:s4], $0x2FFFF;
	_ =	strace $0x9FFFFFFF  }
0xbf: {  	(tm) =	ssettm $0x7FFFFFFF  }
tec
execute0_lowered:
.L_overlay_start_1:
0x0: {  	(tag) =	ssettag $0x1  }
0x1: {  	s0 =	rddreg [dreg:$0x0];
	_ =	strace $0x8000005C;
	s1 =	simm.s32 $0x1  }
0x2: {  	s8 =	simm.s32 $0x88;
	v0 =	vimm.s32 $0x0;
	[sflag:s1] =	ssyncpa.u1 $0x0  }
0x3: {  	[tilespmem:s8+$0x30] =	vst v0  }
0x4: {  	s1 =	sadd.s32 $0xC8800, s0;
	s3 =	sadd.s32 $0x2E00, s0;
	[tilespmem:s8+$0x20] =	vst v0  }
0x5: {  	s4 =	sadd.s32 $0x5200, s0;
	s5 =	sadd.s32 $0x746A00, s0;
	s0 =	simm.s32 $0x40;
	[tilespmem:s8+$0x10] =	vst v0  }
.LBB2_1:
0x6: {  	s0 =	sadd.s32 $0x40, s0  }
0x7: {  	[tilespmem:s8+$0x0] =	vst v0;
	s8 =	sadd.s32 $0x40, s8;
	p0 =	slt.u32 s0, $0x5040  }
.Ltmp0:
0x8: {  	(pc) =	sbr.rel @p0 .LBB2_1-.Ltmp0, $4  }
0x9: {  	_ = 	snop  }
0xa: {  	[tilespmem:s8+$0x30] =	vst v0  }
0xb: {  	[tilespmem:s8+$0x20] =	vst v0  }
0xc: {  	[tilespmem:s8+$0x10] =	vst v0  }
0xd: {  	s9 =	stileid.u32  }
0xe: {  	s0 =	smul.u32 $0x9, s9  }
0xf: {  	s2 =	smin.u32 s9, $0xD  }
0x10: {  	s0 =	sadd.s32 s2, s0  }
0x11: {  	p0 =	slt.u32 s9, $0xD;
	s6 =	smul.u32 $0x140, s0;
	s0 =	simm.s32 $0xC80  }
0x12: {  	s0 =	simm.s32 @!p0 $0xB40  }
0x13: {  	s0 =	sadd.s32 s0, s6  }
0x14: {  	s7 =	smin.u32 s0, $0xC350  }
0x15: {  	s0 =	ssub.s32 s7, s6  }
0x16: {  	p0 =	sgt.s32 s0, $0x0  }
0x17: {  	s0 =	simm.s32 @!p0 $0x0  }
0x18: {  	s29 =	simm.s32 $0x2;
	s10 =	simm.s32 $0x7;
	s28 =	smul.u32 $0xCCCD, s0  }
0x19: {  	s31 =	simm.s32 $0x8;
	s11 =	simm.s32 $0x1;
	s15 =	simm.s32 $0x0  }
0x1a: {  	p1 =	por $0x0, $0x0;
	s16 =	simm.s32 $0xA;
	s2 =	sshrl.u32 s28, $0x18  }
0x1b: {  	s20 =	simm.s32 $0x0;
	s17 =	simm.s32 $0x0;
	s30 =	smul.u32 $0x140, s2  }
.Ltmp1:
0x1c: {  	[tilespmem:s8+$0x0] =	vst v0;
	v0 =	vimm.s32 $0xFFFFFFFF;
	s19 =	simm.s32 $0x0;
	[sflag:s29] =	ssyncpa.u1 $0x0;
	(pc) =	sbr.rel .LBB2_3-.Ltmp1, $4  }
0x1d: {  	[tilespmem:$0xA108] =	vst v0;
	[sflag:s10] =	ssyncpa.u1 $0x0;
	p0 =	sne.s32 s0, s30;
	s0 =	simm.s32 $0x1  }
0x1e: {  	s10 =	simm.s32 $0x9;
	[sflag:s31] =	ssyncpa.u1 $0x0;
	s0 =	simm.s32 @!p0 $0x0  }
0x1f: {  	s13 =	sshll.u32 s9, $0x7;
	[sflag:s10] =	ssyncpa.u1 $0x0;
	s12 =	sadd.s32 s2, s0  }
0x20: {  	v0 =	vlaneseq.u32;
	s18 =	smov.u32 s6;
	p0 =	por $0x1, $0x1;
	s14 =	sadd.s32 $0x1, s12  }
.LBB2_24:
0x21: {  	s0 =	sshrl.u32 s29, $0x2  }
.LBB2_26:
0x22: {  	_ =	swait.ge [sflag:s16], s0  }
0x23: {  	s31 =	ssub.s32 $0x0, s0;
	v1 =	vmov s22;
	vm0 =	veq.s32 v0, $0x0;
	[sflag:s16] =	ssyncset.done $0x0  }
0x24: {  	vm15 =	veq.s32 v0, $0x2;
	v1 =	vsel vm0, s28, v1;
	[sflag:s16] =	ssyncadd.s32 s31  }
0x25: {  	v1 =	vsel vm15, s20, v1;
	[sflag:s16] =	ssyncpa.u1 $0x1  }
0x26: {  	[tilespmem:$0xA108] =	vst v1  }
.LBB2_27:
0x27: {  	s0 =	sadd.s32 $0x140, s18  }
0x28: {  	s2 =	smov.u32 s6;
	p2 =	slt.s32 s0, s7  }
0x29: {  	s2 =	smov.u32 @p2 s0;
	p2 =	sne.s32 s19, s14  }
.Ltmp2:
0x2a: {  	_ = 	snop;
	(pc) =	sbr.rel @!p2 .LBB2_28-.Ltmp2, $4  }
0x2b: {  	_ = 	snop  }
0x2c: {  	s20 =	smov.u32 s17  }
0x2d: {  	s31 =	sadd.s32 $0x1, s19;
	s17 =	smov.u32 s18;
	p0 =	por !p0, !p0  }
0x2e: {  	p1 =	por !p1, !p1;
	s19 =	smov.u32 s31;
	s18 =	smov.u32 s2  }
.LBB2_3:
0x2f: {  	p2 =	sge.u32 s19, s12  }
0x30: {  	s0 =	smulhi.u32 @!p2 $0xAAAAAAAB, s19  }
0x31: {  	s2 =	smov.u32 s18;
	p3 =	sgt.s32 @!p2 s18, $0xC210  }
0x32: {  	s8 =	sshra.s32 @!p2 s18, $0x1F;
	p3 =	por !p3, p2;
	s0 =	sshrl.u32 @!p2 s0, $0x1  }
0x33: {  	s8 =	sand.u32 @!p2 s8, s18;
	s2 =	simm.s32 @p3 $0xC210;
	s0 =	smul.u32 @!p2 $0x3, s0  }
0x34: {  	s2 =	ssub.s32 @!p2 s2, s8  }
0x35: {  	s22 =	sadd.s32 $0xFFFFFFFF, s19;
	s2 =	sadd.s32 @!p2 $0xFFFF3DF0, s2;
	s0 =	ssub.s32 @!p2 s19, s0  }
0x36: {  	s8 =	sshll.u32 @!p2 s2, $0x2;
	p3 =	sgt.s32 @!p2 s2, $0x13F;
	s0 =	smul.u32 @!p2 $0x500, s0  }
0x37: {  	s21 =	sand.u32 @!p2 $0x7, s18;
	s2 =	ssub.s32 @!p2 $0x500, s8;
	p3 =	por !p3, p2  }
0x38: {  	s8 =	sshrl.u32 @!p2 s18, $0x3;
	s2 =	sshrl.u32 @!p2 s2, $0x2;
	s0 =	sshrl.u32 @!p2 s0, $0x2  }
0x39: {  	s8 =	sadd.s32 @!p2 s5, s8;
	s2 =	simm.s32 @!p3 $0x0;
	s0 =	sadd.s32 @!p2 $0xA938, s0  }
0x3a: {  	[tilespmem:s0], [sflag:$0x8] =	stream.linear.gather @!p2 [hbm4b:s8+s21], s2, $0x38;
	[tilespmem:$0x1EF78] =	vst v63  }
0x3b: {  	p2 =	sge.u32 s22, s12  }
0x3c: {  	p3 =	sgt.s32 @!p2 s17, $0xC210  }
0x3d: {  	s0 =	smov.u32 s17;
	s2 =	sshra.s32 @!p2 s17, $0x1F;
	p3 =	por !p3, p2  }
0x3e: {  	s2 =	sand.u32 @!p2 s2, s17;
	s0 =	simm.s32 @p3 $0xC210  }
0x3f: {  	s0 =	ssub.s32 @!p2 s0, s2  }
0x40: {  	s0 =	sadd.s32 @!p2 $0xFFFF3DF0, s0  }
0x41: {  	s2 =	sshll.u32 @!p2 s0, $0x2  }
0x42: {  	p3 =	sgt.s32 @!p2 s0, $0x13F;
	s0 =	ssub.s32 @!p2 $0x500, s2  }
0x43: {  	p3 =	por !p3, p2;
	s0 =	sshrl.u32 @!p2 s0, $0x2  }
0x44: {  	s8 =	simm.s32 @!p2 $0x8;
	s2 =	sand.u32 @!p2 $0x1, s22;
	s0 =	simm.s32 @!p3 $0x0  }
0x45: {  	s2 =	smul.u32 @!p2 $0x500, s2;
	_ =	swait.ge @!p2 [sflag:s8], s0  }
0x46: {  	s21 =	ssub.s32 @!p2 $0x0, s0;
	[sflag:s8] =	ssyncset.done @!p2 $0x0  }
0x47: {  	s2 =	sshrl.u32 @!p2 s2, $0x2;
	[sflag:s8] =	ssyncadd.s32 @!p2 s21;
	s8 =	sshrl.u32 @!p2 s17, $0x3  }
0x48: {  	s2 =	sadd.s32 @!p2 $0xACF8, s2;
	s21 =	sand.u32 @!p2 $0x7, s17;
	s8 =	sadd.s32 @!p2 s3, s8  }
0x49: {  	[tilespmem:s2], [sflag:$0x9] =	stream.linear.gather @!p2 [hbm4b:s8+s21], s0, $0x38;
	[tilespmem:$0x1EF78] =	vst v63  }
0x4a: {  	s21 =	ssub.s32 @!p2 $0xC350, s17  }
0x4b: {  	p3 =	slt.s32 @!p2 s21, $0x1  }
0x4c: {  	p3 =	por p2, p3  }
.Ltmp3:
0x4d: {  	_ = 	snop;
	(pc) =	sbr.rel @p3 .LBB2_9-.Ltmp3, $1  }
0x4e: {  	_ =	sdelay $0x3  }
0x4f: {  	s0 =	smulhi.u32 $0xAAAAAAAB, s22;
	_ =	sdelay $0x1  }
0x50: {  	s0 =	sshrl.u32 s0, $0x1  }
0x51: {  	s0 =	smul.u32 $0x3, s0;
	_ =	sdelay $0x1  }
0x52: {  	s0 =	ssub.s32 s22, s0  }
0x53: {  	s2 =	simm.s32 $0x1;
	s0 =	smul.u32 $0x500, s0  }
.Ltmp4:
0x54: {  	s2 =	simm.s32 @!p0 $0x0;
	(pc) =	sbr.rel .LBB2_6-.Ltmp4, $4  }
0x55: {  	s2 =	smul.u32 $0x28000, s2  }
0x56: {  	p3 =	slt.s32 @!p2 s21, $0x140;
	s0 =	sshrl.u32 s0, $0x2  }
0x57: {  	p2 =	por !p3, p2;
	s2 =	sshrl.u32 s2, $0x2;
	s0 =	sadd.s32 $0xA938, s0  }
0x58: {  	s23 =	simm.s32 $0x0;
	s21 =	simm.s32 @p2 $0x140;
	s22 =	sadd.s32 $0xAF78, s2;
	v1 =	vmov s0  }
.LBB2_5:
0x59: {  	p2 =	sge.s32 s23, s21  }
.Ltmp5:
0x5a: {  	_ = 	snop;
	(pc) =	sbr.rel @p2 .LBB2_9-.Ltmp5, $2  }
0x5b: {  	_ =	sdelay $0x2  }
0x5c: {  	s22 =	sadd.s32 $0x800, s22  }
.LBB2_6:
0x5d: {  	p2 =	sle.s32 s21, s23  }
.Ltmp6:
0x5e: {  	_ = 	snop;
	(pc) =	sbr.rel @p2 .LBB2_5-.Ltmp6, $2  }
0x5f: {  	_ =	sdelay $0x2  }
0x60: {  	s24 =	smov.u32 s23;
	s23 =	sadd.s32 $0x10, s23  }
0x61: {  	s0 =	ssub.s32 s21, s24  }
0x62: {  	p2 =	slt.s32 s0, $0x10  }
0x63: {  	s0 =	simm.s32 @!p2 $0x10  }
0x64: {  	v2 =	vmov s0  }
0x65: {  	vm0 =	vgt.s32 v2, v0;
	_ =	sdelay $0x5  }
0x66: {  	v2 =	vld.idx.msk [tilespmem:v1+s24+$0x0 ss:$0x1], vm0;
	_ =	sdelay $0x2  }
0x67: {  	p2 =	slt.s32 s23, s21;
	s0 =	smov.u32 s21  }
0x68: {  	s2 =	smov.u32 s22;
	s25 =	simm.s32 $0x0;
	s0 =	smov.u32 @p2 s23  }
.LBB2_8:
0x69: {  	(v2sf) =	vpush v2, s25;
	_ =	sdelay $0xc  }
0x6a: {  	s25 =	sadd.s32 $0x1, s25  }
0x6b: {  	s31 =	sadd.s32 s25, s24  }
0x6c: {  	p2 =	slt.s32 s31, s0;
	s8 =	spop (v2sf)  }
.Ltmp7:
0x6d: {  	s8 =	sshll.u32 s8, $0x4;
	(pc) =	sbr.rel @p2 .LBB2_8-.Ltmp7, $4  }
0x6e: {  	s8 =	sand.u32 $0x1FFFFFF0, s8  }
0x6f: {  	s8 =	sadd.s32 s4, s8  }
0x70: {  	[tilespmem:s2], [sflag:$0x7] =	stream.linear.gather [hbm4b:s8+s15], $0x40, $0x38;
	[tilespmem:$0x1EF78] =	vst v63  }
0x71: {  	s2 =	sadd.s32 $0x80, s2  }
.Ltmp8:
0x72: {  	_ = 	snop;
	(pc) =	sbr.rel .LBB2_5-.Ltmp8, $1  }
0x73: {  	_ =	sdelay $0x3  }
.LBB2_9:
0x74: {  	p2 =	slt.u32 s19, $0x2  }
.Ltmp9:
0x75: {  	_ = 	snop;
	(pc) =	sbr.rel @p2 .LBB2_27-.Ltmp9, $1  }
0x76: {  	_ =	sdelay $0x3  }
0x77: {  	p2 =	sgt.s32 s20, $0xC210;
	s0 =	smov.u32 s20  }
0x78: {  	s2 =	sshra.s32 s20, $0x1F;
	s8 =	ssub.s32 $0xC350, s20;
	s0 =	simm.s32 @!p2 $0xC210  }
0x79: {  	s2 =	sand.u32 s2, s20;
	p2 =	slt.s32 s8, $0x140;
	s21 =	smov.u32 s8  }
0x7a: {  	s0 =	ssub.s32 s0, s2;
	s21 =	simm.s32 @!p2 $0x140  }
0x7b: {  	s0 =	sadd.s32 $0xFFFF3DF0, s0;
	s26 =	sshll.u32 s21, $0x6  }
0x7c: {  	s9 =	simm.s32 $0x7;
	s29 =	sshll.u32 s0, $0x2;
	s2 =	sand.u32 $0x3FFFFFC0, s26  }
0x7d: {  	p2 =	sgt.s32 s0, $0x13F;
	s30 =	ssub.s32 $0x500, s29;
	_ =	swait.ge [sflag:s9], s2  }
0x7e: {  	s2 =	ssub.s32 $0x0, s2;
	[sflag:s9] =	ssyncset.done $0x0;
	s0 =	sshrl.u32 s30, $0x2  }
0x7f: {  	[sflag:s9] =	ssyncadd.s32 s2;
	s0 =	simm.s32 @p2 $0x0  }
0x80: {  	_ =	swait.ge [sflag:s10], s0  }
0x81: {  	s0 =	ssub.s32 $0x0, s0;
	[sflag:s10] =	ssyncset.done $0x0  }
0x82: {  	[sflag:s10] =	ssyncadd.s32 s0  }
0x83: {  	v1 =	vld [tilespmem:$0xA108];
	_ =	sdelay $0x4  }
0x84: {  	(v2sf) =	vpush v1, $0x0  }
0x85: {  	(v2sf) =	vpush v1, $0x1  }
0x86: {  	(v2sf) =	vpush v1, $0x2;
	_ =	sdelay $0x3  }
0x87: {  	s0 =	sadd.s32 $0x140, s20  }
0x88: {  	p2 =	slt.s32 s7, s0  }
0x89: {  	s0 =	smov.u32 @p2 s7;
	p2 =	sgt.s32 s8, $0x0  }
0x8a: {  	s24 =	ssub.s32 s0, s20;
	s8 =	simm.s32 @!p2 $0x0  }
0x8b: {  	p2 =	slt.s32 s8, s24  }
0x8c: {  	s24 =	smov.u32 @p2 s8  }
0x8d: {  	s23 =	simm.s32 $0x1;
	p2 =	slt.s32 s24, $0x1  }
.Ltmp10:
0x8e: {  	s23 =	simm.s32 @!p1 $0x0;
	(pc) =	sbr.rel @p2 .LBB2_14-.Ltmp10, $4  }
0x8f: {  	s31 =	smul.u32 $0x500, s23  }
0x90: {  	s25 =	spop (v2sf)  }
0x91: {  	s0 =	sshrl.u32 s31, $0x2;
	s28 =	spop (v2sf)  }
0x92: {  	s21 =	sadd.s32 $0xACF8, s0;
	s20 =	spop (v2sf)  }
0x93: {  	s0 =	smin.u32 s24, $0x10  }
0x94: {  	v1 =	vmov s0  }
0x95: {  	p3 =	sgt.s32 s24, $0x10;
	vm1 =	vgt.u32 v1, v0  }
.Ltmp11:
0x96: {  	_ = 	snop;
	(pc) =	sbr.rel @!p3 .LBB2_13-.Ltmp11, $2  }
0x97: {  	_ =	sdelay $0x2  }
0x98: {  	s26 =	simm.s32 $0x10;
	s29 =	sadd.s32 $0xFFFFFFF0, s24;
	s22 =	smov.u32 s21;
	vm0 =	vmmov vm1  }
.LBB2_12:
0x99: {  	s0 =	smin.u32 s29, $0x10;
	s26 =	sadd.s32 $0x10, s26;
	v1 =	vld.msk [tilespmem:s22+$0x0 ss:$0x1], vm1  }
0x9a: {  	v2 =	vmov s0;
	p3 =	slt.s32 s26, s24  }
0x9b: {  	vm1 =	vgt.u32 v2, v0  }
.Ltmp12:
0x9c: {  	(pc) =	sbr.rel @p3 .LBB2_12-.Ltmp12, $3  }
0x9d: {  	_ =	sdelay $0x1  }
0x9e: {  	v1 =	vshll.u32 v1, $0x4  }
0x9f: {  	s29 =	sadd.s32 $0xFFFFFFF0, s29;
	[tilespmem:s22+$0x0] =	vst.msk vm0, v1;
	s22 =	sadd.s32 $0x10, s22;
	vm0 =	vmmov vm1  }
.LBB2_13:
0xa0: {  	_ =	sdelay $0x4  }
0xa1: {  	v1 =	vld.msk [tilespmem:s22+$0x0 ss:$0x1], vm1;
	_ =	sdelay $0x4  }
0xa2: {  	v1 =	vshll.u32 v1, $0x4  }
0xa3: {  	[tilespmem:s22+$0x0] =	vst.msk vm0, v1  }
.LBB2_14:
0xa4: {  	s0 =	sand.u32 $0x1, s19  }
0xa5: {  	s0 =	smul.u32 $0x140, s0  }
0xa6: {  	p3 =	sne.s32 s28, $0xFFFFFFFF  }
0xa7: {  	v1 =	vld.msk @!p3 [tilespmem:s0+$0xACF8], $0x1;
	_ =	sdelay $0x4  }
0xa8: {  	(v2sf) =	vpush @!p3 v1, $0x0;
	_ =	sdelay $0xc  }
.Ltmp13:
0xa9: {  	_ = 	snop;
	(pc) =	sbr.rel @p2 .LBB2_25-.Ltmp13, $4  }
0xaa: {  	_ = 	snop  }
0xab: {  	s26 =	spop @!p3 (v2sf)  }
0xac: {  	s20 =	simm.s32 @!p3 $0x0;
	s22 =	smov.u32 s26  }
0xad: {  	[sflag:s16] =	ssyncpa.u1 $0x0;
	s26 =	smov.u32 @p3 s25;
	s22 =	smov.u32 @p3 s28  }
0xae: {  	v1 =	vld.msk [tilespmem:s21+$0x0], $0x1;
	_ =	sdelay $0x4  }
0xaf: {  	(v2sf) =	vpush v1, $0x0;
	_ =	sdelay $0xe  }
0xb0: {  	s0 =	smul.u32 $0x28000, s23;
	s30 =	spop (v2sf)  }
0xb1: {  	s24 =	ssub.s32 $0x0, s24;
	p2 =	seq.s32 s26, s30  }
0xb2: {  	s28 =	sadd.s32 $0x1, s24;
	s0 =	sshrl.u32 s0, $0x2;
	p3 =	sgt.s32 @!p2 s26, $0x0  }
0xb3: {  	s23 =	sadd.s32 $0xAF98, s0;
	s0 =	smov.u32 s26;
	p3 =	por !p3, p2  }
0xb4: {  	s0 =	simm.s32 @p3 $0x0;
	p3 =	seq.s32 s28, $0x0  }
.Ltmp14:
0xb5: {  	_ = 	snop;
	(pc) =	sbr.rel @p3 .LBB2_17-.Ltmp14, $4  }
0xb6: {  	_ = 	snop  }
0xb7: {  	s25 =	simm.s32 $0x0;
	s31 =	simm.s32 @!p2 $0x1;
	s2 =	smin.u32 @!p2 s0, $0xFF8  }
0xb8: {  	s29 =	sadd.s32 $0x1, s21;
	s31 =	smov.u32 @p2 s25;
	s8 =	sand.u32 @!p2 $0xFF8, s2  }
0xb9: {  	s0 =	simm.s32 @!p2 $0x50C8;
	s2 =	sand.u32 @!p2 $0x7, s2;
	s8 =	sadd.s32 @!p2 s1, s8  }
.LBB2_16:
0xba: {  	s9 =	smov.u32 s31  }
0xbb: {  	[tilespmem:s0], [sflag:$0x2] =	stream.linear.gather @!p2 [hbm4b:s8+s2], $0x40, $0x38;
	[tilespmem:$0x1EF78] =	vst v63  }
0xbc: {  	s28 =	sadd.s32 $0x1, s28;
	s2 =	smov.u32 s30;
	v1 =	vld.msk [tilespmem:s29+$0x0], $0x1  }
0xbd: {  	p3 =	seq.s32 s28, $0x0;
	_ =	sdelay $0x3  }
0xbe: {  	(v2sf) =	vpush v1, $0x0;
	_ =	sdelay $0xe  }
0xbf: {  	s30 =	spop (v2sf)  }
0xc0: {  	p2 =	seq.s32 s2, s30  }
0xc1: {  	p4 =	sgt.s32 @!p2 s2, $0x0;
	s0 =	sshll.u32 @!p2 s31, $0x8;
	s31 =	sadd.s32 @!p2 $0x1, s31  }
.Ltmp15:
0xc2: {  	p4 =	por !p4, p2;
	s0 =	sshra.s32 @!p2 s0, $0x2;
	(pc) =	sbr.rel @!p3 .LBB2_16-.Ltmp15, $4  }
0xc3: {  	s31 =	smov.u32 @p2 s9;
	s2 =	simm.s32 @p4 $0x0;
	s0 =	sadd.s32 @!p2 $0x50C8, s0  }
0xc4: {  	s2 =	smin.u32 @!p2 s2, $0xFF8  }
0xc5: {  	s8 =	sand.u32 @!p2 $0xFF8, s2;
	s2 =	sand.u32 @!p2 $0x7, s2  }
0xc6: {  	s29 =	sadd.s32 $0x1, s29;
	s8 =	sadd.s32 @!p2 s1, s8  }
.LBB2_17:
0xc7: {  	[tilespmem:s0], [sflag:$0x2] =	stream.linear.gather @!p2 [hbm4b:s8+s2], $0x40, $0x38;
	[tilespmem:$0x1EF78] =	vst v63  }
.Ltmp16:
0xc8: {  	s30 =	sshll.u32 s31, $0x6;
	(pc) =	sbr.rel .LBB2_18-.Ltmp16, $4  }
0xc9: {  	s31 =	simm.s32 $0x2;
	s0 =	sand.u32 $0x3FFFFFC0, s30  }
0xca: {  	_ =	swait.ge [sflag:s31], s0  }
0xcb: {  	s0 =	ssub.s32 $0x0, s0;
	[sflag:s31] =	ssyncset.done $0x0  }
0xcc: {  	s29 =	simm.s32 $0x0;
	[sflag:s31] =	ssyncadd.s32 s0  }
.LBB2_19:
0xcd: {  	v1 =	vld [tilespmem:s23+$0xFFFFFFE0];
	_ =	sdelay $0x4  }
0xce: {  	[tilespmem:s30+$0x88] =	vst.add.f32.msk $0xffff, v1  }
0xcf: {  	v1 =	vld [tilespmem:s23+$0xFFFFFFF0];
	_ =	sdelay $0x4  }
0xd0: {  	[tilespmem:s30+$0x98] =	vst.add.f32.msk $0xffff, v1  }
0xd1: {  	v1 =	vld [tilespmem:s23+$0x0];
	_ =	sdelay $0x4  }
0xd2: {  	[tilespmem:s30+$0xA8] =	vst.add.f32.msk $0xffff, v1  }
0xd3: {  	v1 =	vld [tilespmem:s23+$0x10];
	_ =	sdelay $0x4  }
0xd4: {  	[tilespmem:s30+$0xB8] =	vst.add.f32.msk $0xffff, v1  }
.LBB2_23:
0xd5: {  	s24 =	sadd.s32 $0x1, s24  }
0xd6: {  	p2 =	seq.s32 s24, $0x0  }
.Ltmp17:
0xd7: {  	_ = 	snop;
	(pc) =	sbr.rel @p2 .LBB2_24-.Ltmp17, $2  }
0xd8: {  	_ =	sdelay $0x2  }
0xd9: {  	s23 =	sadd.s32 $0x80, s23;
	s21 =	sadd.s32 $0x1, s21;
	s26 =	smov.u32 s28  }
.LBB2_18:
0xda: {  	v1 =	vld.msk [tilespmem:s21+$0x0], $0x1;
	_ =	sdelay $0x4  }
0xdb: {  	(v2sf) =	vpush v1, $0x0;
	_ =	sdelay $0xe  }
0xdc: {  	s28 =	spop (v2sf)  }
0xdd: {  	p2 =	sne.s32 s26, s28  }
.Ltmp18:
0xde: {  	_ = 	snop;
	(pc) =	sbr.rel @!p2 .LBB2_19-.Ltmp18, $3  }
0xdf: {  	_ =	sdelay $0x1  }
0xe0: {  	s0 =	sshll.u32 s20, $0x8  }
0xe1: {  	s30 =	sshra.s32 s0, $0x2  }
0xe2: {  	p2 =	seq.s32 s26, s22  }
.Ltmp19:
0xe3: {  	_ = 	snop;
	(pc) =	sbr.rel @!p2 .LBB2_21-.Ltmp19, $1  }
0xe4: {  	_ =	sdelay $0x3  }
.Ltmp20:
0xe5: {  	s0 =	sadd.s32 $0x88, s30;
	(pc) =	sbr.rel .LBB2_22-.Ltmp20, $4  }
0xe6: {  	[spmem:s13] =	stream.linear.scatter [tilespmem:s0], [sflag:$0x1], $0x40, $0x38;
	[tilespmem:$0x1EF78] =	vst v63  }
0xe7: {  	_ =	swait.ge [sflag:s11], $0x40  }
0xe8: {  	[sflag:s11] =	ssyncset.done $0x0  }
0xe9: {  	[sflag:s11] =	ssyncadd.s32 $0xFFFFFFC0  }
.LBB2_21:
0xea: {  	s0 =	sshll.u32 s25, $0x8  }
0xeb: {  	s0 =	sshra.s32 s0, $0x2  }
0xec: {  	v1 =	vld [tilespmem:s0+$0x50C8];
	_ =	sdelay $0x4  }
0xed: {  	[tilespmem:s30+$0x88] =	vst.add.f32.msk $0xffff, v1  }
0xee: {  	v1 =	vld [tilespmem:s0+$0x50D8];
	_ =	sdelay $0x4  }
0xef: {  	[tilespmem:s30+$0x98] =	vst.add.f32.msk $0xffff, v1  }
0xf0: {  	v1 =	vld [tilespmem:s0+$0x50E8];
	_ =	sdelay $0x4  }
0xf1: {  	[tilespmem:s30+$0xA8] =	vst.add.f32.msk $0xffff, v1  }
0xf2: {  	v1 =	vld [tilespmem:s0+$0x50F8];
	_ =	sdelay $0x2  }
0xf3: {  	p2 =	sgt.u32 s26, $0xFF8  }
0xf4: {  	s0 =	sand.u32 @!p2 $0xFF8, s26  }
0xf5: {  	s2 =	sadd.s32 $0x88, s30;
	s8 =	sand.u32 @!p2 $0x7, s26;
	s0 =	sadd.s32 @!p2 s1, s0;
	[tilespmem:s30+$0xB8] =	vst.add.f32.msk $0xffff, v1  }
0xf6: {  	[hbm4b:s0+s8] =	stream.linear.scatter @!p2 [tilespmem:s2], [sflag:$0xA], $0x40, $0x38;
	[tilespmem:$0x1EF78] =	vst v63  }
0xf7: {  	s0 =	simm.s32 $0x0  }
0xf8: {  	s0 =	simm.s32 @!p2 $0x100  }
0xf9: {  	s29 =	sadd.s32 s0, s29  }
.LBB2_22:
0xfa: {  	s0 =	sadd.s32 $0x1, s20  }
0xfb: {  	s2 =	smulhi.u32 $0xCCCCCCCD, s0;
	_ =	sdelay $0x1  }
0xfc: {  	v1 =	vld [tilespmem:s23+$0xFFFFFFE0];
	s2 =	sshrl.u32 s2, $0x8  }
0xfd: {  	s2 =	smul.u32 $0x140, s2;
	_ =	sdelay $0x1  }
0xfe: {  	s20 =	ssub.s32 s0, s2  }
0xff: {  	s0 =	sshll.u32 s20, $0x6  }
0x100: {  	[tilespmem:s0+$0x88] =	vst v1  }
0x101: {  	v1 =	vld [tilespmem:s23+$0xFFFFFFF0];
	_ =	sdelay $0x4  }
0x102: {  	[tilespmem:s0+$0x98] =	vst v1  }
0x103: {  	v1 =	vld [tilespmem:s23+$0x0];
	_ =	sdelay $0x4  }
0x104: {  	[tilespmem:s0+$0xA8] =	vst v1  }
0x105: {  	v1 =	vld [tilespmem:s23+$0x10]  }
.Ltmp21:
0x106: {  	_ = 	snop;
	(pc) =	sbr.rel .LBB2_23-.Ltmp21, $2  }
0x107: {  	_ =	sdelay $0x2  }
0x108: {  	s25 =	sadd.s32 $0x1, s25;
	[tilespmem:s0+$0xB8] =	vst v1  }
.LBB2_25:
.Ltmp22:
0x109: {  	(pc) =	sbr.rel .LBB2_26-.Ltmp22, $4  }
0x10a: {  	_ = 	snop  }
0x10b: {  	s0 =	simm.s32 $0x2  }
0x10c: {  	_ =	swait.ge [sflag:s0], $0x0  }
0x10d: {  	s28 =	smov.u32 s26;
	[sflag:s0] =	ssyncset.done $0x0;
	s0 =	simm.s32 $0x0  }
.LBB2_28:
0x10e: {  	_ =	sfence.sel $0x180000  }
0x10f: {  	s0 =	simm.s32 $0x7;
	[bflag:$0x0] =	sbarrier.arrive $0xFFFF  }
0x110: {  	s25 =	simm.s32 $0x8;
	[sflag:s0] =	ssyncpa.u1 $0x1  }
0x111: {  	s26 =	simm.s32 $0x9;
	[sflag:s25] =	ssyncpa.u1 $0x1  }
0x112: {  	s28 =	simm.s32 $0x2;
	[sflag:s26] =	ssyncpa.u1 $0x1  }
0x113: {  	[sflag:s28] =	ssyncpa.u1 $0x1  }
0x114: {  	v0 =	vld [tilespmem:$0xA108];
	_ =	sdelay $0x4  }
0x115: {  	(v2sf) =	vpush v0, $0x0  }
0x116: {  	(v2sf) =	vpush v0, $0x1;
	_ =	sdelay $0x1  }
0x117: {  	(v2sf) =	vpush v0, $0x2;
	_ =	sdelay $0xb  }
0x118: {  	s0 =	spop (v2sf)  }
0x119: {  	s2 =	spop (v2sf)  }
0x11a: {  	s3 =	smov.u32 s0;
	p0 =	sne.s32 s0, s2  }
0x11b: {  	s4 =	spop (v2sf);
	s3 =	simm.s32 @!p0 $0xFFFFFFFF  }
0x11c: {  	v2 =	vimm.s32 $0x1;
	v3 =	vlaneseq.u32;
	p0 =	seq.s32 s4, $0xFFFFFFFF;
	v1 =	vmov s3  }
0x11d: {  	s7 =	stileid.u32;
	v0 =	vperm.xlane v0, v2;
	p1 =	sne.s32 @!p0 s0, s2;
	v1 =	vperm.xlane v1, v3  }
0x11e: {  	vm0 =	vcmask $0x3F04;
	s6 =	simm.s32 $0xA108;
	s0 =	simm.s32 @!p0 $0x1;
	p1 =	por !p1, p0  }
0x11f: {  	s3 =	sshll.u32 s7, $0x1;
	s2 =	sshll.u32 @!p0 s4, $0x8;
	s0 =	simm.s32 @p1 $0x0;
	v0 =	vsel vm0, v1, v0  }
0x120: {  	s5 =	sor.u32 $0x800, s3;
	s2 =	sshra.s32 @!p0 s2, $0x2;
	s0 =	sor.u32 @!p0 s0, s3;
	[tilespmem:$0xA108] =	vst v0  }
0x121: {  	[spmem:s5] =	stream.linear.scatter [tilespmem:s6], [sflag:$0x1], $0x2, $0x38;
	[tilespmem:$0x1EF78] =	vst v63  }
0x122: {  	s2 =	sadd.s32 @!p0 $0x88, s2;
	s0 =	sshll.u32 @!p0 s0, $0x6  }
0x123: {  	[spmem:s0] =	stream.linear.scatter @!p0 [tilespmem:s2], [sflag:$0x1], $0x40, $0x38;
	[tilespmem:$0x1EF78] =	vst v63  }
0x124: {  	s2 =	simm.s32 @!p0 $0x42  }
0x125: {  	s0 =	simm.s32 $0x1;
	s2 =	simm.s32 @p0 $0x2  }
0x126: {  	_ =	swait.ge [sflag:s0], s2  }
0x127: {  	s2 =	ssub.s32 $0x0, s2;
	[sflag:s0] =	ssyncset.done $0x0  }
0x128: {  	[sflag:s0] =	ssyncadd.s32 s2  }
0x129: {  	_ =	sfence.stream.spmem  }
0x12a: {  	s29 =	simm.s32 $0x3;
	[bflag:$0x0] =	sbarrier.arrive $0xFFFF  }
0x12b: {  	s30 =	simm.s32 $0x4;
	[sflag:s29] =	ssyncpa.u1 $0x1  }
0x12c: {  	s31 =	simm.s32 $0x3C;
	[sflag:s30] =	ssyncpa.u1 $0x1  }
0x12d: {  	p0 =	sne.s32 s7, $0x0;
	[sflag:s31] =	ssyncpa.u1 $0x1  }
0x12e: {  	_ =	sfence @p0  }
0x12f: {  	[sflag:s0] =	ssyncpa.u1 @p0 $0x1  }
0x130: {  	_ =	strace @p0 $0x9000005C  }
0x131: {  	[bflag:$0x2] =	sbarrier.arrive @p0 $0xFFFF  }
0x132: {  	_ =	shalt @p0  }
.LBB2_29:
0x133: {  	_ =	sfence.stream.spmem;
	s0 =	simm.s32 $0x5  }
0x134: {  	s2 =	simm.s32 $0x800;
	s3 =	simm.s32 $0xA118;
	[sflag:s0] =	ssyncpa.u1 $0x0  }
0x135: {  	[tilespmem:s3], [sflag:$0x5] =	stream.linear.gather [spmem:s2], $0x20, $0x38;
	[tilespmem:$0x1EF78] =	vst v63  }
0x136: {  	s30 =	simm.s32 $0xA138;
	s2 =	simm.s32 $0x0  }
0x137: {  	[tilespmem:s30], [sflag:$0x5] =	stream.linear.gather [spmem:s2], $0x800, $0x38;
	[tilespmem:$0x1EF78] =	vst v63  }
.Ltmp23:
0x138: {  	_ = 	snop;
	(pc) =	sbr.rel .LBB2_30-.Ltmp23, $4  }
0x139: {  	_ =	swait.ge [sflag:s0], $0x820  }
0x13a: {  	[sflag:s0] =	ssyncset.done $0x0  }
0x13b: {  	s31 =	simm.s32 $0x6;
	[sflag:s0] =	ssyncadd.s32 $0xFFFFF7E0  }
0x13c: {  	s3 =	simm.s32 $0x0;
	[sflag:s31] =	ssyncpa.u1 $0x0  }
.LBB2_36:
0x13d: {  	p0 =	slt.u32 s4, $0xFF9  }
0x13e: {  	s0 =	sand.u32 @p0 $0xFF8, s4  }
0x13f: {  	s4 =	sand.u32 @p0 $0x7, s4;
	s5 =	simm.s32 @p0 $0xA0C8;
	s0 =	sadd.s32 @p0 s1, s0  }
0x140: {  	[tilespmem:s5], [sflag:$0x6] =	stream.linear.gather @p0 [hbm4b:s0+s4], $0x40, $0x38;
	[tilespmem:$0x1EF78] =	vst v63  }
0x141: {  	s0 =	simm.s32 @p0 $0x6  }
0x142: {  	_ =	swait.ge @p0 [sflag:s0], $0x40  }
0x143: {  	[sflag:s0] =	ssyncset.done @p0 $0x0  }
0x144: {  	[sflag:s0] =	ssyncadd.s32 @p0 $0xFFFFFFC0  }
0x145: {  	v1 =	vld @p0 [tilespmem:$0xA0C8];
	_ =	sdelay $0x2  }
0x146: {  	s0 =	sshll.u32 @p0 s3, $0x8  }
0x147: {  	s4 =	sshrl.u32 @p0 s0, $0x2  }
0x148: {  	[tilespmem:s4+$0xA138] =	vst.add.f32.msk @p0 $0xffff, v1  }
0x149: {  	v1 =	vld @p0 [tilespmem:$0xA0D8];
	_ =	sdelay $0x4  }
0x14a: {  	[tilespmem:s4+$0xA148] =	vst.add.f32.msk @p0 $0xffff, v1  }
0x14b: {  	v1 =	vld @p0 [tilespmem:$0xA0E8];
	_ =	sdelay $0x4  }
0x14c: {  	[tilespmem:s4+$0xA158] =	vst.add.f32.msk @p0 $0xffff, v1  }
0x14d: {  	v1 =	vld @p0 [tilespmem:$0xA0F8];
	_ =	sdelay $0x3  }
0x14e: {  	s5 =	sshll.u32 @!p0 s3, $0x8  }
0x14f: {  	s5 =	smov.u32 @p0 s0;
	[tilespmem:s4+$0xA168] =	vst.add.f32.msk @p0 $0xffff, v1  }
0x150: {  	s0 =	sshrl.u32 s5, $0x2;
	[tilespmem:s2+$0xA118] =	vst.msk $0x1, v0  }
0x151: {  	v0 =	vld [tilespmem:s0+$0xA138];
	_ =	sdelay $0x2  }
0x152: {  	s31 =	sshll.u32 s2, $0x8  }
0x153: {  	s4 =	sshra.s32 s31, $0x2  }
0x154: {  	[tilespmem:s4+$0xA138] =	vst v0  }
0x155: {  	v0 =	vld [tilespmem:s0+$0xA148];
	_ =	sdelay $0x4  }
0x156: {  	[tilespmem:s4+$0xA148] =	vst v0  }
0x157: {  	v0 =	vld [tilespmem:s0+$0xA158];
	_ =	sdelay $0x4  }
0x158: {  	[tilespmem:s4+$0xA158] =	vst v0  }
0x159: {  	v0 =	vld [tilespmem:s0+$0xA168];
	_ =	sdelay $0x4  }
0x15a: {  	s2 =	sadd.s32 $0x1, s2;
	[tilespmem:s4+$0xA168] =	vst v0  }
.LBB2_37:
0x15b: {  	s3 =	sadd.s32 $0x1, s3  }
0x15c: {  	p0 =	sne.s32 s3, $0x20  }
.Ltmp24:
0x15d: {  	_ = 	snop;
	(pc) =	sbr.rel @!p0 .LBB2_38-.Ltmp24, $1  }
0x15e: {  	_ =	sdelay $0x3  }
.LBB2_30:
0x15f: {  	v0 =	vld.msk [tilespmem:s3+$0xA118], $0x1;
	_ =	sdelay $0x4  }
0x160: {  	(v2sf) =	vpush v0, $0x0;
	_ =	sdelay $0xe  }
0x161: {  	s4 =	spop (v2sf)  }
0x162: {  	p0 =	seq.s32 s4, $0xFFFFFFFF  }
.Ltmp25:
0x163: {  	_ = 	snop;
	(pc) =	sbr.rel @p0 .LBB2_37-.Ltmp25, $1  }
0x164: {  	_ =	sdelay $0x3  }
0x165: {  	p0 =	slt.s32 s2, $0x1  }
.Ltmp26:
0x166: {  	_ = 	snop;
	(pc) =	sbr.rel @p0 .LBB2_36-.Ltmp26, $1  }
0x167: {  	_ =	sdelay $0x3  }
0x168: {  	s5 =	simm.s32 $0xA118;
	p0 =	por $0x0, $0x0  }
0x169: {  	v1 =	vld.msk @!p0 [tilespmem:s5+$0x0], $0x1;
	_ =	sdelay $0x4  }
0x16a: {  	(v2sf) =	vpush @!p0 v1, $0x0;
	_ =	sdelay $0xd  }
0x16b: {  	p2 =	sne.s32 s2, $0x1  }
.Ltmp27:
0x16c: {  	s0 =	spop @!p0 (v2sf);
	(pc) =	sbr.rel @!p2 .LBB2_34-.Ltmp27, $4  }
0x16d: {  	p1 =	seq.s32 @!p0 s4, s0  }
0x16e: {  	s6 =	simm.s32 $0x0;
	p1 =	por !p1, p0  }
0x16f: {  	s0 =	simm.s32 $0xFFFFFFFF;
	s6 =	simm.s32 @p1 $0xFFFFFFFF  }
0x170: {  	s7 =	simm.s32 $0x1;
	s6 =	smov.u32 @p0 s0  }
.LBB2_33:
0x171: {  	s0 =	smov.u32 s6;
	p0 =	sne.s32 s6, $0xFFFFFFFF  }
0x172: {  	s5 =	sadd.s32 $0x1, s5;
	s6 =	smov.u32 s7;
	s7 =	sadd.s32 $0x1, s7  }
0x173: {  	p1 =	sne.s32 s2, s7;
	v1 =	vld.msk @!p0 [tilespmem:s5+$0x0], $0x1;
	_ =	sdelay $0x4  }
0x174: {  	(v2sf) =	vpush @!p0 v1, $0x0;
	_ =	sdelay $0xe  }
.Ltmp28:
0x175: {  	s8 =	spop @!p0 (v2sf);
	(pc) =	sbr.rel @p1 .LBB2_33-.Ltmp28, $4  }
0x176: {  	p2 =	seq.s32 @!p0 s4, s8  }
0x177: {  	p2 =	por !p2, p0  }
0x178: {  	s6 =	simm.s32 @p2 $0xFFFFFFFF  }
0x179: {  	s6 =	smov.u32 @p0 s0  }
.LBB2_34:
0x17a: {  	p0 =	seq.s32 s6, $0xFFFFFFFF  }
.Ltmp29:
0x17b: {  	_ = 	snop;
	(pc) =	sbr.rel @p0 .LBB2_36-.Ltmp29, $1  }
0x17c: {  	_ =	sdelay $0x3  }
0x17d: {  	s0 =	sshll.u32 s3, $0x6  }
0x17e: {  	s0 =	sand.u32 $0x3FFFFFC0, s0  }
0x17f: {  	v0 =	vld [tilespmem:s0+$0xA138];
	_ =	sdelay $0x2  }
0x180: {  	s4 =	sshll.u32 s6, $0x8  }
0x181: {  	s4 =	sshra.s32 s4, $0x2  }
0x182: {  	[tilespmem:s4+$0xA138] =	vst.add.f32.msk $0xffff, v0  }
0x183: {  	v0 =	vld [tilespmem:s0+$0xA148];
	_ =	sdelay $0x4  }
0x184: {  	[tilespmem:s4+$0xA148] =	vst.add.f32.msk $0xffff, v0  }
0x185: {  	v0 =	vld [tilespmem:s0+$0xA158];
	_ =	sdelay $0x4  }
0x186: {  	[tilespmem:s4+$0xA158] =	vst.add.f32.msk $0xffff, v0  }
0x187: {  	v0 =	vld [tilespmem:s0+$0xA168]  }
.Ltmp30:
0x188: {  	_ = 	snop;
	(pc) =	sbr.rel .LBB2_37-.Ltmp30, $2  }
0x189: {  	_ =	sdelay $0x2  }
0x18a: {  	[tilespmem:s4+$0xA168] =	vst.add.f32.msk $0xffff, v0  }
.LBB2_38:
0x18b: {  	p0 =	slt.s32 s2, $0x1  }
.Ltmp31:
0x18c: {  	_ = 	snop;
	(pc) =	sbr.rel @p0 .LBB2_42-.Ltmp31, $3  }
0x18d: {  	_ =	sdelay $0x1  }
0x18e: {  	s0 =	simm.s32 $0x6  }
0x18f: {  	s3 =	simm.s32 $0x0;
	[sflag:s0] =	ssyncpa.u1 $0x1  }
0x190: {  	s0 =	simm.s32 $0xA118  }
0x191: {  	v0 =	vld.msk [tilespmem:s0+$0x0], $0x1;
	_ =	sdelay $0x4  }
0x192: {  	(v2sf) =	vpush v0, $0x0;
	_ =	sdelay $0xe  }
0x193: {  	s2 =	sadd.s32 $0xFFFFFFFF, s2;
	s0 =	spop (v2sf)  }
0x194: {  	p1 =	sne.s32 s2, $0x0;
	p0 =	sgt.u32 s0, $0xFF8  }
.Ltmp32:
0x195: {  	s5 =	sand.u32 @!p0 $0xFF8, s0;
	(pc) =	sbr.rel @!p1 .LBB2_41-.Ltmp32, $4  }
0x196: {  	s4 =	simm.s32 $0xA138;
	s0 =	sand.u32 @!p0 $0x7, s0;
	s5 =	sadd.s32 @!p0 s1, s5  }
0x197: {  	[hbm4b:s5+s0] =	stream.linear.scatter @!p0 [tilespmem:s4], [sflag:$0x5], $0x40, $0x38;
	[tilespmem:$0x1EF78] =	vst v63  }
0x198: {  	s0 =	simm.s32 $0x0  }
0x199: {  	s5 =	simm.s32 $0xA119;
	s0 =	simm.s32 @!p0 $0x100  }
.LBB2_40:
0x19a: {  	v0 =	vld.msk [tilespmem:s5+$0x0], $0x1;
	s2 =	sadd.s32 $0xFFFFFFFF, s2;
	s3 =	sadd.s32 s3, s0  }
0x19b: {  	p0 =	sne.s32 s2, $0x0;
	_ =	sdelay $0x3  }
0x19c: {  	(v2sf) =	vpush v0, $0x0;
	_ =	sdelay $0xe  }
.Ltmp33:
0x19d: {  	s6 =	spop (v2sf);
	(pc) =	sbr.rel @p0 .LBB2_40-.Ltmp33, $4  }
0x19e: {  	s0 =	simm.s32 $0x0;
	p1 =	sgt.u32 s6, $0xFF8  }
0x19f: {  	s4 =	sadd.s32 $0x40, s4;
	s0 =	simm.s32 @!p1 $0x100;
	s7 =	sand.u32 @!p1 $0xFF8, s6  }
0x1a0: {  	s5 =	sadd.s32 $0x1, s5;
	s6 =	sand.u32 @!p1 $0x7, s6;
	s7 =	sadd.s32 @!p1 s1, s7  }
0x1a1: {  	[hbm4b:s7+s6] =	stream.linear.scatter @!p1 [tilespmem:s4], [sflag:$0x5], $0x40, $0x38;
	[tilespmem:$0x1EF78] =	vst v63  }
.LBB2_41:
0x1a2: {  	s0 =	sadd.s32 s3, s0  }
0x1a3: {  	s3 =	sshrl.u32 s0, $0x2  }
.LBB2_42:
0x1a4: {  	s0 =	simm.s32 $0x5  }
0x1a5: {  	_ =	swait.ge [sflag:s0], s3  }
0x1a6: {  	s1 =	ssub.s32 $0x0, s3;
	[sflag:s0] =	ssyncset.done $0x0  }
0x1a7: {  	[sflag:s0] =	ssyncadd.s32 s1  }
0x1a8: {  	[sflag:s0] =	ssyncpa.u1 $0x1  }
0x1a9: {  	s30 =	simm.s32 $0x1;
	_ =	sfence  }
0x1aa: {  	[sflag:s30] =	ssyncpa.u1 $0x1  }
0x1ab: {  	_ =	strace $0x9000005C  }
0x1ac: {  	[bflag:$0x2] =	sbarrier.arrive $0xFFFF  }
0x1ad: {  	s31 =	rddreg [dreg:$0x1]  }
0x1ae: {  	s0 =	sadd.s32 $0x100000, s31  }
0x1af: {  	[sflag:s0] =	ssyncadd.tile.s32 $0x1;
	_ =	shalt  }
.Lfunc_end2:
_tile_overlayer_lowered:
.L_overlay_start_2:
0x1b0: {  	(tag) =	ssettag $0x2  }
0x1b1: {  	s0 =	rddreg [dreg:$0x0];
	s2 =	stileid.u32  }
0x1b2: {  	s1 =	rddreg [dreg:$0x1];
	p0 =	sne.s32 s2, $0x0  }
0x1b3: {  	s3 =	rddreg [dreg:$0x2];
	[bflag:$0x3] =	sbarrier.arrive $0xFFFF;
	s2 =	simm.s32 @!p0 $0x1C01  }
0x1b4: {  	[timem:s3], [sflag:s2] =	dma.local @!p0 [hbm:s0], s1  }
0x1b5: {  	s0 =	simm.s32 @!p0 $0x1  }
0x1b6: {  	_ =	swait.ge @!p0 [sflag:s0], s1  }
0x1b7: {  	s1 =	ssub.s32 @!p0 $0x0, s1;
	[sflag:s0] =	ssyncset.done @!p0 $0x0  }
0x1b8: {  	[sflag:s0] =	ssyncadd.s32 @!p0 s1  }
0x1b9: {  	[bflag:$0x3] =	sbarrier.arrive $0xFFFF  }
0x1ba: {  	_ =	shalt  }

</sc_bundles>
